<compile_context>
chip_gen: v7x
topology: tpu7x:2x2x1
jax: 0.10.2.dev20260603
libtpu: 0.0.44.dev20260713+nightly
codegen_flags: <defaults>
</compile_context>

<pallas_src>
import functools

import jax
import jax.numpy as jnp
from jax import lax
from jax.experimental import pallas as pl
from jax.experimental.pallas import tpu as pltpu
from jax.experimental.pallas import tpu_sc as plsc

_NC = 2
_NS = 16
_NW = _NC * _NS
_LANES = 16


def _tc_project_pairs(tt2, w2, vocab, vblk):
    np_, kk, _ = tt2.shape
    grid_v = (vocab + vblk - 1) // vblk
    q = kk // 4

    def body(tt_ref, w_ref, o_ref):
        ttb = tt_ref[0].astype(jnp.bfloat16)
        wb = w_ref[0]
        y = lax.dot_general(
            ttb, wb, dimension_numbers=(((0,), (0,)), ((), ())),
            preferred_element_type=jnp.float32)
        u = lax.bitcast_convert_type(y, jnp.uint32)
        r = (u + jnp.uint32(0x7FFF) + ((u >> 16) & jnp.uint32(1))) >> 16
        o_ref[0, :, 0:q] = lax.bitcast_convert_type(
            r[:, 0:q] | (r[:, q:2 * q] << 16), jnp.float32)
        o_ref[0, :, q:2 * q] = lax.bitcast_convert_type(
            r[:, 2 * q:3 * q] | (r[:, 3 * q:4 * q] << 16), jnp.float32)

    return pl.pallas_call(
        body,
        grid=(np_, grid_v),
        in_specs=[
            pl.BlockSpec((1, kk, vblk), lambda p, j: (p, 0, j)),
            pl.BlockSpec((1, kk, kk), lambda p, j: (p, 0, 0)),
        ],
        out_specs=pl.BlockSpec((1, vblk, kk // 2), lambda p, j: (p, j, 0)),
        out_shape=jax.ShapeDtypeStruct((np_, vocab, kk // 2), jnp.float32),
        compiler_params=pltpu.CompilerParams(
            dimension_semantics=("parallel", "parallel")),
    )(tt2, w2)


def _sc_gather_reduce(pflat, idx3, bias4, bsz, h, nf):
    ng, g = idx3.shape[1], idx3.shape[2]
    bpg = g // nf
    b_per_w = bsz // _NW
    hw = h // (2 * _LANES)

    mesh = plsc.VectorSubcoreMesh(core_axis_name="c", subcore_axis_name="s")

    @functools.partial(
        pl.kernel,
        mesh=mesh,
        out_type=jax.ShapeDtypeStruct((bsz * h,), jnp.float32),
        scratch_types=[
            pltpu.VMEM((ng, g), jnp.int32),
            pltpu.VMEM((2, g, h // 2), jnp.float32),
            pltpu.VMEM((b_per_w * h,), jnp.float32),
            pltpu.VMEM((2 * hw, _LANES), jnp.float32),
            pltpu.SemaphoreType.DMA,
        ],
        compiler_params=pltpu.CompilerParams(use_tc_tiling_on_sc=False),
    )
    def k(p_hbm, idx_hbm, bias_hbm, out_hbm, idx_v, buf, ostage, bvec, sem0):
        wid = lax.axis_index("s") * _NC + lax.axis_index("c")
        pltpu.sync_copy(idx_hbm.at[wid], idx_v)
        pltpu.sync_copy(bias_hbm, bvec)

        pltpu.make_async_copy(p_hbm.at[idx_v.at[0]], buf.at[0], sem0).start()

        def step(gi, _):
            par = lax.rem(gi, 2)

            @pl.when(gi + 1 < ng)
            def _():
                pltpu.make_async_copy(
                    p_hbm.at[idx_v.at[gi + 1]], buf.at[1 - par], sem0
                ).start()

            pltpu.make_async_copy(
                p_hbm.at[idx_v.at[gi]], buf.at[par], sem0
            ).wait()

            for bb in range(bpg):
                base = bb * nf
                accs = [None] * (2 * hw)
                for r in range(nf):
                    for c in range(hw):
                        v = buf[par, base + r, pl.ds(c * _LANES, _LANES)]
                        u = lax.bitcast_convert_type(v, jnp.uint32)
                        lo = lax.bitcast_convert_type(u << 16, jnp.float32)
                        hi = lax.bitcast_convert_type(
                            u & jnp.uint32(0xFFFF0000), jnp.float32)
                        for t, part in ((0, lo), (1, hi)):
                            qi = 2 * c + t
                            accs[qi] = part if accs[qi] is None else accs[qi] + part
                rbase = (gi * bpg + bb) * h
                for qi in range(2 * hw):
                    val = jnp.maximum(accs[qi] + bvec[qi], 0.0)
                    ostage[pl.ds(rbase + _LANES * qi, _LANES)] = val
            return 0

        lax.fori_loop(0, ng, step, 0)
        pltpu.sync_copy(
            ostage, out_hbm.at[pl.ds(wid * b_per_w * h, b_per_w * h)])

    return k(pflat, idx3, bias4)


def kernel(x, tables, W, b):
    bsz, nf = x.shape
    _, vocab, h = tables.shape
    npair = nf // 2

    tt2 = jnp.transpose(tables, (0, 2, 1)).reshape(npair, 2 * h, vocab)

    hw = h // (2 * _LANES)
    perm = jnp.concatenate([
        jnp.arange(2 * _LANES * c + t * _LANES, 2 * _LANES * c + (t + 1) * _LANES)
        for t in range(2) for c in range(hw)
    ])
    W3 = W.reshape(nf, h, h)[:, :, perm]
    w2 = jnp.zeros((npair, 2 * h, 2 * h), jnp.float32)
    w2 = w2.at[:, 0:h, 0:h].set(W3[0::2])
    w2 = w2.at[:, h:2 * h, h:2 * h].set(W3[1::2])
    w2 = w2.astype(jnp.bfloat16)

    p2 = _tc_project_pairs(tt2, w2, vocab, 4096)
    pflat = p2.reshape(nf * vocab, h // 2)

    f = jnp.arange(nf, dtype=jnp.int32)
    offs = ((f // 2) * (2 * vocab) + (f & 1))[None, :]
    idx = (2 * x.astype(jnp.int32) + offs).reshape(-1)
    g = 4 * nf
    ng = (bsz * nf) // (_NW * g)
    idx3 = idx.reshape(_NW, ng, g)

    bias4 = b.reshape(2 * hw, _LANES)

    return _sc_gather_reduce(pflat, idx3, bias4, bsz, h, nf).reshape(bsz, h)

# --- scband reference (transcript-rebuilt; emitter-appended) ---
"""Pipeline reference for scband-categorical-embedding-87351044866317 (READ-ONLY COPY).

The authoritative reference and input builder live on the scoring server;
editing this copy changes nothing except your own understanding.
"""

import jax, jax.numpy as jnp
import numpy as np

B = 16384
N_FIELDS = 26
VOCAB = 100000
HID = 64

def setup_inputs(seed: int = 0) -> dict:
    key = jax.random.key(seed)
    k_x, k_t, k_w, k_b = jax.random.split(key, 4)
    x = jax.random.randint(k_x, (B, N_FIELDS), 0, VOCAB, dtype=jnp.int64 if jax.config.read('jax_enable_x64') else jnp.int32)
    # 26 embedding tables, all [VOCAB, HID]; stacked into one array [N_FIELDS, VOCAB, HID]
    tables = jax.random.normal(k_t, (N_FIELDS, VOCAB, HID), dtype=jnp.float32) * 0.02
    # Linear: in_dim = HID * N_FIELDS -> HID
    W = jax.random.normal(k_w, (HID * N_FIELDS, HID), dtype=jnp.float32) * (1.0 / np.sqrt(HID * N_FIELDS))
    b = jnp.zeros((HID,), dtype=jnp.float32)
    return {"x": x, "tables": tables, "W": W, "b": b}

def reference(x, tables, W, b):
    # Per-field embedding lookup: tables[i][x[:, i]] for each field, then concat
    # Vectorized gather: [B, N_FIELDS, HID]
    field_idx = jnp.arange(N_FIELDS)[None, :]  # [1, N_FIELDS]
    emb = tables[field_idx, x]  # [B, N_FIELDS, HID]
    h = emb.reshape(emb.shape[0], N_FIELDS * HID)  # concat along last dim
    # LinearLayer: linear -> relu -> dropout(p=0.0, eval => identity)
    h = h @ W + b
    h = jax.nn.relu(h)
    return h

if __name__ == "__main__":
    import jax
    _d = setup_inputs()
    print(jax.jit(kernel)(*tuple(_d.values())))

</pallas_src>

<mosaic_0001>
#map = affine_map<(d0, d1) -> (0, 0)>
#map1 = affine_map<(d0, d1) -> (0, 0, 0)>
#map2 = affine_map<(d0, d1) -> (0)>
module attributes {stable_mosaic.version = 14 : i64} {
  func.func @k(%arg0: i32, %arg1: i32, %arg2: memref<2600000x32xf32, #tpu.memory_space<hbm>>, %arg3: memref<32x128x104xi32, #tpu.memory_space<hbm>>, %arg4: memref<4x16xf32, #tpu.memory_space<hbm>>, %arg5: memref<1048576xf32, #tpu.memory_space<hbm>>, %arg6: memref<128x104xi32, #tpu.memory_space<vmem>>, %arg7: memref<2x104x32xf32, #tpu.memory_space<vmem>>, %arg8: memref<32768xf32, #tpu.memory_space<vmem>>, %arg9: memref<4x16xf32, #tpu.memory_space<vmem>>, %arg10: memref<!tpu.dma_semaphore, #tpu.memory_space<semaphore_mem>>) attributes {dimension_semantics = [#tpu.dimension_semantics<core_parallel>, #tpu.dimension_semantics<subcore_parallel>], iteration_bounds = array<i64: 2, 16>, scalar_prefetch = 0 : i64, scratch_operands = 5 : i64, tpu.core_type = #tpu.core_type<sc_vector_subcore>, window_params = [{transform_indices = #map}, {transform_indices = #map1}, {transform_indices = #map}, {transform_indices = #map2}]} {
    %mul3A = arith.constant 2 : i32
    %mul3A_0 = arith.muli %arg1, %mul3A : i32
    %add3A = arith.addi %mul3A_0, %arg0 : i32
    "tpu.region"() ({
      %run_scoped3A = tpu.sem_alloc : memref<!tpu.dma_semaphore, #tpu.memory_space<semaphore_mem>>
      %dma_start3A_22 = arith.constant 0 : i32
      %dma_start3A_23 = arith.constant 0 : i32
      %dma_start3A_24 = tpu.memref_slice %arg3[%add3A, %dma_start3A_22, %dma_start3A_23] : memref<32x128x104xi32, #tpu.memory_space<hbm>> -> memref<1x128x104xi32, #tpu.memory_space<hbm>>
      %dma_start3A_25 = tpu.memref_squeeze %dma_start3A_24 : memref<1x128x104xi32, #tpu.memory_space<hbm>> -> memref<128x104xi32, #tpu.memory_space<hbm>>
      %dma_start3A_26 = arith.constant 0 : i32
      %dma_start3A_27 = arith.constant 0 : i32
      %dma_start3A_28 = tpu.memref_slice %arg3[%add3A, %dma_start3A_26, %dma_start3A_27] : memref<32x128x104xi32, #tpu.memory_space<hbm>> -> memref<1x128x104xi32, #tpu.memory_space<hbm>>
      %dma_start3A_29 = tpu.memref_squeeze %dma_start3A_28 : memref<1x128x104xi32, #tpu.memory_space<hbm>> -> memref<128x104xi32, #tpu.memory_space<hbm>>
      tpu.enqueue_dma source(%dma_start3A_29 : memref<128x104xi32, #tpu.memory_space<hbm>>) target(%arg6 : memref<128x104xi32, #tpu.memory_space<vmem>>) target_semaphore(%run_scoped3A : memref<!tpu.dma_semaphore, #tpu.memory_space<semaphore_mem>>)
      %dma_wait3A = arith.constant 0 : i32
      %dma_wait3A_30 = arith.constant 0 : i32
      %dma_wait3A_31 = tpu.memref_slice %arg3[%add3A, %dma_wait3A, %dma_wait3A_30] : memref<32x128x104xi32, #tpu.memory_space<hbm>> -> memref<1x128x104xi32, #tpu.memory_space<hbm>>
      %dma_wait3A_32 = tpu.memref_squeeze %dma_wait3A_31 : memref<1x128x104xi32, #tpu.memory_space<hbm>> -> memref<128x104xi32, #tpu.memory_space<hbm>>
      %dma_wait3A_33 = arith.constant 0 : i32
      %dma_wait3A_34 = arith.constant 0 : i32
      %dma_wait3A_35 = tpu.memref_slice %arg3[%add3A, %dma_wait3A_33, %dma_wait3A_34] : memref<32x128x104xi32, #tpu.memory_space<hbm>> -> memref<1x128x104xi32, #tpu.memory_space<hbm>>
      %dma_wait3A_36 = tpu.memref_squeeze %dma_wait3A_35 : memref<1x128x104xi32, #tpu.memory_space<hbm>> -> memref<128x104xi32, #tpu.memory_space<hbm>>
      tpu.wait_dma2 semaphore(%run_scoped3A : memref<!tpu.dma_semaphore, #tpu.memory_space<semaphore_mem>>) src(%dma_wait3A_36 : memref<128x104xi32, #tpu.memory_space<hbm>>) dst(%arg6 : memref<128x104xi32, #tpu.memory_space<vmem>>)
      tpu.yield
    }) : () -> ()
    "tpu.region"() ({
      %run_scoped3A = tpu.sem_alloc : memref<!tpu.dma_semaphore, #tpu.memory_space<semaphore_mem>>
      tpu.enqueue_dma source(%arg4 : memref<4x16xf32, #tpu.memory_space<hbm>>) target(%arg9 : memref<4x16xf32, #tpu.memory_space<vmem>>) target_semaphore(%run_scoped3A : memref<!tpu.dma_semaphore, #tpu.memory_space<semaphore_mem>>)
      tpu.wait_dma2 semaphore(%run_scoped3A : memref<!tpu.dma_semaphore, #tpu.memory_space<semaphore_mem>>) src(%arg4 : memref<4x16xf32, #tpu.memory_space<hbm>>) dst(%arg9 : memref<4x16xf32, #tpu.memory_space<vmem>>)
      tpu.yield
    }) : () -> ()
    %dma_start3A = arith.constant 0 : i32
    %dma_start3A_1 = arith.constant 0 : i32
    %dma_start3A_2 = arith.constant 0 : i32
    %dma_start3A_3 = arith.constant 0 : i32
    %dma_start3A_4 = tpu.memref_slice %arg7[%dma_start3A_1, %dma_start3A_2, %dma_start3A_3] : memref<2x104x32xf32, #tpu.memory_space<vmem>> -> memref<1x104x32xf32, #tpu.memory_space<vmem>>
    %dma_start3A_5 = tpu.memref_squeeze %dma_start3A_4 : memref<1x104x32xf32, #tpu.memory_space<vmem>> -> memref<104x32xf32, #tpu.memory_space<vmem>>
    %dma_start3A_6 = arith.constant 0 : i32
    %dma_start3A_7 = tpu.memref_slice %arg6[%dma_start3A, %dma_start3A_6] : memref<128x104xi32, #tpu.memory_space<vmem>> -> memref<1x104xi32, #tpu.memory_space<vmem>>
    %dma_start3A_8 = tpu.memref_squeeze %dma_start3A_7 : memref<1x104xi32, #tpu.memory_space<vmem>> -> memref<104xi32, #tpu.memory_space<vmem>>
    %dma_start3A_9 = arith.constant 0 : i32
    %dma_start3A_10 = arith.constant 0 : i32
    %dma_start3A_11 = tpu.memref_slice %arg2[%dma_start3A_9, %dma_start3A_10] : memref<2600000x32xf32, #tpu.memory_space<hbm>> -> memref<2600000x32xf32, #tpu.memory_space<hbm>>
    tpu.enqueue_indirect_dma source(%dma_start3A_11 : memref<2600000x32xf32, #tpu.memory_space<hbm>>) target(%dma_start3A_5 : memref<104x32xf32, #tpu.memory_space<vmem>>) offsets(%dma_start3A_8 : memref<104xi32, #tpu.memory_space<vmem>>) semaphore(%arg10 : memref<!tpu.dma_semaphore, #tpu.memory_space<semaphore_mem>>)
    %scan3A = arith.constant 0 : i32
    %scan3A_12 = arith.constant 0 : i32
    %scan3A_13 = arith.constant 128 : i32
    %scan3A_14 = arith.addi %scan3A_12, %scan3A_13 : i32
    %scan3A_15 = arith.constant 1 : i32
    %scan3A_16 = scf.for %scan3A_22 = %scan3A_12 to %scan3A_14 step %scan3A_15 iter_args(%scan3A_23 = %scan3A) -> (i32)  : i32 {
      %rem3A = arith.constant 2 : i32
      %rem3A_24 = arith.remsi %scan3A_22, %rem3A : i32
      %add3A_25 = arith.constant 1 : i32
      %add3A_26 = arith.addi %scan3A_22, %add3A_25 : i32
      %lt3A = arith.constant 128 : i32
      %lt3A_27 = arith.cmpi slt, %add3A_26, %lt3A : i32
      %convert_element_type3A = arith.extui %lt3A_27 : i1 to i32
      %cond3A = arith.constant 0 : i32
      %cond3A_28 = arith.cmpi ne, %convert_element_type3A, %cond3A : i32
      scf.if %cond3A_28 {
        %add3A_3817 = arith.constant 1 : i32
        %add3A_3818 = arith.addi %scan3A_22, %add3A_3817 : i32
        %sub3A = arith.constant 1 : i32
        %sub3A_3819 = arith.subi %sub3A, %rem3A_24 : i32
        %dma_start3A_3820 = arith.constant 0 : i32
        %dma_start3A_3821 = arith.constant 0 : i32
        %dma_start3A_3822 = tpu.memref_slice %arg7[%sub3A_3819, %dma_start3A_3820, %dma_start3A_3821] : memref<2x104x32xf32, #tpu.memory_space<vmem>> -> memref<1x104x32xf32, #tpu.memory_space<vmem>>
        %dma_start3A_3823 = tpu.memref_squeeze %dma_start3A_3822 : memref<1x104x32xf32, #tpu.memory_space<vmem>> -> memref<104x32xf32, #tpu.memory_space<vmem>>
        %dma_start3A_3824 = arith.constant 0 : i32
        %dma_start3A_3825 = tpu.memref_slice %arg6[%add3A_3818, %dma_start3A_3824] : memref<128x104xi32, #tpu.memory_space<vmem>> -> memref<1x104xi32, #tpu.memory_space<vmem>>
        %dma_start3A_3826 = tpu.memref_squeeze %dma_start3A_3825 : memref<1x104xi32, #tpu.memory_space<vmem>> -> memref<104xi32, #tpu.memory_space<vmem>>
        %dma_start3A_3827 = arith.constant 0 : i32
        %dma_start3A_3828 = arith.constant 0 : i32
        %dma_start3A_3829 = tpu.memref_slice %arg2[%dma_start3A_3827, %dma_start3A_3828] : memref<2600000x32xf32, #tpu.memory_space<hbm>> -> memref<2600000x32xf32, #tpu.memory_space<hbm>>
        tpu.enqueue_indirect_dma source(%dma_start3A_3829 : memref<2600000x32xf32, #tpu.memory_space<hbm>>) target(%dma_start3A_3823 : memref<104x32xf32, #tpu.memory_space<vmem>>) offsets(%dma_start3A_3826 : memref<104xi32, #tpu.memory_space<vmem>>) semaphore(%arg10 : memref<!tpu.dma_semaphore, #tpu.memory_space<semaphore_mem>>)
      } else {
      }
      %dma_wait3A = arith.constant 0 : i32
      %dma_wait3A_29 = arith.constant 0 : i32
      %dma_wait3A_30 = tpu.memref_slice %arg7[%rem3A_24, %dma_wait3A, %dma_wait3A_29] : memref<2x104x32xf32, #tpu.memory_space<vmem>> -> memref<1x104x32xf32, #tpu.memory_space<vmem>>
      %dma_wait3A_31 = tpu.memref_squeeze %dma_wait3A_30 : memref<1x104x32xf32, #tpu.memory_space<vmem>> -> memref<104x32xf32, #tpu.memory_space<vmem>>
      %dma_wait3A_32 = arith.constant 0 : i32
      %dma_wait3A_33 = tpu.memref_slice %arg6[%scan3A_22, %dma_wait3A_32] : memref<128x104xi32, #tpu.memory_space<vmem>> -> memref<1x104xi32, #tpu.memory_space<vmem>>
      %dma_wait3A_34 = tpu.memref_squeeze %dma_wait3A_33 : memref<1x104xi32, #tpu.memory_space<vmem>> -> memref<104xi32, #tpu.memory_space<vmem>>
      %dma_wait3A_35 = arith.constant 0 : i32
      %dma_wait3A_36 = arith.constant 0 : i32
      %dma_wait3A_37 = tpu.memref_slice %arg2[%dma_wait3A_35, %dma_wait3A_36] : memref<2600000x32xf32, #tpu.memory_space<hbm>> -> memref<2600000x32xf32, #tpu.memory_space<hbm>>
      tpu.wait_indirect_dma semaphore(%arg10 : memref<!tpu.dma_semaphore, #tpu.memory_space<semaphore_mem>>) src(%dma_wait3A_37 : memref<2600000x32xf32, #tpu.memory_space<hbm>>) dst(%dma_wait3A_31 : memref<104x32xf32, #tpu.memory_space<vmem>>)
      %get3A = arith.constant 0 : i32
      %get3A_38 = arith.index_cast %rem3A_24 : i32 to index
      %get3A_39 = arith.index_cast %get3A : i32 to index
      %get3A_40 = arith.constant 0 : index
      %get3A_41 = tpu.vector_load %arg7[%get3A_38, %get3A_39, %get3A_40] {strides = array<i32>} : memref<2x104x32xf32, #tpu.memory_space<vmem>>, vector<1x1x16xf32>,
      %get3A_42 = vector.shape_cast %get3A_41 : vector<1x1x16xf32> to vector<16xf32>
      %bitcast_convert_type3A = tpu.bitcast %get3A_42 : vector<16xf32> -> vector<16xi32>
      %shift_left3A = arith.constant 16 : i32
      %shift_left3A_43 = vector.broadcast %shift_left3A : i32 to vector<16xi32>
      %shift_left3A_44 = arith.shli %bitcast_convert_type3A, %shift_left3A_43 : vector<16xi32>
      %bitcast_convert_type3A_45 = tpu.bitcast %shift_left3A_44 : vector<16xi32> -> vector<16xf32>
      %and3A = arith.constant -65536 : i32
      %and3A_46 = vector.broadcast %and3A : i32 to vector<16xi32>
      %and3A_47 = arith.andi %bitcast_convert_type3A, %and3A_46 : vector<16xi32>
      %bitcast_convert_type3A_48 = tpu.bitcast %and3A_47 : vector<16xi32> -> vector<16xf32>
      %get3A_49 = arith.constant 0 : i32
      %get3A_50 = arith.index_cast %rem3A_24 : i32 to index
      %get3A_51 = arith.index_cast %get3A_49 : i32 to index
      %get3A_52 = arith.constant 16 : index
      %get3A_53 = tpu.vector_load %arg7[%get3A_50, %get3A_51, %get3A_52] {strides = array<i32>} : memref<2x104x32xf32, #tpu.memory_space<vmem>>, vector<1x1x16xf32>,
      %get3A_54 = vector.shape_cast %get3A_53 : vector<1x1x16xf32> to vector<16xf32>
      %bitcast_convert_type3A_55 = tpu.bitcast %get3A_54 : vector<16xf32> -> vector<16xi32>
      %shift_left3A_56 = arith.constant 16 : i32
      %shift_left3A_57 = vector.broadcast %shift_left3A_56 : i32 to vector<16xi32>
      %shift_left3A_58 = arith.shli %bitcast_convert_type3A_55, %shift_left3A_57 : vector<16xi32>
      %bitcast_convert_type3A_59 = tpu.bitcast %shift_left3A_58 : vector<16xi32> -> vector<16xf32>
      %and3A_60 = arith.constant -65536 : i32
      %and3A_61 = vector.broadcast %and3A_60 : i32 to vector<16xi32>
      %and3A_62 = arith.andi %bitcast_convert_type3A_55, %and3A_61 : vector<16xi32>
      %bitcast_convert_type3A_63 = tpu.bitcast %and3A_62 : vector<16xi32> -> vector<16xf32>
      %get3A_64 = arith.constant 1 : i32
      %get3A_65 = arith.index_cast %rem3A_24 : i32 to index
      %get3A_66 = arith.index_cast %get3A_64 : i32 to index
      %get3A_67 = arith.constant 0 : index
      %get3A_68 = tpu.vector_load %arg7[%get3A_65, %get3A_66, %get3A_67] {strides = array<i32>} : memref<2x104x32xf32, #tpu.memory_space<vmem>>, vector<1x1x16xf32>,
      %get3A_69 = vector.shape_cast %get3A_68 : vector<1x1x16xf32> to vector<16xf32>
      %bitcast_convert_type3A_70 = tpu.bitcast %get3A_69 : vector<16xf32> -> vector<16xi32>
      %shift_left3A_71 = arith.constant 16 : i32
      %shift_left3A_72 = vector.broadcast %shift_left3A_71 : i32 to vector<16xi32>
      %shift_left3A_73 = arith.shli %bitcast_convert_type3A_70, %shift_left3A_72 : vector<16xi32>
      %bitcast_convert_type3A_74 = tpu.bitcast %shift_left3A_73 : vector<16xi32> -> vector<16xf32>
      %and3A_75 = arith.constant -65536 : i32
      %and3A_76 = vector.broadcast %and3A_75 : i32 to vector<16xi32>
      %and3A_77 = arith.andi %bitcast_convert_type3A_70, %and3A_76 : vector<16xi32>
      %bitcast_convert_type3A_78 = tpu.bitcast %and3A_77 : vector<16xi32> -> vector<16xf32>
      %add3A_79 = arith.addf %bitcast_convert_type3A_45, %bitcast_convert_type3A_74 : vector<16xf32>
      %add3A_80 = arith.addf %bitcast_convert_type3A_48, %bitcast_convert_type3A_78 : vector<16xf32>
      %get3A_81 = arith.constant 1 : i32
      %get3A_82 = arith.index_cast %rem3A_24 : i32 to index
      %get3A_83 = arith.index_cast %get3A_81 : i32 to index
      %get3A_84 = arith.constant 16 : index
      %get3A_85 = tpu.vector_load %arg7[%get3A_82, %get3A_83, %get3A_84] {strides = array<i32>} : memref<2x104x32xf32, #tpu.memory_space<vmem>>, vector<1x1x16xf32>,
      %get3A_86 = vector.shape_cast %get3A_85 : vector<1x1x16xf32> to vector<16xf32>
      %bitcast_convert_type3A_87 = tpu.bitcast %get3A_86 : vector<16xf32> -> vector<16xi32>
      %shift_left3A_88 = arith.constant 16 : i32
      %shift_left3A_89 = vector.broadcast %shift_left3A_88 : i32 to vector<16xi32>
      %shift_left3A_90 = arith.shli %bitcast_convert_type3A_87, %shift_left3A_89 : vector<16xi32>
      %bitcast_convert_type3A_91 = tpu.bitcast %shift_left3A_90 : vector<16xi32> -> vector<16xf32>
      %and3A_92 = arith.constant -65536 : i32
      %and3A_93 = vector.broadcast %and3A_92 : i32 to vector<16xi32>
      %and3A_94 = arith.andi %bitcast_convert_type3A_87, %and3A_93 : vector<16xi32>
      %bitcast_convert_type3A_95 = tpu.bitcast %and3A_94 : vector<16xi32> -> vector<16xf32>
      %add3A_96 = arith.addf %bitcast_convert_type3A_59, %bitcast_convert_type3A_91 : vector<16xf32>
      %add3A_97 = arith.addf %bitcast_convert_type3A_63, %bitcast_convert_type3A_95 : vector<16xf32>
      %get3A_98 = arith.constant 2 : i32
      %get3A_99 = arith.index_cast %rem3A_24 : i32 to index
      %get3A_100 = arith.index_cast %get3A_98 : i32 to index
      %get3A_101 = arith.constant 0 : index
      %get3A_102 = tpu.vector_load %arg7[%get3A_99, %get3A_100, %get3A_101] {strides = array<i32>} : memref<2x104x32xf32, #tpu.memory_space<vmem>>, vector<1x1x16xf32>,
      %get3A_103 = vector.shape_cast %get3A_102 : vector<1x1x16xf32> to vector<16xf32>
      %bitcast_convert_type3A_104 = tpu.bitcast %get3A_103 : vector<16xf32> -> vector<16xi32>
      %shift_left3A_105 = arith.constant 16 : i32
      %shift_left3A_106 = vector.broadcast %shift_left3A_105 : i32 to vector<16xi32>
      %shift_left3A_107 = arith.shli %bitcast_convert_type3A_104, %shift_left3A_106 : vector<16xi32>
      %bitcast_convert_type3A_108 = tpu.bitcast %shift_left3A_107 : vector<16xi32> -> vector<16xf32>
      %and3A_109 = arith.constant -65536 : i32
      %and3A_110 = vector.broadcast %and3A_109 : i32 to vector<16xi32>
      %and3A_111 = arith.andi %bitcast_convert_type3A_104, %and3A_110 : vector<16xi32>
      %bitcast_convert_type3A_112 = tpu.bitcast %and3A_111 : vector<16xi32> -> vector<16xf32>
      %add3A_113 = arith.addf %add3A_79, %bitcast_convert_type3A_108 : vector<16xf32>
      %add3A_114 = arith.addf %add3A_80, %bitcast_convert_type3A_112 : vector<16xf32>
      %get3A_115 = arith.constant 2 : i32
      %get3A_116 = arith.index_cast %rem3A_24 : i32 to index
      %get3A_117 = arith.index_cast %get3A_115 : i32 to index
      %get3A_118 = arith.constant 16 : index
      %get3A_119 = tpu.vector_load %arg7[%get3A_116, %get3A_117, %get3A_118] {strides = array<i32>} : memref<2x104x32xf32, #tpu.memory_space<vmem>>, vector<1x1x16xf32>,
      %get3A_120 = vector.shape_cast %get3A_119 : vector<1x1x16xf32> to vector<16xf32>
      %bitcast_convert_type3A_121 = tpu.bitcast %get3A_120 : vector<16xf32> -> vector<16xi32>
      %shift_left3A_122 = arith.constant 16 : i32
      %shift_left3A_123 = vector.broadcast %shift_left3A_122 : i32 to vector<16xi32>
      %shift_left3A_124 = arith.shli %bitcast_convert_type3A_121, %shift_left3A_123 : vector<16xi32>
      %bitcast_convert_type3A_125 = tpu.bitcast %shift_left3A_124 : vector<16xi32> -> vector<16xf32>
      %and3A_126 = arith.constant -65536 : i32
      %and3A_127 = vector.broadcast %and3A_126 : i32 to vector<16xi32>
      %and3A_128 = arith.andi %bitcast_convert_type3A_121, %and3A_127 : vector<16xi32>
      %bitcast_convert_type3A_129 = tpu.bitcast %and3A_128 : vector<16xi32> -> vector<16xf32>
      %add3A_130 = arith.addf %add3A_96, %bitcast_convert_type3A_125 : vector<16xf32>
      %add3A_131 = arith.addf %add3A_97, %bitcast_convert_type3A_129 : vector<16xf32>
      %get3A_132 = arith.constant 3 : i32
      %get3A_133 = arith.index_cast %rem3A_24 : i32 to index
      %get3A_134 = arith.index_cast %get3A_132 : i32 to index
      %get3A_135 = arith.constant 0 : index
      %get3A_136 = tpu.vector_load %arg7[%get3A_133, %get3A_134, %get3A_135] {strides = array<i32>} : memref<2x104x32xf32, #tpu.memory_space<vmem>>, vector<1x1x16xf32>,
      %get3A_137 = vector.shape_cast %get3A_136 : vector<1x1x16xf32> to vector<16xf32>
      %bitcast_convert_type3A_138 = tpu.bitcast %get3A_137 : vector<16xf32> -> vector<16xi32>
      %shift_left3A_139 = arith.constant 16 : i32
      %shift_left3A_140 = vector.broadcast %shift_left3A_139 : i32 to vector<16xi32>
      %shift_left3A_141 = arith.shli %bitcast_convert_type3A_138, %shift_left3A_140 : vector<16xi32>
      %bitcast_convert_type3A_142 = tpu.bitcast %shift_left3A_141 : vector<16xi32> -> vector<16xf32>
      %and3A_143 = arith.constant -65536 : i32
      %and3A_144 = vector.broadcast %and3A_143 : i32 to vector<16xi32>
      %and3A_145 = arith.andi %bitcast_convert_type3A_138, %and3A_144 : vector<16xi32>
      %bitcast_convert_type3A_146 = tpu.bitcast %and3A_145 : vector<16xi32> -> vector<16xf32>
      %add3A_147 = arith.addf %add3A_113, %bitcast_convert_type3A_142 : vector<16xf32>
      %add3A_148 = arith.addf %add3A_114, %bitcast_convert_type3A_146 : vector<16xf32>
      %get3A_149 = arith.constant 3 : i32
      %get3A_150 = arith.index_cast %rem3A_24 : i32 to index
      %get3A_151 = arith.index_cast %get3A_149 : i32 to index
      %get3A_152 = arith.constant 16 : index
      %get3A_153 = tpu.vector_load %arg7[%get3A_150, %get3A_151, %get3A_152] {strides = array<i32>} : memref<2x104x32xf32, #tpu.memory_space<vmem>>, vector<1x1x16xf32>,
      %get3A_154 = vector.shape_cast %get3A_153 : vector<1x1x16xf32> to vector<16xf32>
      %bitcast_convert_type3A_155 = tpu.bitcast %get3A_154 : vector<16xf32> -> vector<16xi32>
      %shift_left3A_156 = arith.constant 16 : i32
      %shift_left3A_157 = vector.broadcast %shift_left3A_156 : i32 to vector<16xi32>
      %shift_left3A_158 = arith.shli %bitcast_convert_type3A_155, %shift_left3A_157 : vector<16xi32>
      %bitcast_convert_type3A_159 = tpu.bitcast %shift_left3A_158 : vector<16xi32> -> vector<16xf32>
      %and3A_160 = arith.constant -65536 : i32
      %and3A_161 = vector.broadcast %and3A_160 : i32 to vector<16xi32>
      %and3A_162 = arith.andi %bitcast_convert_type3A_155, %and3A_161 : vector<16xi32>
      %bitcast_convert_type3A_163 = tpu.bitcast %and3A_162 : vector<16xi32> -> vector<16xf32>
      %add3A_164 = arith.addf %add3A_130, %bitcast_convert_type3A_159 : vector<16xf32>
      %add3A_165 = arith.addf %add3A_131, %bitcast_convert_type3A_163 : vector<16xf32>
      %get3A_166 = arith.constant 4 : i32
      %get3A_167 = arith.index_cast %rem3A_24 : i32 to index
      %get3A_168 = arith.index_cast %get3A_166 : i32 to index
      %get3A_169 = arith.constant 0 : index
      %get3A_170 = tpu.vector_load %arg7[%get3A_167, %get3A_168, %get3A_169] {strides = array<i32>} : memref<2x104x32xf32, #tpu.memory_space<vmem>>, vector<1x1x16xf32>,
      %get3A_171 = vector.shape_cast %get3A_170 : vector<1x1x16xf32> to vector<16xf32>
      %bitcast_convert_type3A_172 = tpu.bitcast %get3A_171 : vector<16xf32> -> vector<16xi32>
      %shift_left3A_173 = arith.constant 16 : i32
      %shift_left3A_174 = vector.broadcast %shift_left3A_173 : i32 to vector<16xi32>
      %shift_left3A_175 = arith.shli %bitcast_convert_type3A_172, %shift_left3A_174 : vector<16xi32>
      %bitcast_convert_type3A_176 = tpu.bitcast %shift_left3A_175 : vector<16xi32> -> vector<16xf32>
      %and3A_177 = arith.constant -65536 : i32
      %and3A_178 = vector.broadcast %and3A_177 : i32 to vector<16xi32>
      %and3A_179 = arith.andi %bitcast_convert_type3A_172, %and3A_178 : vector<16xi32>
      %bitcast_convert_type3A_180 = tpu.bitcast %and3A_179 : vector<16xi32> -> vector<16xf32>
      %add3A_181 = arith.addf %add3A_147, %bitcast_convert_type3A_176 : vector<16xf32>
      %add3A_182 = arith.addf %add3A_148, %bitcast_convert_type3A_180 : vector<16xf32>
      %get3A_183 = arith.constant 4 : i32
      %get3A_184 = arith.index_cast %rem3A_24 : i32 to index
      %get3A_185 = arith.index_cast %get3A_183 : i32 to index
      %get3A_186 = arith.constant 16 : index
      %get3A_187 = tpu.vector_load %arg7[%get3A_184, %get3A_185, %get3A_186] {strides = array<i32>} : memref<2x104x32xf32, #tpu.memory_space<vmem>>, vector<1x1x16xf32>,
      %get3A_188 = vector.shape_cast %get3A_187 : vector<1x1x16xf32> to vector<16xf32>
      %bitcast_convert_type3A_189 = tpu.bitcast %get3A_188 : vector<16xf32> -> vector<16xi32>
      %shift_left3A_190 = arith.constant 16 : i32
      %shift_left3A_191 = vector.broadcast %shift_left3A_190 : i32 to vector<16xi32>
      %shift_left3A_192 = arith.shli %bitcast_convert_type3A_189, %shift_left3A_191 : vector<16xi32>
      %bitcast_convert_type3A_193 = tpu.bitcast %shift_left3A_192 : vector<16xi32> -> vector<16xf32>
      %and3A_194 = arith.constant -65536 : i32
      %and3A_195 = vector.broadcast %and3A_194 : i32 to vector<16xi32>
      %and3A_196 = arith.andi %bitcast_convert_type3A_189, %and3A_195 : vector<16xi32>
      %bitcast_convert_type3A_197 = tpu.bitcast %and3A_196 : vector<16xi32> -> vector<16xf32>
      %add3A_198 = arith.addf %add3A_164, %bitcast_convert_type3A_193 : vector<16xf32>
      %add3A_199 = arith.addf %add3A_165, %bitcast_convert_type3A_197 : vector<16xf32>
      %get3A_200 = arith.constant 5 : i32
      %get3A_201 = arith.index_cast %rem3A_24 : i32 to index
      %get3A_202 = arith.index_cast %get3A_200 : i32 to index
      %get3A_203 = arith.constant 0 : index
      %get3A_204 = tpu.vector_load %arg7[%get3A_201, %get3A_202, %get3A_203] {strides = array<i32>} : memref<2x104x32xf32, #tpu.memory_space<vmem>>, vector<1x1x16xf32>,
      %get3A_205 = vector.shape_cast %get3A_204 : vector<1x1x16xf32> to vector<16xf32>
      %bitcast_convert_type3A_206 = tpu.bitcast %get3A_205 : vector<16xf32> -> vector<16xi32>
      %shift_left3A_207 = arith.constant 16 : i32
      %shift_left3A_208 = vector.broadcast %shift_left3A_207 : i32 to vector<16xi32>
      %shift_left3A_209 = arith.shli %bitcast_convert_type3A_206, %shift_left3A_208 : vector<16xi32>
      %bitcast_convert_type3A_210 = tpu.bitcast %shift_left3A_209 : vector<16xi32> -> vector<16xf32>
      %and3A_211 = arith.constant -65536 : i32
      %and3A_212 = vector.broadcast %and3A_211 : i32 to vector<16xi32>
      %and3A_213 = arith.andi %bitcast_convert_type3A_206, %and3A_212 : vector<16xi32>
      %bitcast_convert_type3A_214 = tpu.bitcast %and3A_213 : vector<16xi32> -> vector<16xf32>
      %add3A_215 = arith.addf %add3A_181, %bitcast_convert_type3A_210 : vector<16xf32>
      %add3A_216 = arith.addf %add3A_182, %bitcast_convert_type3A_214 : vector<16xf32>
      %get3A_217 = arith.constant 5 : i32
      %get3A_218 = arith.index_cast %rem3A_24 : i32 to index
      %get3A_219 = arith.index_cast %get3A_217 : i32 to index
      %get3A_220 = arith.constant 16 : index
      %get3A_221 = tpu.vector_load %arg7[%get3A_218, %get3A_219, %get3A_220] {strides = array<i32>} : memref<2x104x32xf32, #tpu.memory_space<vmem>>, vector<1x1x16xf32>,
      %get3A_222 = vector.shape_cast %get3A_221 : vector<1x1x16xf32> to vector<16xf32>
      %bitcast_convert_type3A_223 = tpu.bitcast %get3A_222 : vector<16xf32> -> vector<16xi32>
      %shift_left3A_224 = arith.constant 16 : i32
      %shift_left3A_225 = vector.broadcast %shift_left3A_224 : i32 to vector<16xi32>
      %shift_left3A_226 = arith.shli %bitcast_convert_type3A_223, %shift_left3A_225 : vector<16xi32>
      %bitcast_convert_type3A_227 = tpu.bitcast %shift_left3A_226 : vector<16xi32> -> vector<16xf32>
      %and3A_228 = arith.constant -65536 : i32
      %and3A_229 = vector.broadcast %and3A_228 : i32 to vector<16xi32>
      %and3A_230 = arith.andi %bitcast_convert_type3A_223, %and3A_229 : vector<16xi32>
      %bitcast_convert_type3A_231 = tpu.bitcast %and3A_230 : vector<16xi32> -> vector<16xf32>
      %add3A_232 = arith.addf %add3A_198, %bitcast_convert_type3A_227 : vector<16xf32>
      %add3A_233 = arith.addf %add3A_199, %bitcast_convert_type3A_231 : vector<16xf32>
      %get3A_234 = arith.constant 6 : i32
      %get3A_235 = arith.index_cast %rem3A_24 : i32 to index
      %get3A_236 = arith.index_cast %get3A_234 : i32 to index
      %get3A_237 = arith.constant 0 : index
      %get3A_238 = tpu.vector_load %arg7[%get3A_235, %get3A_236, %get3A_237] {strides = array<i32>} : memref<2x104x32xf32, #tpu.memory_space<vmem>>, vector<1x1x16xf32>,
      %get3A_239 = vector.shape_cast %get3A_238 : vector<1x1x16xf32> to vector<16xf32>
      %bitcast_convert_type3A_240 = tpu.bitcast %get3A_239 : vector<16xf32> -> vector<16xi32>
      %shift_left3A_241 = arith.constant 16 : i32
      %shift_left3A_242 = vector.broadcast %shift_left3A_241 : i32 to vector<16xi32>
      %shift_left3A_243 = arith.shli %bitcast_convert_type3A_240, %shift_left3A_242 : vector<16xi32>
      %bitcast_convert_type3A_244 = tpu.bitcast %shift_left3A_243 : vector<16xi32> -> vector<16xf32>
      %and3A_245 = arith.constant -65536 : i32
      %and3A_246 = vector.broadcast %and3A_245 : i32 to vector<16xi32>
      %and3A_247 = arith.andi %bitcast_convert_type3A_240, %and3A_246 : vector<16xi32>
      %bitcast_convert_type3A_248 = tpu.bitcast %and3A_247 : vector<16xi32> -> vector<16xf32>
      %add3A_249 = arith.addf %add3A_215, %bitcast_convert_type3A_244 : vector<16xf32>
      %add3A_250 = arith.addf %add3A_216, %bitcast_convert_type3A_248 : vector<16xf32>
      %get3A_251 = arith.constant 6 : i32
      %get3A_252 = arith.index_cast %rem3A_24 : i32 to index
      %get3A_253 = arith.index_cast %get3A_251 : i32 to index
      %get3A_254 = arith.constant 16 : index
      %get3A_255 = tpu.vector_load %arg7[%get3A_252, %get3A_253, %get3A_254] {strides = array<i32>} : memref<2x104x32xf32, #tpu.memory_space<vmem>>, vector<1x1x16xf32>,
      %get3A_256 = vector.shape_cast %get3A_255 : vector<1x1x16xf32> to vector<16xf32>
      %bitcast_convert_type3A_257 = tpu.bitcast %get3A_256 : vector<16xf32> -> vector<16xi32>
      %shift_left3A_258 = arith.constant 16 : i32
      %shift_left3A_259 = vector.broadcast %shift_left3A_258 : i32 to vector<16xi32>
      %shift_left3A_260 = arith.shli %bitcast_convert_type3A_257, %shift_left3A_259 : vector<16xi32>
      %bitcast_convert_type3A_261 = tpu.bitcast %shift_left3A_260 : vector<16xi32> -> vector<16xf32>
      %and3A_262 = arith.constant -65536 : i32
      %and3A_263 = vector.broadcast %and3A_262 : i32 to vector<16xi32>
      %and3A_264 = arith.andi %bitcast_convert_type3A_257, %and3A_263 : vector<16xi32>
      %bitcast_convert_type3A_265 = tpu.bitcast %and3A_264 : vector<16xi32> -> vector<16xf32>
      %add3A_266 = arith.addf %add3A_232, %bitcast_convert_type3A_261 : vector<16xf32>
      %add3A_267 = arith.addf %add3A_233, %bitcast_convert_type3A_265 : vector<16xf32>
      %get3A_268 = arith.constant 7 : i32
      %get3A_269 = arith.index_cast %rem3A_24 : i32 to index
      %get3A_270 = arith.index_cast %get3A_268 : i32 to index
      %get3A_271 = arith.constant 0 : index
      %get3A_272 = tpu.vector_load %arg7[%get3A_269, %get3A_270, %get3A_271] {strides = array<i32>} : memref<2x104x32xf32, #tpu.memory_space<vmem>>, vector<1x1x16xf32>,
      %get3A_273 = vector.shape_cast %get3A_272 : vector<1x1x16xf32> to vector<16xf32>
      %bitcast_convert_type3A_274 = tpu.bitcast %get3A_273 : vector<16xf32> -> vector<16xi32>
      %shift_left3A_275 = arith.constant 16 : i32
      %shift_left3A_276 = vector.broadcast %shift_left3A_275 : i32 to vector<16xi32>
      %shift_left3A_277 = arith.shli %bitcast_convert_type3A_274, %shift_left3A_276 : vector<16xi32>
      %bitcast_convert_type3A_278 = tpu.bitcast %shift_left3A_277 : vector<16xi32> -> vector<16xf32>
      %and3A_279 = arith.constant -65536 : i32
      %and3A_280 = vector.broadcast %and3A_279 : i32 to vector<16xi32>
      %and3A_281 = arith.andi %bitcast_convert_type3A_274, %and3A_280 : vector<16xi32>
      %bitcast_convert_type3A_282 = tpu.bitcast %and3A_281 : vector<16xi32> -> vector<16xf32>
      %add3A_283 = arith.addf %add3A_249, %bitcast_convert_type3A_278 : vector<16xf32>
      %add3A_284 = arith.addf %add3A_250, %bitcast_convert_type3A_282 : vector<16xf32>
      %get3A_285 = arith.constant 7 : i32
      %get3A_286 = arith.index_cast %rem3A_24 : i32 to index
      %get3A_287 = arith.index_cast %get3A_285 : i32 to index
      %get3A_288 = arith.constant 16 : index
      %get3A_289 = tpu.vector_load %arg7[%get3A_286, %get3A_287, %get3A_288] {strides = array<i32>} : memref<2x104x32xf32, #tpu.memory_space<vmem>>, vector<1x1x16xf32>,
      %get3A_290 = vector.shape_cast %get3A_289 : vector<1x1x16xf32> to vector<16xf32>
      %bitcast_convert_type3A_291 = tpu.bitcast %get3A_290 : vector<16xf32> -> vector<16xi32>
      %shift_left3A_292 = arith.constant 16 : i32
      %shift_left3A_293 = vector.broadcast %shift_left3A_292 : i32 to vector<16xi32>
      %shift_left3A_294 = arith.shli %bitcast_convert_type3A_291, %shift_left3A_293 : vector<16xi32>
      %bitcast_convert_type3A_295 = tpu.bitcast %shift_left3A_294 : vector<16xi32> -> vector<16xf32>
      %and3A_296 = arith.constant -65536 : i32
      %and3A_297 = vector.broadcast %and3A_296 : i32 to vector<16xi32>
      %and3A_298 = arith.andi %bitcast_convert_type3A_291, %and3A_297 : vector<16xi32>
      %bitcast_convert_type3A_299 = tpu.bitcast %and3A_298 : vector<16xi32> -> vector<16xf32>
      %add3A_300 = arith.addf %add3A_266, %bitcast_convert_type3A_295 : vector<16xf32>
      %add3A_301 = arith.addf %add3A_267, %bitcast_convert_type3A_299 : vector<16xf32>
      %get3A_302 = arith.constant 8 : i32
      %get3A_303 = arith.index_cast %rem3A_24 : i32 to index
      %get3A_304 = arith.index_cast %get3A_302 : i32 to index
      %get3A_305 = arith.constant 0 : index
      %get3A_306 = tpu.vector_load %arg7[%get3A_303, %get3A_304, %get3A_305] {strides = array<i32>} : memref<2x104x32xf32, #tpu.memory_space<vmem>>, vector<1x1x16xf32>,
      %get3A_307 = vector.shape_cast %get3A_306 : vector<1x1x16xf32> to vector<16xf32>
      %bitcast_convert_type3A_308 = tpu.bitcast %get3A_307 : vector<16xf32> -> vector<16xi32>
      %shift_left3A_309 = arith.constant 16 : i32
      %shift_left3A_310 = vector.broadcast %shift_left3A_309 : i32 to vector<16xi32>
      %shift_left3A_311 = arith.shli %bitcast_convert_type3A_308, %shift_left3A_310 : vector<16xi32>
      %bitcast_convert_type3A_312 = tpu.bitcast %shift_left3A_311 : vector<16xi32> -> vector<16xf32>
      %and3A_313 = arith.constant -65536 : i32
      %and3A_314 = vector.broadcast %and3A_313 : i32 to vector<16xi32>
      %and3A_315 = arith.andi %bitcast_convert_type3A_308, %and3A_314 : vector<16xi32>
      %bitcast_convert_type3A_316 = tpu.bitcast %and3A_315 : vector<16xi32> -> vector<16xf32>
      %add3A_317 = arith.addf %add3A_283, %bitcast_convert_type3A_312 : vector<16xf32>
      %add3A_318 = arith.addf %add3A_284, %bitcast_convert_type3A_316 : vector<16xf32>
      %get3A_319 = arith.constant 8 : i32
      %get3A_320 = arith.index_cast %rem3A_24 : i32 to index
      %get3A_321 = arith.index_cast %get3A_319 : i32 to index
      %get3A_322 = arith.constant 16 : index
      %get3A_323 = tpu.vector_load %arg7[%get3A_320, %get3A_321, %get3A_322] {strides = array<i32>} : memref<2x104x32xf32, #tpu.memory_space<vmem>>, vector<1x1x16xf32>,
      %get3A_324 = vector.shape_cast %get3A_323 : vector<1x1x16xf32> to vector<16xf32>
      %bitcast_convert_type3A_325 = tpu.bitcast %get3A_324 : vector<16xf32> -> vector<16xi32>
      %shift_left3A_326 = arith.constant 16 : i32
      %shift_left3A_327 = vector.broadcast %shift_left3A_326 : i32 to vector<16xi32>
      %shift_left3A_328 = arith.shli %bitcast_convert_type3A_325, %shift_left3A_327 : vector<16xi32>
      %bitcast_convert_type3A_329 = tpu.bitcast %shift_left3A_328 : vector<16xi32> -> vector<16xf32>
      %and3A_330 = arith.constant -65536 : i32
      %and3A_331 = vector.broadcast %and3A_330 : i32 to vector<16xi32>
      %and3A_332 = arith.andi %bitcast_convert_type3A_325, %and3A_331 : vector<16xi32>
      %bitcast_convert_type3A_333 = tpu.bitcast %and3A_332 : vector<16xi32> -> vector<16xf32>
      %add3A_334 = arith.addf %add3A_300, %bitcast_convert_type3A_329 : vector<16xf32>
      %add3A_335 = arith.addf %add3A_301, %bitcast_convert_type3A_333 : vector<16xf32>
      %get3A_336 = arith.constant 9 : i32
      %get3A_337 = arith.index_cast %rem3A_24 : i32 to index
      %get3A_338 = arith.index_cast %get3A_336 : i32 to index
      %get3A_339 = arith.constant 0 : index
      %get3A_340 = tpu.vector_load %arg7[%get3A_337, %get3A_338, %get3A_339] {strides = array<i32>} : memref<2x104x32xf32, #tpu.memory_space<vmem>>, vector<1x1x16xf32>,
      %get3A_341 = vector.shape_cast %get3A_340 : vector<1x1x16xf32> to vector<16xf32>
      %bitcast_convert_type3A_342 = tpu.bitcast %get3A_341 : vector<16xf32> -> vector<16xi32>
      %shift_left3A_343 = arith.constant 16 : i32
      %shift_left3A_344 = vector.broadcast %shift_left3A_343 : i32 to vector<16xi32>
      %shift_left3A_345 = arith.shli %bitcast_convert_type3A_342, %shift_left3A_344 : vector<16xi32>
      %bitcast_convert_type3A_346 = tpu.bitcast %shift_left3A_345 : vector<16xi32> -> vector<16xf32>
      %and3A_347 = arith.constant -65536 : i32
      %and3A_348 = vector.broadcast %and3A_347 : i32 to vector<16xi32>
      %and3A_349 = arith.andi %bitcast_convert_type3A_342, %and3A_348 : vector<16xi32>
      %bitcast_convert_type3A_350 = tpu.bitcast %and3A_349 : vector<16xi32> -> vector<16xf32>
      %add3A_351 = arith.addf %add3A_317, %bitcast_convert_type3A_346 : vector<16xf32>
      %add3A_352 = arith.addf %add3A_318, %bitcast_convert_type3A_350 : vector<16xf32>
      %get3A_353 = arith.constant 9 : i32
      %get3A_354 = arith.index_cast %rem3A_24 : i32 to index
      %get3A_355 = arith.index_cast %get3A_353 : i32 to index
      %get3A_356 = arith.constant 16 : index
      %get3A_357 = tpu.vector_load %arg7[%get3A_354, %get3A_355, %get3A_356] {strides = array<i32>} : memref<2x104x32xf32, #tpu.memory_space<vmem>>, vector<1x1x16xf32>,
      %get3A_358 = vector.shape_cast %get3A_357 : vector<1x1x16xf32> to vector<16xf32>
      %bitcast_convert_type3A_359 = tpu.bitcast %get3A_358 : vector<16xf32> -> vector<16xi32>
      %shift_left3A_360 = arith.constant 16 : i32
      %shift_left3A_361 = vector.broadcast %shift_left3A_360 : i32 to vector<16xi32>
      %shift_left3A_362 = arith.shli %bitcast_convert_type3A_359, %shift_left3A_361 : vector<16xi32>
      %bitcast_convert_type3A_363 = tpu.bitcast %shift_left3A_362 : vector<16xi32> -> vector<16xf32>
      %and3A_364 = arith.constant -65536 : i32
      %and3A_365 = vector.broadcast %and3A_364 : i32 to vector<16xi32>
      %and3A_366 = arith.andi %bitcast_convert_type3A_359, %and3A_365 : vector<16xi32>
      %bitcast_convert_type3A_367 = tpu.bitcast %and3A_366 : vector<16xi32> -> vector<16xf32>
      %add3A_368 = arith.addf %add3A_334, %bitcast_convert_type3A_363 : vector<16xf32>
      %add3A_369 = arith.addf %add3A_335, %bitcast_convert_type3A_367 : vector<16xf32>
      %get3A_370 = arith.constant 10 : i32
      %get3A_371 = arith.index_cast %rem3A_24 : i32 to index
      %get3A_372 = arith.index_cast %get3A_370 : i32 to index
      %get3A_373 = arith.constant 0 : index
      %get3A_374 = tpu.vector_load %arg7[%get3A_371, %get3A_372, %get3A_373] {strides = array<i32>} : memref<2x104x32xf32, #tpu.memory_space<vmem>>, vector<1x1x16xf32>,
      %get3A_375 = vector.shape_cast %get3A_374 : vector<1x1x16xf32> to vector<16xf32>
      %bitcast_convert_type3A_376 = tpu.bitcast %get3A_375 : vector<16xf32> -> vector<16xi32>
      %shift_left3A_377 = arith.constant 16 : i32
      %shift_left3A_378 = vector.broadcast %shift_left3A_377 : i32 to vector<16xi32>
      %shift_left3A_379 = arith.shli %bitcast_convert_type3A_376, %shift_left3A_378 : vector<16xi32>
      %bitcast_convert_type3A_380 = tpu.bitcast %shift_left3A_379 : vector<16xi32> -> vector<16xf32>
      %and3A_381 = arith.constant -65536 : i32
      %and3A_382 = vector.broadcast %and3A_381 : i32 to vector<16xi32>
      %and3A_383 = arith.andi %bitcast_convert_type3A_376, %and3A_382 : vector<16xi32>
      %bitcast_convert_type3A_384 = tpu.bitcast %and3A_383 : vector<16xi32> -> vector<16xf32>
      %add3A_385 = arith.addf %add3A_351, %bitcast_convert_type3A_380 : vector<16xf32>
      %add3A_386 = arith.addf %add3A_352, %bitcast_convert_type3A_384 : vector<16xf32>
      %get3A_387 = arith.constant 10 : i32
      %get3A_388 = arith.index_cast %rem3A_24 : i32 to index
      %get3A_389 = arith.index_cast %get3A_387 : i32 to index
      %get3A_390 = arith.constant 16 : index
      %get3A_391 = tpu.vector_load %arg7[%get3A_388, %get3A_389, %get3A_390] {strides = array<i32>} : memref<2x104x32xf32, #tpu.memory_space<vmem>>, vector<1x1x16xf32>,
      %get3A_392 = vector.shape_cast %get3A_391 : vector<1x1x16xf32> to vector<16xf32>
      %bitcast_convert_type3A_393 = tpu.bitcast %get3A_392 : vector<16xf32> -> vector<16xi32>
      %shift_left3A_394 = arith.constant 16 : i32
      %shift_left3A_395 = vector.broadcast %shift_left3A_394 : i32 to vector<16xi32>
      %shift_left3A_396 = arith.shli %bitcast_convert_type3A_393, %shift_left3A_395 : vector<16xi32>
      %bitcast_convert_type3A_397 = tpu.bitcast %shift_left3A_396 : vector<16xi32> -> vector<16xf32>
      %and3A_398 = arith.constant -65536 : i32
      %and3A_399 = vector.broadcast %and3A_398 : i32 to vector<16xi32>
      %and3A_400 = arith.andi %bitcast_convert_type3A_393, %and3A_399 : vector<16xi32>
      %bitcast_convert_type3A_401 = tpu.bitcast %and3A_400 : vector<16xi32> -> vector<16xf32>
      %add3A_402 = arith.addf %add3A_368, %bitcast_convert_type3A_397 : vector<16xf32>
      %add3A_403 = arith.addf %add3A_369, %bitcast_convert_type3A_401 : vector<16xf32>
      %get3A_404 = arith.constant 11 : i32
      %get3A_405 = arith.index_cast %rem3A_24 : i32 to index
      %get3A_406 = arith.index_cast %get3A_404 : i32 to index
      %get3A_407 = arith.constant 0 : index
      %get3A_408 = tpu.vector_load %arg7[%get3A_405, %get3A_406, %get3A_407] {strides = array<i32>} : memref<2x104x32xf32, #tpu.memory_space<vmem>>, vector<1x1x16xf32>,
      %get3A_409 = vector.shape_cast %get3A_408 : vector<1x1x16xf32> to vector<16xf32>
      %bitcast_convert_type3A_410 = tpu.bitcast %get3A_409 : vector<16xf32> -> vector<16xi32>
      %shift_left3A_411 = arith.constant 16 : i32
      %shift_left3A_412 = vector.broadcast %shift_left3A_411 : i32 to vector<16xi32>
      %shift_left3A_413 = arith.shli %bitcast_convert_type3A_410, %shift_left3A_412 : vector<16xi32>
      %bitcast_convert_type3A_414 = tpu.bitcast %shift_left3A_413 : vector<16xi32> -> vector<16xf32>
      %and3A_415 = arith.constant -65536 : i32
      %and3A_416 = vector.broadcast %and3A_415 : i32 to vector<16xi32>
      %and3A_417 = arith.andi %bitcast_convert_type3A_410, %and3A_416 : vector<16xi32>
      %bitcast_convert_type3A_418 = tpu.bitcast %and3A_417 : vector<16xi32> -> vector<16xf32>
      %add3A_419 = arith.addf %add3A_385, %bitcast_convert_type3A_414 : vector<16xf32>
      %add3A_420 = arith.addf %add3A_386, %bitcast_convert_type3A_418 : vector<16xf32>
      %get3A_421 = arith.constant 11 : i32
      %get3A_422 = arith.index_cast %rem3A_24 : i32 to index
      %get3A_423 = arith.index_cast %get3A_421 : i32 to index
      %get3A_424 = arith.constant 16 : index
      %get3A_425 = tpu.vector_load %arg7[%get3A_422, %get3A_423, %get3A_424] {strides = array<i32>} : memref<2x104x32xf32, #tpu.memory_space<vmem>>, vector<1x1x16xf32>,
      %get3A_426 = vector.shape_cast %get3A_425 : vector<1x1x16xf32> to vector<16xf32>
      %bitcast_convert_type3A_427 = tpu.bitcast %get3A_426 : vector<16xf32> -> vector<16xi32>
      %shift_left3A_428 = arith.constant 16 : i32
      %shift_left3A_429 = vector.broadcast %shift_left3A_428 : i32 to vector<16xi32>
      %shift_left3A_430 = arith.shli %bitcast_convert_type3A_427, %shift_left3A_429 : vector<16xi32>
      %bitcast_convert_type3A_431 = tpu.bitcast %shift_left3A_430 : vector<16xi32> -> vector<16xf32>
      %and3A_432 = arith.constant -65536 : i32
      %and3A_433 = vector.broadcast %and3A_432 : i32 to vector<16xi32>
      %and3A_434 = arith.andi %bitcast_convert_type3A_427, %and3A_433 : vector<16xi32>
      %bitcast_convert_type3A_435 = tpu.bitcast %and3A_434 : vector<16xi32> -> vector<16xf32>
      %add3A_436 = arith.addf %add3A_402, %bitcast_convert_type3A_431 : vector<16xf32>
      %add3A_437 = arith.addf %add3A_403, %bitcast_convert_type3A_435 : vector<16xf32>
      %get3A_438 = arith.constant 12 : i32
      %get3A_439 = arith.index_cast %rem3A_24 : i32 to index
      %get3A_440 = arith.index_cast %get3A_438 : i32 to index
      %get3A_441 = arith.constant 0 : index
      %get3A_442 = tpu.vector_load %arg7[%get3A_439, %get3A_440, %get3A_441] {strides = array<i32>} : memref<2x104x32xf32, #tpu.memory_space<vmem>>, vector<1x1x16xf32>,
      %get3A_443 = vector.shape_cast %get3A_442 : vector<1x1x16xf32> to vector<16xf32>
      %bitcast_convert_type3A_444 = tpu.bitcast %get3A_443 : vector<16xf32> -> vector<16xi32>
      %shift_left3A_445 = arith.constant 16 : i32
      %shift_left3A_446 = vector.broadcast %shift_left3A_445 : i32 to vector<16xi32>
      %shift_left3A_447 = arith.shli %bitcast_convert_type3A_444, %shift_left3A_446 : vector<16xi32>
      %bitcast_convert_type3A_448 = tpu.bitcast %shift_left3A_447 : vector<16xi32> -> vector<16xf32>
      %and3A_449 = arith.constant -65536 : i32
      %and3A_450 = vector.broadcast %and3A_449 : i32 to vector<16xi32>
      %and3A_451 = arith.andi %bitcast_convert_type3A_444, %and3A_450 : vector<16xi32>
      %bitcast_convert_type3A_452 = tpu.bitcast %and3A_451 : vector<16xi32> -> vector<16xf32>
      %add3A_453 = arith.addf %add3A_419, %bitcast_convert_type3A_448 : vector<16xf32>
      %add3A_454 = arith.addf %add3A_420, %bitcast_convert_type3A_452 : vector<16xf32>
      %get3A_455 = arith.constant 12 : i32
      %get3A_456 = arith.index_cast %rem3A_24 : i32 to index
      %get3A_457 = arith.index_cast %get3A_455 : i32 to index
      %get3A_458 = arith.constant 16 : index
      %get3A_459 = tpu.vector_load %arg7[%get3A_456, %get3A_457, %get3A_458] {strides = array<i32>} : memref<2x104x32xf32, #tpu.memory_space<vmem>>, vector<1x1x16xf32>,
      %get3A_460 = vector.shape_cast %get3A_459 : vector<1x1x16xf32> to vector<16xf32>
      %bitcast_convert_type3A_461 = tpu.bitcast %get3A_460 : vector<16xf32> -> vector<16xi32>
      %shift_left3A_462 = arith.constant 16 : i32
      %shift_left3A_463 = vector.broadcast %shift_left3A_462 : i32 to vector<16xi32>
      %shift_left3A_464 = arith.shli %bitcast_convert_type3A_461, %shift_left3A_463 : vector<16xi32>
      %bitcast_convert_type3A_465 = tpu.bitcast %shift_left3A_464 : vector<16xi32> -> vector<16xf32>
      %and3A_466 = arith.constant -65536 : i32
      %and3A_467 = vector.broadcast %and3A_466 : i32 to vector<16xi32>
      %and3A_468 = arith.andi %bitcast_convert_type3A_461, %and3A_467 : vector<16xi32>
      %bitcast_convert_type3A_469 = tpu.bitcast %and3A_468 : vector<16xi32> -> vector<16xf32>
      %add3A_470 = arith.addf %add3A_436, %bitcast_convert_type3A_465 : vector<16xf32>
      %add3A_471 = arith.addf %add3A_437, %bitcast_convert_type3A_469 : vector<16xf32>
      %get3A_472 = arith.constant 13 : i32
      %get3A_473 = arith.index_cast %rem3A_24 : i32 to index
      %get3A_474 = arith.index_cast %get3A_472 : i32 to index
      %get3A_475 = arith.constant 0 : index
      %get3A_476 = tpu.vector_load %arg7[%get3A_473, %get3A_474, %get3A_475] {strides = array<i32>} : memref<2x104x32xf32, #tpu.memory_space<vmem>>, vector<1x1x16xf32>,
      %get3A_477 = vector.shape_cast %get3A_476 : vector<1x1x16xf32> to vector<16xf32>
      %bitcast_convert_type3A_478 = tpu.bitcast %get3A_477 : vector<16xf32> -> vector<16xi32>
      %shift_left3A_479 = arith.constant 16 : i32
      %shift_left3A_480 = vector.broadcast %shift_left3A_479 : i32 to vector<16xi32>
      %shift_left3A_481 = arith.shli %bitcast_convert_type3A_478, %shift_left3A_480 : vector<16xi32>
      %bitcast_convert_type3A_482 = tpu.bitcast %shift_left3A_481 : vector<16xi32> -> vector<16xf32>
      %and3A_483 = arith.constant -65536 : i32
      %and3A_484 = vector.broadcast %and3A_483 : i32 to vector<16xi32>
      %and3A_485 = arith.andi %bitcast_convert_type3A_478, %and3A_484 : vector<16xi32>
      %bitcast_convert_type3A_486 = tpu.bitcast %and3A_485 : vector<16xi32> -> vector<16xf32>
      %add3A_487 = arith.addf %add3A_453, %bitcast_convert_type3A_482 : vector<16xf32>
      %add3A_488 = arith.addf %add3A_454, %bitcast_convert_type3A_486 : vector<16xf32>
      %get3A_489 = arith.constant 13 : i32
      %get3A_490 = arith.index_cast %rem3A_24 : i32 to index
      %get3A_491 = arith.index_cast %get3A_489 : i32 to index
      %get3A_492 = arith.constant 16 : index
      %get3A_493 = tpu.vector_load %arg7[%get3A_490, %get3A_491, %get3A_492] {strides = array<i32>} : memref<2x104x32xf32, #tpu.memory_space<vmem>>, vector<1x1x16xf32>,
      %get3A_494 = vector.shape_cast %get3A_493 : vector<1x1x16xf32> to vector<16xf32>
      %bitcast_convert_type3A_495 = tpu.bitcast %get3A_494 : vector<16xf32> -> vector<16xi32>
      %shift_left3A_496 = arith.constant 16 : i32
      %shift_left3A_497 = vector.broadcast %shift_left3A_496 : i32 to vector<16xi32>
      %shift_left3A_498 = arith.shli %bitcast_convert_type3A_495, %shift_left3A_497 : vector<16xi32>
      %bitcast_convert_type3A_499 = tpu.bitcast %shift_left3A_498 : vector<16xi32> -> vector<16xf32>
      %and3A_500 = arith.constant -65536 : i32
      %and3A_501 = vector.broadcast %and3A_500 : i32 to vector<16xi32>
      %and3A_502 = arith.andi %bitcast_convert_type3A_495, %and3A_501 : vector<16xi32>
      %bitcast_convert_type3A_503 = tpu.bitcast %and3A_502 : vector<16xi32> -> vector<16xf32>
      %add3A_504 = arith.addf %add3A_470, %bitcast_convert_type3A_499 : vector<16xf32>
      %add3A_505 = arith.addf %add3A_471, %bitcast_convert_type3A_503 : vector<16xf32>
      %get3A_506 = arith.constant 14 : i32
      %get3A_507 = arith.index_cast %rem3A_24 : i32 to index
      %get3A_508 = arith.index_cast %get3A_506 : i32 to index
      %get3A_509 = arith.constant 0 : index
      %get3A_510 = tpu.vector_load %arg7[%get3A_507, %get3A_508, %get3A_509] {strides = array<i32>} : memref<2x104x32xf32, #tpu.memory_space<vmem>>, vector<1x1x16xf32>,
      %get3A_511 = vector.shape_cast %get3A_510 : vector<1x1x16xf32> to vector<16xf32>
      %bitcast_convert_type3A_512 = tpu.bitcast %get3A_511 : vector<16xf32> -> vector<16xi32>
      %shift_left3A_513 = arith.constant 16 : i32
      %shift_left3A_514 = vector.broadcast %shift_left3A_513 : i32 to vector<16xi32>
      %shift_left3A_515 = arith.shli %bitcast_convert_type3A_512, %shift_left3A_514 : vector<16xi32>
      %bitcast_convert_type3A_516 = tpu.bitcast %shift_left3A_515 : vector<16xi32> -> vector<16xf32>
      %and3A_517 = arith.constant -65536 : i32
      %and3A_518 = vector.broadcast %and3A_517 : i32 to vector<16xi32>
      %and3A_519 = arith.andi %bitcast_convert_type3A_512, %and3A_518 : vector<16xi32>
      %bitcast_convert_type3A_520 = tpu.bitcast %and3A_519 : vector<16xi32> -> vector<16xf32>
      %add3A_521 = arith.addf %add3A_487, %bitcast_convert_type3A_516 : vector<16xf32>
      %add3A_522 = arith.addf %add3A_488, %bitcast_convert_type3A_520 : vector<16xf32>
      %get3A_523 = arith.constant 14 : i32
      %get3A_524 = arith.index_cast %rem3A_24 : i32 to index
      %get3A_525 = arith.index_cast %get3A_523 : i32 to index
      %get3A_526 = arith.constant 16 : index
      %get3A_527 = tpu.vector_load %arg7[%get3A_524, %get3A_525, %get3A_526] {strides = array<i32>} : memref<2x104x32xf32, #tpu.memory_space<vmem>>, vector<1x1x16xf32>,
      %get3A_528 = vector.shape_cast %get3A_527 : vector<1x1x16xf32> to vector<16xf32>
      %bitcast_convert_type3A_529 = tpu.bitcast %get3A_528 : vector<16xf32> -> vector<16xi32>
      %shift_left3A_530 = arith.constant 16 : i32
      %shift_left3A_531 = vector.broadcast %shift_left3A_530 : i32 to vector<16xi32>
      %shift_left3A_532 = arith.shli %bitcast_convert_type3A_529, %shift_left3A_531 : vector<16xi32>
      %bitcast_convert_type3A_533 = tpu.bitcast %shift_left3A_532 : vector<16xi32> -> vector<16xf32>
      %and3A_534 = arith.constant -65536 : i32
      %and3A_535 = vector.broadcast %and3A_534 : i32 to vector<16xi32>
      %and3A_536 = arith.andi %bitcast_convert_type3A_529, %and3A_535 : vector<16xi32>
      %bitcast_convert_type3A_537 = tpu.bitcast %and3A_536 : vector<16xi32> -> vector<16xf32>
      %add3A_538 = arith.addf %add3A_504, %bitcast_convert_type3A_533 : vector<16xf32>
      %add3A_539 = arith.addf %add3A_505, %bitcast_convert_type3A_537 : vector<16xf32>
      %get3A_540 = arith.constant 15 : i32
      %get3A_541 = arith.index_cast %rem3A_24 : i32 to index
      %get3A_542 = arith.index_cast %get3A_540 : i32 to index
      %get3A_543 = arith.constant 0 : index
      %get3A_544 = tpu.vector_load %arg7[%get3A_541, %get3A_542, %get3A_543] {strides = array<i32>} : memref<2x104x32xf32, #tpu.memory_space<vmem>>, vector<1x1x16xf32>,
      %get3A_545 = vector.shape_cast %get3A_544 : vector<1x1x16xf32> to vector<16xf32>
      %bitcast_convert_type3A_546 = tpu.bitcast %get3A_545 : vector<16xf32> -> vector<16xi32>
      %shift_left3A_547 = arith.constant 16 : i32
      %shift_left3A_548 = vector.broadcast %shift_left3A_547 : i32 to vector<16xi32>
      %shift_left3A_549 = arith.shli %bitcast_convert_type3A_546, %shift_left3A_548 : vector<16xi32>
      %bitcast_convert_type3A_550 = tpu.bitcast %shift_left3A_549 : vector<16xi32> -> vector<16xf32>
      %and3A_551 = arith.constant -65536 : i32
      %and3A_552 = vector.broadcast %and3A_551 : i32 to vector<16xi32>
      %and3A_553 = arith.andi %bitcast_convert_type3A_546, %and3A_552 : vector<16xi32>
      %bitcast_convert_type3A_554 = tpu.bitcast %and3A_553 : vector<16xi32> -> vector<16xf32>
      %add3A_555 = arith.addf %add3A_521, %bitcast_convert_type3A_550 : vector<16xf32>
      %add3A_556 = arith.addf %add3A_522, %bitcast_convert_type3A_554 : vector<16xf32>
      %get3A_557 = arith.constant 15 : i32
      %get3A_558 = arith.index_cast %rem3A_24 : i32 to index
      %get3A_559 = arith.index_cast %get3A_557 : i32 to index
      %get3A_560 = arith.constant 16 : index
      %get3A_561 = tpu.vector_load %arg7[%get3A_558, %get3A_559, %get3A_560] {strides = array<i32>} : memref<2x104x32xf32, #tpu.memory_space<vmem>>, vector<1x1x16xf32>,
      %get3A_562 = vector.shape_cast %get3A_561 : vector<1x1x16xf32> to vector<16xf32>
      %bitcast_convert_type3A_563 = tpu.bitcast %get3A_562 : vector<16xf32> -> vector<16xi32>
      %shift_left3A_564 = arith.constant 16 : i32
      %shift_left3A_565 = vector.broadcast %shift_left3A_564 : i32 to vector<16xi32>
      %shift_left3A_566 = arith.shli %bitcast_convert_type3A_563, %shift_left3A_565 : vector<16xi32>
      %bitcast_convert_type3A_567 = tpu.bitcast %shift_left3A_566 : vector<16xi32> -> vector<16xf32>
      %and3A_568 = arith.constant -65536 : i32
      %and3A_569 = vector.broadcast %and3A_568 : i32 to vector<16xi32>
      %and3A_570 = arith.andi %bitcast_convert_type3A_563, %and3A_569 : vector<16xi32>
      %bitcast_convert_type3A_571 = tpu.bitcast %and3A_570 : vector<16xi32> -> vector<16xf32>
      %add3A_572 = arith.addf %add3A_538, %bitcast_convert_type3A_567 : vector<16xf32>
      %add3A_573 = arith.addf %add3A_539, %bitcast_convert_type3A_571 : vector<16xf32>
      %get3A_574 = arith.constant 16 : i32
      %get3A_575 = arith.index_cast %rem3A_24 : i32 to index
      %get3A_576 = arith.index_cast %get3A_574 : i32 to index
      %get3A_577 = arith.constant 0 : index
      %get3A_578 = tpu.vector_load %arg7[%get3A_575, %get3A_576, %get3A_577] {strides = array<i32>} : memref<2x104x32xf32, #tpu.memory_space<vmem>>, vector<1x1x16xf32>,
      %get3A_579 = vector.shape_cast %get3A_578 : vector<1x1x16xf32> to vector<16xf32>
      %bitcast_convert_type3A_580 = tpu.bitcast %get3A_579 : vector<16xf32> -> vector<16xi32>
      %shift_left3A_581 = arith.constant 16 : i32
      %shift_left3A_582 = vector.broadcast %shift_left3A_581 : i32 to vector<16xi32>
      %shift_left3A_583 = arith.shli %bitcast_convert_type3A_580, %shift_left3A_582 : vector<16xi32>
      %bitcast_convert_type3A_584 = tpu.bitcast %shift_left3A_583 : vector<16xi32> -> vector<16xf32>
      %and3A_585 = arith.constant -65536 : i32
      %and3A_586 = vector.broadcast %and3A_585 : i32 to vector<16xi32>
      %and3A_587 = arith.andi %bitcast_convert_type3A_580, %and3A_586 : vector<16xi32>
      %bitcast_convert_type3A_588 = tpu.bitcast %and3A_587 : vector<16xi32> -> vector<16xf32>
      %add3A_589 = arith.addf %add3A_555, %bitcast_convert_type3A_584 : vector<16xf32>
      %add3A_590 = arith.addf %add3A_556, %bitcast_convert_type3A_588 : vector<16xf32>
      %get3A_591 = arith.constant 16 : i32
      %get3A_592 = arith.index_cast %rem3A_24 : i32 to index
      %get3A_593 = arith.index_cast %get3A_591 : i32 to index
      %get3A_594 = arith.constant 16 : index
      %get3A_595 = tpu.vector_load %arg7[%get3A_592, %get3A_593, %get3A_594] {strides = array<i32>} : memref<2x104x32xf32, #tpu.memory_space<vmem>>, vector<1x1x16xf32>,
      %get3A_596 = vector.shape_cast %get3A_595 : vector<1x1x16xf32> to vector<16xf32>
      %bitcast_convert_type3A_597 = tpu.bitcast %get3A_596 : vector<16xf32> -> vector<16xi32>
      %shift_left3A_598 = arith.constant 16 : i32
      %shift_left3A_599 = vector.broadcast %shift_left3A_598 : i32 to vector<16xi32>
      %shift_left3A_600 = arith.shli %bitcast_convert_type3A_597, %shift_left3A_599 : vector<16xi32>
      %bitcast_convert_type3A_601 = tpu.bitcast %shift_left3A_600 : vector<16xi32> -> vector<16xf32>
      %and3A_602 = arith.constant -65536 : i32
      %and3A_603 = vector.broadcast %and3A_602 : i32 to vector<16xi32>
      %and3A_604 = arith.andi %bitcast_convert_type3A_597, %and3A_603 : vector<16xi32>
      %bitcast_convert_type3A_605 = tpu.bitcast %and3A_604 : vector<16xi32> -> vector<16xf32>
      %add3A_606 = arith.addf %add3A_572, %bitcast_convert_type3A_601 : vector<16xf32>
      %add3A_607 = arith.addf %add3A_573, %bitcast_convert_type3A_605 : vector<16xf32>
      %get3A_608 = arith.constant 17 : i32
      %get3A_609 = arith.index_cast %rem3A_24 : i32 to index
      %get3A_610 = arith.index_cast %get3A_608 : i32 to index
      %get3A_611 = arith.constant 0 : index
      %get3A_612 = tpu.vector_load %arg7[%get3A_609, %get3A_610, %get3A_611] {strides = array<i32>} : memref<2x104x32xf32, #tpu.memory_space<vmem>>, vector<1x1x16xf32>,
      %get3A_613 = vector.shape_cast %get3A_612 : vector<1x1x16xf32> to vector<16xf32>
      %bitcast_convert_type3A_614 = tpu.bitcast %get3A_613 : vector<16xf32> -> vector<16xi32>
      %shift_left3A_615 = arith.constant 16 : i32
      %shift_left3A_616 = vector.broadcast %shift_left3A_615 : i32 to vector<16xi32>
      %shift_left3A_617 = arith.shli %bitcast_convert_type3A_614, %shift_left3A_616 : vector<16xi32>
      %bitcast_convert_type3A_618 = tpu.bitcast %shift_left3A_617 : vector<16xi32> -> vector<16xf32>
      %and3A_619 = arith.constant -65536 : i32
      %and3A_620 = vector.broadcast %and3A_619 : i32 to vector<16xi32>
      %and3A_621 = arith.andi %bitcast_convert_type3A_614, %and3A_620 : vector<16xi32>
      %bitcast_convert_type3A_622 = tpu.bitcast %and3A_621 : vector<16xi32> -> vector<16xf32>
      %add3A_623 = arith.addf %add3A_589, %bitcast_convert_type3A_618 : vector<16xf32>
      %add3A_624 = arith.addf %add3A_590, %bitcast_convert_type3A_622 : vector<16xf32>
      %get3A_625 = arith.constant 17 : i32
      %get3A_626 = arith.index_cast %rem3A_24 : i32 to index
      %get3A_627 = arith.index_cast %get3A_625 : i32 to index
      %get3A_628 = arith.constant 16 : index
      %get3A_629 = tpu.vector_load %arg7[%get3A_626, %get3A_627, %get3A_628] {strides = array<i32>} : memref<2x104x32xf32, #tpu.memory_space<vmem>>, vector<1x1x16xf32>,
      %get3A_630 = vector.shape_cast %get3A_629 : vector<1x1x16xf32> to vector<16xf32>
      %bitcast_convert_type3A_631 = tpu.bitcast %get3A_630 : vector<16xf32> -> vector<16xi32>
      %shift_left3A_632 = arith.constant 16 : i32
      %shift_left3A_633 = vector.broadcast %shift_left3A_632 : i32 to vector<16xi32>
      %shift_left3A_634 = arith.shli %bitcast_convert_type3A_631, %shift_left3A_633 : vector<16xi32>
      %bitcast_convert_type3A_635 = tpu.bitcast %shift_left3A_634 : vector<16xi32> -> vector<16xf32>
      %and3A_636 = arith.constant -65536 : i32
      %and3A_637 = vector.broadcast %and3A_636 : i32 to vector<16xi32>
      %and3A_638 = arith.andi %bitcast_convert_type3A_631, %and3A_637 : vector<16xi32>
      %bitcast_convert_type3A_639 = tpu.bitcast %and3A_638 : vector<16xi32> -> vector<16xf32>
      %add3A_640 = arith.addf %add3A_606, %bitcast_convert_type3A_635 : vector<16xf32>
      %add3A_641 = arith.addf %add3A_607, %bitcast_convert_type3A_639 : vector<16xf32>
      %get3A_642 = arith.constant 18 : i32
      %get3A_643 = arith.index_cast %rem3A_24 : i32 to index
      %get3A_644 = arith.index_cast %get3A_642 : i32 to index
      %get3A_645 = arith.constant 0 : index
      %get3A_646 = tpu.vector_load %arg7[%get3A_643, %get3A_644, %get3A_645] {strides = array<i32>} : memref<2x104x32xf32, #tpu.memory_space<vmem>>, vector<1x1x16xf32>,
      %get3A_647 = vector.shape_cast %get3A_646 : vector<1x1x16xf32> to vector<16xf32>
      %bitcast_convert_type3A_648 = tpu.bitcast %get3A_647 : vector<16xf32> -> vector<16xi32>
      %shift_left3A_649 = arith.constant 16 : i32
      %shift_left3A_650 = vector.broadcast %shift_left3A_649 : i32 to vector<16xi32>
      %shift_left3A_651 = arith.shli %bitcast_convert_type3A_648, %shift_left3A_650 : vector<16xi32>
      %bitcast_convert_type3A_652 = tpu.bitcast %shift_left3A_651 : vector<16xi32> -> vector<16xf32>
      %and3A_653 = arith.constant -65536 : i32
      %and3A_654 = vector.broadcast %and3A_653 : i32 to vector<16xi32>
      %and3A_655 = arith.andi %bitcast_convert_type3A_648, %and3A_654 : vector<16xi32>
      %bitcast_convert_type3A_656 = tpu.bitcast %and3A_655 : vector<16xi32> -> vector<16xf32>
      %add3A_657 = arith.addf %add3A_623, %bitcast_convert_type3A_652 : vector<16xf32>
      %add3A_658 = arith.addf %add3A_624, %bitcast_convert_type3A_656 : vector<16xf32>
      %get3A_659 = arith.constant 18 : i32
      %get3A_660 = arith.index_cast %rem3A_24 : i32 to index
      %get3A_661 = arith.index_cast %get3A_659 : i32 to index
      %get3A_662 = arith.constant 16 : index
      %get3A_663 = tpu.vector_load %arg7[%get3A_660, %get3A_661, %get3A_662] {strides = array<i32>} : memref<2x104x32xf32, #tpu.memory_space<vmem>>, vector<1x1x16xf32>,
      %get3A_664 = vector.shape_cast %get3A_663 : vector<1x1x16xf32> to vector<16xf32>
      %bitcast_convert_type3A_665 = tpu.bitcast %get3A_664 : vector<16xf32> -> vector<16xi32>
      %shift_left3A_666 = arith.constant 16 : i32
      %shift_left3A_667 = vector.broadcast %shift_left3A_666 : i32 to vector<16xi32>
      %shift_left3A_668 = arith.shli %bitcast_convert_type3A_665, %shift_left3A_667 : vector<16xi32>
      %bitcast_convert_type3A_669 = tpu.bitcast %shift_left3A_668 : vector<16xi32> -> vector<16xf32>
      %and3A_670 = arith.constant -65536 : i32
      %and3A_671 = vector.broadcast %and3A_670 : i32 to vector<16xi32>
      %and3A_672 = arith.andi %bitcast_convert_type3A_665, %and3A_671 : vector<16xi32>
      %bitcast_convert_type3A_673 = tpu.bitcast %and3A_672 : vector<16xi32> -> vector<16xf32>
      %add3A_674 = arith.addf %add3A_640, %bitcast_convert_type3A_669 : vector<16xf32>
      %add3A_675 = arith.addf %add3A_641, %bitcast_convert_type3A_673 : vector<16xf32>
      %get3A_676 = arith.constant 19 : i32
      %get3A_677 = arith.index_cast %rem3A_24 : i32 to index
      %get3A_678 = arith.index_cast %get3A_676 : i32 to index
      %get3A_679 = arith.constant 0 : index
      %get3A_680 = tpu.vector_load %arg7[%get3A_677, %get3A_678, %get3A_679] {strides = array<i32>} : memref<2x104x32xf32, #tpu.memory_space<vmem>>, vector<1x1x16xf32>,
      %get3A_681 = vector.shape_cast %get3A_680 : vector<1x1x16xf32> to vector<16xf32>
      %bitcast_convert_type3A_682 = tpu.bitcast %get3A_681 : vector<16xf32> -> vector<16xi32>
      %shift_left3A_683 = arith.constant 16 : i32
      %shift_left3A_684 = vector.broadcast %shift_left3A_683 : i32 to vector<16xi32>
      %shift_left3A_685 = arith.shli %bitcast_convert_type3A_682, %shift_left3A_684 : vector<16xi32>
      %bitcast_convert_type3A_686 = tpu.bitcast %shift_left3A_685 : vector<16xi32> -> vector<16xf32>
      %and3A_687 = arith.constant -65536 : i32
      %and3A_688 = vector.broadcast %and3A_687 : i32 to vector<16xi32>
      %and3A_689 = arith.andi %bitcast_convert_type3A_682, %and3A_688 : vector<16xi32>
      %bitcast_convert_type3A_690 = tpu.bitcast %and3A_689 : vector<16xi32> -> vector<16xf32>
      %add3A_691 = arith.addf %add3A_657, %bitcast_convert_type3A_686 : vector<16xf32>
      %add3A_692 = arith.addf %add3A_658, %bitcast_convert_type3A_690 : vector<16xf32>
      %get3A_693 = arith.constant 19 : i32
      %get3A_694 = arith.index_cast %rem3A_24 : i32 to index
      %get3A_695 = arith.index_cast %get3A_693 : i32 to index
      %get3A_696 = arith.constant 16 : index
      %get3A_697 = tpu.vector_load %arg7[%get3A_694, %get3A_695, %get3A_696] {strides = array<i32>} : memref<2x104x32xf32, #tpu.memory_space<vmem>>, vector<1x1x16xf32>,
      %get3A_698 = vector.shape_cast %get3A_697 : vector<1x1x16xf32> to vector<16xf32>
      %bitcast_convert_type3A_699 = tpu.bitcast %get3A_698 : vector<16xf32> -> vector<16xi32>
      %shift_left3A_700 = arith.constant 16 : i32
      %shift_left3A_701 = vector.broadcast %shift_left3A_700 : i32 to vector<16xi32>
      %shift_left3A_702 = arith.shli %bitcast_convert_type3A_699, %shift_left3A_701 : vector<16xi32>
      %bitcast_convert_type3A_703 = tpu.bitcast %shift_left3A_702 : vector<16xi32> -> vector<16xf32>
      %and3A_704 = arith.constant -65536 : i32
      %and3A_705 = vector.broadcast %and3A_704 : i32 to vector<16xi32>
      %and3A_706 = arith.andi %bitcast_convert_type3A_699, %and3A_705 : vector<16xi32>
      %bitcast_convert_type3A_707 = tpu.bitcast %and3A_706 : vector<16xi32> -> vector<16xf32>
      %add3A_708 = arith.addf %add3A_674, %bitcast_convert_type3A_703 : vector<16xf32>
      %add3A_709 = arith.addf %add3A_675, %bitcast_convert_type3A_707 : vector<16xf32>
      %get3A_710 = arith.constant 20 : i32
      %get3A_711 = arith.index_cast %rem3A_24 : i32 to index
      %get3A_712 = arith.index_cast %get3A_710 : i32 to index
      %get3A_713 = arith.constant 0 : index
      %get3A_714 = tpu.vector_load %arg7[%get3A_711, %get3A_712, %get3A_713] {strides = array<i32>} : memref<2x104x32xf32, #tpu.memory_space<vmem>>, vector<1x1x16xf32>,
      %get3A_715 = vector.shape_cast %get3A_714 : vector<1x1x16xf32> to vector<16xf32>
      %bitcast_convert_type3A_716 = tpu.bitcast %get3A_715 : vector<16xf32> -> vector<16xi32>
      %shift_left3A_717 = arith.constant 16 : i32
      %shift_left3A_718 = vector.broadcast %shift_left3A_717 : i32 to vector<16xi32>
      %shift_left3A_719 = arith.shli %bitcast_convert_type3A_716, %shift_left3A_718 : vector<16xi32>
      %bitcast_convert_type3A_720 = tpu.bitcast %shift_left3A_719 : vector<16xi32> -> vector<16xf32>
      %and3A_721 = arith.constant -65536 : i32
      %and3A_722 = vector.broadcast %and3A_721 : i32 to vector<16xi32>
      %and3A_723 = arith.andi %bitcast_convert_type3A_716, %and3A_722 : vector<16xi32>
      %bitcast_convert_type3A_724 = tpu.bitcast %and3A_723 : vector<16xi32> -> vector<16xf32>
      %add3A_725 = arith.addf %add3A_691, %bitcast_convert_type3A_720 : vector<16xf32>
      %add3A_726 = arith.addf %add3A_692, %bitcast_convert_type3A_724 : vector<16xf32>
      %get3A_727 = arith.constant 20 : i32
      %get3A_728 = arith.index_cast %rem3A_24 : i32 to index
      %get3A_729 = arith.index_cast %get3A_727 : i32 to index
      %get3A_730 = arith.constant 16 : index
      %get3A_731 = tpu.vector_load %arg7[%get3A_728, %get3A_729, %get3A_730] {strides = array<i32>} : memref<2x104x32xf32, #tpu.memory_space<vmem>>, vector<1x1x16xf32>,
      %get3A_732 = vector.shape_cast %get3A_731 : vector<1x1x16xf32> to vector<16xf32>
      %bitcast_convert_type3A_733 = tpu.bitcast %get3A_732 : vector<16xf32> -> vector<16xi32>
      %shift_left3A_734 = arith.constant 16 : i32
      %shift_left3A_735 = vector.broadcast %shift_left3A_734 : i32 to vector<16xi32>
      %shift_left3A_736 = arith.shli %bitcast_convert_type3A_733, %shift_left3A_735 : vector<16xi32>
      %bitcast_convert_type3A_737 = tpu.bitcast %shift_left3A_736 : vector<16xi32> -> vector<16xf32>
      %and3A_738 = arith.constant -65536 : i32
      %and3A_739 = vector.broadcast %and3A_738 : i32 to vector<16xi32>
      %and3A_740 = arith.andi %bitcast_convert_type3A_733, %and3A_739 : vector<16xi32>
      %bitcast_convert_type3A_741 = tpu.bitcast %and3A_740 : vector<16xi32> -> vector<16xf32>
      %add3A_742 = arith.addf %add3A_708, %bitcast_convert_type3A_737 : vector<16xf32>
      %add3A_743 = arith.addf %add3A_709, %bitcast_convert_type3A_741 : vector<16xf32>
      %get3A_744 = arith.constant 21 : i32
      %get3A_745 = arith.index_cast %rem3A_24 : i32 to index
      %get3A_746 = arith.index_cast %get3A_744 : i32 to index
      %get3A_747 = arith.constant 0 : index
      %get3A_748 = tpu.vector_load %arg7[%get3A_745, %get3A_746, %get3A_747] {strides = array<i32>} : memref<2x104x32xf32, #tpu.memory_space<vmem>>, vector<1x1x16xf32>,
      %get3A_749 = vector.shape_cast %get3A_748 : vector<1x1x16xf32> to vector<16xf32>
      %bitcast_convert_type3A_750 = tpu.bitcast %get3A_749 : vector<16xf32> -> vector<16xi32>
      %shift_left3A_751 = arith.constant 16 : i32
      %shift_left3A_752 = vector.broadcast %shift_left3A_751 : i32 to vector<16xi32>
      %shift_left3A_753 = arith.shli %bitcast_convert_type3A_750, %shift_left3A_752 : vector<16xi32>
      %bitcast_convert_type3A_754 = tpu.bitcast %shift_left3A_753 : vector<16xi32> -> vector<16xf32>
      %and3A_755 = arith.constant -65536 : i32
      %and3A_756 = vector.broadcast %and3A_755 : i32 to vector<16xi32>
      %and3A_757 = arith.andi %bitcast_convert_type3A_750, %and3A_756 : vector<16xi32>
      %bitcast_convert_type3A_758 = tpu.bitcast %and3A_757 : vector<16xi32> -> vector<16xf32>
      %add3A_759 = arith.addf %add3A_725, %bitcast_convert_type3A_754 : vector<16xf32>
      %add3A_760 = arith.addf %add3A_726, %bitcast_convert_type3A_758 : vector<16xf32>
      %get3A_761 = arith.constant 21 : i32
      %get3A_762 = arith.index_cast %rem3A_24 : i32 to index
      %get3A_763 = arith.index_cast %get3A_761 : i32 to index
      %get3A_764 = arith.constant 16 : index
      %get3A_765 = tpu.vector_load %arg7[%get3A_762, %get3A_763, %get3A_764] {strides = array<i32>} : memref<2x104x32xf32, #tpu.memory_space<vmem>>, vector<1x1x16xf32>,
      %get3A_766 = vector.shape_cast %get3A_765 : vector<1x1x16xf32> to vector<16xf32>
      %bitcast_convert_type3A_767 = tpu.bitcast %get3A_766 : vector<16xf32> -> vector<16xi32>
      %shift_left3A_768 = arith.constant 16 : i32
      %shift_left3A_769 = vector.broadcast %shift_left3A_768 : i32 to vector<16xi32>
      %shift_left3A_770 = arith.shli %bitcast_convert_type3A_767, %shift_left3A_769 : vector<16xi32>
      %bitcast_convert_type3A_771 = tpu.bitcast %shift_left3A_770 : vector<16xi32> -> vector<16xf32>
      %and3A_772 = arith.constant -65536 : i32
      %and3A_773 = vector.broadcast %and3A_772 : i32 to vector<16xi32>
      %and3A_774 = arith.andi %bitcast_convert_type3A_767, %and3A_773 : vector<16xi32>
      %bitcast_convert_type3A_775 = tpu.bitcast %and3A_774 : vector<16xi32> -> vector<16xf32>
      %add3A_776 = arith.addf %add3A_742, %bitcast_convert_type3A_771 : vector<16xf32>
      %add3A_777 = arith.addf %add3A_743, %bitcast_convert_type3A_775 : vector<16xf32>
      %get3A_778 = arith.constant 22 : i32
      %get3A_779 = arith.index_cast %rem3A_24 : i32 to index
      %get3A_780 = arith.index_cast %get3A_778 : i32 to index
      %get3A_781 = arith.constant 0 : index
      %get3A_782 = tpu.vector_load %arg7[%get3A_779, %get3A_780, %get3A_781] {strides = array<i32>} : memref<2x104x32xf32, #tpu.memory_space<vmem>>, vector<1x1x16xf32>,
      %get3A_783 = vector.shape_cast %get3A_782 : vector<1x1x16xf32> to vector<16xf32>
      %bitcast_convert_type3A_784 = tpu.bitcast %get3A_783 : vector<16xf32> -> vector<16xi32>
      %shift_left3A_785 = arith.constant 16 : i32
      %shift_left3A_786 = vector.broadcast %shift_left3A_785 : i32 to vector<16xi32>
      %shift_left3A_787 = arith.shli %bitcast_convert_type3A_784, %shift_left3A_786 : vector<16xi32>
      %bitcast_convert_type3A_788 = tpu.bitcast %shift_left3A_787 : vector<16xi32> -> vector<16xf32>
      %and3A_789 = arith.constant -65536 : i32
      %and3A_790 = vector.broadcast %and3A_789 : i32 to vector<16xi32>
      %and3A_791 = arith.andi %bitcast_convert_type3A_784, %and3A_790 : vector<16xi32>
      %bitcast_convert_type3A_792 = tpu.bitcast %and3A_791 : vector<16xi32> -> vector<16xf32>
      %add3A_793 = arith.addf %add3A_759, %bitcast_convert_type3A_788 : vector<16xf32>
      %add3A_794 = arith.addf %add3A_760, %bitcast_convert_type3A_792 : vector<16xf32>
      %get3A_795 = arith.constant 22 : i32
      %get3A_796 = arith.index_cast %rem3A_24 : i32 to index
      %get3A_797 = arith.index_cast %get3A_795 : i32 to index
      %get3A_798 = arith.constant 16 : index
      %get3A_799 = tpu.vector_load %arg7[%get3A_796, %get3A_797, %get3A_798] {strides = array<i32>} : memref<2x104x32xf32, #tpu.memory_space<vmem>>, vector<1x1x16xf32>,
      %get3A_800 = vector.shape_cast %get3A_799 : vector<1x1x16xf32> to vector<16xf32>
      %bitcast_convert_type3A_801 = tpu.bitcast %get3A_800 : vector<16xf32> -> vector<16xi32>
      %shift_left3A_802 = arith.constant 16 : i32
      %shift_left3A_803 = vector.broadcast %shift_left3A_802 : i32 to vector<16xi32>
      %shift_left3A_804 = arith.shli %bitcast_convert_type3A_801, %shift_left3A_803 : vector<16xi32>
      %bitcast_convert_type3A_805 = tpu.bitcast %shift_left3A_804 : vector<16xi32> -> vector<16xf32>
      %and3A_806 = arith.constant -65536 : i32
      %and3A_807 = vector.broadcast %and3A_806 : i32 to vector<16xi32>
      %and3A_808 = arith.andi %bitcast_convert_type3A_801, %and3A_807 : vector<16xi32>
      %bitcast_convert_type3A_809 = tpu.bitcast %and3A_808 : vector<16xi32> -> vector<16xf32>
      %add3A_810 = arith.addf %add3A_776, %bitcast_convert_type3A_805 : vector<16xf32>
      %add3A_811 = arith.addf %add3A_777, %bitcast_convert_type3A_809 : vector<16xf32>
      %get3A_812 = arith.constant 23 : i32
      %get3A_813 = arith.index_cast %rem3A_24 : i32 to index
      %get3A_814 = arith.index_cast %get3A_812 : i32 to index
      %get3A_815 = arith.constant 0 : index
      %get3A_816 = tpu.vector_load %arg7[%get3A_813, %get3A_814, %get3A_815] {strides = array<i32>} : memref<2x104x32xf32, #tpu.memory_space<vmem>>, vector<1x1x16xf32>,
      %get3A_817 = vector.shape_cast %get3A_816 : vector<1x1x16xf32> to vector<16xf32>
      %bitcast_convert_type3A_818 = tpu.bitcast %get3A_817 : vector<16xf32> -> vector<16xi32>
      %shift_left3A_819 = arith.constant 16 : i32
      %shift_left3A_820 = vector.broadcast %shift_left3A_819 : i32 to vector<16xi32>
      %shift_left3A_821 = arith.shli %bitcast_convert_type3A_818, %shift_left3A_820 : vector<16xi32>
      %bitcast_convert_type3A_822 = tpu.bitcast %shift_left3A_821 : vector<16xi32> -> vector<16xf32>
      %and3A_823 = arith.constant -65536 : i32
      %and3A_824 = vector.broadcast %and3A_823 : i32 to vector<16xi32>
      %and3A_825 = arith.andi %bitcast_convert_type3A_818, %and3A_824 : vector<16xi32>
      %bitcast_convert_type3A_826 = tpu.bitcast %and3A_825 : vector<16xi32> -> vector<16xf32>
      %add3A_827 = arith.addf %add3A_793, %bitcast_convert_type3A_822 : vector<16xf32>
      %add3A_828 = arith.addf %add3A_794, %bitcast_convert_type3A_826 : vector<16xf32>
      %get3A_829 = arith.constant 23 : i32
      %get3A_830 = arith.index_cast %rem3A_24 : i32 to index
      %get3A_831 = arith.index_cast %get3A_829 : i32 to index
      %get3A_832 = arith.constant 16 : index
      %get3A_833 = tpu.vector_load %arg7[%get3A_830, %get3A_831, %get3A_832] {strides = array<i32>} : memref<2x104x32xf32, #tpu.memory_space<vmem>>, vector<1x1x16xf32>,
      %get3A_834 = vector.shape_cast %get3A_833 : vector<1x1x16xf32> to vector<16xf32>
      %bitcast_convert_type3A_835 = tpu.bitcast %get3A_834 : vector<16xf32> -> vector<16xi32>
      %shift_left3A_836 = arith.constant 16 : i32
      %shift_left3A_837 = vector.broadcast %shift_left3A_836 : i32 to vector<16xi32>
      %shift_left3A_838 = arith.shli %bitcast_convert_type3A_835, %shift_left3A_837 : vector<16xi32>
      %bitcast_convert_type3A_839 = tpu.bitcast %shift_left3A_838 : vector<16xi32> -> vector<16xf32>
      %and3A_840 = arith.constant -65536 : i32
      %and3A_841 = vector.broadcast %and3A_840 : i32 to vector<16xi32>
      %and3A_842 = arith.andi %bitcast_convert_type3A_835, %and3A_841 : vector<16xi32>
      %bitcast_convert_type3A_843 = tpu.bitcast %and3A_842 : vector<16xi32> -> vector<16xf32>
      %add3A_844 = arith.addf %add3A_810, %bitcast_convert_type3A_839 : vector<16xf32>
      %add3A_845 = arith.addf %add3A_811, %bitcast_convert_type3A_843 : vector<16xf32>
      %get3A_846 = arith.constant 24 : i32
      %get3A_847 = arith.index_cast %rem3A_24 : i32 to index
      %get3A_848 = arith.index_cast %get3A_846 : i32 to index
      %get3A_849 = arith.constant 0 : index
      %get3A_850 = tpu.vector_load %arg7[%get3A_847, %get3A_848, %get3A_849] {strides = array<i32>} : memref<2x104x32xf32, #tpu.memory_space<vmem>>, vector<1x1x16xf32>,
      %get3A_851 = vector.shape_cast %get3A_850 : vector<1x1x16xf32> to vector<16xf32>
      %bitcast_convert_type3A_852 = tpu.bitcast %get3A_851 : vector<16xf32> -> vector<16xi32>
      %shift_left3A_853 = arith.constant 16 : i32
      %shift_left3A_854 = vector.broadcast %shift_left3A_853 : i32 to vector<16xi32>
      %shift_left3A_855 = arith.shli %bitcast_convert_type3A_852, %shift_left3A_854 : vector<16xi32>
      %bitcast_convert_type3A_856 = tpu.bitcast %shift_left3A_855 : vector<16xi32> -> vector<16xf32>
      %and3A_857 = arith.constant -65536 : i32
      %and3A_858 = vector.broadcast %and3A_857 : i32 to vector<16xi32>
      %and3A_859 = arith.andi %bitcast_convert_type3A_852, %and3A_858 : vector<16xi32>
      %bitcast_convert_type3A_860 = tpu.bitcast %and3A_859 : vector<16xi32> -> vector<16xf32>
      %add3A_861 = arith.addf %add3A_827, %bitcast_convert_type3A_856 : vector<16xf32>
      %add3A_862 = arith.addf %add3A_828, %bitcast_convert_type3A_860 : vector<16xf32>
      %get3A_863 = arith.constant 24 : i32
      %get3A_864 = arith.index_cast %rem3A_24 : i32 to index
      %get3A_865 = arith.index_cast %get3A_863 : i32 to index
      %get3A_866 = arith.constant 16 : index
      %get3A_867 = tpu.vector_load %arg7[%get3A_864, %get3A_865, %get3A_866] {strides = array<i32>} : memref<2x104x32xf32, #tpu.memory_space<vmem>>, vector<1x1x16xf32>,
      %get3A_868 = vector.shape_cast %get3A_867 : vector<1x1x16xf32> to vector<16xf32>
      %bitcast_convert_type3A_869 = tpu.bitcast %get3A_868 : vector<16xf32> -> vector<16xi32>
      %shift_left3A_870 = arith.constant 16 : i32
      %shift_left3A_871 = vector.broadcast %shift_left3A_870 : i32 to vector<16xi32>
      %shift_left3A_872 = arith.shli %bitcast_convert_type3A_869, %shift_left3A_871 : vector<16xi32>
      %bitcast_convert_type3A_873 = tpu.bitcast %shift_left3A_872 : vector<16xi32> -> vector<16xf32>
      %and3A_874 = arith.constant -65536 : i32
      %and3A_875 = vector.broadcast %and3A_874 : i32 to vector<16xi32>
      %and3A_876 = arith.andi %bitcast_convert_type3A_869, %and3A_875 : vector<16xi32>
      %bitcast_convert_type3A_877 = tpu.bitcast %and3A_876 : vector<16xi32> -> vector<16xf32>
      %add3A_878 = arith.addf %add3A_844, %bitcast_convert_type3A_873 : vector<16xf32>
      %add3A_879 = arith.addf %add3A_845, %bitcast_convert_type3A_877 : vector<16xf32>
      %get3A_880 = arith.constant 25 : i32
      %get3A_881 = arith.index_cast %rem3A_24 : i32 to index
      %get3A_882 = arith.index_cast %get3A_880 : i32 to index
      %get3A_883 = arith.constant 0 : index
      %get3A_884 = tpu.vector_load %arg7[%get3A_881, %get3A_882, %get3A_883] {strides = array<i32>} : memref<2x104x32xf32, #tpu.memory_space<vmem>>, vector<1x1x16xf32>,
      %get3A_885 = vector.shape_cast %get3A_884 : vector<1x1x16xf32> to vector<16xf32>
      %bitcast_convert_type3A_886 = tpu.bitcast %get3A_885 : vector<16xf32> -> vector<16xi32>
      %shift_left3A_887 = arith.constant 16 : i32
      %shift_left3A_888 = vector.broadcast %shift_left3A_887 : i32 to vector<16xi32>
      %shift_left3A_889 = arith.shli %bitcast_convert_type3A_886, %shift_left3A_888 : vector<16xi32>
      %bitcast_convert_type3A_890 = tpu.bitcast %shift_left3A_889 : vector<16xi32> -> vector<16xf32>
      %and3A_891 = arith.constant -65536 : i32
      %and3A_892 = vector.broadcast %and3A_891 : i32 to vector<16xi32>
      %and3A_893 = arith.andi %bitcast_convert_type3A_886, %and3A_892 : vector<16xi32>
      %bitcast_convert_type3A_894 = tpu.bitcast %and3A_893 : vector<16xi32> -> vector<16xf32>
      %add3A_895 = arith.addf %add3A_861, %bitcast_convert_type3A_890 : vector<16xf32>
      %add3A_896 = arith.addf %add3A_862, %bitcast_convert_type3A_894 : vector<16xf32>
      %get3A_897 = arith.constant 25 : i32
      %get3A_898 = arith.index_cast %rem3A_24 : i32 to index
      %get3A_899 = arith.index_cast %get3A_897 : i32 to index
      %get3A_900 = arith.constant 16 : index
      %get3A_901 = tpu.vector_load %arg7[%get3A_898, %get3A_899, %get3A_900] {strides = array<i32>} : memref<2x104x32xf32, #tpu.memory_space<vmem>>, vector<1x1x16xf32>,
      %get3A_902 = vector.shape_cast %get3A_901 : vector<1x1x16xf32> to vector<16xf32>
      %bitcast_convert_type3A_903 = tpu.bitcast %get3A_902 : vector<16xf32> -> vector<16xi32>
      %shift_left3A_904 = arith.constant 16 : i32
      %shift_left3A_905 = vector.broadcast %shift_left3A_904 : i32 to vector<16xi32>
      %shift_left3A_906 = arith.shli %bitcast_convert_type3A_903, %shift_left3A_905 : vector<16xi32>
      %bitcast_convert_type3A_907 = tpu.bitcast %shift_left3A_906 : vector<16xi32> -> vector<16xf32>
      %and3A_908 = arith.constant -65536 : i32
      %and3A_909 = vector.broadcast %and3A_908 : i32 to vector<16xi32>
      %and3A_910 = arith.andi %bitcast_convert_type3A_903, %and3A_909 : vector<16xi32>
      %bitcast_convert_type3A_911 = tpu.bitcast %and3A_910 : vector<16xi32> -> vector<16xf32>
      %add3A_912 = arith.addf %add3A_878, %bitcast_convert_type3A_907 : vector<16xf32>
      %add3A_913 = arith.addf %add3A_879, %bitcast_convert_type3A_911 : vector<16xf32>
      %mul3A_914 = arith.constant 4 : i32
      %mul3A_915 = arith.muli %scan3A_22, %mul3A_914 : i32
      %add3A_916 = arith.constant 0 : i32
      %add3A_917 = arith.addi %mul3A_915, %add3A_916 : i32
      %mul3A_918 = arith.constant 64 : i32
      %mul3A_919 = arith.muli %add3A_917, %mul3A_918 : i32
      %get3A_920 = arith.constant 0 : i32
      %get3A_921 = arith.index_cast %get3A_920 : i32 to index
      %get3A_922 = arith.constant 0 : index
      %get3A_923 = tpu.vector_load %arg9[%get3A_921, %get3A_922] {strides = array<i32>} : memref<4x16xf32, #tpu.memory_space<vmem>>, vector<1x16xf32>,
      %get3A_924 = vector.shape_cast %get3A_923 : vector<1x16xf32> to vector<16xf32>
      %add3A_925 = arith.addf %add3A_895, %get3A_924 : vector<16xf32>
      %max3A = arith.constant 0.000000e+00 : f32
      %max3A_926 = vector.broadcast %max3A : f32 to vector<16xf32>
      %max3A_927 = arith.maximumf %add3A_925, %max3A_926 : vector<16xf32>
      %add3A_928 = arith.constant 0 : i32
      %add3A_929 = arith.addi %mul3A_919, %add3A_928 : i32
      %swap3A = arith.index_cast %add3A_929 : i32 to index
      %swap3A_930 = tpu.vector_load %arg8[%swap3A] {strides = array<i32>} : memref<32768xf32, #tpu.memory_space<vmem>>, vector<16xf32>,
      %swap3A_931 = vector.shape_cast %swap3A_930 : vector<16xf32> to vector<16xf32>
      %swap3A_932 = vector.shape_cast %max3A_927 : vector<16xf32> to vector<16xf32>
      tpu.vector_store %arg8[%swap3A], %swap3A_932 {strides = array<i32>} : memref<32768xf32, #tpu.memory_space<vmem>>, vector<16xf32>,
      %get3A_933 = arith.constant 1 : i32
      %get3A_934 = arith.index_cast %get3A_933 : i32 to index
      %get3A_935 = arith.constant 0 : index
      %get3A_936 = tpu.vector_load %arg9[%get3A_934, %get3A_935] {strides = array<i32>} : memref<4x16xf32, #tpu.memory_space<vmem>>, vector<1x16xf32>,
      %get3A_937 = vector.shape_cast %get3A_936 : vector<1x16xf32> to vector<16xf32>
      %add3A_938 = arith.addf %add3A_896, %get3A_937 : vector<16xf32>
      %max3A_939 = arith.constant 0.000000e+00 : f32
      %max3A_940 = vector.broadcast %max3A_939 : f32 to vector<16xf32>
      %max3A_941 = arith.maximumf %add3A_938, %max3A_940 : vector<16xf32>
      %add3A_942 = arith.constant 16 : i32
      %add3A_943 = arith.addi %mul3A_919, %add3A_942 : i32
      %swap3A_944 = arith.index_cast %add3A_943 : i32 to index
      %swap3A_945 = tpu.vector_load %arg8[%swap3A_944] {strides = array<i32>} : memref<32768xf32, #tpu.memory_space<vmem>>, vector<16xf32>,
      %swap3A_946 = vector.shape_cast %swap3A_945 : vector<16xf32> to vector<16xf32>
      %swap3A_947 = vector.shape_cast %max3A_941 : vector<16xf32> to vector<16xf32>
      tpu.vector_store %arg8[%swap3A_944], %swap3A_947 {strides = array<i32>} : memref<32768xf32, #tpu.memory_space<vmem>>, vector<16xf32>,
      %get3A_948 = arith.constant 2 : i32
      %get3A_949 = arith.index_cast %get3A_948 : i32 to index
      %get3A_950 = arith.constant 0 : index
      %get3A_951 = tpu.vector_load %arg9[%get3A_949, %get3A_950] {strides = array<i32>} : memref<4x16xf32, #tpu.memory_space<vmem>>, vector<1x16xf32>,
      %get3A_952 = vector.shape_cast %get3A_951 : vector<1x16xf32> to vector<16xf32>
      %add3A_953 = arith.addf %add3A_912, %get3A_952 : vector<16xf32>
      %max3A_954 = arith.constant 0.000000e+00 : f32
      %max3A_955 = vector.broadcast %max3A_954 : f32 to vector<16xf32>
      %max3A_956 = arith.maximumf %add3A_953, %max3A_955 : vector<16xf32>
      %add3A_957 = arith.constant 32 : i32
      %add3A_958 = arith.addi %mul3A_919, %add3A_957 : i32
      %swap3A_959 = arith.index_cast %add3A_958 : i32 to index
      %swap3A_960 = tpu.vector_load %arg8[%swap3A_959] {strides = array<i32>} : memref<32768xf32, #tpu.memory_space<vmem>>, vector<16xf32>,
      %swap3A_961 = vector.shape_cast %swap3A_960 : vector<16xf32> to vector<16xf32>
      %swap3A_962 = vector.shape_cast %max3A_956 : vector<16xf32> to vector<16xf32>
      tpu.vector_store %arg8[%swap3A_959], %swap3A_962 {strides = array<i32>} : memref<32768xf32, #tpu.memory_space<vmem>>, vector<16xf32>,
      %get3A_963 = arith.constant 3 : i32
      %get3A_964 = arith.index_cast %get3A_963 : i32 to index
      %get3A_965 = arith.constant 0 : index
      %get3A_966 = tpu.vector_load %arg9[%get3A_964, %get3A_965] {strides = array<i32>} : memref<4x16xf32, #tpu.memory_space<vmem>>, vector<1x16xf32>,
      %get3A_967 = vector.shape_cast %get3A_966 : vector<1x16xf32> to vector<16xf32>
      %add3A_968 = arith.addf %add3A_913, %get3A_967 : vector<16xf32>
      %max3A_969 = arith.constant 0.000000e+00 : f32
      %max3A_970 = vector.broadcast %max3A_969 : f32 to vector<16xf32>
      %max3A_971 = arith.maximumf %add3A_968, %max3A_970 : vector<16xf32>
      %add3A_972 = arith.constant 48 : i32
      %add3A_973 = arith.addi %mul3A_919, %add3A_972 : i32
      %swap3A_974 = arith.index_cast %add3A_973 : i32 to index
      %swap3A_975 = tpu.vector_load %arg8[%swap3A_974] {strides = array<i32>} : memref<32768xf32, #tpu.memory_space<vmem>>, vector<16xf32>,
      %swap3A_976 = vector.shape_cast %swap3A_975 : vector<16xf32> to vector<16xf32>
      %swap3A_977 = vector.shape_cast %max3A_971 : vector<16xf32> to vector<16xf32>
      tpu.vector_store %arg8[%swap3A_974], %swap3A_977 {strides = array<i32>} : memref<32768xf32, #tpu.memory_space<vmem>>, vector<16xf32>,
      %get3A_978 = arith.constant 26 : i32
      %get3A_979 = arith.index_cast %rem3A_24 : i32 to index
      %get3A_980 = arith.index_cast %get3A_978 : i32 to index
      %get3A_981 = arith.constant 0 : index
      %get3A_982 = tpu.vector_load %arg7[%get3A_979, %get3A_980, %get3A_981] {strides = array<i32>} : memref<2x104x32xf32, #tpu.memory_space<vmem>>, vector<1x1x16xf32>,
      %get3A_983 = vector.shape_cast %get3A_982 : vector<1x1x16xf32> to vector<16xf32>
      %bitcast_convert_type3A_984 = tpu.bitcast %get3A_983 : vector<16xf32> -> vector<16xi32>
      %shift_left3A_985 = arith.constant 16 : i32
      %shift_left3A_986 = vector.broadcast %shift_left3A_985 : i32 to vector<16xi32>
      %shift_left3A_987 = arith.shli %bitcast_convert_type3A_984, %shift_left3A_986 : vector<16xi32>
      %bitcast_convert_type3A_988 = tpu.bitcast %shift_left3A_987 : vector<16xi32> -> vector<16xf32>
      %and3A_989 = arith.constant -65536 : i32
      %and3A_990 = vector.broadcast %and3A_989 : i32 to vector<16xi32>
      %and3A_991 = arith.andi %bitcast_convert_type3A_984, %and3A_990 : vector<16xi32>
      %bitcast_convert_type3A_992 = tpu.bitcast %and3A_991 : vector<16xi32> -> vector<16xf32>
      %get3A_993 = arith.constant 26 : i32
      %get3A_994 = arith.index_cast %rem3A_24 : i32 to index
      %get3A_995 = arith.index_cast %get3A_993 : i32 to index
      %get3A_996 = arith.constant 16 : index
      %get3A_997 = tpu.vector_load %arg7[%get3A_994, %get3A_995, %get3A_996] {strides = array<i32>} : memref<2x104x32xf32, #tpu.memory_space<vmem>>, vector<1x1x16xf32>,
      %get3A_998 = vector.shape_cast %get3A_997 : vector<1x1x16xf32> to vector<16xf32>
      %bitcast_convert_type3A_999 = tpu.bitcast %get3A_998 : vector<16xf32> -> vector<16xi32>
      %shift_left3A_1000 = arith.constant 16 : i32
      %shift_left3A_1001 = vector.broadcast %shift_left3A_1000 : i32 to vector<16xi32>
      %shift_left3A_1002 = arith.shli %bitcast_convert_type3A_999, %shift_left3A_1001 : vector<16xi32>
      %bitcast_convert_type3A_1003 = tpu.bitcast %shift_left3A_1002 : vector<16xi32> -> vector<16xf32>
      %and3A_1004 = arith.constant -65536 : i32
      %and3A_1005 = vector.broadcast %and3A_1004 : i32 to vector<16xi32>
      %and3A_1006 = arith.andi %bitcast_convert_type3A_999, %and3A_1005 : vector<16xi32>
      %bitcast_convert_type3A_1007 = tpu.bitcast %and3A_1006 : vector<16xi32> -> vector<16xf32>
      %get3A_1008 = arith.constant 27 : i32
      %get3A_1009 = arith.index_cast %rem3A_24 : i32 to index
      %get3A_1010 = arith.index_cast %get3A_1008 : i32 to index
      %get3A_1011 = arith.constant 0 : index
      %get3A_1012 = tpu.vector_load %arg7[%get3A_1009, %get3A_1010, %get3A_1011] {strides = array<i32>} : memref<2x104x32xf32, #tpu.memory_space<vmem>>, vector<1x1x16xf32>,
      %get3A_1013 = vector.shape_cast %get3A_1012 : vector<1x1x16xf32> to vector<16xf32>
      %bitcast_convert_type3A_1014 = tpu.bitcast %get3A_1013 : vector<16xf32> -> vector<16xi32>
      %shift_left3A_1015 = arith.constant 16 : i32
      %shift_left3A_1016 = vector.broadcast %shift_left3A_1015 : i32 to vector<16xi32>
      %shift_left3A_1017 = arith.shli %bitcast_convert_type3A_1014, %shift_left3A_1016 : vector<16xi32>
      %bitcast_convert_type3A_1018 = tpu.bitcast %shift_left3A_1017 : vector<16xi32> -> vector<16xf32>
      %and3A_1019 = arith.constant -65536 : i32
      %and3A_1020 = vector.broadcast %and3A_1019 : i32 to vector<16xi32>
      %and3A_1021 = arith.andi %bitcast_convert_type3A_1014, %and3A_1020 : vector<16xi32>
      %bitcast_convert_type3A_1022 = tpu.bitcast %and3A_1021 : vector<16xi32> -> vector<16xf32>
      %add3A_1023 = arith.addf %bitcast_convert_type3A_988, %bitcast_convert_type3A_1018 : vector<16xf32>
      %add3A_1024 = arith.addf %bitcast_convert_type3A_992, %bitcast_convert_type3A_1022 : vector<16xf32>
      %get3A_1025 = arith.constant 27 : i32
      %get3A_1026 = arith.index_cast %rem3A_24 : i32 to index
      %get3A_1027 = arith.index_cast %get3A_1025 : i32 to index
      %get3A_1028 = arith.constant 16 : index
      %get3A_1029 = tpu.vector_load %arg7[%get3A_1026, %get3A_1027, %get3A_1028] {strides = array<i32>} : memref<2x104x32xf32, #tpu.memory_space<vmem>>, vector<1x1x16xf32>,
      %get3A_1030 = vector.shape_cast %get3A_1029 : vector<1x1x16xf32> to vector<16xf32>
      %bitcast_convert_type3A_1031 = tpu.bitcast %get3A_1030 : vector<16xf32> -> vector<16xi32>
      %shift_left3A_1032 = arith.constant 16 : i32
      %shift_left3A_1033 = vector.broadcast %shift_left3A_1032 : i32 to vector<16xi32>
      %shift_left3A_1034 = arith.shli %bitcast_convert_type3A_1031, %shift_left3A_1033 : vector<16xi32>
      %bitcast_convert_type3A_1035 = tpu.bitcast %shift_left3A_1034 : vector<16xi32> -> vector<16xf32>
      %and3A_1036 = arith.constant -65536 : i32
      %and3A_1037 = vector.broadcast %and3A_1036 : i32 to vector<16xi32>
      %and3A_1038 = arith.andi %bitcast_convert_type3A_1031, %and3A_1037 : vector<16xi32>
      %bitcast_convert_type3A_1039 = tpu.bitcast %and3A_1038 : vector<16xi32> -> vector<16xf32>
      %add3A_1040 = arith.addf %bitcast_convert_type3A_1003, %bitcast_convert_type3A_1035 : vector<16xf32>
      %add3A_1041 = arith.addf %bitcast_convert_type3A_1007, %bitcast_convert_type3A_1039 : vector<16xf32>
      %get3A_1042 = arith.constant 28 : i32
      %get3A_1043 = arith.index_cast %rem3A_24 : i32 to index
      %get3A_1044 = arith.index_cast %get3A_1042 : i32 to index
      %get3A_1045 = arith.constant 0 : index
      %get3A_1046 = tpu.vector_load %arg7[%get3A_1043, %get3A_1044, %get3A_1045] {strides = array<i32>} : memref<2x104x32xf32, #tpu.memory_space<vmem>>, vector<1x1x16xf32>,
      %get3A_1047 = vector.shape_cast %get3A_1046 : vector<1x1x16xf32> to vector<16xf32>
      %bitcast_convert_type3A_1048 = tpu.bitcast %get3A_1047 : vector<16xf32> -> vector<16xi32>
      %shift_left3A_1049 = arith.constant 16 : i32
      %shift_left3A_1050 = vector.broadcast %shift_left3A_1049 : i32 to vector<16xi32>
      %shift_left3A_1051 = arith.shli %bitcast_convert_type3A_1048, %shift_left3A_1050 : vector<16xi32>
      %bitcast_convert_type3A_1052 = tpu.bitcast %shift_left3A_1051 : vector<16xi32> -> vector<16xf32>
      %and3A_1053 = arith.constant -65536 : i32
      %and3A_1054 = vector.broadcast %and3A_1053 : i32 to vector<16xi32>
      %and3A_1055 = arith.andi %bitcast_convert_type3A_1048, %and3A_1054 : vector<16xi32>
      %bitcast_convert_type3A_1056 = tpu.bitcast %and3A_1055 : vector<16xi32> -> vector<16xf32>
      %add3A_1057 = arith.addf %add3A_1023, %bitcast_convert_type3A_1052 : vector<16xf32>
      %add3A_1058 = arith.addf %add3A_1024, %bitcast_convert_type3A_1056 : vector<16xf32>
      %get3A_1059 = arith.constant 28 : i32
      %get3A_1060 = arith.index_cast %rem3A_24 : i32 to index
      %get3A_1061 = arith.index_cast %get3A_1059 : i32 to index
      %get3A_1062 = arith.constant 16 : index
      %get3A_1063 = tpu.vector_load %arg7[%get3A_1060, %get3A_1061, %get3A_1062] {strides = array<i32>} : memref<2x104x32xf32, #tpu.memory_space<vmem>>, vector<1x1x16xf32>,
      %get3A_1064 = vector.shape_cast %get3A_1063 : vector<1x1x16xf32> to vector<16xf32>
      %bitcast_convert_type3A_1065 = tpu.bitcast %get3A_1064 : vector<16xf32> -> vector<16xi32>
      %shift_left3A_1066 = arith.constant 16 : i32
      %shift_left3A_1067 = vector.broadcast %shift_left3A_1066 : i32 to vector<16xi32>
      %shift_left3A_1068 = arith.shli %bitcast_convert_type3A_1065, %shift_left3A_1067 : vector<16xi32>
      %bitcast_convert_type3A_1069 = tpu.bitcast %shift_left3A_1068 : vector<16xi32> -> vector<16xf32>
      %and3A_1070 = arith.constant -65536 : i32
      %and3A_1071 = vector.broadcast %and3A_1070 : i32 to vector<16xi32>
      %and3A_1072 = arith.andi %bitcast_convert_type3A_1065, %and3A_1071 : vector<16xi32>
      %bitcast_convert_type3A_1073 = tpu.bitcast %and3A_1072 : vector<16xi32> -> vector<16xf32>
      %add3A_1074 = arith.addf %add3A_1040, %bitcast_convert_type3A_1069 : vector<16xf32>
      %add3A_1075 = arith.addf %add3A_1041, %bitcast_convert_type3A_1073 : vector<16xf32>
      %get3A_1076 = arith.constant 29 : i32
      %get3A_1077 = arith.index_cast %rem3A_24 : i32 to index
      %get3A_1078 = arith.index_cast %get3A_1076 : i32 to index
      %get3A_1079 = arith.constant 0 : index
      %get3A_1080 = tpu.vector_load %arg7[%get3A_1077, %get3A_1078, %get3A_1079] {strides = array<i32>} : memref<2x104x32xf32, #tpu.memory_space<vmem>>, vector<1x1x16xf32>,
      %get3A_1081 = vector.shape_cast %get3A_1080 : vector<1x1x16xf32> to vector<16xf32>
      %bitcast_convert_type3A_1082 = tpu.bitcast %get3A_1081 : vector<16xf32> -> vector<16xi32>
      %shift_left3A_1083 = arith.constant 16 : i32
      %shift_left3A_1084 = vector.broadcast %shift_left3A_1083 : i32 to vector<16xi32>
      %shift_left3A_1085 = arith.shli %bitcast_convert_type3A_1082, %shift_left3A_1084 : vector<16xi32>
      %bitcast_convert_type3A_1086 = tpu.bitcast %shift_left3A_1085 : vector<16xi32> -> vector<16xf32>
      %and3A_1087 = arith.constant -65536 : i32
      %and3A_1088 = vector.broadcast %and3A_1087 : i32 to vector<16xi32>
      %and3A_1089 = arith.andi %bitcast_convert_type3A_1082, %and3A_1088 : vector<16xi32>
      %bitcast_convert_type3A_1090 = tpu.bitcast %and3A_1089 : vector<16xi32> -> vector<16xf32>
      %add3A_1091 = arith.addf %add3A_1057, %bitcast_convert_type3A_1086 : vector<16xf32>
      %add3A_1092 = arith.addf %add3A_1058, %bitcast_convert_type3A_1090 : vector<16xf32>
      %get3A_1093 = arith.constant 29 : i32
      %get3A_1094 = arith.index_cast %rem3A_24 : i32 to index
      %get3A_1095 = arith.index_cast %get3A_1093 : i32 to index
      %get3A_1096 = arith.constant 16 : index
      %get3A_1097 = tpu.vector_load %arg7[%get3A_1094, %get3A_1095, %get3A_1096] {strides = array<i32>} : memref<2x104x32xf32, #tpu.memory_space<vmem>>, vector<1x1x16xf32>,
      %get3A_1098 = vector.shape_cast %get3A_1097 : vector<1x1x16xf32> to vector<16xf32>
      %bitcast_convert_type3A_1099 = tpu.bitcast %get3A_1098 : vector<16xf32> -> vector<16xi32>
      %shift_left3A_1100 = arith.constant 16 : i32
      %shift_left3A_1101 = vector.broadcast %shift_left3A_1100 : i32 to vector<16xi32>
      %shift_left3A_1102 = arith.shli %bitcast_convert_type3A_1099, %shift_left3A_1101 : vector<16xi32>
      %bitcast_convert_type3A_1103 = tpu.bitcast %shift_left3A_1102 : vector<16xi32> -> vector<16xf32>
      %and3A_1104 = arith.constant -65536 : i32
      %and3A_1105 = vector.broadcast %and3A_1104 : i32 to vector<16xi32>
      %and3A_1106 = arith.andi %bitcast_convert_type3A_1099, %and3A_1105 : vector<16xi32>
      %bitcast_convert_type3A_1107 = tpu.bitcast %and3A_1106 : vector<16xi32> -> vector<16xf32>
      %add3A_1108 = arith.addf %add3A_1074, %bitcast_convert_type3A_1103 : vector<16xf32>
      %add3A_1109 = arith.addf %add3A_1075, %bitcast_convert_type3A_1107 : vector<16xf32>
      %get3A_1110 = arith.constant 30 : i32
      %get3A_1111 = arith.index_cast %rem3A_24 : i32 to index
      %get3A_1112 = arith.index_cast %get3A_1110 : i32 to index
      %get3A_1113 = arith.constant 0 : index
      %get3A_1114 = tpu.vector_load %arg7[%get3A_1111, %get3A_1112, %get3A_1113] {strides = array<i32>} : memref<2x104x32xf32, #tpu.memory_space<vmem>>, vector<1x1x16xf32>,
      %get3A_1115 = vector.shape_cast %get3A_1114 : vector<1x1x16xf32> to vector<16xf32>
      %bitcast_convert_type3A_1116 = tpu.bitcast %get3A_1115 : vector<16xf32> -> vector<16xi32>
      %shift_left3A_1117 = arith.constant 16 : i32
      %shift_left3A_1118 = vector.broadcast %shift_left3A_1117 : i32 to vector<16xi32>
      %shift_left3A_1119 = arith.shli %bitcast_convert_type3A_1116, %shift_left3A_1118 : vector<16xi32>
      %bitcast_convert_type3A_1120 = tpu.bitcast %shift_left3A_1119 : vector<16xi32> -> vector<16xf32>
      %and3A_1121 = arith.constant -65536 : i32
      %and3A_1122 = vector.broadcast %and3A_1121 : i32 to vector<16xi32>
      %and3A_1123 = arith.andi %bitcast_convert_type3A_1116, %and3A_1122 : vector<16xi32>
      %bitcast_convert_type3A_1124 = tpu.bitcast %and3A_1123 : vector<16xi32> -> vector<16xf32>
      %add3A_1125 = arith.addf %add3A_1091, %bitcast_convert_type3A_1120 : vector<16xf32>
      %add3A_1126 = arith.addf %add3A_1092, %bitcast_convert_type3A_1124 : vector<16xf32>
      %get3A_1127 = arith.constant 30 : i32
      %get3A_1128 = arith.index_cast %rem3A_24 : i32 to index
      %get3A_1129 = arith.index_cast %get3A_1127 : i32 to index
      %get3A_1130 = arith.constant 16 : index
      %get3A_1131 = tpu.vector_load %arg7[%get3A_1128, %get3A_1129, %get3A_1130] {strides = array<i32>} : memref<2x104x32xf32, #tpu.memory_space<vmem>>, vector<1x1x16xf32>,
      %get3A_1132 = vector.shape_cast %get3A_1131 : vector<1x1x16xf32> to vector<16xf32>
      %bitcast_convert_type3A_1133 = tpu.bitcast %get3A_1132 : vector<16xf32> -> vector<16xi32>
      %shift_left3A_1134 = arith.constant 16 : i32
      %shift_left3A_1135 = vector.broadcast %shift_left3A_1134 : i32 to vector<16xi32>
      %shift_left3A_1136 = arith.shli %bitcast_convert_type3A_1133, %shift_left3A_1135 : vector<16xi32>
      %bitcast_convert_type3A_1137 = tpu.bitcast %shift_left3A_1136 : vector<16xi32> -> vector<16xf32>
      %and3A_1138 = arith.constant -65536 : i32
      %and3A_1139 = vector.broadcast %and3A_1138 : i32 to vector<16xi32>
      %and3A_1140 = arith.andi %bitcast_convert_type3A_1133, %and3A_1139 : vector<16xi32>
      %bitcast_convert_type3A_1141 = tpu.bitcast %and3A_1140 : vector<16xi32> -> vector<16xf32>
      %add3A_1142 = arith.addf %add3A_1108, %bitcast_convert_type3A_1137 : vector<16xf32>
      %add3A_1143 = arith.addf %add3A_1109, %bitcast_convert_type3A_1141 : vector<16xf32>
      %get3A_1144 = arith.constant 31 : i32
      %get3A_1145 = arith.index_cast %rem3A_24 : i32 to index
      %get3A_1146 = arith.index_cast %get3A_1144 : i32 to index
      %get3A_1147 = arith.constant 0 : index
      %get3A_1148 = tpu.vector_load %arg7[%get3A_1145, %get3A_1146, %get3A_1147] {strides = array<i32>} : memref<2x104x32xf32, #tpu.memory_space<vmem>>, vector<1x1x16xf32>,
      %get3A_1149 = vector.shape_cast %get3A_1148 : vector<1x1x16xf32> to vector<16xf32>
      %bitcast_convert_type3A_1150 = tpu.bitcast %get3A_1149 : vector<16xf32> -> vector<16xi32>
      %shift_left3A_1151 = arith.constant 16 : i32
      %shift_left3A_1152 = vector.broadcast %shift_left3A_1151 : i32 to vector<16xi32>
      %shift_left3A_1153 = arith.shli %bitcast_convert_type3A_1150, %shift_left3A_1152 : vector<16xi32>
      %bitcast_convert_type3A_1154 = tpu.bitcast %shift_left3A_1153 : vector<16xi32> -> vector<16xf32>
      %and3A_1155 = arith.constant -65536 : i32
      %and3A_1156 = vector.broadcast %and3A_1155 : i32 to vector<16xi32>
      %and3A_1157 = arith.andi %bitcast_convert_type3A_1150, %and3A_1156 : vector<16xi32>
      %bitcast_convert_type3A_1158 = tpu.bitcast %and3A_1157 : vector<16xi32> -> vector<16xf32>
      %add3A_1159 = arith.addf %add3A_1125, %bitcast_convert_type3A_1154 : vector<16xf32>
      %add3A_1160 = arith.addf %add3A_1126, %bitcast_convert_type3A_1158 : vector<16xf32>
      %get3A_1161 = arith.constant 31 : i32
      %get3A_1162 = arith.index_cast %rem3A_24 : i32 to index
      %get3A_1163 = arith.index_cast %get3A_1161 : i32 to index
      %get3A_1164 = arith.constant 16 : index
      %get3A_1165 = tpu.vector_load %arg7[%get3A_1162, %get3A_1163, %get3A_1164] {strides = array<i32>} : memref<2x104x32xf32, #tpu.memory_space<vmem>>, vector<1x1x16xf32>,
      %get3A_1166 = vector.shape_cast %get3A_1165 : vector<1x1x16xf32> to vector<16xf32>
      %bitcast_convert_type3A_1167 = tpu.bitcast %get3A_1166 : vector<16xf32> -> vector<16xi32>
      %shift_left3A_1168 = arith.constant 16 : i32
      %shift_left3A_1169 = vector.broadcast %shift_left3A_1168 : i32 to vector<16xi32>
      %shift_left3A_1170 = arith.shli %bitcast_convert_type3A_1167, %shift_left3A_1169 : vector<16xi32>
      %bitcast_convert_type3A_1171 = tpu.bitcast %shift_left3A_1170 : vector<16xi32> -> vector<16xf32>
      %and3A_1172 = arith.constant -65536 : i32
      %and3A_1173 = vector.broadcast %and3A_1172 : i32 to vector<16xi32>
      %and3A_1174 = arith.andi %bitcast_convert_type3A_1167, %and3A_1173 : vector<16xi32>
      %bitcast_convert_type3A_1175 = tpu.bitcast %and3A_1174 : vector<16xi32> -> vector<16xf32>
      %add3A_1176 = arith.addf %add3A_1142, %bitcast_convert_type3A_1171 : vector<16xf32>
      %add3A_1177 = arith.addf %add3A_1143, %bitcast_convert_type3A_1175 : vector<16xf32>
      %get3A_1178 = arith.constant 32 : i32
      %get3A_1179 = arith.index_cast %rem3A_24 : i32 to index
      %get3A_1180 = arith.index_cast %get3A_1178 : i32 to index
      %get3A_1181 = arith.constant 0 : index
      %get3A_1182 = tpu.vector_load %arg7[%get3A_1179, %get3A_1180, %get3A_1181] {strides = array<i32>} : memref<2x104x32xf32, #tpu.memory_space<vmem>>, vector<1x1x16xf32>,
      %get3A_1183 = vector.shape_cast %get3A_1182 : vector<1x1x16xf32> to vector<16xf32>
      %bitcast_convert_type3A_1184 = tpu.bitcast %get3A_1183 : vector<16xf32> -> vector<16xi32>
      %shift_left3A_1185 = arith.constant 16 : i32
      %shift_left3A_1186 = vector.broadcast %shift_left3A_1185 : i32 to vector<16xi32>
      %shift_left3A_1187 = arith.shli %bitcast_convert_type3A_1184, %shift_left3A_1186 : vector<16xi32>
      %bitcast_convert_type3A_1188 = tpu.bitcast %shift_left3A_1187 : vector<16xi32> -> vector<16xf32>
      %and3A_1189 = arith.constant -65536 : i32
      %and3A_1190 = vector.broadcast %and3A_1189 : i32 to vector<16xi32>
      %and3A_1191 = arith.andi %bitcast_convert_type3A_1184, %and3A_1190 : vector<16xi32>
      %bitcast_convert_type3A_1192 = tpu.bitcast %and3A_1191 : vector<16xi32> -> vector<16xf32>
      %add3A_1193 = arith.addf %add3A_1159, %bitcast_convert_type3A_1188 : vector<16xf32>
      %add3A_1194 = arith.addf %add3A_1160, %bitcast_convert_type3A_1192 : vector<16xf32>
      %get3A_1195 = arith.constant 32 : i32
      %get3A_1196 = arith.index_cast %rem3A_24 : i32 to index
      %get3A_1197 = arith.index_cast %get3A_1195 : i32 to index
      %get3A_1198 = arith.constant 16 : index
      %get3A_1199 = tpu.vector_load %arg7[%get3A_1196, %get3A_1197, %get3A_1198] {strides = array<i32>} : memref<2x104x32xf32, #tpu.memory_space<vmem>>, vector<1x1x16xf32>,
      %get3A_1200 = vector.shape_cast %get3A_1199 : vector<1x1x16xf32> to vector<16xf32>
      %bitcast_convert_type3A_1201 = tpu.bitcast %get3A_1200 : vector<16xf32> -> vector<16xi32>
      %shift_left3A_1202 = arith.constant 16 : i32
      %shift_left3A_1203 = vector.broadcast %shift_left3A_1202 : i32 to vector<16xi32>
      %shift_left3A_1204 = arith.shli %bitcast_convert_type3A_1201, %shift_left3A_1203 : vector<16xi32>
      %bitcast_convert_type3A_1205 = tpu.bitcast %shift_left3A_1204 : vector<16xi32> -> vector<16xf32>
      %and3A_1206 = arith.constant -65536 : i32
      %and3A_1207 = vector.broadcast %and3A_1206 : i32 to vector<16xi32>
      %and3A_1208 = arith.andi %bitcast_convert_type3A_1201, %and3A_1207 : vector<16xi32>
      %bitcast_convert_type3A_1209 = tpu.bitcast %and3A_1208 : vector<16xi32> -> vector<16xf32>
      %add3A_1210 = arith.addf %add3A_1176, %bitcast_convert_type3A_1205 : vector<16xf32>
      %add3A_1211 = arith.addf %add3A_1177, %bitcast_convert_type3A_1209 : vector<16xf32>
      %get3A_1212 = arith.constant 33 : i32
      %get3A_1213 = arith.index_cast %rem3A_24 : i32 to index
      %get3A_1214 = arith.index_cast %get3A_1212 : i32 to index
      %get3A_1215 = arith.constant 0 : index
      %get3A_1216 = tpu.vector_load %arg7[%get3A_1213, %get3A_1214, %get3A_1215] {strides = array<i32>} : memref<2x104x32xf32, #tpu.memory_space<vmem>>, vector<1x1x16xf32>,
      %get3A_1217 = vector.shape_cast %get3A_1216 : vector<1x1x16xf32> to vector<16xf32>
      %bitcast_convert_type3A_1218 = tpu.bitcast %get3A_1217 : vector<16xf32> -> vector<16xi32>
      %shift_left3A_1219 = arith.constant 16 : i32
      %shift_left3A_1220 = vector.broadcast %shift_left3A_1219 : i32 to vector<16xi32>
      %shift_left3A_1221 = arith.shli %bitcast_convert_type3A_1218, %shift_left3A_1220 : vector<16xi32>
      %bitcast_convert_type3A_1222 = tpu.bitcast %shift_left3A_1221 : vector<16xi32> -> vector<16xf32>
      %and3A_1223 = arith.constant -65536 : i32
      %and3A_1224 = vector.broadcast %and3A_1223 : i32 to vector<16xi32>
      %and3A_1225 = arith.andi %bitcast_convert_type3A_1218, %and3A_1224 : vector<16xi32>
      %bitcast_convert_type3A_1226 = tpu.bitcast %and3A_1225 : vector<16xi32> -> vector<16xf32>
      %add3A_1227 = arith.addf %add3A_1193, %bitcast_convert_type3A_1222 : vector<16xf32>
      %add3A_1228 = arith.addf %add3A_1194, %bitcast_convert_type3A_1226 : vector<16xf32>
      %get3A_1229 = arith.constant 33 : i32
      %get3A_1230 = arith.index_cast %rem3A_24 : i32 to index
      %get3A_1231 = arith.index_cast %get3A_1229 : i32 to index
      %get3A_1232 = arith.constant 16 : index
      %get3A_1233 = tpu.vector_load %arg7[%get3A_1230, %get3A_1231, %get3A_1232] {strides = array<i32>} : memref<2x104x32xf32, #tpu.memory_space<vmem>>, vector<1x1x16xf32>,
      %get3A_1234 = vector.shape_cast %get3A_1233 : vector<1x1x16xf32> to vector<16xf32>
      %bitcast_convert_type3A_1235 = tpu.bitcast %get3A_1234 : vector<16xf32> -> vector<16xi32>
      %shift_left3A_1236 = arith.constant 16 : i32
      %shift_left3A_1237 = vector.broadcast %shift_left3A_1236 : i32 to vector<16xi32>
      %shift_left3A_1238 = arith.shli %bitcast_convert_type3A_1235, %shift_left3A_1237 : vector<16xi32>
      %bitcast_convert_type3A_1239 = tpu.bitcast %shift_left3A_1238 : vector<16xi32> -> vector<16xf32>
      %and3A_1240 = arith.constant -65536 : i32
      %and3A_1241 = vector.broadcast %and3A_1240 : i32 to vector<16xi32>
      %and3A_1242 = arith.andi %bitcast_convert_type3A_1235, %and3A_1241 : vector<16xi32>
      %bitcast_convert_type3A_1243 = tpu.bitcast %and3A_1242 : vector<16xi32> -> vector<16xf32>
      %add3A_1244 = arith.addf %add3A_1210, %bitcast_convert_type3A_1239 : vector<16xf32>
      %add3A_1245 = arith.addf %add3A_1211, %bitcast_convert_type3A_1243 : vector<16xf32>
      %get3A_1246 = arith.constant 34 : i32
      %get3A_1247 = arith.index_cast %rem3A_24 : i32 to index
      %get3A_1248 = arith.index_cast %get3A_1246 : i32 to index
      %get3A_1249 = arith.constant 0 : index
      %get3A_1250 = tpu.vector_load %arg7[%get3A_1247, %get3A_1248, %get3A_1249] {strides = array<i32>} : memref<2x104x32xf32, #tpu.memory_space<vmem>>, vector<1x1x16xf32>,
      %get3A_1251 = vector.shape_cast %get3A_1250 : vector<1x1x16xf32> to vector<16xf32>
      %bitcast_convert_type3A_1252 = tpu.bitcast %get3A_1251 : vector<16xf32> -> vector<16xi32>
      %shift_left3A_1253 = arith.constant 16 : i32
      %shift_left3A_1254 = vector.broadcast %shift_left3A_1253 : i32 to vector<16xi32>
      %shift_left3A_1255 = arith.shli %bitcast_convert_type3A_1252, %shift_left3A_1254 : vector<16xi32>
      %bitcast_convert_type3A_1256 = tpu.bitcast %shift_left3A_1255 : vector<16xi32> -> vector<16xf32>
      %and3A_1257 = arith.constant -65536 : i32
      %and3A_1258 = vector.broadcast %and3A_1257 : i32 to vector<16xi32>
      %and3A_1259 = arith.andi %bitcast_convert_type3A_1252, %and3A_1258 : vector<16xi32>
      %bitcast_convert_type3A_1260 = tpu.bitcast %and3A_1259 : vector<16xi32> -> vector<16xf32>
      %add3A_1261 = arith.addf %add3A_1227, %bitcast_convert_type3A_1256 : vector<16xf32>
      %add3A_1262 = arith.addf %add3A_1228, %bitcast_convert_type3A_1260 : vector<16xf32>
      %get3A_1263 = arith.constant 34 : i32
      %get3A_1264 = arith.index_cast %rem3A_24 : i32 to index
      %get3A_1265 = arith.index_cast %get3A_1263 : i32 to index
      %get3A_1266 = arith.constant 16 : index
      %get3A_1267 = tpu.vector_load %arg7[%get3A_1264, %get3A_1265, %get3A_1266] {strides = array<i32>} : memref<2x104x32xf32, #tpu.memory_space<vmem>>, vector<1x1x16xf32>,
      %get3A_1268 = vector.shape_cast %get3A_1267 : vector<1x1x16xf32> to vector<16xf32>
      %bitcast_convert_type3A_1269 = tpu.bitcast %get3A_1268 : vector<16xf32> -> vector<16xi32>
      %shift_left3A_1270 = arith.constant 16 : i32
      %shift_left3A_1271 = vector.broadcast %shift_left3A_1270 : i32 to vector<16xi32>
      %shift_left3A_1272 = arith.shli %bitcast_convert_type3A_1269, %shift_left3A_1271 : vector<16xi32>
      %bitcast_convert_type3A_1273 = tpu.bitcast %shift_left3A_1272 : vector<16xi32> -> vector<16xf32>
      %and3A_1274 = arith.constant -65536 : i32
      %and3A_1275 = vector.broadcast %and3A_1274 : i32 to vector<16xi32>
      %and3A_1276 = arith.andi %bitcast_convert_type3A_1269, %and3A_1275 : vector<16xi32>
      %bitcast_convert_type3A_1277 = tpu.bitcast %and3A_1276 : vector<16xi32> -> vector<16xf32>
      %add3A_1278 = arith.addf %add3A_1244, %bitcast_convert_type3A_1273 : vector<16xf32>
      %add3A_1279 = arith.addf %add3A_1245, %bitcast_convert_type3A_1277 : vector<16xf32>
      %get3A_1280 = arith.constant 35 : i32
      %get3A_1281 = arith.index_cast %rem3A_24 : i32 to index
      %get3A_1282 = arith.index_cast %get3A_1280 : i32 to index
      %get3A_1283 = arith.constant 0 : index
      %get3A_1284 = tpu.vector_load %arg7[%get3A_1281, %get3A_1282, %get3A_1283] {strides = array<i32>} : memref<2x104x32xf32, #tpu.memory_space<vmem>>, vector<1x1x16xf32>,
      %get3A_1285 = vector.shape_cast %get3A_1284 : vector<1x1x16xf32> to vector<16xf32>
      %bitcast_convert_type3A_1286 = tpu.bitcast %get3A_1285 : vector<16xf32> -> vector<16xi32>
      %shift_left3A_1287 = arith.constant 16 : i32
      %shift_left3A_1288 = vector.broadcast %shift_left3A_1287 : i32 to vector<16xi32>
      %shift_left3A_1289 = arith.shli %bitcast_convert_type3A_1286, %shift_left3A_1288 : vector<16xi32>
      %bitcast_convert_type3A_1290 = tpu.bitcast %shift_left3A_1289 : vector<16xi32> -> vector<16xf32>
      %and3A_1291 = arith.constant -65536 : i32
      %and3A_1292 = vector.broadcast %and3A_1291 : i32 to vector<16xi32>
      %and3A_1293 = arith.andi %bitcast_convert_type3A_1286, %and3A_1292 : vector<16xi32>
      %bitcast_convert_type3A_1294 = tpu.bitcast %and3A_1293 : vector<16xi32> -> vector<16xf32>
      %add3A_1295 = arith.addf %add3A_1261, %bitcast_convert_type3A_1290 : vector<16xf32>
      %add3A_1296 = arith.addf %add3A_1262, %bitcast_convert_type3A_1294 : vector<16xf32>
      %get3A_1297 = arith.constant 35 : i32
      %get3A_1298 = arith.index_cast %rem3A_24 : i32 to index
      %get3A_1299 = arith.index_cast %get3A_1297 : i32 to index
      %get3A_1300 = arith.constant 16 : index
      %get3A_1301 = tpu.vector_load %arg7[%get3A_1298, %get3A_1299, %get3A_1300] {strides = array<i32>} : memref<2x104x32xf32, #tpu.memory_space<vmem>>, vector<1x1x16xf32>,
      %get3A_1302 = vector.shape_cast %get3A_1301 : vector<1x1x16xf32> to vector<16xf32>
      %bitcast_convert_type3A_1303 = tpu.bitcast %get3A_1302 : vector<16xf32> -> vector<16xi32>
      %shift_left3A_1304 = arith.constant 16 : i32
      %shift_left3A_1305 = vector.broadcast %shift_left3A_1304 : i32 to vector<16xi32>
      %shift_left3A_1306 = arith.shli %bitcast_convert_type3A_1303, %shift_left3A_1305 : vector<16xi32>
      %bitcast_convert_type3A_1307 = tpu.bitcast %shift_left3A_1306 : vector<16xi32> -> vector<16xf32>
      %and3A_1308 = arith.constant -65536 : i32
      %and3A_1309 = vector.broadcast %and3A_1308 : i32 to vector<16xi32>
      %and3A_1310 = arith.andi %bitcast_convert_type3A_1303, %and3A_1309 : vector<16xi32>
      %bitcast_convert_type3A_1311 = tpu.bitcast %and3A_1310 : vector<16xi32> -> vector<16xf32>
      %add3A_1312 = arith.addf %add3A_1278, %bitcast_convert_type3A_1307 : vector<16xf32>
      %add3A_1313 = arith.addf %add3A_1279, %bitcast_convert_type3A_1311 : vector<16xf32>
      %get3A_1314 = arith.constant 36 : i32
      %get3A_1315 = arith.index_cast %rem3A_24 : i32 to index
      %get3A_1316 = arith.index_cast %get3A_1314 : i32 to index
      %get3A_1317 = arith.constant 0 : index
      %get3A_1318 = tpu.vector_load %arg7[%get3A_1315, %get3A_1316, %get3A_1317] {strides = array<i32>} : memref<2x104x32xf32, #tpu.memory_space<vmem>>, vector<1x1x16xf32>,
      %get3A_1319 = vector.shape_cast %get3A_1318 : vector<1x1x16xf32> to vector<16xf32>
      %bitcast_convert_type3A_1320 = tpu.bitcast %get3A_1319 : vector<16xf32> -> vector<16xi32>
      %shift_left3A_1321 = arith.constant 16 : i32
      %shift_left3A_1322 = vector.broadcast %shift_left3A_1321 : i32 to vector<16xi32>
      %shift_left3A_1323 = arith.shli %bitcast_convert_type3A_1320, %shift_left3A_1322 : vector<16xi32>
      %bitcast_convert_type3A_1324 = tpu.bitcast %shift_left3A_1323 : vector<16xi32> -> vector<16xf32>
      %and3A_1325 = arith.constant -65536 : i32
      %and3A_1326 = vector.broadcast %and3A_1325 : i32 to vector<16xi32>
      %and3A_1327 = arith.andi %bitcast_convert_type3A_1320, %and3A_1326 : vector<16xi32>
      %bitcast_convert_type3A_1328 = tpu.bitcast %and3A_1327 : vector<16xi32> -> vector<16xf32>
      %add3A_1329 = arith.addf %add3A_1295, %bitcast_convert_type3A_1324 : vector<16xf32>
      %add3A_1330 = arith.addf %add3A_1296, %bitcast_convert_type3A_1328 : vector<16xf32>
      %get3A_1331 = arith.constant 36 : i32
      %get3A_1332 = arith.index_cast %rem3A_24 : i32 to index
      %get3A_1333 = arith.index_cast %get3A_1331 : i32 to index
      %get3A_1334 = arith.constant 16 : index
      %get3A_1335 = tpu.vector_load %arg7[%get3A_1332, %get3A_1333, %get3A_1334] {strides = array<i32>} : memref<2x104x32xf32, #tpu.memory_space<vmem>>, vector<1x1x16xf32>,
      %get3A_1336 = vector.shape_cast %get3A_1335 : vector<1x1x16xf32> to vector<16xf32>
      %bitcast_convert_type3A_1337 = tpu.bitcast %get3A_1336 : vector<16xf32> -> vector<16xi32>
      %shift_left3A_1338 = arith.constant 16 : i32
      %shift_left3A_1339 = vector.broadcast %shift_left3A_1338 : i32 to vector<16xi32>
      %shift_left3A_1340 = arith.shli %bitcast_convert_type3A_1337, %shift_left3A_1339 : vector<16xi32>
      %bitcast_convert_type3A_1341 = tpu.bitcast %shift_left3A_1340 : vector<16xi32> -> vector<16xf32>
      %and3A_1342 = arith.constant -65536 : i32
      %and3A_1343 = vector.broadcast %and3A_1342 : i32 to vector<16xi32>
      %and3A_1344 = arith.andi %bitcast_convert_type3A_1337, %and3A_1343 : vector<16xi32>
      %bitcast_convert_type3A_1345 = tpu.bitcast %and3A_1344 : vector<16xi32> -> vector<16xf32>
      %add3A_1346 = arith.addf %add3A_1312, %bitcast_convert_type3A_1341 : vector<16xf32>
      %add3A_1347 = arith.addf %add3A_1313, %bitcast_convert_type3A_1345 : vector<16xf32>
      %get3A_1348 = arith.constant 37 : i32
      %get3A_1349 = arith.index_cast %rem3A_24 : i32 to index
      %get3A_1350 = arith.index_cast %get3A_1348 : i32 to index
      %get3A_1351 = arith.constant 0 : index
      %get3A_1352 = tpu.vector_load %arg7[%get3A_1349, %get3A_1350, %get3A_1351] {strides = array<i32>} : memref<2x104x32xf32, #tpu.memory_space<vmem>>, vector<1x1x16xf32>,
      %get3A_1353 = vector.shape_cast %get3A_1352 : vector<1x1x16xf32> to vector<16xf32>
      %bitcast_convert_type3A_1354 = tpu.bitcast %get3A_1353 : vector<16xf32> -> vector<16xi32>
      %shift_left3A_1355 = arith.constant 16 : i32
      %shift_left3A_1356 = vector.broadcast %shift_left3A_1355 : i32 to vector<16xi32>
      %shift_left3A_1357 = arith.shli %bitcast_convert_type3A_1354, %shift_left3A_1356 : vector<16xi32>
      %bitcast_convert_type3A_1358 = tpu.bitcast %shift_left3A_1357 : vector<16xi32> -> vector<16xf32>
      %and3A_1359 = arith.constant -65536 : i32
      %and3A_1360 = vector.broadcast %and3A_1359 : i32 to vector<16xi32>
      %and3A_1361 = arith.andi %bitcast_convert_type3A_1354, %and3A_1360 : vector<16xi32>
      %bitcast_convert_type3A_1362 = tpu.bitcast %and3A_1361 : vector<16xi32> -> vector<16xf32>
      %add3A_1363 = arith.addf %add3A_1329, %bitcast_convert_type3A_1358 : vector<16xf32>
      %add3A_1364 = arith.addf %add3A_1330, %bitcast_convert_type3A_1362 : vector<16xf32>
      %get3A_1365 = arith.constant 37 : i32
      %get3A_1366 = arith.index_cast %rem3A_24 : i32 to index
      %get3A_1367 = arith.index_cast %get3A_1365 : i32 to index
      %get3A_1368 = arith.constant 16 : index
      %get3A_1369 = tpu.vector_load %arg7[%get3A_1366, %get3A_1367, %get3A_1368] {strides = array<i32>} : memref<2x104x32xf32, #tpu.memory_space<vmem>>, vector<1x1x16xf32>,
      %get3A_1370 = vector.shape_cast %get3A_1369 : vector<1x1x16xf32> to vector<16xf32>
      %bitcast_convert_type3A_1371 = tpu.bitcast %get3A_1370 : vector<16xf32> -> vector<16xi32>
      %shift_left3A_1372 = arith.constant 16 : i32
      %shift_left3A_1373 = vector.broadcast %shift_left3A_1372 : i32 to vector<16xi32>
      %shift_left3A_1374 = arith.shli %bitcast_convert_type3A_1371, %shift_left3A_1373 : vector<16xi32>
      %bitcast_convert_type3A_1375 = tpu.bitcast %shift_left3A_1374 : vector<16xi32> -> vector<16xf32>
      %and3A_1376 = arith.constant -65536 : i32
      %and3A_1377 = vector.broadcast %and3A_1376 : i32 to vector<16xi32>
      %and3A_1378 = arith.andi %bitcast_convert_type3A_1371, %and3A_1377 : vector<16xi32>
      %bitcast_convert_type3A_1379 = tpu.bitcast %and3A_1378 : vector<16xi32> -> vector<16xf32>
      %add3A_1380 = arith.addf %add3A_1346, %bitcast_convert_type3A_1375 : vector<16xf32>
      %add3A_1381 = arith.addf %add3A_1347, %bitcast_convert_type3A_1379 : vector<16xf32>
      %get3A_1382 = arith.constant 38 : i32
      %get3A_1383 = arith.index_cast %rem3A_24 : i32 to index
      %get3A_1384 = arith.index_cast %get3A_1382 : i32 to index
      %get3A_1385 = arith.constant 0 : index
      %get3A_1386 = tpu.vector_load %arg7[%get3A_1383, %get3A_1384, %get3A_1385] {strides = array<i32>} : memref<2x104x32xf32, #tpu.memory_space<vmem>>, vector<1x1x16xf32>,
      %get3A_1387 = vector.shape_cast %get3A_1386 : vector<1x1x16xf32> to vector<16xf32>
      %bitcast_convert_type3A_1388 = tpu.bitcast %get3A_1387 : vector<16xf32> -> vector<16xi32>
      %shift_left3A_1389 = arith.constant 16 : i32
      %shift_left3A_1390 = vector.broadcast %shift_left3A_1389 : i32 to vector<16xi32>
      %shift_left3A_1391 = arith.shli %bitcast_convert_type3A_1388, %shift_left3A_1390 : vector<16xi32>
      %bitcast_convert_type3A_1392 = tpu.bitcast %shift_left3A_1391 : vector<16xi32> -> vector<16xf32>
      %and3A_1393 = arith.constant -65536 : i32
      %and3A_1394 = vector.broadcast %and3A_1393 : i32 to vector<16xi32>
      %and3A_1395 = arith.andi %bitcast_convert_type3A_1388, %and3A_1394 : vector<16xi32>
      %bitcast_convert_type3A_1396 = tpu.bitcast %and3A_1395 : vector<16xi32> -> vector<16xf32>
      %add3A_1397 = arith.addf %add3A_1363, %bitcast_convert_type3A_1392 : vector<16xf32>
      %add3A_1398 = arith.addf %add3A_1364, %bitcast_convert_type3A_1396 : vector<16xf32>
      %get3A_1399 = arith.constant 38 : i32
      %get3A_1400 = arith.index_cast %rem3A_24 : i32 to index
      %get3A_1401 = arith.index_cast %get3A_1399 : i32 to index
      %get3A_1402 = arith.constant 16 : index
      %get3A_1403 = tpu.vector_load %arg7[%get3A_1400, %get3A_1401, %get3A_1402] {strides = array<i32>} : memref<2x104x32xf32, #tpu.memory_space<vmem>>, vector<1x1x16xf32>,
      %get3A_1404 = vector.shape_cast %get3A_1403 : vector<1x1x16xf32> to vector<16xf32>
      %bitcast_convert_type3A_1405 = tpu.bitcast %get3A_1404 : vector<16xf32> -> vector<16xi32>
      %shift_left3A_1406 = arith.constant 16 : i32
      %shift_left3A_1407 = vector.broadcast %shift_left3A_1406 : i32 to vector<16xi32>
      %shift_left3A_1408 = arith.shli %bitcast_convert_type3A_1405, %shift_left3A_1407 : vector<16xi32>
      %bitcast_convert_type3A_1409 = tpu.bitcast %shift_left3A_1408 : vector<16xi32> -> vector<16xf32>
      %and3A_1410 = arith.constant -65536 : i32
      %and3A_1411 = vector.broadcast %and3A_1410 : i32 to vector<16xi32>
      %and3A_1412 = arith.andi %bitcast_convert_type3A_1405, %and3A_1411 : vector<16xi32>
      %bitcast_convert_type3A_1413 = tpu.bitcast %and3A_1412 : vector<16xi32> -> vector<16xf32>
      %add3A_1414 = arith.addf %add3A_1380, %bitcast_convert_type3A_1409 : vector<16xf32>
      %add3A_1415 = arith.addf %add3A_1381, %bitcast_convert_type3A_1413 : vector<16xf32>
      %get3A_1416 = arith.constant 39 : i32
      %get3A_1417 = arith.index_cast %rem3A_24 : i32 to index
      %get3A_1418 = arith.index_cast %get3A_1416 : i32 to index
      %get3A_1419 = arith.constant 0 : index
      %get3A_1420 = tpu.vector_load %arg7[%get3A_1417, %get3A_1418, %get3A_1419] {strides = array<i32>} : memref<2x104x32xf32, #tpu.memory_space<vmem>>, vector<1x1x16xf32>,
      %get3A_1421 = vector.shape_cast %get3A_1420 : vector<1x1x16xf32> to vector<16xf32>
      %bitcast_convert_type3A_1422 = tpu.bitcast %get3A_1421 : vector<16xf32> -> vector<16xi32>
      %shift_left3A_1423 = arith.constant 16 : i32
      %shift_left3A_1424 = vector.broadcast %shift_left3A_1423 : i32 to vector<16xi32>
      %shift_left3A_1425 = arith.shli %bitcast_convert_type3A_1422, %shift_left3A_1424 : vector<16xi32>
      %bitcast_convert_type3A_1426 = tpu.bitcast %shift_left3A_1425 : vector<16xi32> -> vector<16xf32>
      %and3A_1427 = arith.constant -65536 : i32
      %and3A_1428 = vector.broadcast %and3A_1427 : i32 to vector<16xi32>
      %and3A_1429 = arith.andi %bitcast_convert_type3A_1422, %and3A_1428 : vector<16xi32>
      %bitcast_convert_type3A_1430 = tpu.bitcast %and3A_1429 : vector<16xi32> -> vector<16xf32>
      %add3A_1431 = arith.addf %add3A_1397, %bitcast_convert_type3A_1426 : vector<16xf32>
      %add3A_1432 = arith.addf %add3A_1398, %bitcast_convert_type3A_1430 : vector<16xf32>
      %get3A_1433 = arith.constant 39 : i32
      %get3A_1434 = arith.index_cast %rem3A_24 : i32 to index
      %get3A_1435 = arith.index_cast %get3A_1433 : i32 to index
      %get3A_1436 = arith.constant 16 : index
      %get3A_1437 = tpu.vector_load %arg7[%get3A_1434, %get3A_1435, %get3A_1436] {strides = array<i32>} : memref<2x104x32xf32, #tpu.memory_space<vmem>>, vector<1x1x16xf32>,
      %get3A_1438 = vector.shape_cast %get3A_1437 : vector<1x1x16xf32> to vector<16xf32>
      %bitcast_convert_type3A_1439 = tpu.bitcast %get3A_1438 : vector<16xf32> -> vector<16xi32>
      %shift_left3A_1440 = arith.constant 16 : i32
      %shift_left3A_1441 = vector.broadcast %shift_left3A_1440 : i32 to vector<16xi32>
      %shift_left3A_1442 = arith.shli %bitcast_convert_type3A_1439, %shift_left3A_1441 : vector<16xi32>
      %bitcast_convert_type3A_1443 = tpu.bitcast %shift_left3A_1442 : vector<16xi32> -> vector<16xf32>
      %and3A_1444 = arith.constant -65536 : i32
      %and3A_1445 = vector.broadcast %and3A_1444 : i32 to vector<16xi32>
      %and3A_1446 = arith.andi %bitcast_convert_type3A_1439, %and3A_1445 : vector<16xi32>
      %bitcast_convert_type3A_1447 = tpu.bitcast %and3A_1446 : vector<16xi32> -> vector<16xf32>
      %add3A_1448 = arith.addf %add3A_1414, %bitcast_convert_type3A_1443 : vector<16xf32>
      %add3A_1449 = arith.addf %add3A_1415, %bitcast_convert_type3A_1447 : vector<16xf32>
      %get3A_1450 = arith.constant 40 : i32
      %get3A_1451 = arith.index_cast %rem3A_24 : i32 to index
      %get3A_1452 = arith.index_cast %get3A_1450 : i32 to index
      %get3A_1453 = arith.constant 0 : index
      %get3A_1454 = tpu.vector_load %arg7[%get3A_1451, %get3A_1452, %get3A_1453] {strides = array<i32>} : memref<2x104x32xf32, #tpu.memory_space<vmem>>, vector<1x1x16xf32>,
      %get3A_1455 = vector.shape_cast %get3A_1454 : vector<1x1x16xf32> to vector<16xf32>
      %bitcast_convert_type3A_1456 = tpu.bitcast %get3A_1455 : vector<16xf32> -> vector<16xi32>
      %shift_left3A_1457 = arith.constant 16 : i32
      %shift_left3A_1458 = vector.broadcast %shift_left3A_1457 : i32 to vector<16xi32>
      %shift_left3A_1459 = arith.shli %bitcast_convert_type3A_1456, %shift_left3A_1458 : vector<16xi32>
      %bitcast_convert_type3A_1460 = tpu.bitcast %shift_left3A_1459 : vector<16xi32> -> vector<16xf32>
      %and3A_1461 = arith.constant -65536 : i32
      %and3A_1462 = vector.broadcast %and3A_1461 : i32 to vector<16xi32>
      %and3A_1463 = arith.andi %bitcast_convert_type3A_1456, %and3A_1462 : vector<16xi32>
      %bitcast_convert_type3A_1464 = tpu.bitcast %and3A_1463 : vector<16xi32> -> vector<16xf32>
      %add3A_1465 = arith.addf %add3A_1431, %bitcast_convert_type3A_1460 : vector<16xf32>
      %add3A_1466 = arith.addf %add3A_1432, %bitcast_convert_type3A_1464 : vector<16xf32>
      %get3A_1467 = arith.constant 40 : i32
      %get3A_1468 = arith.index_cast %rem3A_24 : i32 to index
      %get3A_1469 = arith.index_cast %get3A_1467 : i32 to index
      %get3A_1470 = arith.constant 16 : index
      %get3A_1471 = tpu.vector_load %arg7[%get3A_1468, %get3A_1469, %get3A_1470] {strides = array<i32>} : memref<2x104x32xf32, #tpu.memory_space<vmem>>, vector<1x1x16xf32>,
      %get3A_1472 = vector.shape_cast %get3A_1471 : vector<1x1x16xf32> to vector<16xf32>
      %bitcast_convert_type3A_1473 = tpu.bitcast %get3A_1472 : vector<16xf32> -> vector<16xi32>
      %shift_left3A_1474 = arith.constant 16 : i32
      %shift_left3A_1475 = vector.broadcast %shift_left3A_1474 : i32 to vector<16xi32>
      %shift_left3A_1476 = arith.shli %bitcast_convert_type3A_1473, %shift_left3A_1475 : vector<16xi32>
      %bitcast_convert_type3A_1477 = tpu.bitcast %shift_left3A_1476 : vector<16xi32> -> vector<16xf32>
      %and3A_1478 = arith.constant -65536 : i32
      %and3A_1479 = vector.broadcast %and3A_1478 : i32 to vector<16xi32>
      %and3A_1480 = arith.andi %bitcast_convert_type3A_1473, %and3A_1479 : vector<16xi32>
      %bitcast_convert_type3A_1481 = tpu.bitcast %and3A_1480 : vector<16xi32> -> vector<16xf32>
      %add3A_1482 = arith.addf %add3A_1448, %bitcast_convert_type3A_1477 : vector<16xf32>
      %add3A_1483 = arith.addf %add3A_1449, %bitcast_convert_type3A_1481 : vector<16xf32>
      %get3A_1484 = arith.constant 41 : i32
      %get3A_1485 = arith.index_cast %rem3A_24 : i32 to index
      %get3A_1486 = arith.index_cast %get3A_1484 : i32 to index
      %get3A_1487 = arith.constant 0 : index
      %get3A_1488 = tpu.vector_load %arg7[%get3A_1485, %get3A_1486, %get3A_1487] {strides = array<i32>} : memref<2x104x32xf32, #tpu.memory_space<vmem>>, vector<1x1x16xf32>,
      %get3A_1489 = vector.shape_cast %get3A_1488 : vector<1x1x16xf32> to vector<16xf32>
      %bitcast_convert_type3A_1490 = tpu.bitcast %get3A_1489 : vector<16xf32> -> vector<16xi32>
      %shift_left3A_1491 = arith.constant 16 : i32
      %shift_left3A_1492 = vector.broadcast %shift_left3A_1491 : i32 to vector<16xi32>
      %shift_left3A_1493 = arith.shli %bitcast_convert_type3A_1490, %shift_left3A_1492 : vector<16xi32>
      %bitcast_convert_type3A_1494 = tpu.bitcast %shift_left3A_1493 : vector<16xi32> -> vector<16xf32>
      %and3A_1495 = arith.constant -65536 : i32
      %and3A_1496 = vector.broadcast %and3A_1495 : i32 to vector<16xi32>
      %and3A_1497 = arith.andi %bitcast_convert_type3A_1490, %and3A_1496 : vector<16xi32>
      %bitcast_convert_type3A_1498 = tpu.bitcast %and3A_1497 : vector<16xi32> -> vector<16xf32>
      %add3A_1499 = arith.addf %add3A_1465, %bitcast_convert_type3A_1494 : vector<16xf32>
      %add3A_1500 = arith.addf %add3A_1466, %bitcast_convert_type3A_1498 : vector<16xf32>
      %get3A_1501 = arith.constant 41 : i32
      %get3A_1502 = arith.index_cast %rem3A_24 : i32 to index
      %get3A_1503 = arith.index_cast %get3A_1501 : i32 to index
      %get3A_1504 = arith.constant 16 : index
      %get3A_1505 = tpu.vector_load %arg7[%get3A_1502, %get3A_1503, %get3A_1504] {strides = array<i32>} : memref<2x104x32xf32, #tpu.memory_space<vmem>>, vector<1x1x16xf32>,
      %get3A_1506 = vector.shape_cast %get3A_1505 : vector<1x1x16xf32> to vector<16xf32>
      %bitcast_convert_type3A_1507 = tpu.bitcast %get3A_1506 : vector<16xf32> -> vector<16xi32>
      %shift_left3A_1508 = arith.constant 16 : i32
      %shift_left3A_1509 = vector.broadcast %shift_left3A_1508 : i32 to vector<16xi32>
      %shift_left3A_1510 = arith.shli %bitcast_convert_type3A_1507, %shift_left3A_1509 : vector<16xi32>
      %bitcast_convert_type3A_1511 = tpu.bitcast %shift_left3A_1510 : vector<16xi32> -> vector<16xf32>
      %and3A_1512 = arith.constant -65536 : i32
      %and3A_1513 = vector.broadcast %and3A_1512 : i32 to vector<16xi32>
      %and3A_1514 = arith.andi %bitcast_convert_type3A_1507, %and3A_1513 : vector<16xi32>
      %bitcast_convert_type3A_1515 = tpu.bitcast %and3A_1514 : vector<16xi32> -> vector<16xf32>
      %add3A_1516 = arith.addf %add3A_1482, %bitcast_convert_type3A_1511 : vector<16xf32>
      %add3A_1517 = arith.addf %add3A_1483, %bitcast_convert_type3A_1515 : vector<16xf32>
      %get3A_1518 = arith.constant 42 : i32
      %get3A_1519 = arith.index_cast %rem3A_24 : i32 to index
      %get3A_1520 = arith.index_cast %get3A_1518 : i32 to index
      %get3A_1521 = arith.constant 0 : index
      %get3A_1522 = tpu.vector_load %arg7[%get3A_1519, %get3A_1520, %get3A_1521] {strides = array<i32>} : memref<2x104x32xf32, #tpu.memory_space<vmem>>, vector<1x1x16xf32>,
      %get3A_1523 = vector.shape_cast %get3A_1522 : vector<1x1x16xf32> to vector<16xf32>
      %bitcast_convert_type3A_1524 = tpu.bitcast %get3A_1523 : vector<16xf32> -> vector<16xi32>
      %shift_left3A_1525 = arith.constant 16 : i32
      %shift_left3A_1526 = vector.broadcast %shift_left3A_1525 : i32 to vector<16xi32>
      %shift_left3A_1527 = arith.shli %bitcast_convert_type3A_1524, %shift_left3A_1526 : vector<16xi32>
      %bitcast_convert_type3A_1528 = tpu.bitcast %shift_left3A_1527 : vector<16xi32> -> vector<16xf32>
      %and3A_1529 = arith.constant -65536 : i32
      %and3A_1530 = vector.broadcast %and3A_1529 : i32 to vector<16xi32>
      %and3A_1531 = arith.andi %bitcast_convert_type3A_1524, %and3A_1530 : vector<16xi32>
      %bitcast_convert_type3A_1532 = tpu.bitcast %and3A_1531 : vector<16xi32> -> vector<16xf32>
      %add3A_1533 = arith.addf %add3A_1499, %bitcast_convert_type3A_1528 : vector<16xf32>
      %add3A_1534 = arith.addf %add3A_1500, %bitcast_convert_type3A_1532 : vector<16xf32>
      %get3A_1535 = arith.constant 42 : i32
      %get3A_1536 = arith.index_cast %rem3A_24 : i32 to index
      %get3A_1537 = arith.index_cast %get3A_1535 : i32 to index
      %get3A_1538 = arith.constant 16 : index
      %get3A_1539 = tpu.vector_load %arg7[%get3A_1536, %get3A_1537, %get3A_1538] {strides = array<i32>} : memref<2x104x32xf32, #tpu.memory_space<vmem>>, vector<1x1x16xf32>,
      %get3A_1540 = vector.shape_cast %get3A_1539 : vector<1x1x16xf32> to vector<16xf32>
      %bitcast_convert_type3A_1541 = tpu.bitcast %get3A_1540 : vector<16xf32> -> vector<16xi32>
      %shift_left3A_1542 = arith.constant 16 : i32
      %shift_left3A_1543 = vector.broadcast %shift_left3A_1542 : i32 to vector<16xi32>
      %shift_left3A_1544 = arith.shli %bitcast_convert_type3A_1541, %shift_left3A_1543 : vector<16xi32>
      %bitcast_convert_type3A_1545 = tpu.bitcast %shift_left3A_1544 : vector<16xi32> -> vector<16xf32>
      %and3A_1546 = arith.constant -65536 : i32
      %and3A_1547 = vector.broadcast %and3A_1546 : i32 to vector<16xi32>
      %and3A_1548 = arith.andi %bitcast_convert_type3A_1541, %and3A_1547 : vector<16xi32>
      %bitcast_convert_type3A_1549 = tpu.bitcast %and3A_1548 : vector<16xi32> -> vector<16xf32>
      %add3A_1550 = arith.addf %add3A_1516, %bitcast_convert_type3A_1545 : vector<16xf32>
      %add3A_1551 = arith.addf %add3A_1517, %bitcast_convert_type3A_1549 : vector<16xf32>
      %get3A_1552 = arith.constant 43 : i32
      %get3A_1553 = arith.index_cast %rem3A_24 : i32 to index
      %get3A_1554 = arith.index_cast %get3A_1552 : i32 to index
      %get3A_1555 = arith.constant 0 : index
      %get3A_1556 = tpu.vector_load %arg7[%get3A_1553, %get3A_1554, %get3A_1555] {strides = array<i32>} : memref<2x104x32xf32, #tpu.memory_space<vmem>>, vector<1x1x16xf32>,
      %get3A_1557 = vector.shape_cast %get3A_1556 : vector<1x1x16xf32> to vector<16xf32>
      %bitcast_convert_type3A_1558 = tpu.bitcast %get3A_1557 : vector<16xf32> -> vector<16xi32>
      %shift_left3A_1559 = arith.constant 16 : i32
      %shift_left3A_1560 = vector.broadcast %shift_left3A_1559 : i32 to vector<16xi32>
      %shift_left3A_1561 = arith.shli %bitcast_convert_type3A_1558, %shift_left3A_1560 : vector<16xi32>
      %bitcast_convert_type3A_1562 = tpu.bitcast %shift_left3A_1561 : vector<16xi32> -> vector<16xf32>
      %and3A_1563 = arith.constant -65536 : i32
      %and3A_1564 = vector.broadcast %and3A_1563 : i32 to vector<16xi32>
      %and3A_1565 = arith.andi %bitcast_convert_type3A_1558, %and3A_1564 : vector<16xi32>
      %bitcast_convert_type3A_1566 = tpu.bitcast %and3A_1565 : vector<16xi32> -> vector<16xf32>
      %add3A_1567 = arith.addf %add3A_1533, %bitcast_convert_type3A_1562 : vector<16xf32>
      %add3A_1568 = arith.addf %add3A_1534, %bitcast_convert_type3A_1566 : vector<16xf32>
      %get3A_1569 = arith.constant 43 : i32
      %get3A_1570 = arith.index_cast %rem3A_24 : i32 to index
      %get3A_1571 = arith.index_cast %get3A_1569 : i32 to index
      %get3A_1572 = arith.constant 16 : index
      %get3A_1573 = tpu.vector_load %arg7[%get3A_1570, %get3A_1571, %get3A_1572] {strides = array<i32>} : memref<2x104x32xf32, #tpu.memory_space<vmem>>, vector<1x1x16xf32>,
      %get3A_1574 = vector.shape_cast %get3A_1573 : vector<1x1x16xf32> to vector<16xf32>
      %bitcast_convert_type3A_1575 = tpu.bitcast %get3A_1574 : vector<16xf32> -> vector<16xi32>
      %shift_left3A_1576 = arith.constant 16 : i32
      %shift_left3A_1577 = vector.broadcast %shift_left3A_1576 : i32 to vector<16xi32>
      %shift_left3A_1578 = arith.shli %bitcast_convert_type3A_1575, %shift_left3A_1577 : vector<16xi32>
      %bitcast_convert_type3A_1579 = tpu.bitcast %shift_left3A_1578 : vector<16xi32> -> vector<16xf32>
      %and3A_1580 = arith.constant -65536 : i32
      %and3A_1581 = vector.broadcast %and3A_1580 : i32 to vector<16xi32>
      %and3A_1582 = arith.andi %bitcast_convert_type3A_1575, %and3A_1581 : vector<16xi32>
      %bitcast_convert_type3A_1583 = tpu.bitcast %and3A_1582 : vector<16xi32> -> vector<16xf32>
      %add3A_1584 = arith.addf %add3A_1550, %bitcast_convert_type3A_1579 : vector<16xf32>
      %add3A_1585 = arith.addf %add3A_1551, %bitcast_convert_type3A_1583 : vector<16xf32>
      %get3A_1586 = arith.constant 44 : i32
      %get3A_1587 = arith.index_cast %rem3A_24 : i32 to index
      %get3A_1588 = arith.index_cast %get3A_1586 : i32 to index
      %get3A_1589 = arith.constant 0 : index
      %get3A_1590 = tpu.vector_load %arg7[%get3A_1587, %get3A_1588, %get3A_1589] {strides = array<i32>} : memref<2x104x32xf32, #tpu.memory_space<vmem>>, vector<1x1x16xf32>,
      %get3A_1591 = vector.shape_cast %get3A_1590 : vector<1x1x16xf32> to vector<16xf32>
      %bitcast_convert_type3A_1592 = tpu.bitcast %get3A_1591 : vector<16xf32> -> vector<16xi32>
      %shift_left3A_1593 = arith.constant 16 : i32
      %shift_left3A_1594 = vector.broadcast %shift_left3A_1593 : i32 to vector<16xi32>
      %shift_left3A_1595 = arith.shli %bitcast_convert_type3A_1592, %shift_left3A_1594 : vector<16xi32>
      %bitcast_convert_type3A_1596 = tpu.bitcast %shift_left3A_1595 : vector<16xi32> -> vector<16xf32>
      %and3A_1597 = arith.constant -65536 : i32
      %and3A_1598 = vector.broadcast %and3A_1597 : i32 to vector<16xi32>
      %and3A_1599 = arith.andi %bitcast_convert_type3A_1592, %and3A_1598 : vector<16xi32>
      %bitcast_convert_type3A_1600 = tpu.bitcast %and3A_1599 : vector<16xi32> -> vector<16xf32>
      %add3A_1601 = arith.addf %add3A_1567, %bitcast_convert_type3A_1596 : vector<16xf32>
      %add3A_1602 = arith.addf %add3A_1568, %bitcast_convert_type3A_1600 : vector<16xf32>
      %get3A_1603 = arith.constant 44 : i32
      %get3A_1604 = arith.index_cast %rem3A_24 : i32 to index
      %get3A_1605 = arith.index_cast %get3A_1603 : i32 to index
      %get3A_1606 = arith.constant 16 : index
      %get3A_1607 = tpu.vector_load %arg7[%get3A_1604, %get3A_1605, %get3A_1606] {strides = array<i32>} : memref<2x104x32xf32, #tpu.memory_space<vmem>>, vector<1x1x16xf32>,
      %get3A_1608 = vector.shape_cast %get3A_1607 : vector<1x1x16xf32> to vector<16xf32>
      %bitcast_convert_type3A_1609 = tpu.bitcast %get3A_1608 : vector<16xf32> -> vector<16xi32>
      %shift_left3A_1610 = arith.constant 16 : i32
      %shift_left3A_1611 = vector.broadcast %shift_left3A_1610 : i32 to vector<16xi32>
      %shift_left3A_1612 = arith.shli %bitcast_convert_type3A_1609, %shift_left3A_1611 : vector<16xi32>
      %bitcast_convert_type3A_1613 = tpu.bitcast %shift_left3A_1612 : vector<16xi32> -> vector<16xf32>
      %and3A_1614 = arith.constant -65536 : i32
      %and3A_1615 = vector.broadcast %and3A_1614 : i32 to vector<16xi32>
      %and3A_1616 = arith.andi %bitcast_convert_type3A_1609, %and3A_1615 : vector<16xi32>
      %bitcast_convert_type3A_1617 = tpu.bitcast %and3A_1616 : vector<16xi32> -> vector<16xf32>
      %add3A_1618 = arith.addf %add3A_1584, %bitcast_convert_type3A_1613 : vector<16xf32>
      %add3A_1619 = arith.addf %add3A_1585, %bitcast_convert_type3A_1617 : vector<16xf32>
      %get3A_1620 = arith.constant 45 : i32
      %get3A_1621 = arith.index_cast %rem3A_24 : i32 to index
      %get3A_1622 = arith.index_cast %get3A_1620 : i32 to index
      %get3A_1623 = arith.constant 0 : index
      %get3A_1624 = tpu.vector_load %arg7[%get3A_1621, %get3A_1622, %get3A_1623] {strides = array<i32>} : memref<2x104x32xf32, #tpu.memory_space<vmem>>, vector<1x1x16xf32>,
      %get3A_1625 = vector.shape_cast %get3A_1624 : vector<1x1x16xf32> to vector<16xf32>
      %bitcast_convert_type3A_1626 = tpu.bitcast %get3A_1625 : vector<16xf32> -> vector<16xi32>
      %shift_left3A_1627 = arith.constant 16 : i32
      %shift_left3A_1628 = vector.broadcast %shift_left3A_1627 : i32 to vector<16xi32>
      %shift_left3A_1629 = arith.shli %bitcast_convert_type3A_1626, %shift_left3A_1628 : vector<16xi32>
      %bitcast_convert_type3A_1630 = tpu.bitcast %shift_left3A_1629 : vector<16xi32> -> vector<16xf32>
      %and3A_1631 = arith.constant -65536 : i32
      %and3A_1632 = vector.broadcast %and3A_1631 : i32 to vector<16xi32>
      %and3A_1633 = arith.andi %bitcast_convert_type3A_1626, %and3A_1632 : vector<16xi32>
      %bitcast_convert_type3A_1634 = tpu.bitcast %and3A_1633 : vector<16xi32> -> vector<16xf32>
      %add3A_1635 = arith.addf %add3A_1601, %bitcast_convert_type3A_1630 : vector<16xf32>
      %add3A_1636 = arith.addf %add3A_1602, %bitcast_convert_type3A_1634 : vector<16xf32>
      %get3A_1637 = arith.constant 45 : i32
      %get3A_1638 = arith.index_cast %rem3A_24 : i32 to index
      %get3A_1639 = arith.index_cast %get3A_1637 : i32 to index
      %get3A_1640 = arith.constant 16 : index
      %get3A_1641 = tpu.vector_load %arg7[%get3A_1638, %get3A_1639, %get3A_1640] {strides = array<i32>} : memref<2x104x32xf32, #tpu.memory_space<vmem>>, vector<1x1x16xf32>,
      %get3A_1642 = vector.shape_cast %get3A_1641 : vector<1x1x16xf32> to vector<16xf32>
      %bitcast_convert_type3A_1643 = tpu.bitcast %get3A_1642 : vector<16xf32> -> vector<16xi32>
      %shift_left3A_1644 = arith.constant 16 : i32
      %shift_left3A_1645 = vector.broadcast %shift_left3A_1644 : i32 to vector<16xi32>
      %shift_left3A_1646 = arith.shli %bitcast_convert_type3A_1643, %shift_left3A_1645 : vector<16xi32>
      %bitcast_convert_type3A_1647 = tpu.bitcast %shift_left3A_1646 : vector<16xi32> -> vector<16xf32>
      %and3A_1648 = arith.constant -65536 : i32
      %and3A_1649 = vector.broadcast %and3A_1648 : i32 to vector<16xi32>
      %and3A_1650 = arith.andi %bitcast_convert_type3A_1643, %and3A_1649 : vector<16xi32>
      %bitcast_convert_type3A_1651 = tpu.bitcast %and3A_1650 : vector<16xi32> -> vector<16xf32>
      %add3A_1652 = arith.addf %add3A_1618, %bitcast_convert_type3A_1647 : vector<16xf32>
      %add3A_1653 = arith.addf %add3A_1619, %bitcast_convert_type3A_1651 : vector<16xf32>
      %get3A_1654 = arith.constant 46 : i32
      %get3A_1655 = arith.index_cast %rem3A_24 : i32 to index
      %get3A_1656 = arith.index_cast %get3A_1654 : i32 to index
      %get3A_1657 = arith.constant 0 : index
      %get3A_1658 = tpu.vector_load %arg7[%get3A_1655, %get3A_1656, %get3A_1657] {strides = array<i32>} : memref<2x104x32xf32, #tpu.memory_space<vmem>>, vector<1x1x16xf32>,
      %get3A_1659 = vector.shape_cast %get3A_1658 : vector<1x1x16xf32> to vector<16xf32>
      %bitcast_convert_type3A_1660 = tpu.bitcast %get3A_1659 : vector<16xf32> -> vector<16xi32>
      %shift_left3A_1661 = arith.constant 16 : i32
      %shift_left3A_1662 = vector.broadcast %shift_left3A_1661 : i32 to vector<16xi32>
      %shift_left3A_1663 = arith.shli %bitcast_convert_type3A_1660, %shift_left3A_1662 : vector<16xi32>
      %bitcast_convert_type3A_1664 = tpu.bitcast %shift_left3A_1663 : vector<16xi32> -> vector<16xf32>
      %and3A_1665 = arith.constant -65536 : i32
      %and3A_1666 = vector.broadcast %and3A_1665 : i32 to vector<16xi32>
      %and3A_1667 = arith.andi %bitcast_convert_type3A_1660, %and3A_1666 : vector<16xi32>
      %bitcast_convert_type3A_1668 = tpu.bitcast %and3A_1667 : vector<16xi32> -> vector<16xf32>
      %add3A_1669 = arith.addf %add3A_1635, %bitcast_convert_type3A_1664 : vector<16xf32>
      %add3A_1670 = arith.addf %add3A_1636, %bitcast_convert_type3A_1668 : vector<16xf32>
      %get3A_1671 = arith.constant 46 : i32
      %get3A_1672 = arith.index_cast %rem3A_24 : i32 to index
      %get3A_1673 = arith.index_cast %get3A_1671 : i32 to index
      %get3A_1674 = arith.constant 16 : index
      %get3A_1675 = tpu.vector_load %arg7[%get3A_1672, %get3A_1673, %get3A_1674] {strides = array<i32>} : memref<2x104x32xf32, #tpu.memory_space<vmem>>, vector<1x1x16xf32>,
      %get3A_1676 = vector.shape_cast %get3A_1675 : vector<1x1x16xf32> to vector<16xf32>
      %bitcast_convert_type3A_1677 = tpu.bitcast %get3A_1676 : vector<16xf32> -> vector<16xi32>
      %shift_left3A_1678 = arith.constant 16 : i32
      %shift_left3A_1679 = vector.broadcast %shift_left3A_1678 : i32 to vector<16xi32>
      %shift_left3A_1680 = arith.shli %bitcast_convert_type3A_1677, %shift_left3A_1679 : vector<16xi32>
      %bitcast_convert_type3A_1681 = tpu.bitcast %shift_left3A_1680 : vector<16xi32> -> vector<16xf32>
      %and3A_1682 = arith.constant -65536 : i32
      %and3A_1683 = vector.broadcast %and3A_1682 : i32 to vector<16xi32>
      %and3A_1684 = arith.andi %bitcast_convert_type3A_1677, %and3A_1683 : vector<16xi32>
      %bitcast_convert_type3A_1685 = tpu.bitcast %and3A_1684 : vector<16xi32> -> vector<16xf32>
      %add3A_1686 = arith.addf %add3A_1652, %bitcast_convert_type3A_1681 : vector<16xf32>
      %add3A_1687 = arith.addf %add3A_1653, %bitcast_convert_type3A_1685 : vector<16xf32>
      %get3A_1688 = arith.constant 47 : i32
      %get3A_1689 = arith.index_cast %rem3A_24 : i32 to index
      %get3A_1690 = arith.index_cast %get3A_1688 : i32 to index
      %get3A_1691 = arith.constant 0 : index
      %get3A_1692 = tpu.vector_load %arg7[%get3A_1689, %get3A_1690, %get3A_1691] {strides = array<i32>} : memref<2x104x32xf32, #tpu.memory_space<vmem>>, vector<1x1x16xf32>,
      %get3A_1693 = vector.shape_cast %get3A_1692 : vector<1x1x16xf32> to vector<16xf32>
      %bitcast_convert_type3A_1694 = tpu.bitcast %get3A_1693 : vector<16xf32> -> vector<16xi32>
      %shift_left3A_1695 = arith.constant 16 : i32
      %shift_left3A_1696 = vector.broadcast %shift_left3A_1695 : i32 to vector<16xi32>
      %shift_left3A_1697 = arith.shli %bitcast_convert_type3A_1694, %shift_left3A_1696 : vector<16xi32>
      %bitcast_convert_type3A_1698 = tpu.bitcast %shift_left3A_1697 : vector<16xi32> -> vector<16xf32>
      %and3A_1699 = arith.constant -65536 : i32
      %and3A_1700 = vector.broadcast %and3A_1699 : i32 to vector<16xi32>
      %and3A_1701 = arith.andi %bitcast_convert_type3A_1694, %and3A_1700 : vector<16xi32>
      %bitcast_convert_type3A_1702 = tpu.bitcast %and3A_1701 : vector<16xi32> -> vector<16xf32>
      %add3A_1703 = arith.addf %add3A_1669, %bitcast_convert_type3A_1698 : vector<16xf32>
      %add3A_1704 = arith.addf %add3A_1670, %bitcast_convert_type3A_1702 : vector<16xf32>
      %get3A_1705 = arith.constant 47 : i32
      %get3A_1706 = arith.index_cast %rem3A_24 : i32 to index
      %get3A_1707 = arith.index_cast %get3A_1705 : i32 to index
      %get3A_1708 = arith.constant 16 : index
      %get3A_1709 = tpu.vector_load %arg7[%get3A_1706, %get3A_1707, %get3A_1708] {strides = array<i32>} : memref<2x104x32xf32, #tpu.memory_space<vmem>>, vector<1x1x16xf32>,
      %get3A_1710 = vector.shape_cast %get3A_1709 : vector<1x1x16xf32> to vector<16xf32>
      %bitcast_convert_type3A_1711 = tpu.bitcast %get3A_1710 : vector<16xf32> -> vector<16xi32>
      %shift_left3A_1712 = arith.constant 16 : i32
      %shift_left3A_1713 = vector.broadcast %shift_left3A_1712 : i32 to vector<16xi32>
      %shift_left3A_1714 = arith.shli %bitcast_convert_type3A_1711, %shift_left3A_1713 : vector<16xi32>
      %bitcast_convert_type3A_1715 = tpu.bitcast %shift_left3A_1714 : vector<16xi32> -> vector<16xf32>
      %and3A_1716 = arith.constant -65536 : i32
      %and3A_1717 = vector.broadcast %and3A_1716 : i32 to vector<16xi32>
      %and3A_1718 = arith.andi %bitcast_convert_type3A_1711, %and3A_1717 : vector<16xi32>
      %bitcast_convert_type3A_1719 = tpu.bitcast %and3A_1718 : vector<16xi32> -> vector<16xf32>
      %add3A_1720 = arith.addf %add3A_1686, %bitcast_convert_type3A_1715 : vector<16xf32>
      %add3A_1721 = arith.addf %add3A_1687, %bitcast_convert_type3A_1719 : vector<16xf32>
      %get3A_1722 = arith.constant 48 : i32
      %get3A_1723 = arith.index_cast %rem3A_24 : i32 to index
      %get3A_1724 = arith.index_cast %get3A_1722 : i32 to index
      %get3A_1725 = arith.constant 0 : index
      %get3A_1726 = tpu.vector_load %arg7[%get3A_1723, %get3A_1724, %get3A_1725] {strides = array<i32>} : memref<2x104x32xf32, #tpu.memory_space<vmem>>, vector<1x1x16xf32>,
      %get3A_1727 = vector.shape_cast %get3A_1726 : vector<1x1x16xf32> to vector<16xf32>
      %bitcast_convert_type3A_1728 = tpu.bitcast %get3A_1727 : vector<16xf32> -> vector<16xi32>
      %shift_left3A_1729 = arith.constant 16 : i32
      %shift_left3A_1730 = vector.broadcast %shift_left3A_1729 : i32 to vector<16xi32>
      %shift_left3A_1731 = arith.shli %bitcast_convert_type3A_1728, %shift_left3A_1730 : vector<16xi32>
      %bitcast_convert_type3A_1732 = tpu.bitcast %shift_left3A_1731 : vector<16xi32> -> vector<16xf32>
      %and3A_1733 = arith.constant -65536 : i32
      %and3A_1734 = vector.broadcast %and3A_1733 : i32 to vector<16xi32>
      %and3A_1735 = arith.andi %bitcast_convert_type3A_1728, %and3A_1734 : vector<16xi32>
      %bitcast_convert_type3A_1736 = tpu.bitcast %and3A_1735 : vector<16xi32> -> vector<16xf32>
      %add3A_1737 = arith.addf %add3A_1703, %bitcast_convert_type3A_1732 : vector<16xf32>
      %add3A_1738 = arith.addf %add3A_1704, %bitcast_convert_type3A_1736 : vector<16xf32>
      %get3A_1739 = arith.constant 48 : i32
      %get3A_1740 = arith.index_cast %rem3A_24 : i32 to index
      %get3A_1741 = arith.index_cast %get3A_1739 : i32 to index
      %get3A_1742 = arith.constant 16 : index
      %get3A_1743 = tpu.vector_load %arg7[%get3A_1740, %get3A_1741, %get3A_1742] {strides = array<i32>} : memref<2x104x32xf32, #tpu.memory_space<vmem>>, vector<1x1x16xf32>,
      %get3A_1744 = vector.shape_cast %get3A_1743 : vector<1x1x16xf32> to vector<16xf32>
      %bitcast_convert_type3A_1745 = tpu.bitcast %get3A_1744 : vector<16xf32> -> vector<16xi32>
      %shift_left3A_1746 = arith.constant 16 : i32
      %shift_left3A_1747 = vector.broadcast %shift_left3A_1746 : i32 to vector<16xi32>
      %shift_left3A_1748 = arith.shli %bitcast_convert_type3A_1745, %shift_left3A_1747 : vector<16xi32>
      %bitcast_convert_type3A_1749 = tpu.bitcast %shift_left3A_1748 : vector<16xi32> -> vector<16xf32>
      %and3A_1750 = arith.constant -65536 : i32
      %and3A_1751 = vector.broadcast %and3A_1750 : i32 to vector<16xi32>
      %and3A_1752 = arith.andi %bitcast_convert_type3A_1745, %and3A_1751 : vector<16xi32>
      %bitcast_convert_type3A_1753 = tpu.bitcast %and3A_1752 : vector<16xi32> -> vector<16xf32>
      %add3A_1754 = arith.addf %add3A_1720, %bitcast_convert_type3A_1749 : vector<16xf32>
      %add3A_1755 = arith.addf %add3A_1721, %bitcast_convert_type3A_1753 : vector<16xf32>
      %get3A_1756 = arith.constant 49 : i32
      %get3A_1757 = arith.index_cast %rem3A_24 : i32 to index
      %get3A_1758 = arith.index_cast %get3A_1756 : i32 to index
      %get3A_1759 = arith.constant 0 : index
      %get3A_1760 = tpu.vector_load %arg7[%get3A_1757, %get3A_1758, %get3A_1759] {strides = array<i32>} : memref<2x104x32xf32, #tpu.memory_space<vmem>>, vector<1x1x16xf32>,
      %get3A_1761 = vector.shape_cast %get3A_1760 : vector<1x1x16xf32> to vector<16xf32>
      %bitcast_convert_type3A_1762 = tpu.bitcast %get3A_1761 : vector<16xf32> -> vector<16xi32>
      %shift_left3A_1763 = arith.constant 16 : i32
      %shift_left3A_1764 = vector.broadcast %shift_left3A_1763 : i32 to vector<16xi32>
      %shift_left3A_1765 = arith.shli %bitcast_convert_type3A_1762, %shift_left3A_1764 : vector<16xi32>
      %bitcast_convert_type3A_1766 = tpu.bitcast %shift_left3A_1765 : vector<16xi32> -> vector<16xf32>
      %and3A_1767 = arith.constant -65536 : i32
      %and3A_1768 = vector.broadcast %and3A_1767 : i32 to vector<16xi32>
      %and3A_1769 = arith.andi %bitcast_convert_type3A_1762, %and3A_1768 : vector<16xi32>
      %bitcast_convert_type3A_1770 = tpu.bitcast %and3A_1769 : vector<16xi32> -> vector<16xf32>
      %add3A_1771 = arith.addf %add3A_1737, %bitcast_convert_type3A_1766 : vector<16xf32>
      %add3A_1772 = arith.addf %add3A_1738, %bitcast_convert_type3A_1770 : vector<16xf32>
      %get3A_1773 = arith.constant 49 : i32
      %get3A_1774 = arith.index_cast %rem3A_24 : i32 to index
      %get3A_1775 = arith.index_cast %get3A_1773 : i32 to index
      %get3A_1776 = arith.constant 16 : index
      %get3A_1777 = tpu.vector_load %arg7[%get3A_1774, %get3A_1775, %get3A_1776] {strides = array<i32>} : memref<2x104x32xf32, #tpu.memory_space<vmem>>, vector<1x1x16xf32>,
      %get3A_1778 = vector.shape_cast %get3A_1777 : vector<1x1x16xf32> to vector<16xf32>
      %bitcast_convert_type3A_1779 = tpu.bitcast %get3A_1778 : vector<16xf32> -> vector<16xi32>
      %shift_left3A_1780 = arith.constant 16 : i32
      %shift_left3A_1781 = vector.broadcast %shift_left3A_1780 : i32 to vector<16xi32>
      %shift_left3A_1782 = arith.shli %bitcast_convert_type3A_1779, %shift_left3A_1781 : vector<16xi32>
      %bitcast_convert_type3A_1783 = tpu.bitcast %shift_left3A_1782 : vector<16xi32> -> vector<16xf32>
      %and3A_1784 = arith.constant -65536 : i32
      %and3A_1785 = vector.broadcast %and3A_1784 : i32 to vector<16xi32>
      %and3A_1786 = arith.andi %bitcast_convert_type3A_1779, %and3A_1785 : vector<16xi32>
      %bitcast_convert_type3A_1787 = tpu.bitcast %and3A_1786 : vector<16xi32> -> vector<16xf32>
      %add3A_1788 = arith.addf %add3A_1754, %bitcast_convert_type3A_1783 : vector<16xf32>
      %add3A_1789 = arith.addf %add3A_1755, %bitcast_convert_type3A_1787 : vector<16xf32>
      %get3A_1790 = arith.constant 50 : i32
      %get3A_1791 = arith.index_cast %rem3A_24 : i32 to index
      %get3A_1792 = arith.index_cast %get3A_1790 : i32 to index
      %get3A_1793 = arith.constant 0 : index
      %get3A_1794 = tpu.vector_load %arg7[%get3A_1791, %get3A_1792, %get3A_1793] {strides = array<i32>} : memref<2x104x32xf32, #tpu.memory_space<vmem>>, vector<1x1x16xf32>,
      %get3A_1795 = vector.shape_cast %get3A_1794 : vector<1x1x16xf32> to vector<16xf32>
      %bitcast_convert_type3A_1796 = tpu.bitcast %get3A_1795 : vector<16xf32> -> vector<16xi32>
      %shift_left3A_1797 = arith.constant 16 : i32
      %shift_left3A_1798 = vector.broadcast %shift_left3A_1797 : i32 to vector<16xi32>
      %shift_left3A_1799 = arith.shli %bitcast_convert_type3A_1796, %shift_left3A_1798 : vector<16xi32>
      %bitcast_convert_type3A_1800 = tpu.bitcast %shift_left3A_1799 : vector<16xi32> -> vector<16xf32>
      %and3A_1801 = arith.constant -65536 : i32
      %and3A_1802 = vector.broadcast %and3A_1801 : i32 to vector<16xi32>
      %and3A_1803 = arith.andi %bitcast_convert_type3A_1796, %and3A_1802 : vector<16xi32>
      %bitcast_convert_type3A_1804 = tpu.bitcast %and3A_1803 : vector<16xi32> -> vector<16xf32>
      %add3A_1805 = arith.addf %add3A_1771, %bitcast_convert_type3A_1800 : vector<16xf32>
      %add3A_1806 = arith.addf %add3A_1772, %bitcast_convert_type3A_1804 : vector<16xf32>
      %get3A_1807 = arith.constant 50 : i32
      %get3A_1808 = arith.index_cast %rem3A_24 : i32 to index
      %get3A_1809 = arith.index_cast %get3A_1807 : i32 to index
      %get3A_1810 = arith.constant 16 : index
      %get3A_1811 = tpu.vector_load %arg7[%get3A_1808, %get3A_1809, %get3A_1810] {strides = array<i32>} : memref<2x104x32xf32, #tpu.memory_space<vmem>>, vector<1x1x16xf32>,
      %get3A_1812 = vector.shape_cast %get3A_1811 : vector<1x1x16xf32> to vector<16xf32>
      %bitcast_convert_type3A_1813 = tpu.bitcast %get3A_1812 : vector<16xf32> -> vector<16xi32>
      %shift_left3A_1814 = arith.constant 16 : i32
      %shift_left3A_1815 = vector.broadcast %shift_left3A_1814 : i32 to vector<16xi32>
      %shift_left3A_1816 = arith.shli %bitcast_convert_type3A_1813, %shift_left3A_1815 : vector<16xi32>
      %bitcast_convert_type3A_1817 = tpu.bitcast %shift_left3A_1816 : vector<16xi32> -> vector<16xf32>
      %and3A_1818 = arith.constant -65536 : i32
      %and3A_1819 = vector.broadcast %and3A_1818 : i32 to vector<16xi32>
      %and3A_1820 = arith.andi %bitcast_convert_type3A_1813, %and3A_1819 : vector<16xi32>
      %bitcast_convert_type3A_1821 = tpu.bitcast %and3A_1820 : vector<16xi32> -> vector<16xf32>
      %add3A_1822 = arith.addf %add3A_1788, %bitcast_convert_type3A_1817 : vector<16xf32>
      %add3A_1823 = arith.addf %add3A_1789, %bitcast_convert_type3A_1821 : vector<16xf32>
      %get3A_1824 = arith.constant 51 : i32
      %get3A_1825 = arith.index_cast %rem3A_24 : i32 to index
      %get3A_1826 = arith.index_cast %get3A_1824 : i32 to index
      %get3A_1827 = arith.constant 0 : index
      %get3A_1828 = tpu.vector_load %arg7[%get3A_1825, %get3A_1826, %get3A_1827] {strides = array<i32>} : memref<2x104x32xf32, #tpu.memory_space<vmem>>, vector<1x1x16xf32>,
      %get3A_1829 = vector.shape_cast %get3A_1828 : vector<1x1x16xf32> to vector<16xf32>
      %bitcast_convert_type3A_1830 = tpu.bitcast %get3A_1829 : vector<16xf32> -> vector<16xi32>
      %shift_left3A_1831 = arith.constant 16 : i32
      %shift_left3A_1832 = vector.broadcast %shift_left3A_1831 : i32 to vector<16xi32>
      %shift_left3A_1833 = arith.shli %bitcast_convert_type3A_1830, %shift_left3A_1832 : vector<16xi32>
      %bitcast_convert_type3A_1834 = tpu.bitcast %shift_left3A_1833 : vector<16xi32> -> vector<16xf32>
      %and3A_1835 = arith.constant -65536 : i32
      %and3A_1836 = vector.broadcast %and3A_1835 : i32 to vector<16xi32>
      %and3A_1837 = arith.andi %bitcast_convert_type3A_1830, %and3A_1836 : vector<16xi32>
      %bitcast_convert_type3A_1838 = tpu.bitcast %and3A_1837 : vector<16xi32> -> vector<16xf32>
      %add3A_1839 = arith.addf %add3A_1805, %bitcast_convert_type3A_1834 : vector<16xf32>
      %add3A_1840 = arith.addf %add3A_1806, %bitcast_convert_type3A_1838 : vector<16xf32>
      %get3A_1841 = arith.constant 51 : i32
      %get3A_1842 = arith.index_cast %rem3A_24 : i32 to index
      %get3A_1843 = arith.index_cast %get3A_1841 : i32 to index
      %get3A_1844 = arith.constant 16 : index
      %get3A_1845 = tpu.vector_load %arg7[%get3A_1842, %get3A_1843, %get3A_1844] {strides = array<i32>} : memref<2x104x32xf32, #tpu.memory_space<vmem>>, vector<1x1x16xf32>,
      %get3A_1846 = vector.shape_cast %get3A_1845 : vector<1x1x16xf32> to vector<16xf32>
      %bitcast_convert_type3A_1847 = tpu.bitcast %get3A_1846 : vector<16xf32> -> vector<16xi32>
      %shift_left3A_1848 = arith.constant 16 : i32
      %shift_left3A_1849 = vector.broadcast %shift_left3A_1848 : i32 to vector<16xi32>
      %shift_left3A_1850 = arith.shli %bitcast_convert_type3A_1847, %shift_left3A_1849 : vector<16xi32>
      %bitcast_convert_type3A_1851 = tpu.bitcast %shift_left3A_1850 : vector<16xi32> -> vector<16xf32>
      %and3A_1852 = arith.constant -65536 : i32
      %and3A_1853 = vector.broadcast %and3A_1852 : i32 to vector<16xi32>
      %and3A_1854 = arith.andi %bitcast_convert_type3A_1847, %and3A_1853 : vector<16xi32>
      %bitcast_convert_type3A_1855 = tpu.bitcast %and3A_1854 : vector<16xi32> -> vector<16xf32>
      %add3A_1856 = arith.addf %add3A_1822, %bitcast_convert_type3A_1851 : vector<16xf32>
      %add3A_1857 = arith.addf %add3A_1823, %bitcast_convert_type3A_1855 : vector<16xf32>
      %mul3A_1858 = arith.constant 4 : i32
      %mul3A_1859 = arith.muli %scan3A_22, %mul3A_1858 : i32
      %add3A_1860 = arith.constant 1 : i32
      %add3A_1861 = arith.addi %mul3A_1859, %add3A_1860 : i32
      %mul3A_1862 = arith.constant 64 : i32
      %mul3A_1863 = arith.muli %add3A_1861, %mul3A_1862 : i32
      %get3A_1864 = arith.constant 0 : i32
      %get3A_1865 = arith.index_cast %get3A_1864 : i32 to index
      %get3A_1866 = arith.constant 0 : index
      %get3A_1867 = tpu.vector_load %arg9[%get3A_1865, %get3A_1866] {strides = array<i32>} : memref<4x16xf32, #tpu.memory_space<vmem>>, vector<1x16xf32>,
      %get3A_1868 = vector.shape_cast %get3A_1867 : vector<1x16xf32> to vector<16xf32>
      %add3A_1869 = arith.addf %add3A_1839, %get3A_1868 : vector<16xf32>
      %max3A_1870 = arith.constant 0.000000e+00 : f32
      %max3A_1871 = vector.broadcast %max3A_1870 : f32 to vector<16xf32>
      %max3A_1872 = arith.maximumf %add3A_1869, %max3A_1871 : vector<16xf32>
      %add3A_1873 = arith.constant 0 : i32
      %add3A_1874 = arith.addi %mul3A_1863, %add3A_1873 : i32
      %swap3A_1875 = arith.index_cast %add3A_1874 : i32 to index
      %swap3A_1876 = tpu.vector_load %arg8[%swap3A_1875] {strides = array<i32>} : memref<32768xf32, #tpu.memory_space<vmem>>, vector<16xf32>,
      %swap3A_1877 = vector.shape_cast %swap3A_1876 : vector<16xf32> to vector<16xf32>
      %swap3A_1878 = vector.shape_cast %max3A_1872 : vector<16xf32> to vector<16xf32>
      tpu.vector_store %arg8[%swap3A_1875], %swap3A_1878 {strides = array<i32>} : memref<32768xf32, #tpu.memory_space<vmem>>, vector<16xf32>,
      %get3A_1879 = arith.constant 1 : i32
      %get3A_1880 = arith.index_cast %get3A_1879 : i32 to index
      %get3A_1881 = arith.constant 0 : index
      %get3A_1882 = tpu.vector_load %arg9[%get3A_1880, %get3A_1881] {strides = array<i32>} : memref<4x16xf32, #tpu.memory_space<vmem>>, vector<1x16xf32>,
      %get3A_1883 = vector.shape_cast %get3A_1882 : vector<1x16xf32> to vector<16xf32>
      %add3A_1884 = arith.addf %add3A_1840, %get3A_1883 : vector<16xf32>
      %max3A_1885 = arith.constant 0.000000e+00 : f32
      %max3A_1886 = vector.broadcast %max3A_1885 : f32 to vector<16xf32>
      %max3A_1887 = arith.maximumf %add3A_1884, %max3A_1886 : vector<16xf32>
      %add3A_1888 = arith.constant 16 : i32
      %add3A_1889 = arith.addi %mul3A_1863, %add3A_1888 : i32
      %swap3A_1890 = arith.index_cast %add3A_1889 : i32 to index
      %swap3A_1891 = tpu.vector_load %arg8[%swap3A_1890] {strides = array<i32>} : memref<32768xf32, #tpu.memory_space<vmem>>, vector<16xf32>,
      %swap3A_1892 = vector.shape_cast %swap3A_1891 : vector<16xf32> to vector<16xf32>
      %swap3A_1893 = vector.shape_cast %max3A_1887 : vector<16xf32> to vector<16xf32>
      tpu.vector_store %arg8[%swap3A_1890], %swap3A_1893 {strides = array<i32>} : memref<32768xf32, #tpu.memory_space<vmem>>, vector<16xf32>,
      %get3A_1894 = arith.constant 2 : i32
      %get3A_1895 = arith.index_cast %get3A_1894 : i32 to index
      %get3A_1896 = arith.constant 0 : index
      %get3A_1897 = tpu.vector_load %arg9[%get3A_1895, %get3A_1896] {strides = array<i32>} : memref<4x16xf32, #tpu.memory_space<vmem>>, vector<1x16xf32>,
      %get3A_1898 = vector.shape_cast %get3A_1897 : vector<1x16xf32> to vector<16xf32>
      %add3A_1899 = arith.addf %add3A_1856, %get3A_1898 : vector<16xf32>
      %max3A_1900 = arith.constant 0.000000e+00 : f32
      %max3A_1901 = vector.broadcast %max3A_1900 : f32 to vector<16xf32>
      %max3A_1902 = arith.maximumf %add3A_1899, %max3A_1901 : vector<16xf32>
      %add3A_1903 = arith.constant 32 : i32
      %add3A_1904 = arith.addi %mul3A_1863, %add3A_1903 : i32
      %swap3A_1905 = arith.index_cast %add3A_1904 : i32 to index
      %swap3A_1906 = tpu.vector_load %arg8[%swap3A_1905] {strides = array<i32>} : memref<32768xf32, #tpu.memory_space<vmem>>, vector<16xf32>,
      %swap3A_1907 = vector.shape_cast %swap3A_1906 : vector<16xf32> to vector<16xf32>
      %swap3A_1908 = vector.shape_cast %max3A_1902 : vector<16xf32> to vector<16xf32>
      tpu.vector_store %arg8[%swap3A_1905], %swap3A_1908 {strides = array<i32>} : memref<32768xf32, #tpu.memory_space<vmem>>, vector<16xf32>,
      %get3A_1909 = arith.constant 3 : i32
      %get3A_1910 = arith.index_cast %get3A_1909 : i32 to index
      %get3A_1911 = arith.constant 0 : index
      %get3A_1912 = tpu.vector_load %arg9[%get3A_1910, %get3A_1911] {strides = array<i32>} : memref<4x16xf32, #tpu.memory_space<vmem>>, vector<1x16xf32>,
      %get3A_1913 = vector.shape_cast %get3A_1912 : vector<1x16xf32> to vector<16xf32>
      %add3A_1914 = arith.addf %add3A_1857, %get3A_1913 : vector<16xf32>
      %max3A_1915 = arith.constant 0.000000e+00 : f32
      %max3A_1916 = vector.broadcast %max3A_1915 : f32 to vector<16xf32>
      %max3A_1917 = arith.maximumf %add3A_1914, %max3A_1916 : vector<16xf32>
      %add3A_1918 = arith.constant 48 : i32
      %add3A_1919 = arith.addi %mul3A_1863, %add3A_1918 : i32
      %swap3A_1920 = arith.index_cast %add3A_1919 : i32 to index
      %swap3A_1921 = tpu.vector_load %arg8[%swap3A_1920] {strides = array<i32>} : memref<32768xf32, #tpu.memory_space<vmem>>, vector<16xf32>,
      %swap3A_1922 = vector.shape_cast %swap3A_1921 : vector<16xf32> to vector<16xf32>
      %swap3A_1923 = vector.shape_cast %max3A_1917 : vector<16xf32> to vector<16xf32>
      tpu.vector_store %arg8[%swap3A_1920], %swap3A_1923 {strides = array<i32>} : memref<32768xf32, #tpu.memory_space<vmem>>, vector<16xf32>,
      %get3A_1924 = arith.constant 52 : i32
      %get3A_1925 = arith.index_cast %rem3A_24 : i32 to index
      %get3A_1926 = arith.index_cast %get3A_1924 : i32 to index
      %get3A_1927 = arith.constant 0 : index
      %get3A_1928 = tpu.vector_load %arg7[%get3A_1925, %get3A_1926, %get3A_1927] {strides = array<i32>} : memref<2x104x32xf32, #tpu.memory_space<vmem>>, vector<1x1x16xf32>,
      %get3A_1929 = vector.shape_cast %get3A_1928 : vector<1x1x16xf32> to vector<16xf32>
      %bitcast_convert_type3A_1930 = tpu.bitcast %get3A_1929 : vector<16xf32> -> vector<16xi32>
      %shift_left3A_1931 = arith.constant 16 : i32
      %shift_left3A_1932 = vector.broadcast %shift_left3A_1931 : i32 to vector<16xi32>
      %shift_left3A_1933 = arith.shli %bitcast_convert_type3A_1930, %shift_left3A_1932 : vector<16xi32>
      %bitcast_convert_type3A_1934 = tpu.bitcast %shift_left3A_1933 : vector<16xi32> -> vector<16xf32>
      %and3A_1935 = arith.constant -65536 : i32
      %and3A_1936 = vector.broadcast %and3A_1935 : i32 to vector<16xi32>
      %and3A_1937 = arith.andi %bitcast_convert_type3A_1930, %and3A_1936 : vector<16xi32>
      %bitcast_convert_type3A_1938 = tpu.bitcast %and3A_1937 : vector<16xi32> -> vector<16xf32>
      %get3A_1939 = arith.constant 52 : i32
      %get3A_1940 = arith.index_cast %rem3A_24 : i32 to index
      %get3A_1941 = arith.index_cast %get3A_1939 : i32 to index
      %get3A_1942 = arith.constant 16 : index
      %get3A_1943 = tpu.vector_load %arg7[%get3A_1940, %get3A_1941, %get3A_1942] {strides = array<i32>} : memref<2x104x32xf32, #tpu.memory_space<vmem>>, vector<1x1x16xf32>,
      %get3A_1944 = vector.shape_cast %get3A_1943 : vector<1x1x16xf32> to vector<16xf32>
      %bitcast_convert_type3A_1945 = tpu.bitcast %get3A_1944 : vector<16xf32> -> vector<16xi32>
      %shift_left3A_1946 = arith.constant 16 : i32
      %shift_left3A_1947 = vector.broadcast %shift_left3A_1946 : i32 to vector<16xi32>
      %shift_left3A_1948 = arith.shli %bitcast_convert_type3A_1945, %shift_left3A_1947 : vector<16xi32>
      %bitcast_convert_type3A_1949 = tpu.bitcast %shift_left3A_1948 : vector<16xi32> -> vector<16xf32>
      %and3A_1950 = arith.constant -65536 : i32
      %and3A_1951 = vector.broadcast %and3A_1950 : i32 to vector<16xi32>
      %and3A_1952 = arith.andi %bitcast_convert_type3A_1945, %and3A_1951 : vector<16xi32>
      %bitcast_convert_type3A_1953 = tpu.bitcast %and3A_1952 : vector<16xi32> -> vector<16xf32>
      %get3A_1954 = arith.constant 53 : i32
      %get3A_1955 = arith.index_cast %rem3A_24 : i32 to index
      %get3A_1956 = arith.index_cast %get3A_1954 : i32 to index
      %get3A_1957 = arith.constant 0 : index
      %get3A_1958 = tpu.vector_load %arg7[%get3A_1955, %get3A_1956, %get3A_1957] {strides = array<i32>} : memref<2x104x32xf32, #tpu.memory_space<vmem>>, vector<1x1x16xf32>,
      %get3A_1959 = vector.shape_cast %get3A_1958 : vector<1x1x16xf32> to vector<16xf32>
      %bitcast_convert_type3A_1960 = tpu.bitcast %get3A_1959 : vector<16xf32> -> vector<16xi32>
      %shift_left3A_1961 = arith.constant 16 : i32
      %shift_left3A_1962 = vector.broadcast %shift_left3A_1961 : i32 to vector<16xi32>
      %shift_left3A_1963 = arith.shli %bitcast_convert_type3A_1960, %shift_left3A_1962 : vector<16xi32>
      %bitcast_convert_type3A_1964 = tpu.bitcast %shift_left3A_1963 : vector<16xi32> -> vector<16xf32>
      %and3A_1965 = arith.constant -65536 : i32
      %and3A_1966 = vector.broadcast %and3A_1965 : i32 to vector<16xi32>
      %and3A_1967 = arith.andi %bitcast_convert_type3A_1960, %and3A_1966 : vector<16xi32>
      %bitcast_convert_type3A_1968 = tpu.bitcast %and3A_1967 : vector<16xi32> -> vector<16xf32>
      %add3A_1969 = arith.addf %bitcast_convert_type3A_1934, %bitcast_convert_type3A_1964 : vector<16xf32>
      %add3A_1970 = arith.addf %bitcast_convert_type3A_1938, %bitcast_convert_type3A_1968 : vector<16xf32>
      %get3A_1971 = arith.constant 53 : i32
      %get3A_1972 = arith.index_cast %rem3A_24 : i32 to index
      %get3A_1973 = arith.index_cast %get3A_1971 : i32 to index
      %get3A_1974 = arith.constant 16 : index
      %get3A_1975 = tpu.vector_load %arg7[%get3A_1972, %get3A_1973, %get3A_1974] {strides = array<i32>} : memref<2x104x32xf32, #tpu.memory_space<vmem>>, vector<1x1x16xf32>,
      %get3A_1976 = vector.shape_cast %get3A_1975 : vector<1x1x16xf32> to vector<16xf32>
      %bitcast_convert_type3A_1977 = tpu.bitcast %get3A_1976 : vector<16xf32> -> vector<16xi32>
      %shift_left3A_1978 = arith.constant 16 : i32
      %shift_left3A_1979 = vector.broadcast %shift_left3A_1978 : i32 to vector<16xi32>
      %shift_left3A_1980 = arith.shli %bitcast_convert_type3A_1977, %shift_left3A_1979 : vector<16xi32>
      %bitcast_convert_type3A_1981 = tpu.bitcast %shift_left3A_1980 : vector<16xi32> -> vector<16xf32>
      %and3A_1982 = arith.constant -65536 : i32
      %and3A_1983 = vector.broadcast %and3A_1982 : i32 to vector<16xi32>
      %and3A_1984 = arith.andi %bitcast_convert_type3A_1977, %and3A_1983 : vector<16xi32>
      %bitcast_convert_type3A_1985 = tpu.bitcast %and3A_1984 : vector<16xi32> -> vector<16xf32>
      %add3A_1986 = arith.addf %bitcast_convert_type3A_1949, %bitcast_convert_type3A_1981 : vector<16xf32>
      %add3A_1987 = arith.addf %bitcast_convert_type3A_1953, %bitcast_convert_type3A_1985 : vector<16xf32>
      %get3A_1988 = arith.constant 54 : i32
      %get3A_1989 = arith.index_cast %rem3A_24 : i32 to index
      %get3A_1990 = arith.index_cast %get3A_1988 : i32 to index
      %get3A_1991 = arith.constant 0 : index
      %get3A_1992 = tpu.vector_load %arg7[%get3A_1989, %get3A_1990, %get3A_1991] {strides = array<i32>} : memref<2x104x32xf32, #tpu.memory_space<vmem>>, vector<1x1x16xf32>,
      %get3A_1993 = vector.shape_cast %get3A_1992 : vector<1x1x16xf32> to vector<16xf32>
      %bitcast_convert_type3A_1994 = tpu.bitcast %get3A_1993 : vector<16xf32> -> vector<16xi32>
      %shift_left3A_1995 = arith.constant 16 : i32
      %shift_left3A_1996 = vector.broadcast %shift_left3A_1995 : i32 to vector<16xi32>
      %shift_left3A_1997 = arith.shli %bitcast_convert_type3A_1994, %shift_left3A_1996 : vector<16xi32>
      %bitcast_convert_type3A_1998 = tpu.bitcast %shift_left3A_1997 : vector<16xi32> -> vector<16xf32>
      %and3A_1999 = arith.constant -65536 : i32
      %and3A_2000 = vector.broadcast %and3A_1999 : i32 to vector<16xi32>
      %and3A_2001 = arith.andi %bitcast_convert_type3A_1994, %and3A_2000 : vector<16xi32>
      %bitcast_convert_type3A_2002 = tpu.bitcast %and3A_2001 : vector<16xi32> -> vector<16xf32>
      %add3A_2003 = arith.addf %add3A_1969, %bitcast_convert_type3A_1998 : vector<16xf32>
      %add3A_2004 = arith.addf %add3A_1970, %bitcast_convert_type3A_2002 : vector<16xf32>
      %get3A_2005 = arith.constant 54 : i32
      %get3A_2006 = arith.index_cast %rem3A_24 : i32 to index
      %get3A_2007 = arith.index_cast %get3A_2005 : i32 to index
      %get3A_2008 = arith.constant 16 : index
      %get3A_2009 = tpu.vector_load %arg7[%get3A_2006, %get3A_2007, %get3A_2008] {strides = array<i32>} : memref<2x104x32xf32, #tpu.memory_space<vmem>>, vector<1x1x16xf32>,
      %get3A_2010 = vector.shape_cast %get3A_2009 : vector<1x1x16xf32> to vector<16xf32>
      %bitcast_convert_type3A_2011 = tpu.bitcast %get3A_2010 : vector<16xf32> -> vector<16xi32>
      %shift_left3A_2012 = arith.constant 16 : i32
      %shift_left3A_2013 = vector.broadcast %shift_left3A_2012 : i32 to vector<16xi32>
      %shift_left3A_2014 = arith.shli %bitcast_convert_type3A_2011, %shift_left3A_2013 : vector<16xi32>
      %bitcast_convert_type3A_2015 = tpu.bitcast %shift_left3A_2014 : vector<16xi32> -> vector<16xf32>
      %and3A_2016 = arith.constant -65536 : i32
      %and3A_2017 = vector.broadcast %and3A_2016 : i32 to vector<16xi32>
      %and3A_2018 = arith.andi %bitcast_convert_type3A_2011, %and3A_2017 : vector<16xi32>
      %bitcast_convert_type3A_2019 = tpu.bitcast %and3A_2018 : vector<16xi32> -> vector<16xf32>
      %add3A_2020 = arith.addf %add3A_1986, %bitcast_convert_type3A_2015 : vector<16xf32>
      %add3A_2021 = arith.addf %add3A_1987, %bitcast_convert_type3A_2019 : vector<16xf32>
      %get3A_2022 = arith.constant 55 : i32
      %get3A_2023 = arith.index_cast %rem3A_24 : i32 to index
      %get3A_2024 = arith.index_cast %get3A_2022 : i32 to index
      %get3A_2025 = arith.constant 0 : index
      %get3A_2026 = tpu.vector_load %arg7[%get3A_2023, %get3A_2024, %get3A_2025] {strides = array<i32>} : memref<2x104x32xf32, #tpu.memory_space<vmem>>, vector<1x1x16xf32>,
      %get3A_2027 = vector.shape_cast %get3A_2026 : vector<1x1x16xf32> to vector<16xf32>
      %bitcast_convert_type3A_2028 = tpu.bitcast %get3A_2027 : vector<16xf32> -> vector<16xi32>
      %shift_left3A_2029 = arith.constant 16 : i32
      %shift_left3A_2030 = vector.broadcast %shift_left3A_2029 : i32 to vector<16xi32>
      %shift_left3A_2031 = arith.shli %bitcast_convert_type3A_2028, %shift_left3A_2030 : vector<16xi32>
      %bitcast_convert_type3A_2032 = tpu.bitcast %shift_left3A_2031 : vector<16xi32> -> vector<16xf32>
      %and3A_2033 = arith.constant -65536 : i32
      %and3A_2034 = vector.broadcast %and3A_2033 : i32 to vector<16xi32>
      %and3A_2035 = arith.andi %bitcast_convert_type3A_2028, %and3A_2034 : vector<16xi32>
      %bitcast_convert_type3A_2036 = tpu.bitcast %and3A_2035 : vector<16xi32> -> vector<16xf32>
      %add3A_2037 = arith.addf %add3A_2003, %bitcast_convert_type3A_2032 : vector<16xf32>
      %add3A_2038 = arith.addf %add3A_2004, %bitcast_convert_type3A_2036 : vector<16xf32>
      %get3A_2039 = arith.constant 55 : i32
      %get3A_2040 = arith.index_cast %rem3A_24 : i32 to index
      %get3A_2041 = arith.index_cast %get3A_2039 : i32 to index
      %get3A_2042 = arith.constant 16 : index
      %get3A_2043 = tpu.vector_load %arg7[%get3A_2040, %get3A_2041, %get3A_2042] {strides = array<i32>} : memref<2x104x32xf32, #tpu.memory_space<vmem>>, vector<1x1x16xf32>,
      %get3A_2044 = vector.shape_cast %get3A_2043 : vector<1x1x16xf32> to vector<16xf32>
      %bitcast_convert_type3A_2045 = tpu.bitcast %get3A_2044 : vector<16xf32> -> vector<16xi32>
      %shift_left3A_2046 = arith.constant 16 : i32
      %shift_left3A_2047 = vector.broadcast %shift_left3A_2046 : i32 to vector<16xi32>
      %shift_left3A_2048 = arith.shli %bitcast_convert_type3A_2045, %shift_left3A_2047 : vector<16xi32>
      %bitcast_convert_type3A_2049 = tpu.bitcast %shift_left3A_2048 : vector<16xi32> -> vector<16xf32>
      %and3A_2050 = arith.constant -65536 : i32
      %and3A_2051 = vector.broadcast %and3A_2050 : i32 to vector<16xi32>
      %and3A_2052 = arith.andi %bitcast_convert_type3A_2045, %and3A_2051 : vector<16xi32>
      %bitcast_convert_type3A_2053 = tpu.bitcast %and3A_2052 : vector<16xi32> -> vector<16xf32>
      %add3A_2054 = arith.addf %add3A_2020, %bitcast_convert_type3A_2049 : vector<16xf32>
      %add3A_2055 = arith.addf %add3A_2021, %bitcast_convert_type3A_2053 : vector<16xf32>
      %get3A_2056 = arith.constant 56 : i32
      %get3A_2057 = arith.index_cast %rem3A_24 : i32 to index
      %get3A_2058 = arith.index_cast %get3A_2056 : i32 to index
      %get3A_2059 = arith.constant 0 : index
      %get3A_2060 = tpu.vector_load %arg7[%get3A_2057, %get3A_2058, %get3A_2059] {strides = array<i32>} : memref<2x104x32xf32, #tpu.memory_space<vmem>>, vector<1x1x16xf32>,
      %get3A_2061 = vector.shape_cast %get3A_2060 : vector<1x1x16xf32> to vector<16xf32>
      %bitcast_convert_type3A_2062 = tpu.bitcast %get3A_2061 : vector<16xf32> -> vector<16xi32>
      %shift_left3A_2063 = arith.constant 16 : i32
      %shift_left3A_2064 = vector.broadcast %shift_left3A_2063 : i32 to vector<16xi32>
      %shift_left3A_2065 = arith.shli %bitcast_convert_type3A_2062, %shift_left3A_2064 : vector<16xi32>
      %bitcast_convert_type3A_2066 = tpu.bitcast %shift_left3A_2065 : vector<16xi32> -> vector<16xf32>
      %and3A_2067 = arith.constant -65536 : i32
      %and3A_2068 = vector.broadcast %and3A_2067 : i32 to vector<16xi32>
      %and3A_2069 = arith.andi %bitcast_convert_type3A_2062, %and3A_2068 : vector<16xi32>
      %bitcast_convert_type3A_2070 = tpu.bitcast %and3A_2069 : vector<16xi32> -> vector<16xf32>
      %add3A_2071 = arith.addf %add3A_2037, %bitcast_convert_type3A_2066 : vector<16xf32>
      %add3A_2072 = arith.addf %add3A_2038, %bitcast_convert_type3A_2070 : vector<16xf32>
      %get3A_2073 = arith.constant 56 : i32
      %get3A_2074 = arith.index_cast %rem3A_24 : i32 to index
      %get3A_2075 = arith.index_cast %get3A_2073 : i32 to index
      %get3A_2076 = arith.constant 16 : index
      %get3A_2077 = tpu.vector_load %arg7[%get3A_2074, %get3A_2075, %get3A_2076] {strides = array<i32>} : memref<2x104x32xf32, #tpu.memory_space<vmem>>, vector<1x1x16xf32>,
      %get3A_2078 = vector.shape_cast %get3A_2077 : vector<1x1x16xf32> to vector<16xf32>
      %bitcast_convert_type3A_2079 = tpu.bitcast %get3A_2078 : vector<16xf32> -> vector<16xi32>
      %shift_left3A_2080 = arith.constant 16 : i32
      %shift_left3A_2081 = vector.broadcast %shift_left3A_2080 : i32 to vector<16xi32>
      %shift_left3A_2082 = arith.shli %bitcast_convert_type3A_2079, %shift_left3A_2081 : vector<16xi32>
      %bitcast_convert_type3A_2083 = tpu.bitcast %shift_left3A_2082 : vector<16xi32> -> vector<16xf32>
      %and3A_2084 = arith.constant -65536 : i32
      %and3A_2085 = vector.broadcast %and3A_2084 : i32 to vector<16xi32>
      %and3A_2086 = arith.andi %bitcast_convert_type3A_2079, %and3A_2085 : vector<16xi32>
      %bitcast_convert_type3A_2087 = tpu.bitcast %and3A_2086 : vector<16xi32> -> vector<16xf32>
      %add3A_2088 = arith.addf %add3A_2054, %bitcast_convert_type3A_2083 : vector<16xf32>
      %add3A_2089 = arith.addf %add3A_2055, %bitcast_convert_type3A_2087 : vector<16xf32>
      %get3A_2090 = arith.constant 57 : i32
      %get3A_2091 = arith.index_cast %rem3A_24 : i32 to index
      %get3A_2092 = arith.index_cast %get3A_2090 : i32 to index
      %get3A_2093 = arith.constant 0 : index
      %get3A_2094 = tpu.vector_load %arg7[%get3A_2091, %get3A_2092, %get3A_2093] {strides = array<i32>} : memref<2x104x32xf32, #tpu.memory_space<vmem>>, vector<1x1x16xf32>,
      %get3A_2095 = vector.shape_cast %get3A_2094 : vector<1x1x16xf32> to vector<16xf32>
      %bitcast_convert_type3A_2096 = tpu.bitcast %get3A_2095 : vector<16xf32> -> vector<16xi32>
      %shift_left3A_2097 = arith.constant 16 : i32
      %shift_left3A_2098 = vector.broadcast %shift_left3A_2097 : i32 to vector<16xi32>
      %shift_left3A_2099 = arith.shli %bitcast_convert_type3A_2096, %shift_left3A_2098 : vector<16xi32>
      %bitcast_convert_type3A_2100 = tpu.bitcast %shift_left3A_2099 : vector<16xi32> -> vector<16xf32>
      %and3A_2101 = arith.constant -65536 : i32
      %and3A_2102 = vector.broadcast %and3A_2101 : i32 to vector<16xi32>
      %and3A_2103 = arith.andi %bitcast_convert_type3A_2096, %and3A_2102 : vector<16xi32>
      %bitcast_convert_type3A_2104 = tpu.bitcast %and3A_2103 : vector<16xi32> -> vector<16xf32>
      %add3A_2105 = arith.addf %add3A_2071, %bitcast_convert_type3A_2100 : vector<16xf32>
      %add3A_2106 = arith.addf %add3A_2072, %bitcast_convert_type3A_2104 : vector<16xf32>
      %get3A_2107 = arith.constant 57 : i32
      %get3A_2108 = arith.index_cast %rem3A_24 : i32 to index
      %get3A_2109 = arith.index_cast %get3A_2107 : i32 to index
      %get3A_2110 = arith.constant 16 : index
      %get3A_2111 = tpu.vector_load %arg7[%get3A_2108, %get3A_2109, %get3A_2110] {strides = array<i32>} : memref<2x104x32xf32, #tpu.memory_space<vmem>>, vector<1x1x16xf32>,
      %get3A_2112 = vector.shape_cast %get3A_2111 : vector<1x1x16xf32> to vector<16xf32>
      %bitcast_convert_type3A_2113 = tpu.bitcast %get3A_2112 : vector<16xf32> -> vector<16xi32>
      %shift_left3A_2114 = arith.constant 16 : i32
      %shift_left3A_2115 = vector.broadcast %shift_left3A_2114 : i32 to vector<16xi32>
      %shift_left3A_2116 = arith.shli %bitcast_convert_type3A_2113, %shift_left3A_2115 : vector<16xi32>
      %bitcast_convert_type3A_2117 = tpu.bitcast %shift_left3A_2116 : vector<16xi32> -> vector<16xf32>
      %and3A_2118 = arith.constant -65536 : i32
      %and3A_2119 = vector.broadcast %and3A_2118 : i32 to vector<16xi32>
      %and3A_2120 = arith.andi %bitcast_convert_type3A_2113, %and3A_2119 : vector<16xi32>
      %bitcast_convert_type3A_2121 = tpu.bitcast %and3A_2120 : vector<16xi32> -> vector<16xf32>
      %add3A_2122 = arith.addf %add3A_2088, %bitcast_convert_type3A_2117 : vector<16xf32>
      %add3A_2123 = arith.addf %add3A_2089, %bitcast_convert_type3A_2121 : vector<16xf32>
      %get3A_2124 = arith.constant 58 : i32
      %get3A_2125 = arith.index_cast %rem3A_24 : i32 to index
      %get3A_2126 = arith.index_cast %get3A_2124 : i32 to index
      %get3A_2127 = arith.constant 0 : index
      %get3A_2128 = tpu.vector_load %arg7[%get3A_2125, %get3A_2126, %get3A_2127] {strides = array<i32>} : memref<2x104x32xf32, #tpu.memory_space<vmem>>, vector<1x1x16xf32>,
      %get3A_2129 = vector.shape_cast %get3A_2128 : vector<1x1x16xf32> to vector<16xf32>
      %bitcast_convert_type3A_2130 = tpu.bitcast %get3A_2129 : vector<16xf32> -> vector<16xi32>
      %shift_left3A_2131 = arith.constant 16 : i32
      %shift_left3A_2132 = vector.broadcast %shift_left3A_2131 : i32 to vector<16xi32>
      %shift_left3A_2133 = arith.shli %bitcast_convert_type3A_2130, %shift_left3A_2132 : vector<16xi32>
      %bitcast_convert_type3A_2134 = tpu.bitcast %shift_left3A_2133 : vector<16xi32> -> vector<16xf32>
      %and3A_2135 = arith.constant -65536 : i32
      %and3A_2136 = vector.broadcast %and3A_2135 : i32 to vector<16xi32>
      %and3A_2137 = arith.andi %bitcast_convert_type3A_2130, %and3A_2136 : vector<16xi32>
      %bitcast_convert_type3A_2138 = tpu.bitcast %and3A_2137 : vector<16xi32> -> vector<16xf32>
      %add3A_2139 = arith.addf %add3A_2105, %bitcast_convert_type3A_2134 : vector<16xf32>
      %add3A_2140 = arith.addf %add3A_2106, %bitcast_convert_type3A_2138 : vector<16xf32>
      %get3A_2141 = arith.constant 58 : i32
      %get3A_2142 = arith.index_cast %rem3A_24 : i32 to index
      %get3A_2143 = arith.index_cast %get3A_2141 : i32 to index
      %get3A_2144 = arith.constant 16 : index
      %get3A_2145 = tpu.vector_load %arg7[%get3A_2142, %get3A_2143, %get3A_2144] {strides = array<i32>} : memref<2x104x32xf32, #tpu.memory_space<vmem>>, vector<1x1x16xf32>,
      %get3A_2146 = vector.shape_cast %get3A_2145 : vector<1x1x16xf32> to vector<16xf32>
      %bitcast_convert_type3A_2147 = tpu.bitcast %get3A_2146 : vector<16xf32> -> vector<16xi32>
      %shift_left3A_2148 = arith.constant 16 : i32
      %shift_left3A_2149 = vector.broadcast %shift_left3A_2148 : i32 to vector<16xi32>
      %shift_left3A_2150 = arith.shli %bitcast_convert_type3A_2147, %shift_left3A_2149 : vector<16xi32>
      %bitcast_convert_type3A_2151 = tpu.bitcast %shift_left3A_2150 : vector<16xi32> -> vector<16xf32>
      %and3A_2152 = arith.constant -65536 : i32
      %and3A_2153 = vector.broadcast %and3A_2152 : i32 to vector<16xi32>
      %and3A_2154 = arith.andi %bitcast_convert_type3A_2147, %and3A_2153 : vector<16xi32>
      %bitcast_convert_type3A_2155 = tpu.bitcast %and3A_2154 : vector<16xi32> -> vector<16xf32>
      %add3A_2156 = arith.addf %add3A_2122, %bitcast_convert_type3A_2151 : vector<16xf32>
      %add3A_2157 = arith.addf %add3A_2123, %bitcast_convert_type3A_2155 : vector<16xf32>
      %get3A_2158 = arith.constant 59 : i32
      %get3A_2159 = arith.index_cast %rem3A_24 : i32 to index
      %get3A_2160 = arith.index_cast %get3A_2158 : i32 to index
      %get3A_2161 = arith.constant 0 : index
      %get3A_2162 = tpu.vector_load %arg7[%get3A_2159, %get3A_2160, %get3A_2161] {strides = array<i32>} : memref<2x104x32xf32, #tpu.memory_space<vmem>>, vector<1x1x16xf32>,
      %get3A_2163 = vector.shape_cast %get3A_2162 : vector<1x1x16xf32> to vector<16xf32>
      %bitcast_convert_type3A_2164 = tpu.bitcast %get3A_2163 : vector<16xf32> -> vector<16xi32>
      %shift_left3A_2165 = arith.constant 16 : i32
      %shift_left3A_2166 = vector.broadcast %shift_left3A_2165 : i32 to vector<16xi32>
      %shift_left3A_2167 = arith.shli %bitcast_convert_type3A_2164, %shift_left3A_2166 : vector<16xi32>
      %bitcast_convert_type3A_2168 = tpu.bitcast %shift_left3A_2167 : vector<16xi32> -> vector<16xf32>
      %and3A_2169 = arith.constant -65536 : i32
      %and3A_2170 = vector.broadcast %and3A_2169 : i32 to vector<16xi32>
      %and3A_2171 = arith.andi %bitcast_convert_type3A_2164, %and3A_2170 : vector<16xi32>
      %bitcast_convert_type3A_2172 = tpu.bitcast %and3A_2171 : vector<16xi32> -> vector<16xf32>
      %add3A_2173 = arith.addf %add3A_2139, %bitcast_convert_type3A_2168 : vector<16xf32>
      %add3A_2174 = arith.addf %add3A_2140, %bitcast_convert_type3A_2172 : vector<16xf32>
      %get3A_2175 = arith.constant 59 : i32
      %get3A_2176 = arith.index_cast %rem3A_24 : i32 to index
      %get3A_2177 = arith.index_cast %get3A_2175 : i32 to index
      %get3A_2178 = arith.constant 16 : index
      %get3A_2179 = tpu.vector_load %arg7[%get3A_2176, %get3A_2177, %get3A_2178] {strides = array<i32>} : memref<2x104x32xf32, #tpu.memory_space<vmem>>, vector<1x1x16xf32>,
      %get3A_2180 = vector.shape_cast %get3A_2179 : vector<1x1x16xf32> to vector<16xf32>
      %bitcast_convert_type3A_2181 = tpu.bitcast %get3A_2180 : vector<16xf32> -> vector<16xi32>
      %shift_left3A_2182 = arith.constant 16 : i32
      %shift_left3A_2183 = vector.broadcast %shift_left3A_2182 : i32 to vector<16xi32>
      %shift_left3A_2184 = arith.shli %bitcast_convert_type3A_2181, %shift_left3A_2183 : vector<16xi32>
      %bitcast_convert_type3A_2185 = tpu.bitcast %shift_left3A_2184 : vector<16xi32> -> vector<16xf32>
      %and3A_2186 = arith.constant -65536 : i32
      %and3A_2187 = vector.broadcast %and3A_2186 : i32 to vector<16xi32>
      %and3A_2188 = arith.andi %bitcast_convert_type3A_2181, %and3A_2187 : vector<16xi32>
      %bitcast_convert_type3A_2189 = tpu.bitcast %and3A_2188 : vector<16xi32> -> vector<16xf32>
      %add3A_2190 = arith.addf %add3A_2156, %bitcast_convert_type3A_2185 : vector<16xf32>
      %add3A_2191 = arith.addf %add3A_2157, %bitcast_convert_type3A_2189 : vector<16xf32>
      %get3A_2192 = arith.constant 60 : i32
      %get3A_2193 = arith.index_cast %rem3A_24 : i32 to index
      %get3A_2194 = arith.index_cast %get3A_2192 : i32 to index
      %get3A_2195 = arith.constant 0 : index
      %get3A_2196 = tpu.vector_load %arg7[%get3A_2193, %get3A_2194, %get3A_2195] {strides = array<i32>} : memref<2x104x32xf32, #tpu.memory_space<vmem>>, vector<1x1x16xf32>,
      %get3A_2197 = vector.shape_cast %get3A_2196 : vector<1x1x16xf32> to vector<16xf32>
      %bitcast_convert_type3A_2198 = tpu.bitcast %get3A_2197 : vector<16xf32> -> vector<16xi32>
      %shift_left3A_2199 = arith.constant 16 : i32
      %shift_left3A_2200 = vector.broadcast %shift_left3A_2199 : i32 to vector<16xi32>
      %shift_left3A_2201 = arith.shli %bitcast_convert_type3A_2198, %shift_left3A_2200 : vector<16xi32>
      %bitcast_convert_type3A_2202 = tpu.bitcast %shift_left3A_2201 : vector<16xi32> -> vector<16xf32>
      %and3A_2203 = arith.constant -65536 : i32
      %and3A_2204 = vector.broadcast %and3A_2203 : i32 to vector<16xi32>
      %and3A_2205 = arith.andi %bitcast_convert_type3A_2198, %and3A_2204 : vector<16xi32>
      %bitcast_convert_type3A_2206 = tpu.bitcast %and3A_2205 : vector<16xi32> -> vector<16xf32>
      %add3A_2207 = arith.addf %add3A_2173, %bitcast_convert_type3A_2202 : vector<16xf32>
      %add3A_2208 = arith.addf %add3A_2174, %bitcast_convert_type3A_2206 : vector<16xf32>
      %get3A_2209 = arith.constant 60 : i32
      %get3A_2210 = arith.index_cast %rem3A_24 : i32 to index
      %get3A_2211 = arith.index_cast %get3A_2209 : i32 to index
      %get3A_2212 = arith.constant 16 : index
      %get3A_2213 = tpu.vector_load %arg7[%get3A_2210, %get3A_2211, %get3A_2212] {strides = array<i32>} : memref<2x104x32xf32, #tpu.memory_space<vmem>>, vector<1x1x16xf32>,
      %get3A_2214 = vector.shape_cast %get3A_2213 : vector<1x1x16xf32> to vector<16xf32>
      %bitcast_convert_type3A_2215 = tpu.bitcast %get3A_2214 : vector<16xf32> -> vector<16xi32>
      %shift_left3A_2216 = arith.constant 16 : i32
      %shift_left3A_2217 = vector.broadcast %shift_left3A_2216 : i32 to vector<16xi32>
      %shift_left3A_2218 = arith.shli %bitcast_convert_type3A_2215, %shift_left3A_2217 : vector<16xi32>
      %bitcast_convert_type3A_2219 = tpu.bitcast %shift_left3A_2218 : vector<16xi32> -> vector<16xf32>
      %and3A_2220 = arith.constant -65536 : i32
      %and3A_2221 = vector.broadcast %and3A_2220 : i32 to vector<16xi32>
      %and3A_2222 = arith.andi %bitcast_convert_type3A_2215, %and3A_2221 : vector<16xi32>
      %bitcast_convert_type3A_2223 = tpu.bitcast %and3A_2222 : vector<16xi32> -> vector<16xf32>
      %add3A_2224 = arith.addf %add3A_2190, %bitcast_convert_type3A_2219 : vector<16xf32>
      %add3A_2225 = arith.addf %add3A_2191, %bitcast_convert_type3A_2223 : vector<16xf32>
      %get3A_2226 = arith.constant 61 : i32
      %get3A_2227 = arith.index_cast %rem3A_24 : i32 to index
      %get3A_2228 = arith.index_cast %get3A_2226 : i32 to index
      %get3A_2229 = arith.constant 0 : index
      %get3A_2230 = tpu.vector_load %arg7[%get3A_2227, %get3A_2228, %get3A_2229] {strides = array<i32>} : memref<2x104x32xf32, #tpu.memory_space<vmem>>, vector<1x1x16xf32>,
      %get3A_2231 = vector.shape_cast %get3A_2230 : vector<1x1x16xf32> to vector<16xf32>
      %bitcast_convert_type3A_2232 = tpu.bitcast %get3A_2231 : vector<16xf32> -> vector<16xi32>
      %shift_left3A_2233 = arith.constant 16 : i32
      %shift_left3A_2234 = vector.broadcast %shift_left3A_2233 : i32 to vector<16xi32>
      %shift_left3A_2235 = arith.shli %bitcast_convert_type3A_2232, %shift_left3A_2234 : vector<16xi32>
      %bitcast_convert_type3A_2236 = tpu.bitcast %shift_left3A_2235 : vector<16xi32> -> vector<16xf32>
      %and3A_2237 = arith.constant -65536 : i32
      %and3A_2238 = vector.broadcast %and3A_2237 : i32 to vector<16xi32>
      %and3A_2239 = arith.andi %bitcast_convert_type3A_2232, %and3A_2238 : vector<16xi32>
      %bitcast_convert_type3A_2240 = tpu.bitcast %and3A_2239 : vector<16xi32> -> vector<16xf32>
      %add3A_2241 = arith.addf %add3A_2207, %bitcast_convert_type3A_2236 : vector<16xf32>
      %add3A_2242 = arith.addf %add3A_2208, %bitcast_convert_type3A_2240 : vector<16xf32>
      %get3A_2243 = arith.constant 61 : i32
      %get3A_2244 = arith.index_cast %rem3A_24 : i32 to index
      %get3A_2245 = arith.index_cast %get3A_2243 : i32 to index
      %get3A_2246 = arith.constant 16 : index
      %get3A_2247 = tpu.vector_load %arg7[%get3A_2244, %get3A_2245, %get3A_2246] {strides = array<i32>} : memref<2x104x32xf32, #tpu.memory_space<vmem>>, vector<1x1x16xf32>,
      %get3A_2248 = vector.shape_cast %get3A_2247 : vector<1x1x16xf32> to vector<16xf32>
      %bitcast_convert_type3A_2249 = tpu.bitcast %get3A_2248 : vector<16xf32> -> vector<16xi32>
      %shift_left3A_2250 = arith.constant 16 : i32
      %shift_left3A_2251 = vector.broadcast %shift_left3A_2250 : i32 to vector<16xi32>
      %shift_left3A_2252 = arith.shli %bitcast_convert_type3A_2249, %shift_left3A_2251 : vector<16xi32>
      %bitcast_convert_type3A_2253 = tpu.bitcast %shift_left3A_2252 : vector<16xi32> -> vector<16xf32>
      %and3A_2254 = arith.constant -65536 : i32
      %and3A_2255 = vector.broadcast %and3A_2254 : i32 to vector<16xi32>
      %and3A_2256 = arith.andi %bitcast_convert_type3A_2249, %and3A_2255 : vector<16xi32>
      %bitcast_convert_type3A_2257 = tpu.bitcast %and3A_2256 : vector<16xi32> -> vector<16xf32>
      %add3A_2258 = arith.addf %add3A_2224, %bitcast_convert_type3A_2253 : vector<16xf32>
      %add3A_2259 = arith.addf %add3A_2225, %bitcast_convert_type3A_2257 : vector<16xf32>
      %get3A_2260 = arith.constant 62 : i32
      %get3A_2261 = arith.index_cast %rem3A_24 : i32 to index
      %get3A_2262 = arith.index_cast %get3A_2260 : i32 to index
      %get3A_2263 = arith.constant 0 : index
      %get3A_2264 = tpu.vector_load %arg7[%get3A_2261, %get3A_2262, %get3A_2263] {strides = array<i32>} : memref<2x104x32xf32, #tpu.memory_space<vmem>>, vector<1x1x16xf32>,
      %get3A_2265 = vector.shape_cast %get3A_2264 : vector<1x1x16xf32> to vector<16xf32>
      %bitcast_convert_type3A_2266 = tpu.bitcast %get3A_2265 : vector<16xf32> -> vector<16xi32>
      %shift_left3A_2267 = arith.constant 16 : i32
      %shift_left3A_2268 = vector.broadcast %shift_left3A_2267 : i32 to vector<16xi32>
      %shift_left3A_2269 = arith.shli %bitcast_convert_type3A_2266, %shift_left3A_2268 : vector<16xi32>
      %bitcast_convert_type3A_2270 = tpu.bitcast %shift_left3A_2269 : vector<16xi32> -> vector<16xf32>
      %and3A_2271 = arith.constant -65536 : i32
      %and3A_2272 = vector.broadcast %and3A_2271 : i32 to vector<16xi32>
      %and3A_2273 = arith.andi %bitcast_convert_type3A_2266, %and3A_2272 : vector<16xi32>
      %bitcast_convert_type3A_2274 = tpu.bitcast %and3A_2273 : vector<16xi32> -> vector<16xf32>
      %add3A_2275 = arith.addf %add3A_2241, %bitcast_convert_type3A_2270 : vector<16xf32>
      %add3A_2276 = arith.addf %add3A_2242, %bitcast_convert_type3A_2274 : vector<16xf32>
      %get3A_2277 = arith.constant 62 : i32
      %get3A_2278 = arith.index_cast %rem3A_24 : i32 to index
      %get3A_2279 = arith.index_cast %get3A_2277 : i32 to index
      %get3A_2280 = arith.constant 16 : index
      %get3A_2281 = tpu.vector_load %arg7[%get3A_2278, %get3A_2279, %get3A_2280] {strides = array<i32>} : memref<2x104x32xf32, #tpu.memory_space<vmem>>, vector<1x1x16xf32>,
      %get3A_2282 = vector.shape_cast %get3A_2281 : vector<1x1x16xf32> to vector<16xf32>
      %bitcast_convert_type3A_2283 = tpu.bitcast %get3A_2282 : vector<16xf32> -> vector<16xi32>
      %shift_left3A_2284 = arith.constant 16 : i32
      %shift_left3A_2285 = vector.broadcast %shift_left3A_2284 : i32 to vector<16xi32>
      %shift_left3A_2286 = arith.shli %bitcast_convert_type3A_2283, %shift_left3A_2285 : vector<16xi32>
      %bitcast_convert_type3A_2287 = tpu.bitcast %shift_left3A_2286 : vector<16xi32> -> vector<16xf32>
      %and3A_2288 = arith.constant -65536 : i32
      %and3A_2289 = vector.broadcast %and3A_2288 : i32 to vector<16xi32>
      %and3A_2290 = arith.andi %bitcast_convert_type3A_2283, %and3A_2289 : vector<16xi32>
      %bitcast_convert_type3A_2291 = tpu.bitcast %and3A_2290 : vector<16xi32> -> vector<16xf32>
      %add3A_2292 = arith.addf %add3A_2258, %bitcast_convert_type3A_2287 : vector<16xf32>
      %add3A_2293 = arith.addf %add3A_2259, %bitcast_convert_type3A_2291 : vector<16xf32>
      %get3A_2294 = arith.constant 63 : i32
      %get3A_2295 = arith.index_cast %rem3A_24 : i32 to index
      %get3A_2296 = arith.index_cast %get3A_2294 : i32 to index
      %get3A_2297 = arith.constant 0 : index
      %get3A_2298 = tpu.vector_load %arg7[%get3A_2295, %get3A_2296, %get3A_2297] {strides = array<i32>} : memref<2x104x32xf32, #tpu.memory_space<vmem>>, vector<1x1x16xf32>,
      %get3A_2299 = vector.shape_cast %get3A_2298 : vector<1x1x16xf32> to vector<16xf32>
      %bitcast_convert_type3A_2300 = tpu.bitcast %get3A_2299 : vector<16xf32> -> vector<16xi32>
      %shift_left3A_2301 = arith.constant 16 : i32
      %shift_left3A_2302 = vector.broadcast %shift_left3A_2301 : i32 to vector<16xi32>
      %shift_left3A_2303 = arith.shli %bitcast_convert_type3A_2300, %shift_left3A_2302 : vector<16xi32>
      %bitcast_convert_type3A_2304 = tpu.bitcast %shift_left3A_2303 : vector<16xi32> -> vector<16xf32>
      %and3A_2305 = arith.constant -65536 : i32
      %and3A_2306 = vector.broadcast %and3A_2305 : i32 to vector<16xi32>
      %and3A_2307 = arith.andi %bitcast_convert_type3A_2300, %and3A_2306 : vector<16xi32>
      %bitcast_convert_type3A_2308 = tpu.bitcast %and3A_2307 : vector<16xi32> -> vector<16xf32>
      %add3A_2309 = arith.addf %add3A_2275, %bitcast_convert_type3A_2304 : vector<16xf32>
      %add3A_2310 = arith.addf %add3A_2276, %bitcast_convert_type3A_2308 : vector<16xf32>
      %get3A_2311 = arith.constant 63 : i32
      %get3A_2312 = arith.index_cast %rem3A_24 : i32 to index
      %get3A_2313 = arith.index_cast %get3A_2311 : i32 to index
      %get3A_2314 = arith.constant 16 : index
      %get3A_2315 = tpu.vector_load %arg7[%get3A_2312, %get3A_2313, %get3A_2314] {strides = array<i32>} : memref<2x104x32xf32, #tpu.memory_space<vmem>>, vector<1x1x16xf32>,
      %get3A_2316 = vector.shape_cast %get3A_2315 : vector<1x1x16xf32> to vector<16xf32>
      %bitcast_convert_type3A_2317 = tpu.bitcast %get3A_2316 : vector<16xf32> -> vector<16xi32>
      %shift_left3A_2318 = arith.constant 16 : i32
      %shift_left3A_2319 = vector.broadcast %shift_left3A_2318 : i32 to vector<16xi32>
      %shift_left3A_2320 = arith.shli %bitcast_convert_type3A_2317, %shift_left3A_2319 : vector<16xi32>
      %bitcast_convert_type3A_2321 = tpu.bitcast %shift_left3A_2320 : vector<16xi32> -> vector<16xf32>
      %and3A_2322 = arith.constant -65536 : i32
      %and3A_2323 = vector.broadcast %and3A_2322 : i32 to vector<16xi32>
      %and3A_2324 = arith.andi %bitcast_convert_type3A_2317, %and3A_2323 : vector<16xi32>
      %bitcast_convert_type3A_2325 = tpu.bitcast %and3A_2324 : vector<16xi32> -> vector<16xf32>
      %add3A_2326 = arith.addf %add3A_2292, %bitcast_convert_type3A_2321 : vector<16xf32>
      %add3A_2327 = arith.addf %add3A_2293, %bitcast_convert_type3A_2325 : vector<16xf32>
      %get3A_2328 = arith.constant 64 : i32
      %get3A_2329 = arith.index_cast %rem3A_24 : i32 to index
      %get3A_2330 = arith.index_cast %get3A_2328 : i32 to index
      %get3A_2331 = arith.constant 0 : index
      %get3A_2332 = tpu.vector_load %arg7[%get3A_2329, %get3A_2330, %get3A_2331] {strides = array<i32>} : memref<2x104x32xf32, #tpu.memory_space<vmem>>, vector<1x1x16xf32>,
      %get3A_2333 = vector.shape_cast %get3A_2332 : vector<1x1x16xf32> to vector<16xf32>
      %bitcast_convert_type3A_2334 = tpu.bitcast %get3A_2333 : vector<16xf32> -> vector<16xi32>
      %shift_left3A_2335 = arith.constant 16 : i32
      %shift_left3A_2336 = vector.broadcast %shift_left3A_2335 : i32 to vector<16xi32>
      %shift_left3A_2337 = arith.shli %bitcast_convert_type3A_2334, %shift_left3A_2336 : vector<16xi32>
      %bitcast_convert_type3A_2338 = tpu.bitcast %shift_left3A_2337 : vector<16xi32> -> vector<16xf32>
      %and3A_2339 = arith.constant -65536 : i32
      %and3A_2340 = vector.broadcast %and3A_2339 : i32 to vector<16xi32>
      %and3A_2341 = arith.andi %bitcast_convert_type3A_2334, %and3A_2340 : vector<16xi32>
      %bitcast_convert_type3A_2342 = tpu.bitcast %and3A_2341 : vector<16xi32> -> vector<16xf32>
      %add3A_2343 = arith.addf %add3A_2309, %bitcast_convert_type3A_2338 : vector<16xf32>
      %add3A_2344 = arith.addf %add3A_2310, %bitcast_convert_type3A_2342 : vector<16xf32>
      %get3A_2345 = arith.constant 64 : i32
      %get3A_2346 = arith.index_cast %rem3A_24 : i32 to index
      %get3A_2347 = arith.index_cast %get3A_2345 : i32 to index
      %get3A_2348 = arith.constant 16 : index
      %get3A_2349 = tpu.vector_load %arg7[%get3A_2346, %get3A_2347, %get3A_2348] {strides = array<i32>} : memref<2x104x32xf32, #tpu.memory_space<vmem>>, vector<1x1x16xf32>,
      %get3A_2350 = vector.shape_cast %get3A_2349 : vector<1x1x16xf32> to vector<16xf32>
      %bitcast_convert_type3A_2351 = tpu.bitcast %get3A_2350 : vector<16xf32> -> vector<16xi32>
      %shift_left3A_2352 = arith.constant 16 : i32
      %shift_left3A_2353 = vector.broadcast %shift_left3A_2352 : i32 to vector<16xi32>
      %shift_left3A_2354 = arith.shli %bitcast_convert_type3A_2351, %shift_left3A_2353 : vector<16xi32>
      %bitcast_convert_type3A_2355 = tpu.bitcast %shift_left3A_2354 : vector<16xi32> -> vector<16xf32>
      %and3A_2356 = arith.constant -65536 : i32
      %and3A_2357 = vector.broadcast %and3A_2356 : i32 to vector<16xi32>
      %and3A_2358 = arith.andi %bitcast_convert_type3A_2351, %and3A_2357 : vector<16xi32>
      %bitcast_convert_type3A_2359 = tpu.bitcast %and3A_2358 : vector<16xi32> -> vector<16xf32>
      %add3A_2360 = arith.addf %add3A_2326, %bitcast_convert_type3A_2355 : vector<16xf32>
      %add3A_2361 = arith.addf %add3A_2327, %bitcast_convert_type3A_2359 : vector<16xf32>
      %get3A_2362 = arith.constant 65 : i32
      %get3A_2363 = arith.index_cast %rem3A_24 : i32 to index
      %get3A_2364 = arith.index_cast %get3A_2362 : i32 to index
      %get3A_2365 = arith.constant 0 : index
      %get3A_2366 = tpu.vector_load %arg7[%get3A_2363, %get3A_2364, %get3A_2365] {strides = array<i32>} : memref<2x104x32xf32, #tpu.memory_space<vmem>>, vector<1x1x16xf32>,
      %get3A_2367 = vector.shape_cast %get3A_2366 : vector<1x1x16xf32> to vector<16xf32>
      %bitcast_convert_type3A_2368 = tpu.bitcast %get3A_2367 : vector<16xf32> -> vector<16xi32>
      %shift_left3A_2369 = arith.constant 16 : i32
      %shift_left3A_2370 = vector.broadcast %shift_left3A_2369 : i32 to vector<16xi32>
      %shift_left3A_2371 = arith.shli %bitcast_convert_type3A_2368, %shift_left3A_2370 : vector<16xi32>
      %bitcast_convert_type3A_2372 = tpu.bitcast %shift_left3A_2371 : vector<16xi32> -> vector<16xf32>
      %and3A_2373 = arith.constant -65536 : i32
      %and3A_2374 = vector.broadcast %and3A_2373 : i32 to vector<16xi32>
      %and3A_2375 = arith.andi %bitcast_convert_type3A_2368, %and3A_2374 : vector<16xi32>
      %bitcast_convert_type3A_2376 = tpu.bitcast %and3A_2375 : vector<16xi32> -> vector<16xf32>
      %add3A_2377 = arith.addf %add3A_2343, %bitcast_convert_type3A_2372 : vector<16xf32>
      %add3A_2378 = arith.addf %add3A_2344, %bitcast_convert_type3A_2376 : vector<16xf32>
      %get3A_2379 = arith.constant 65 : i32
      %get3A_2380 = arith.index_cast %rem3A_24 : i32 to index
      %get3A_2381 = arith.index_cast %get3A_2379 : i32 to index
      %get3A_2382 = arith.constant 16 : index
      %get3A_2383 = tpu.vector_load %arg7[%get3A_2380, %get3A_2381, %get3A_2382] {strides = array<i32>} : memref<2x104x32xf32, #tpu.memory_space<vmem>>, vector<1x1x16xf32>,
      %get3A_2384 = vector.shape_cast %get3A_2383 : vector<1x1x16xf32> to vector<16xf32>
      %bitcast_convert_type3A_2385 = tpu.bitcast %get3A_2384 : vector<16xf32> -> vector<16xi32>
      %shift_left3A_2386 = arith.constant 16 : i32
      %shift_left3A_2387 = vector.broadcast %shift_left3A_2386 : i32 to vector<16xi32>
      %shift_left3A_2388 = arith.shli %bitcast_convert_type3A_2385, %shift_left3A_2387 : vector<16xi32>
      %bitcast_convert_type3A_2389 = tpu.bitcast %shift_left3A_2388 : vector<16xi32> -> vector<16xf32>
      %and3A_2390 = arith.constant -65536 : i32
      %and3A_2391 = vector.broadcast %and3A_2390 : i32 to vector<16xi32>
      %and3A_2392 = arith.andi %bitcast_convert_type3A_2385, %and3A_2391 : vector<16xi32>
      %bitcast_convert_type3A_2393 = tpu.bitcast %and3A_2392 : vector<16xi32> -> vector<16xf32>
      %add3A_2394 = arith.addf %add3A_2360, %bitcast_convert_type3A_2389 : vector<16xf32>
      %add3A_2395 = arith.addf %add3A_2361, %bitcast_convert_type3A_2393 : vector<16xf32>
      %get3A_2396 = arith.constant 66 : i32
      %get3A_2397 = arith.index_cast %rem3A_24 : i32 to index
      %get3A_2398 = arith.index_cast %get3A_2396 : i32 to index
      %get3A_2399 = arith.constant 0 : index
      %get3A_2400 = tpu.vector_load %arg7[%get3A_2397, %get3A_2398, %get3A_2399] {strides = array<i32>} : memref<2x104x32xf32, #tpu.memory_space<vmem>>, vector<1x1x16xf32>,
      %get3A_2401 = vector.shape_cast %get3A_2400 : vector<1x1x16xf32> to vector<16xf32>
      %bitcast_convert_type3A_2402 = tpu.bitcast %get3A_2401 : vector<16xf32> -> vector<16xi32>
      %shift_left3A_2403 = arith.constant 16 : i32
      %shift_left3A_2404 = vector.broadcast %shift_left3A_2403 : i32 to vector<16xi32>
      %shift_left3A_2405 = arith.shli %bitcast_convert_type3A_2402, %shift_left3A_2404 : vector<16xi32>
      %bitcast_convert_type3A_2406 = tpu.bitcast %shift_left3A_2405 : vector<16xi32> -> vector<16xf32>
      %and3A_2407 = arith.constant -65536 : i32
      %and3A_2408 = vector.broadcast %and3A_2407 : i32 to vector<16xi32>
      %and3A_2409 = arith.andi %bitcast_convert_type3A_2402, %and3A_2408 : vector<16xi32>
      %bitcast_convert_type3A_2410 = tpu.bitcast %and3A_2409 : vector<16xi32> -> vector<16xf32>
      %add3A_2411 = arith.addf %add3A_2377, %bitcast_convert_type3A_2406 : vector<16xf32>
      %add3A_2412 = arith.addf %add3A_2378, %bitcast_convert_type3A_2410 : vector<16xf32>
      %get3A_2413 = arith.constant 66 : i32
      %get3A_2414 = arith.index_cast %rem3A_24 : i32 to index
      %get3A_2415 = arith.index_cast %get3A_2413 : i32 to index
      %get3A_2416 = arith.constant 16 : index
      %get3A_2417 = tpu.vector_load %arg7[%get3A_2414, %get3A_2415, %get3A_2416] {strides = array<i32>} : memref<2x104x32xf32, #tpu.memory_space<vmem>>, vector<1x1x16xf32>,
      %get3A_2418 = vector.shape_cast %get3A_2417 : vector<1x1x16xf32> to vector<16xf32>
      %bitcast_convert_type3A_2419 = tpu.bitcast %get3A_2418 : vector<16xf32> -> vector<16xi32>
      %shift_left3A_2420 = arith.constant 16 : i32
      %shift_left3A_2421 = vector.broadcast %shift_left3A_2420 : i32 to vector<16xi32>
      %shift_left3A_2422 = arith.shli %bitcast_convert_type3A_2419, %shift_left3A_2421 : vector<16xi32>
      %bitcast_convert_type3A_2423 = tpu.bitcast %shift_left3A_2422 : vector<16xi32> -> vector<16xf32>
      %and3A_2424 = arith.constant -65536 : i32
      %and3A_2425 = vector.broadcast %and3A_2424 : i32 to vector<16xi32>
      %and3A_2426 = arith.andi %bitcast_convert_type3A_2419, %and3A_2425 : vector<16xi32>
      %bitcast_convert_type3A_2427 = tpu.bitcast %and3A_2426 : vector<16xi32> -> vector<16xf32>
      %add3A_2428 = arith.addf %add3A_2394, %bitcast_convert_type3A_2423 : vector<16xf32>
      %add3A_2429 = arith.addf %add3A_2395, %bitcast_convert_type3A_2427 : vector<16xf32>
      %get3A_2430 = arith.constant 67 : i32
      %get3A_2431 = arith.index_cast %rem3A_24 : i32 to index
      %get3A_2432 = arith.index_cast %get3A_2430 : i32 to index
      %get3A_2433 = arith.constant 0 : index
      %get3A_2434 = tpu.vector_load %arg7[%get3A_2431, %get3A_2432, %get3A_2433] {strides = array<i32>} : memref<2x104x32xf32, #tpu.memory_space<vmem>>, vector<1x1x16xf32>,
      %get3A_2435 = vector.shape_cast %get3A_2434 : vector<1x1x16xf32> to vector<16xf32>
      %bitcast_convert_type3A_2436 = tpu.bitcast %get3A_2435 : vector<16xf32> -> vector<16xi32>
      %shift_left3A_2437 = arith.constant 16 : i32
      %shift_left3A_2438 = vector.broadcast %shift_left3A_2437 : i32 to vector<16xi32>
      %shift_left3A_2439 = arith.shli %bitcast_convert_type3A_2436, %shift_left3A_2438 : vector<16xi32>
      %bitcast_convert_type3A_2440 = tpu.bitcast %shift_left3A_2439 : vector<16xi32> -> vector<16xf32>
      %and3A_2441 = arith.constant -65536 : i32
      %and3A_2442 = vector.broadcast %and3A_2441 : i32 to vector<16xi32>
      %and3A_2443 = arith.andi %bitcast_convert_type3A_2436, %and3A_2442 : vector<16xi32>
      %bitcast_convert_type3A_2444 = tpu.bitcast %and3A_2443 : vector<16xi32> -> vector<16xf32>
      %add3A_2445 = arith.addf %add3A_2411, %bitcast_convert_type3A_2440 : vector<16xf32>
      %add3A_2446 = arith.addf %add3A_2412, %bitcast_convert_type3A_2444 : vector<16xf32>
      %get3A_2447 = arith.constant 67 : i32
      %get3A_2448 = arith.index_cast %rem3A_24 : i32 to index
      %get3A_2449 = arith.index_cast %get3A_2447 : i32 to index
      %get3A_2450 = arith.constant 16 : index
      %get3A_2451 = tpu.vector_load %arg7[%get3A_2448, %get3A_2449, %get3A_2450] {strides = array<i32>} : memref<2x104x32xf32, #tpu.memory_space<vmem>>, vector<1x1x16xf32>,
      %get3A_2452 = vector.shape_cast %get3A_2451 : vector<1x1x16xf32> to vector<16xf32>
      %bitcast_convert_type3A_2453 = tpu.bitcast %get3A_2452 : vector<16xf32> -> vector<16xi32>
      %shift_left3A_2454 = arith.constant 16 : i32
      %shift_left3A_2455 = vector.broadcast %shift_left3A_2454 : i32 to vector<16xi32>
      %shift_left3A_2456 = arith.shli %bitcast_convert_type3A_2453, %shift_left3A_2455 : vector<16xi32>
      %bitcast_convert_type3A_2457 = tpu.bitcast %shift_left3A_2456 : vector<16xi32> -> vector<16xf32>
      %and3A_2458 = arith.constant -65536 : i32
      %and3A_2459 = vector.broadcast %and3A_2458 : i32 to vector<16xi32>
      %and3A_2460 = arith.andi %bitcast_convert_type3A_2453, %and3A_2459 : vector<16xi32>
      %bitcast_convert_type3A_2461 = tpu.bitcast %and3A_2460 : vector<16xi32> -> vector<16xf32>
      %add3A_2462 = arith.addf %add3A_2428, %bitcast_convert_type3A_2457 : vector<16xf32>
      %add3A_2463 = arith.addf %add3A_2429, %bitcast_convert_type3A_2461 : vector<16xf32>
      %get3A_2464 = arith.constant 68 : i32
      %get3A_2465 = arith.index_cast %rem3A_24 : i32 to index
      %get3A_2466 = arith.index_cast %get3A_2464 : i32 to index
      %get3A_2467 = arith.constant 0 : index
      %get3A_2468 = tpu.vector_load %arg7[%get3A_2465, %get3A_2466, %get3A_2467] {strides = array<i32>} : memref<2x104x32xf32, #tpu.memory_space<vmem>>, vector<1x1x16xf32>,
      %get3A_2469 = vector.shape_cast %get3A_2468 : vector<1x1x16xf32> to vector<16xf32>
      %bitcast_convert_type3A_2470 = tpu.bitcast %get3A_2469 : vector<16xf32> -> vector<16xi32>
      %shift_left3A_2471 = arith.constant 16 : i32
      %shift_left3A_2472 = vector.broadcast %shift_left3A_2471 : i32 to vector<16xi32>
      %shift_left3A_2473 = arith.shli %bitcast_convert_type3A_2470, %shift_left3A_2472 : vector<16xi32>
      %bitcast_convert_type3A_2474 = tpu.bitcast %shift_left3A_2473 : vector<16xi32> -> vector<16xf32>
      %and3A_2475 = arith.constant -65536 : i32
      %and3A_2476 = vector.broadcast %and3A_2475 : i32 to vector<16xi32>
      %and3A_2477 = arith.andi %bitcast_convert_type3A_2470, %and3A_2476 : vector<16xi32>
      %bitcast_convert_type3A_2478 = tpu.bitcast %and3A_2477 : vector<16xi32> -> vector<16xf32>
      %add3A_2479 = arith.addf %add3A_2445, %bitcast_convert_type3A_2474 : vector<16xf32>
      %add3A_2480 = arith.addf %add3A_2446, %bitcast_convert_type3A_2478 : vector<16xf32>
      %get3A_2481 = arith.constant 68 : i32
      %get3A_2482 = arith.index_cast %rem3A_24 : i32 to index
      %get3A_2483 = arith.index_cast %get3A_2481 : i32 to index
      %get3A_2484 = arith.constant 16 : index
      %get3A_2485 = tpu.vector_load %arg7[%get3A_2482, %get3A_2483, %get3A_2484] {strides = array<i32>} : memref<2x104x32xf32, #tpu.memory_space<vmem>>, vector<1x1x16xf32>,
      %get3A_2486 = vector.shape_cast %get3A_2485 : vector<1x1x16xf32> to vector<16xf32>
      %bitcast_convert_type3A_2487 = tpu.bitcast %get3A_2486 : vector<16xf32> -> vector<16xi32>
      %shift_left3A_2488 = arith.constant 16 : i32
      %shift_left3A_2489 = vector.broadcast %shift_left3A_2488 : i32 to vector<16xi32>
      %shift_left3A_2490 = arith.shli %bitcast_convert_type3A_2487, %shift_left3A_2489 : vector<16xi32>
      %bitcast_convert_type3A_2491 = tpu.bitcast %shift_left3A_2490 : vector<16xi32> -> vector<16xf32>
      %and3A_2492 = arith.constant -65536 : i32
      %and3A_2493 = vector.broadcast %and3A_2492 : i32 to vector<16xi32>
      %and3A_2494 = arith.andi %bitcast_convert_type3A_2487, %and3A_2493 : vector<16xi32>
      %bitcast_convert_type3A_2495 = tpu.bitcast %and3A_2494 : vector<16xi32> -> vector<16xf32>
      %add3A_2496 = arith.addf %add3A_2462, %bitcast_convert_type3A_2491 : vector<16xf32>
      %add3A_2497 = arith.addf %add3A_2463, %bitcast_convert_type3A_2495 : vector<16xf32>
      %get3A_2498 = arith.constant 69 : i32
      %get3A_2499 = arith.index_cast %rem3A_24 : i32 to index
      %get3A_2500 = arith.index_cast %get3A_2498 : i32 to index
      %get3A_2501 = arith.constant 0 : index
      %get3A_2502 = tpu.vector_load %arg7[%get3A_2499, %get3A_2500, %get3A_2501] {strides = array<i32>} : memref<2x104x32xf32, #tpu.memory_space<vmem>>, vector<1x1x16xf32>,
      %get3A_2503 = vector.shape_cast %get3A_2502 : vector<1x1x16xf32> to vector<16xf32>
      %bitcast_convert_type3A_2504 = tpu.bitcast %get3A_2503 : vector<16xf32> -> vector<16xi32>
      %shift_left3A_2505 = arith.constant 16 : i32
      %shift_left3A_2506 = vector.broadcast %shift_left3A_2505 : i32 to vector<16xi32>
      %shift_left3A_2507 = arith.shli %bitcast_convert_type3A_2504, %shift_left3A_2506 : vector<16xi32>
      %bitcast_convert_type3A_2508 = tpu.bitcast %shift_left3A_2507 : vector<16xi32> -> vector<16xf32>
      %and3A_2509 = arith.constant -65536 : i32
      %and3A_2510 = vector.broadcast %and3A_2509 : i32 to vector<16xi32>
      %and3A_2511 = arith.andi %bitcast_convert_type3A_2504, %and3A_2510 : vector<16xi32>
      %bitcast_convert_type3A_2512 = tpu.bitcast %and3A_2511 : vector<16xi32> -> vector<16xf32>
      %add3A_2513 = arith.addf %add3A_2479, %bitcast_convert_type3A_2508 : vector<16xf32>
      %add3A_2514 = arith.addf %add3A_2480, %bitcast_convert_type3A_2512 : vector<16xf32>
      %get3A_2515 = arith.constant 69 : i32
      %get3A_2516 = arith.index_cast %rem3A_24 : i32 to index
      %get3A_2517 = arith.index_cast %get3A_2515 : i32 to index
      %get3A_2518 = arith.constant 16 : index
      %get3A_2519 = tpu.vector_load %arg7[%get3A_2516, %get3A_2517, %get3A_2518] {strides = array<i32>} : memref<2x104x32xf32, #tpu.memory_space<vmem>>, vector<1x1x16xf32>,
      %get3A_2520 = vector.shape_cast %get3A_2519 : vector<1x1x16xf32> to vector<16xf32>
      %bitcast_convert_type3A_2521 = tpu.bitcast %get3A_2520 : vector<16xf32> -> vector<16xi32>
      %shift_left3A_2522 = arith.constant 16 : i32
      %shift_left3A_2523 = vector.broadcast %shift_left3A_2522 : i32 to vector<16xi32>
      %shift_left3A_2524 = arith.shli %bitcast_convert_type3A_2521, %shift_left3A_2523 : vector<16xi32>
      %bitcast_convert_type3A_2525 = tpu.bitcast %shift_left3A_2524 : vector<16xi32> -> vector<16xf32>
      %and3A_2526 = arith.constant -65536 : i32
      %and3A_2527 = vector.broadcast %and3A_2526 : i32 to vector<16xi32>
      %and3A_2528 = arith.andi %bitcast_convert_type3A_2521, %and3A_2527 : vector<16xi32>
      %bitcast_convert_type3A_2529 = tpu.bitcast %and3A_2528 : vector<16xi32> -> vector<16xf32>
      %add3A_2530 = arith.addf %add3A_2496, %bitcast_convert_type3A_2525 : vector<16xf32>
      %add3A_2531 = arith.addf %add3A_2497, %bitcast_convert_type3A_2529 : vector<16xf32>
      %get3A_2532 = arith.constant 70 : i32
      %get3A_2533 = arith.index_cast %rem3A_24 : i32 to index
      %get3A_2534 = arith.index_cast %get3A_2532 : i32 to index
      %get3A_2535 = arith.constant 0 : index
      %get3A_2536 = tpu.vector_load %arg7[%get3A_2533, %get3A_2534, %get3A_2535] {strides = array<i32>} : memref<2x104x32xf32, #tpu.memory_space<vmem>>, vector<1x1x16xf32>,
      %get3A_2537 = vector.shape_cast %get3A_2536 : vector<1x1x16xf32> to vector<16xf32>
      %bitcast_convert_type3A_2538 = tpu.bitcast %get3A_2537 : vector<16xf32> -> vector<16xi32>
      %shift_left3A_2539 = arith.constant 16 : i32
      %shift_left3A_2540 = vector.broadcast %shift_left3A_2539 : i32 to vector<16xi32>
      %shift_left3A_2541 = arith.shli %bitcast_convert_type3A_2538, %shift_left3A_2540 : vector<16xi32>
      %bitcast_convert_type3A_2542 = tpu.bitcast %shift_left3A_2541 : vector<16xi32> -> vector<16xf32>
      %and3A_2543 = arith.constant -65536 : i32
      %and3A_2544 = vector.broadcast %and3A_2543 : i32 to vector<16xi32>
      %and3A_2545 = arith.andi %bitcast_convert_type3A_2538, %and3A_2544 : vector<16xi32>
      %bitcast_convert_type3A_2546 = tpu.bitcast %and3A_2545 : vector<16xi32> -> vector<16xf32>
      %add3A_2547 = arith.addf %add3A_2513, %bitcast_convert_type3A_2542 : vector<16xf32>
      %add3A_2548 = arith.addf %add3A_2514, %bitcast_convert_type3A_2546 : vector<16xf32>
      %get3A_2549 = arith.constant 70 : i32
      %get3A_2550 = arith.index_cast %rem3A_24 : i32 to index
      %get3A_2551 = arith.index_cast %get3A_2549 : i32 to index
      %get3A_2552 = arith.constant 16 : index
      %get3A_2553 = tpu.vector_load %arg7[%get3A_2550, %get3A_2551, %get3A_2552] {strides = array<i32>} : memref<2x104x32xf32, #tpu.memory_space<vmem>>, vector<1x1x16xf32>,
      %get3A_2554 = vector.shape_cast %get3A_2553 : vector<1x1x16xf32> to vector<16xf32>
      %bitcast_convert_type3A_2555 = tpu.bitcast %get3A_2554 : vector<16xf32> -> vector<16xi32>
      %shift_left3A_2556 = arith.constant 16 : i32
      %shift_left3A_2557 = vector.broadcast %shift_left3A_2556 : i32 to vector<16xi32>
      %shift_left3A_2558 = arith.shli %bitcast_convert_type3A_2555, %shift_left3A_2557 : vector<16xi32>
      %bitcast_convert_type3A_2559 = tpu.bitcast %shift_left3A_2558 : vector<16xi32> -> vector<16xf32>
      %and3A_2560 = arith.constant -65536 : i32
      %and3A_2561 = vector.broadcast %and3A_2560 : i32 to vector<16xi32>
      %and3A_2562 = arith.andi %bitcast_convert_type3A_2555, %and3A_2561 : vector<16xi32>
      %bitcast_convert_type3A_2563 = tpu.bitcast %and3A_2562 : vector<16xi32> -> vector<16xf32>
      %add3A_2564 = arith.addf %add3A_2530, %bitcast_convert_type3A_2559 : vector<16xf32>
      %add3A_2565 = arith.addf %add3A_2531, %bitcast_convert_type3A_2563 : vector<16xf32>
      %get3A_2566 = arith.constant 71 : i32
      %get3A_2567 = arith.index_cast %rem3A_24 : i32 to index
      %get3A_2568 = arith.index_cast %get3A_2566 : i32 to index
      %get3A_2569 = arith.constant 0 : index
      %get3A_2570 = tpu.vector_load %arg7[%get3A_2567, %get3A_2568, %get3A_2569] {strides = array<i32>} : memref<2x104x32xf32, #tpu.memory_space<vmem>>, vector<1x1x16xf32>,
      %get3A_2571 = vector.shape_cast %get3A_2570 : vector<1x1x16xf32> to vector<16xf32>
      %bitcast_convert_type3A_2572 = tpu.bitcast %get3A_2571 : vector<16xf32> -> vector<16xi32>
      %shift_left3A_2573 = arith.constant 16 : i32
      %shift_left3A_2574 = vector.broadcast %shift_left3A_2573 : i32 to vector<16xi32>
      %shift_left3A_2575 = arith.shli %bitcast_convert_type3A_2572, %shift_left3A_2574 : vector<16xi32>
      %bitcast_convert_type3A_2576 = tpu.bitcast %shift_left3A_2575 : vector<16xi32> -> vector<16xf32>
      %and3A_2577 = arith.constant -65536 : i32
      %and3A_2578 = vector.broadcast %and3A_2577 : i32 to vector<16xi32>
      %and3A_2579 = arith.andi %bitcast_convert_type3A_2572, %and3A_2578 : vector<16xi32>
      %bitcast_convert_type3A_2580 = tpu.bitcast %and3A_2579 : vector<16xi32> -> vector<16xf32>
      %add3A_2581 = arith.addf %add3A_2547, %bitcast_convert_type3A_2576 : vector<16xf32>
      %add3A_2582 = arith.addf %add3A_2548, %bitcast_convert_type3A_2580 : vector<16xf32>
      %get3A_2583 = arith.constant 71 : i32
      %get3A_2584 = arith.index_cast %rem3A_24 : i32 to index
      %get3A_2585 = arith.index_cast %get3A_2583 : i32 to index
      %get3A_2586 = arith.constant 16 : index
      %get3A_2587 = tpu.vector_load %arg7[%get3A_2584, %get3A_2585, %get3A_2586] {strides = array<i32>} : memref<2x104x32xf32, #tpu.memory_space<vmem>>, vector<1x1x16xf32>,
      %get3A_2588 = vector.shape_cast %get3A_2587 : vector<1x1x16xf32> to vector<16xf32>
      %bitcast_convert_type3A_2589 = tpu.bitcast %get3A_2588 : vector<16xf32> -> vector<16xi32>
      %shift_left3A_2590 = arith.constant 16 : i32
      %shift_left3A_2591 = vector.broadcast %shift_left3A_2590 : i32 to vector<16xi32>
      %shift_left3A_2592 = arith.shli %bitcast_convert_type3A_2589, %shift_left3A_2591 : vector<16xi32>
      %bitcast_convert_type3A_2593 = tpu.bitcast %shift_left3A_2592 : vector<16xi32> -> vector<16xf32>
      %and3A_2594 = arith.constant -65536 : i32
      %and3A_2595 = vector.broadcast %and3A_2594 : i32 to vector<16xi32>
      %and3A_2596 = arith.andi %bitcast_convert_type3A_2589, %and3A_2595 : vector<16xi32>
      %bitcast_convert_type3A_2597 = tpu.bitcast %and3A_2596 : vector<16xi32> -> vector<16xf32>
      %add3A_2598 = arith.addf %add3A_2564, %bitcast_convert_type3A_2593 : vector<16xf32>
      %add3A_2599 = arith.addf %add3A_2565, %bitcast_convert_type3A_2597 : vector<16xf32>
      %get3A_2600 = arith.constant 72 : i32
      %get3A_2601 = arith.index_cast %rem3A_24 : i32 to index
      %get3A_2602 = arith.index_cast %get3A_2600 : i32 to index
      %get3A_2603 = arith.constant 0 : index
      %get3A_2604 = tpu.vector_load %arg7[%get3A_2601, %get3A_2602, %get3A_2603] {strides = array<i32>} : memref<2x104x32xf32, #tpu.memory_space<vmem>>, vector<1x1x16xf32>,
      %get3A_2605 = vector.shape_cast %get3A_2604 : vector<1x1x16xf32> to vector<16xf32>
      %bitcast_convert_type3A_2606 = tpu.bitcast %get3A_2605 : vector<16xf32> -> vector<16xi32>
      %shift_left3A_2607 = arith.constant 16 : i32
      %shift_left3A_2608 = vector.broadcast %shift_left3A_2607 : i32 to vector<16xi32>
      %shift_left3A_2609 = arith.shli %bitcast_convert_type3A_2606, %shift_left3A_2608 : vector<16xi32>
      %bitcast_convert_type3A_2610 = tpu.bitcast %shift_left3A_2609 : vector<16xi32> -> vector<16xf32>
      %and3A_2611 = arith.constant -65536 : i32
      %and3A_2612 = vector.broadcast %and3A_2611 : i32 to vector<16xi32>
      %and3A_2613 = arith.andi %bitcast_convert_type3A_2606, %and3A_2612 : vector<16xi32>
      %bitcast_convert_type3A_2614 = tpu.bitcast %and3A_2613 : vector<16xi32> -> vector<16xf32>
      %add3A_2615 = arith.addf %add3A_2581, %bitcast_convert_type3A_2610 : vector<16xf32>
      %add3A_2616 = arith.addf %add3A_2582, %bitcast_convert_type3A_2614 : vector<16xf32>
      %get3A_2617 = arith.constant 72 : i32
      %get3A_2618 = arith.index_cast %rem3A_24 : i32 to index
      %get3A_2619 = arith.index_cast %get3A_2617 : i32 to index
      %get3A_2620 = arith.constant 16 : index
      %get3A_2621 = tpu.vector_load %arg7[%get3A_2618, %get3A_2619, %get3A_2620] {strides = array<i32>} : memref<2x104x32xf32, #tpu.memory_space<vmem>>, vector<1x1x16xf32>,
      %get3A_2622 = vector.shape_cast %get3A_2621 : vector<1x1x16xf32> to vector<16xf32>
      %bitcast_convert_type3A_2623 = tpu.bitcast %get3A_2622 : vector<16xf32> -> vector<16xi32>
      %shift_left3A_2624 = arith.constant 16 : i32
      %shift_left3A_2625 = vector.broadcast %shift_left3A_2624 : i32 to vector<16xi32>
      %shift_left3A_2626 = arith.shli %bitcast_convert_type3A_2623, %shift_left3A_2625 : vector<16xi32>
      %bitcast_convert_type3A_2627 = tpu.bitcast %shift_left3A_2626 : vector<16xi32> -> vector<16xf32>
      %and3A_2628 = arith.constant -65536 : i32
      %and3A_2629 = vector.broadcast %and3A_2628 : i32 to vector<16xi32>
      %and3A_2630 = arith.andi %bitcast_convert_type3A_2623, %and3A_2629 : vector<16xi32>
      %bitcast_convert_type3A_2631 = tpu.bitcast %and3A_2630 : vector<16xi32> -> vector<16xf32>
      %add3A_2632 = arith.addf %add3A_2598, %bitcast_convert_type3A_2627 : vector<16xf32>
      %add3A_2633 = arith.addf %add3A_2599, %bitcast_convert_type3A_2631 : vector<16xf32>
      %get3A_2634 = arith.constant 73 : i32
      %get3A_2635 = arith.index_cast %rem3A_24 : i32 to index
      %get3A_2636 = arith.index_cast %get3A_2634 : i32 to index
      %get3A_2637 = arith.constant 0 : index
      %get3A_2638 = tpu.vector_load %arg7[%get3A_2635, %get3A_2636, %get3A_2637] {strides = array<i32>} : memref<2x104x32xf32, #tpu.memory_space<vmem>>, vector<1x1x16xf32>,
      %get3A_2639 = vector.shape_cast %get3A_2638 : vector<1x1x16xf32> to vector<16xf32>
      %bitcast_convert_type3A_2640 = tpu.bitcast %get3A_2639 : vector<16xf32> -> vector<16xi32>
      %shift_left3A_2641 = arith.constant 16 : i32
      %shift_left3A_2642 = vector.broadcast %shift_left3A_2641 : i32 to vector<16xi32>
      %shift_left3A_2643 = arith.shli %bitcast_convert_type3A_2640, %shift_left3A_2642 : vector<16xi32>
      %bitcast_convert_type3A_2644 = tpu.bitcast %shift_left3A_2643 : vector<16xi32> -> vector<16xf32>
      %and3A_2645 = arith.constant -65536 : i32
      %and3A_2646 = vector.broadcast %and3A_2645 : i32 to vector<16xi32>
      %and3A_2647 = arith.andi %bitcast_convert_type3A_2640, %and3A_2646 : vector<16xi32>
      %bitcast_convert_type3A_2648 = tpu.bitcast %and3A_2647 : vector<16xi32> -> vector<16xf32>
      %add3A_2649 = arith.addf %add3A_2615, %bitcast_convert_type3A_2644 : vector<16xf32>
      %add3A_2650 = arith.addf %add3A_2616, %bitcast_convert_type3A_2648 : vector<16xf32>
      %get3A_2651 = arith.constant 73 : i32
      %get3A_2652 = arith.index_cast %rem3A_24 : i32 to index
      %get3A_2653 = arith.index_cast %get3A_2651 : i32 to index
      %get3A_2654 = arith.constant 16 : index
      %get3A_2655 = tpu.vector_load %arg7[%get3A_2652, %get3A_2653, %get3A_2654] {strides = array<i32>} : memref<2x104x32xf32, #tpu.memory_space<vmem>>, vector<1x1x16xf32>,
      %get3A_2656 = vector.shape_cast %get3A_2655 : vector<1x1x16xf32> to vector<16xf32>
      %bitcast_convert_type3A_2657 = tpu.bitcast %get3A_2656 : vector<16xf32> -> vector<16xi32>
      %shift_left3A_2658 = arith.constant 16 : i32
      %shift_left3A_2659 = vector.broadcast %shift_left3A_2658 : i32 to vector<16xi32>
      %shift_left3A_2660 = arith.shli %bitcast_convert_type3A_2657, %shift_left3A_2659 : vector<16xi32>
      %bitcast_convert_type3A_2661 = tpu.bitcast %shift_left3A_2660 : vector<16xi32> -> vector<16xf32>
      %and3A_2662 = arith.constant -65536 : i32
      %and3A_2663 = vector.broadcast %and3A_2662 : i32 to vector<16xi32>
      %and3A_2664 = arith.andi %bitcast_convert_type3A_2657, %and3A_2663 : vector<16xi32>
      %bitcast_convert_type3A_2665 = tpu.bitcast %and3A_2664 : vector<16xi32> -> vector<16xf32>
      %add3A_2666 = arith.addf %add3A_2632, %bitcast_convert_type3A_2661 : vector<16xf32>
      %add3A_2667 = arith.addf %add3A_2633, %bitcast_convert_type3A_2665 : vector<16xf32>
      %get3A_2668 = arith.constant 74 : i32
      %get3A_2669 = arith.index_cast %rem3A_24 : i32 to index
      %get3A_2670 = arith.index_cast %get3A_2668 : i32 to index
      %get3A_2671 = arith.constant 0 : index
      %get3A_2672 = tpu.vector_load %arg7[%get3A_2669, %get3A_2670, %get3A_2671] {strides = array<i32>} : memref<2x104x32xf32, #tpu.memory_space<vmem>>, vector<1x1x16xf32>,
      %get3A_2673 = vector.shape_cast %get3A_2672 : vector<1x1x16xf32> to vector<16xf32>
      %bitcast_convert_type3A_2674 = tpu.bitcast %get3A_2673 : vector<16xf32> -> vector<16xi32>
      %shift_left3A_2675 = arith.constant 16 : i32
      %shift_left3A_2676 = vector.broadcast %shift_left3A_2675 : i32 to vector<16xi32>
      %shift_left3A_2677 = arith.shli %bitcast_convert_type3A_2674, %shift_left3A_2676 : vector<16xi32>
      %bitcast_convert_type3A_2678 = tpu.bitcast %shift_left3A_2677 : vector<16xi32> -> vector<16xf32>
      %and3A_2679 = arith.constant -65536 : i32
      %and3A_2680 = vector.broadcast %and3A_2679 : i32 to vector<16xi32>
      %and3A_2681 = arith.andi %bitcast_convert_type3A_2674, %and3A_2680 : vector<16xi32>
      %bitcast_convert_type3A_2682 = tpu.bitcast %and3A_2681 : vector<16xi32> -> vector<16xf32>
      %add3A_2683 = arith.addf %add3A_2649, %bitcast_convert_type3A_2678 : vector<16xf32>
      %add3A_2684 = arith.addf %add3A_2650, %bitcast_convert_type3A_2682 : vector<16xf32>
      %get3A_2685 = arith.constant 74 : i32
      %get3A_2686 = arith.index_cast %rem3A_24 : i32 to index
      %get3A_2687 = arith.index_cast %get3A_2685 : i32 to index
      %get3A_2688 = arith.constant 16 : index
      %get3A_2689 = tpu.vector_load %arg7[%get3A_2686, %get3A_2687, %get3A_2688] {strides = array<i32>} : memref<2x104x32xf32, #tpu.memory_space<vmem>>, vector<1x1x16xf32>,
      %get3A_2690 = vector.shape_cast %get3A_2689 : vector<1x1x16xf32> to vector<16xf32>
      %bitcast_convert_type3A_2691 = tpu.bitcast %get3A_2690 : vector<16xf32> -> vector<16xi32>
      %shift_left3A_2692 = arith.constant 16 : i32
      %shift_left3A_2693 = vector.broadcast %shift_left3A_2692 : i32 to vector<16xi32>
      %shift_left3A_2694 = arith.shli %bitcast_convert_type3A_2691, %shift_left3A_2693 : vector<16xi32>
      %bitcast_convert_type3A_2695 = tpu.bitcast %shift_left3A_2694 : vector<16xi32> -> vector<16xf32>
      %and3A_2696 = arith.constant -65536 : i32
      %and3A_2697 = vector.broadcast %and3A_2696 : i32 to vector<16xi32>
      %and3A_2698 = arith.andi %bitcast_convert_type3A_2691, %and3A_2697 : vector<16xi32>
      %bitcast_convert_type3A_2699 = tpu.bitcast %and3A_2698 : vector<16xi32> -> vector<16xf32>
      %add3A_2700 = arith.addf %add3A_2666, %bitcast_convert_type3A_2695 : vector<16xf32>
      %add3A_2701 = arith.addf %add3A_2667, %bitcast_convert_type3A_2699 : vector<16xf32>
      %get3A_2702 = arith.constant 75 : i32
      %get3A_2703 = arith.index_cast %rem3A_24 : i32 to index
      %get3A_2704 = arith.index_cast %get3A_2702 : i32 to index
      %get3A_2705 = arith.constant 0 : index
      %get3A_2706 = tpu.vector_load %arg7[%get3A_2703, %get3A_2704, %get3A_2705] {strides = array<i32>} : memref<2x104x32xf32, #tpu.memory_space<vmem>>, vector<1x1x16xf32>,
      %get3A_2707 = vector.shape_cast %get3A_2706 : vector<1x1x16xf32> to vector<16xf32>
      %bitcast_convert_type3A_2708 = tpu.bitcast %get3A_2707 : vector<16xf32> -> vector<16xi32>
      %shift_left3A_2709 = arith.constant 16 : i32
      %shift_left3A_2710 = vector.broadcast %shift_left3A_2709 : i32 to vector<16xi32>
      %shift_left3A_2711 = arith.shli %bitcast_convert_type3A_2708, %shift_left3A_2710 : vector<16xi32>
      %bitcast_convert_type3A_2712 = tpu.bitcast %shift_left3A_2711 : vector<16xi32> -> vector<16xf32>
      %and3A_2713 = arith.constant -65536 : i32
      %and3A_2714 = vector.broadcast %and3A_2713 : i32 to vector<16xi32>
      %and3A_2715 = arith.andi %bitcast_convert_type3A_2708, %and3A_2714 : vector<16xi32>
      %bitcast_convert_type3A_2716 = tpu.bitcast %and3A_2715 : vector<16xi32> -> vector<16xf32>
      %add3A_2717 = arith.addf %add3A_2683, %bitcast_convert_type3A_2712 : vector<16xf32>
      %add3A_2718 = arith.addf %add3A_2684, %bitcast_convert_type3A_2716 : vector<16xf32>
      %get3A_2719 = arith.constant 75 : i32
      %get3A_2720 = arith.index_cast %rem3A_24 : i32 to index
      %get3A_2721 = arith.index_cast %get3A_2719 : i32 to index
      %get3A_2722 = arith.constant 16 : index
      %get3A_2723 = tpu.vector_load %arg7[%get3A_2720, %get3A_2721, %get3A_2722] {strides = array<i32>} : memref<2x104x32xf32, #tpu.memory_space<vmem>>, vector<1x1x16xf32>,
      %get3A_2724 = vector.shape_cast %get3A_2723 : vector<1x1x16xf32> to vector<16xf32>
      %bitcast_convert_type3A_2725 = tpu.bitcast %get3A_2724 : vector<16xf32> -> vector<16xi32>
      %shift_left3A_2726 = arith.constant 16 : i32
      %shift_left3A_2727 = vector.broadcast %shift_left3A_2726 : i32 to vector<16xi32>
      %shift_left3A_2728 = arith.shli %bitcast_convert_type3A_2725, %shift_left3A_2727 : vector<16xi32>
      %bitcast_convert_type3A_2729 = tpu.bitcast %shift_left3A_2728 : vector<16xi32> -> vector<16xf32>
      %and3A_2730 = arith.constant -65536 : i32
      %and3A_2731 = vector.broadcast %and3A_2730 : i32 to vector<16xi32>
      %and3A_2732 = arith.andi %bitcast_convert_type3A_2725, %and3A_2731 : vector<16xi32>
      %bitcast_convert_type3A_2733 = tpu.bitcast %and3A_2732 : vector<16xi32> -> vector<16xf32>
      %add3A_2734 = arith.addf %add3A_2700, %bitcast_convert_type3A_2729 : vector<16xf32>
      %add3A_2735 = arith.addf %add3A_2701, %bitcast_convert_type3A_2733 : vector<16xf32>
      %get3A_2736 = arith.constant 76 : i32
      %get3A_2737 = arith.index_cast %rem3A_24 : i32 to index
      %get3A_2738 = arith.index_cast %get3A_2736 : i32 to index
      %get3A_2739 = arith.constant 0 : index
      %get3A_2740 = tpu.vector_load %arg7[%get3A_2737, %get3A_2738, %get3A_2739] {strides = array<i32>} : memref<2x104x32xf32, #tpu.memory_space<vmem>>, vector<1x1x16xf32>,
      %get3A_2741 = vector.shape_cast %get3A_2740 : vector<1x1x16xf32> to vector<16xf32>
      %bitcast_convert_type3A_2742 = tpu.bitcast %get3A_2741 : vector<16xf32> -> vector<16xi32>
      %shift_left3A_2743 = arith.constant 16 : i32
      %shift_left3A_2744 = vector.broadcast %shift_left3A_2743 : i32 to vector<16xi32>
      %shift_left3A_2745 = arith.shli %bitcast_convert_type3A_2742, %shift_left3A_2744 : vector<16xi32>
      %bitcast_convert_type3A_2746 = tpu.bitcast %shift_left3A_2745 : vector<16xi32> -> vector<16xf32>
      %and3A_2747 = arith.constant -65536 : i32
      %and3A_2748 = vector.broadcast %and3A_2747 : i32 to vector<16xi32>
      %and3A_2749 = arith.andi %bitcast_convert_type3A_2742, %and3A_2748 : vector<16xi32>
      %bitcast_convert_type3A_2750 = tpu.bitcast %and3A_2749 : vector<16xi32> -> vector<16xf32>
      %add3A_2751 = arith.addf %add3A_2717, %bitcast_convert_type3A_2746 : vector<16xf32>
      %add3A_2752 = arith.addf %add3A_2718, %bitcast_convert_type3A_2750 : vector<16xf32>
      %get3A_2753 = arith.constant 76 : i32
      %get3A_2754 = arith.index_cast %rem3A_24 : i32 to index
      %get3A_2755 = arith.index_cast %get3A_2753 : i32 to index
      %get3A_2756 = arith.constant 16 : index
      %get3A_2757 = tpu.vector_load %arg7[%get3A_2754, %get3A_2755, %get3A_2756] {strides = array<i32>} : memref<2x104x32xf32, #tpu.memory_space<vmem>>, vector<1x1x16xf32>,
      %get3A_2758 = vector.shape_cast %get3A_2757 : vector<1x1x16xf32> to vector<16xf32>
      %bitcast_convert_type3A_2759 = tpu.bitcast %get3A_2758 : vector<16xf32> -> vector<16xi32>
      %shift_left3A_2760 = arith.constant 16 : i32
      %shift_left3A_2761 = vector.broadcast %shift_left3A_2760 : i32 to vector<16xi32>
      %shift_left3A_2762 = arith.shli %bitcast_convert_type3A_2759, %shift_left3A_2761 : vector<16xi32>
      %bitcast_convert_type3A_2763 = tpu.bitcast %shift_left3A_2762 : vector<16xi32> -> vector<16xf32>
      %and3A_2764 = arith.constant -65536 : i32
      %and3A_2765 = vector.broadcast %and3A_2764 : i32 to vector<16xi32>
      %and3A_2766 = arith.andi %bitcast_convert_type3A_2759, %and3A_2765 : vector<16xi32>
      %bitcast_convert_type3A_2767 = tpu.bitcast %and3A_2766 : vector<16xi32> -> vector<16xf32>
      %add3A_2768 = arith.addf %add3A_2734, %bitcast_convert_type3A_2763 : vector<16xf32>
      %add3A_2769 = arith.addf %add3A_2735, %bitcast_convert_type3A_2767 : vector<16xf32>
      %get3A_2770 = arith.constant 77 : i32
      %get3A_2771 = arith.index_cast %rem3A_24 : i32 to index
      %get3A_2772 = arith.index_cast %get3A_2770 : i32 to index
      %get3A_2773 = arith.constant 0 : index
      %get3A_2774 = tpu.vector_load %arg7[%get3A_2771, %get3A_2772, %get3A_2773] {strides = array<i32>} : memref<2x104x32xf32, #tpu.memory_space<vmem>>, vector<1x1x16xf32>,
      %get3A_2775 = vector.shape_cast %get3A_2774 : vector<1x1x16xf32> to vector<16xf32>
      %bitcast_convert_type3A_2776 = tpu.bitcast %get3A_2775 : vector<16xf32> -> vector<16xi32>
      %shift_left3A_2777 = arith.constant 16 : i32
      %shift_left3A_2778 = vector.broadcast %shift_left3A_2777 : i32 to vector<16xi32>
      %shift_left3A_2779 = arith.shli %bitcast_convert_type3A_2776, %shift_left3A_2778 : vector<16xi32>
      %bitcast_convert_type3A_2780 = tpu.bitcast %shift_left3A_2779 : vector<16xi32> -> vector<16xf32>
      %and3A_2781 = arith.constant -65536 : i32
      %and3A_2782 = vector.broadcast %and3A_2781 : i32 to vector<16xi32>
      %and3A_2783 = arith.andi %bitcast_convert_type3A_2776, %and3A_2782 : vector<16xi32>
      %bitcast_convert_type3A_2784 = tpu.bitcast %and3A_2783 : vector<16xi32> -> vector<16xf32>
      %add3A_2785 = arith.addf %add3A_2751, %bitcast_convert_type3A_2780 : vector<16xf32>
      %add3A_2786 = arith.addf %add3A_2752, %bitcast_convert_type3A_2784 : vector<16xf32>
      %get3A_2787 = arith.constant 77 : i32
      %get3A_2788 = arith.index_cast %rem3A_24 : i32 to index
      %get3A_2789 = arith.index_cast %get3A_2787 : i32 to index
      %get3A_2790 = arith.constant 16 : index
      %get3A_2791 = tpu.vector_load %arg7[%get3A_2788, %get3A_2789, %get3A_2790] {strides = array<i32>} : memref<2x104x32xf32, #tpu.memory_space<vmem>>, vector<1x1x16xf32>,
      %get3A_2792 = vector.shape_cast %get3A_2791 : vector<1x1x16xf32> to vector<16xf32>
      %bitcast_convert_type3A_2793 = tpu.bitcast %get3A_2792 : vector<16xf32> -> vector<16xi32>
      %shift_left3A_2794 = arith.constant 16 : i32
      %shift_left3A_2795 = vector.broadcast %shift_left3A_2794 : i32 to vector<16xi32>
      %shift_left3A_2796 = arith.shli %bitcast_convert_type3A_2793, %shift_left3A_2795 : vector<16xi32>
      %bitcast_convert_type3A_2797 = tpu.bitcast %shift_left3A_2796 : vector<16xi32> -> vector<16xf32>
      %and3A_2798 = arith.constant -65536 : i32
      %and3A_2799 = vector.broadcast %and3A_2798 : i32 to vector<16xi32>
      %and3A_2800 = arith.andi %bitcast_convert_type3A_2793, %and3A_2799 : vector<16xi32>
      %bitcast_convert_type3A_2801 = tpu.bitcast %and3A_2800 : vector<16xi32> -> vector<16xf32>
      %add3A_2802 = arith.addf %add3A_2768, %bitcast_convert_type3A_2797 : vector<16xf32>
      %add3A_2803 = arith.addf %add3A_2769, %bitcast_convert_type3A_2801 : vector<16xf32>
      %mul3A_2804 = arith.constant 4 : i32
      %mul3A_2805 = arith.muli %scan3A_22, %mul3A_2804 : i32
      %add3A_2806 = arith.constant 2 : i32
      %add3A_2807 = arith.addi %mul3A_2805, %add3A_2806 : i32
      %mul3A_2808 = arith.constant 64 : i32
      %mul3A_2809 = arith.muli %add3A_2807, %mul3A_2808 : i32
      %get3A_2810 = arith.constant 0 : i32
      %get3A_2811 = arith.index_cast %get3A_2810 : i32 to index
      %get3A_2812 = arith.constant 0 : index
      %get3A_2813 = tpu.vector_load %arg9[%get3A_2811, %get3A_2812] {strides = array<i32>} : memref<4x16xf32, #tpu.memory_space<vmem>>, vector<1x16xf32>,
      %get3A_2814 = vector.shape_cast %get3A_2813 : vector<1x16xf32> to vector<16xf32>
      %add3A_2815 = arith.addf %add3A_2785, %get3A_2814 : vector<16xf32>
      %max3A_2816 = arith.constant 0.000000e+00 : f32
      %max3A_2817 = vector.broadcast %max3A_2816 : f32 to vector<16xf32>
      %max3A_2818 = arith.maximumf %add3A_2815, %max3A_2817 : vector<16xf32>
      %add3A_2819 = arith.constant 0 : i32
      %add3A_2820 = arith.addi %mul3A_2809, %add3A_2819 : i32
      %swap3A_2821 = arith.index_cast %add3A_2820 : i32 to index
      %swap3A_2822 = tpu.vector_load %arg8[%swap3A_2821] {strides = array<i32>} : memref<32768xf32, #tpu.memory_space<vmem>>, vector<16xf32>,
      %swap3A_2823 = vector.shape_cast %swap3A_2822 : vector<16xf32> to vector<16xf32>
      %swap3A_2824 = vector.shape_cast %max3A_2818 : vector<16xf32> to vector<16xf32>
      tpu.vector_store %arg8[%swap3A_2821], %swap3A_2824 {strides = array<i32>} : memref<32768xf32, #tpu.memory_space<vmem>>, vector<16xf32>,
      %get3A_2825 = arith.constant 1 : i32
      %get3A_2826 = arith.index_cast %get3A_2825 : i32 to index
      %get3A_2827 = arith.constant 0 : index
      %get3A_2828 = tpu.vector_load %arg9[%get3A_2826, %get3A_2827] {strides = array<i32>} : memref<4x16xf32, #tpu.memory_space<vmem>>, vector<1x16xf32>,
      %get3A_2829 = vector.shape_cast %get3A_2828 : vector<1x16xf32> to vector<16xf32>
      %add3A_2830 = arith.addf %add3A_2786, %get3A_2829 : vector<16xf32>
      %max3A_2831 = arith.constant 0.000000e+00 : f32
      %max3A_2832 = vector.broadcast %max3A_2831 : f32 to vector<16xf32>
      %max3A_2833 = arith.maximumf %add3A_2830, %max3A_2832 : vector<16xf32>
      %add3A_2834 = arith.constant 16 : i32
      %add3A_2835 = arith.addi %mul3A_2809, %add3A_2834 : i32
      %swap3A_2836 = arith.index_cast %add3A_2835 : i32 to index
      %swap3A_2837 = tpu.vector_load %arg8[%swap3A_2836] {strides = array<i32>} : memref<32768xf32, #tpu.memory_space<vmem>>, vector<16xf32>,
      %swap3A_2838 = vector.shape_cast %swap3A_2837 : vector<16xf32> to vector<16xf32>
      %swap3A_2839 = vector.shape_cast %max3A_2833 : vector<16xf32> to vector<16xf32>
      tpu.vector_store %arg8[%swap3A_2836], %swap3A_2839 {strides = array<i32>} : memref<32768xf32, #tpu.memory_space<vmem>>, vector<16xf32>,
      %get3A_2840 = arith.constant 2 : i32
      %get3A_2841 = arith.index_cast %get3A_2840 : i32 to index
      %get3A_2842 = arith.constant 0 : index
      %get3A_2843 = tpu.vector_load %arg9[%get3A_2841, %get3A_2842] {strides = array<i32>} : memref<4x16xf32, #tpu.memory_space<vmem>>, vector<1x16xf32>,
      %get3A_2844 = vector.shape_cast %get3A_2843 : vector<1x16xf32> to vector<16xf32>
      %add3A_2845 = arith.addf %add3A_2802, %get3A_2844 : vector<16xf32>
      %max3A_2846 = arith.constant 0.000000e+00 : f32
      %max3A_2847 = vector.broadcast %max3A_2846 : f32 to vector<16xf32>
      %max3A_2848 = arith.maximumf %add3A_2845, %max3A_2847 : vector<16xf32>
      %add3A_2849 = arith.constant 32 : i32
      %add3A_2850 = arith.addi %mul3A_2809, %add3A_2849 : i32
      %swap3A_2851 = arith.index_cast %add3A_2850 : i32 to index
      %swap3A_2852 = tpu.vector_load %arg8[%swap3A_2851] {strides = array<i32>} : memref<32768xf32, #tpu.memory_space<vmem>>, vector<16xf32>,
      %swap3A_2853 = vector.shape_cast %swap3A_2852 : vector<16xf32> to vector<16xf32>
      %swap3A_2854 = vector.shape_cast %max3A_2848 : vector<16xf32> to vector<16xf32>
      tpu.vector_store %arg8[%swap3A_2851], %swap3A_2854 {strides = array<i32>} : memref<32768xf32, #tpu.memory_space<vmem>>, vector<16xf32>,
      %get3A_2855 = arith.constant 3 : i32
      %get3A_2856 = arith.index_cast %get3A_2855 : i32 to index
      %get3A_2857 = arith.constant 0 : index
      %get3A_2858 = tpu.vector_load %arg9[%get3A_2856, %get3A_2857] {strides = array<i32>} : memref<4x16xf32, #tpu.memory_space<vmem>>, vector<1x16xf32>,
      %get3A_2859 = vector.shape_cast %get3A_2858 : vector<1x16xf32> to vector<16xf32>
      %add3A_2860 = arith.addf %add3A_2803, %get3A_2859 : vector<16xf32>
      %max3A_2861 = arith.constant 0.000000e+00 : f32
      %max3A_2862 = vector.broadcast %max3A_2861 : f32 to vector<16xf32>
      %max3A_2863 = arith.maximumf %add3A_2860, %max3A_2862 : vector<16xf32>
      %add3A_2864 = arith.constant 48 : i32
      %add3A_2865 = arith.addi %mul3A_2809, %add3A_2864 : i32
      %swap3A_2866 = arith.index_cast %add3A_2865 : i32 to index
      %swap3A_2867 = tpu.vector_load %arg8[%swap3A_2866] {strides = array<i32>} : memref<32768xf32, #tpu.memory_space<vmem>>, vector<16xf32>,
      %swap3A_2868 = vector.shape_cast %swap3A_2867 : vector<16xf32> to vector<16xf32>
      %swap3A_2869 = vector.shape_cast %max3A_2863 : vector<16xf32> to vector<16xf32>
      tpu.vector_store %arg8[%swap3A_2866], %swap3A_2869 {strides = array<i32>} : memref<32768xf32, #tpu.memory_space<vmem>>, vector<16xf32>,
      %get3A_2870 = arith.constant 78 : i32
      %get3A_2871 = arith.index_cast %rem3A_24 : i32 to index
      %get3A_2872 = arith.index_cast %get3A_2870 : i32 to index
      %get3A_2873 = arith.constant 0 : index
      %get3A_2874 = tpu.vector_load %arg7[%get3A_2871, %get3A_2872, %get3A_2873] {strides = array<i32>} : memref<2x104x32xf32, #tpu.memory_space<vmem>>, vector<1x1x16xf32>,
      %get3A_2875 = vector.shape_cast %get3A_2874 : vector<1x1x16xf32> to vector<16xf32>
      %bitcast_convert_type3A_2876 = tpu.bitcast %get3A_2875 : vector<16xf32> -> vector<16xi32>
      %shift_left3A_2877 = arith.constant 16 : i32
      %shift_left3A_2878 = vector.broadcast %shift_left3A_2877 : i32 to vector<16xi32>
      %shift_left3A_2879 = arith.shli %bitcast_convert_type3A_2876, %shift_left3A_2878 : vector<16xi32>
      %bitcast_convert_type3A_2880 = tpu.bitcast %shift_left3A_2879 : vector<16xi32> -> vector<16xf32>
      %and3A_2881 = arith.constant -65536 : i32
      %and3A_2882 = vector.broadcast %and3A_2881 : i32 to vector<16xi32>
      %and3A_2883 = arith.andi %bitcast_convert_type3A_2876, %and3A_2882 : vector<16xi32>
      %bitcast_convert_type3A_2884 = tpu.bitcast %and3A_2883 : vector<16xi32> -> vector<16xf32>
      %get3A_2885 = arith.constant 78 : i32
      %get3A_2886 = arith.index_cast %rem3A_24 : i32 to index
      %get3A_2887 = arith.index_cast %get3A_2885 : i32 to index
      %get3A_2888 = arith.constant 16 : index
      %get3A_2889 = tpu.vector_load %arg7[%get3A_2886, %get3A_2887, %get3A_2888] {strides = array<i32>} : memref<2x104x32xf32, #tpu.memory_space<vmem>>, vector<1x1x16xf32>,
      %get3A_2890 = vector.shape_cast %get3A_2889 : vector<1x1x16xf32> to vector<16xf32>
      %bitcast_convert_type3A_2891 = tpu.bitcast %get3A_2890 : vector<16xf32> -> vector<16xi32>
      %shift_left3A_2892 = arith.constant 16 : i32
      %shift_left3A_2893 = vector.broadcast %shift_left3A_2892 : i32 to vector<16xi32>
      %shift_left3A_2894 = arith.shli %bitcast_convert_type3A_2891, %shift_left3A_2893 : vector<16xi32>
      %bitcast_convert_type3A_2895 = tpu.bitcast %shift_left3A_2894 : vector<16xi32> -> vector<16xf32>
      %and3A_2896 = arith.constant -65536 : i32
      %and3A_2897 = vector.broadcast %and3A_2896 : i32 to vector<16xi32>
      %and3A_2898 = arith.andi %bitcast_convert_type3A_2891, %and3A_2897 : vector<16xi32>
      %bitcast_convert_type3A_2899 = tpu.bitcast %and3A_2898 : vector<16xi32> -> vector<16xf32>
      %get3A_2900 = arith.constant 79 : i32
      %get3A_2901 = arith.index_cast %rem3A_24 : i32 to index
      %get3A_2902 = arith.index_cast %get3A_2900 : i32 to index
      %get3A_2903 = arith.constant 0 : index
      %get3A_2904 = tpu.vector_load %arg7[%get3A_2901, %get3A_2902, %get3A_2903] {strides = array<i32>} : memref<2x104x32xf32, #tpu.memory_space<vmem>>, vector<1x1x16xf32>,
      %get3A_2905 = vector.shape_cast %get3A_2904 : vector<1x1x16xf32> to vector<16xf32>
      %bitcast_convert_type3A_2906 = tpu.bitcast %get3A_2905 : vector<16xf32> -> vector<16xi32>
      %shift_left3A_2907 = arith.constant 16 : i32
      %shift_left3A_2908 = vector.broadcast %shift_left3A_2907 : i32 to vector<16xi32>
      %shift_left3A_2909 = arith.shli %bitcast_convert_type3A_2906, %shift_left3A_2908 : vector<16xi32>
      %bitcast_convert_type3A_2910 = tpu.bitcast %shift_left3A_2909 : vector<16xi32> -> vector<16xf32>
      %and3A_2911 = arith.constant -65536 : i32
      %and3A_2912 = vector.broadcast %and3A_2911 : i32 to vector<16xi32>
      %and3A_2913 = arith.andi %bitcast_convert_type3A_2906, %and3A_2912 : vector<16xi32>
      %bitcast_convert_type3A_2914 = tpu.bitcast %and3A_2913 : vector<16xi32> -> vector<16xf32>
      %add3A_2915 = arith.addf %bitcast_convert_type3A_2880, %bitcast_convert_type3A_2910 : vector<16xf32>
      %add3A_2916 = arith.addf %bitcast_convert_type3A_2884, %bitcast_convert_type3A_2914 : vector<16xf32>
      %get3A_2917 = arith.constant 79 : i32
      %get3A_2918 = arith.index_cast %rem3A_24 : i32 to index
      %get3A_2919 = arith.index_cast %get3A_2917 : i32 to index
      %get3A_2920 = arith.constant 16 : index
      %get3A_2921 = tpu.vector_load %arg7[%get3A_2918, %get3A_2919, %get3A_2920] {strides = array<i32>} : memref<2x104x32xf32, #tpu.memory_space<vmem>>, vector<1x1x16xf32>,
      %get3A_2922 = vector.shape_cast %get3A_2921 : vector<1x1x16xf32> to vector<16xf32>
      %bitcast_convert_type3A_2923 = tpu.bitcast %get3A_2922 : vector<16xf32> -> vector<16xi32>
      %shift_left3A_2924 = arith.constant 16 : i32
      %shift_left3A_2925 = vector.broadcast %shift_left3A_2924 : i32 to vector<16xi32>
      %shift_left3A_2926 = arith.shli %bitcast_convert_type3A_2923, %shift_left3A_2925 : vector<16xi32>
      %bitcast_convert_type3A_2927 = tpu.bitcast %shift_left3A_2926 : vector<16xi32> -> vector<16xf32>
      %and3A_2928 = arith.constant -65536 : i32
      %and3A_2929 = vector.broadcast %and3A_2928 : i32 to vector<16xi32>
      %and3A_2930 = arith.andi %bitcast_convert_type3A_2923, %and3A_2929 : vector<16xi32>
      %bitcast_convert_type3A_2931 = tpu.bitcast %and3A_2930 : vector<16xi32> -> vector<16xf32>
      %add3A_2932 = arith.addf %bitcast_convert_type3A_2895, %bitcast_convert_type3A_2927 : vector<16xf32>
      %add3A_2933 = arith.addf %bitcast_convert_type3A_2899, %bitcast_convert_type3A_2931 : vector<16xf32>
      %get3A_2934 = arith.constant 80 : i32
      %get3A_2935 = arith.index_cast %rem3A_24 : i32 to index
      %get3A_2936 = arith.index_cast %get3A_2934 : i32 to index
      %get3A_2937 = arith.constant 0 : index
      %get3A_2938 = tpu.vector_load %arg7[%get3A_2935, %get3A_2936, %get3A_2937] {strides = array<i32>} : memref<2x104x32xf32, #tpu.memory_space<vmem>>, vector<1x1x16xf32>,
      %get3A_2939 = vector.shape_cast %get3A_2938 : vector<1x1x16xf32> to vector<16xf32>
      %bitcast_convert_type3A_2940 = tpu.bitcast %get3A_2939 : vector<16xf32> -> vector<16xi32>
      %shift_left3A_2941 = arith.constant 16 : i32
      %shift_left3A_2942 = vector.broadcast %shift_left3A_2941 : i32 to vector<16xi32>
      %shift_left3A_2943 = arith.shli %bitcast_convert_type3A_2940, %shift_left3A_2942 : vector<16xi32>
      %bitcast_convert_type3A_2944 = tpu.bitcast %shift_left3A_2943 : vector<16xi32> -> vector<16xf32>
      %and3A_2945 = arith.constant -65536 : i32
      %and3A_2946 = vector.broadcast %and3A_2945 : i32 to vector<16xi32>
      %and3A_2947 = arith.andi %bitcast_convert_type3A_2940, %and3A_2946 : vector<16xi32>
      %bitcast_convert_type3A_2948 = tpu.bitcast %and3A_2947 : vector<16xi32> -> vector<16xf32>
      %add3A_2949 = arith.addf %add3A_2915, %bitcast_convert_type3A_2944 : vector<16xf32>
      %add3A_2950 = arith.addf %add3A_2916, %bitcast_convert_type3A_2948 : vector<16xf32>
      %get3A_2951 = arith.constant 80 : i32
      %get3A_2952 = arith.index_cast %rem3A_24 : i32 to index
      %get3A_2953 = arith.index_cast %get3A_2951 : i32 to index
      %get3A_2954 = arith.constant 16 : index
      %get3A_2955 = tpu.vector_load %arg7[%get3A_2952, %get3A_2953, %get3A_2954] {strides = array<i32>} : memref<2x104x32xf32, #tpu.memory_space<vmem>>, vector<1x1x16xf32>,
      %get3A_2956 = vector.shape_cast %get3A_2955 : vector<1x1x16xf32> to vector<16xf32>
      %bitcast_convert_type3A_2957 = tpu.bitcast %get3A_2956 : vector<16xf32> -> vector<16xi32>
      %shift_left3A_2958 = arith.constant 16 : i32
      %shift_left3A_2959 = vector.broadcast %shift_left3A_2958 : i32 to vector<16xi32>
      %shift_left3A_2960 = arith.shli %bitcast_convert_type3A_2957, %shift_left3A_2959 : vector<16xi32>
      %bitcast_convert_type3A_2961 = tpu.bitcast %shift_left3A_2960 : vector<16xi32> -> vector<16xf32>
      %and3A_2962 = arith.constant -65536 : i32
      %and3A_2963 = vector.broadcast %and3A_2962 : i32 to vector<16xi32>
      %and3A_2964 = arith.andi %bitcast_convert_type3A_2957, %and3A_2963 : vector<16xi32>
      %bitcast_convert_type3A_2965 = tpu.bitcast %and3A_2964 : vector<16xi32> -> vector<16xf32>
      %add3A_2966 = arith.addf %add3A_2932, %bitcast_convert_type3A_2961 : vector<16xf32>
      %add3A_2967 = arith.addf %add3A_2933, %bitcast_convert_type3A_2965 : vector<16xf32>
      %get3A_2968 = arith.constant 81 : i32
      %get3A_2969 = arith.index_cast %rem3A_24 : i32 to index
      %get3A_2970 = arith.index_cast %get3A_2968 : i32 to index
      %get3A_2971 = arith.constant 0 : index
      %get3A_2972 = tpu.vector_load %arg7[%get3A_2969, %get3A_2970, %get3A_2971] {strides = array<i32>} : memref<2x104x32xf32, #tpu.memory_space<vmem>>, vector<1x1x16xf32>,
      %get3A_2973 = vector.shape_cast %get3A_2972 : vector<1x1x16xf32> to vector<16xf32>
      %bitcast_convert_type3A_2974 = tpu.bitcast %get3A_2973 : vector<16xf32> -> vector<16xi32>
      %shift_left3A_2975 = arith.constant 16 : i32
      %shift_left3A_2976 = vector.broadcast %shift_left3A_2975 : i32 to vector<16xi32>
      %shift_left3A_2977 = arith.shli %bitcast_convert_type3A_2974, %shift_left3A_2976 : vector<16xi32>
      %bitcast_convert_type3A_2978 = tpu.bitcast %shift_left3A_2977 : vector<16xi32> -> vector<16xf32>
      %and3A_2979 = arith.constant -65536 : i32
      %and3A_2980 = vector.broadcast %and3A_2979 : i32 to vector<16xi32>
      %and3A_2981 = arith.andi %bitcast_convert_type3A_2974, %and3A_2980 : vector<16xi32>
      %bitcast_convert_type3A_2982 = tpu.bitcast %and3A_2981 : vector<16xi32> -> vector<16xf32>
      %add3A_2983 = arith.addf %add3A_2949, %bitcast_convert_type3A_2978 : vector<16xf32>
      %add3A_2984 = arith.addf %add3A_2950, %bitcast_convert_type3A_2982 : vector<16xf32>
      %get3A_2985 = arith.constant 81 : i32
      %get3A_2986 = arith.index_cast %rem3A_24 : i32 to index
      %get3A_2987 = arith.index_cast %get3A_2985 : i32 to index
      %get3A_2988 = arith.constant 16 : index
      %get3A_2989 = tpu.vector_load %arg7[%get3A_2986, %get3A_2987, %get3A_2988] {strides = array<i32>} : memref<2x104x32xf32, #tpu.memory_space<vmem>>, vector<1x1x16xf32>,
      %get3A_2990 = vector.shape_cast %get3A_2989 : vector<1x1x16xf32> to vector<16xf32>
      %bitcast_convert_type3A_2991 = tpu.bitcast %get3A_2990 : vector<16xf32> -> vector<16xi32>
      %shift_left3A_2992 = arith.constant 16 : i32
      %shift_left3A_2993 = vector.broadcast %shift_left3A_2992 : i32 to vector<16xi32>
      %shift_left3A_2994 = arith.shli %bitcast_convert_type3A_2991, %shift_left3A_2993 : vector<16xi32>
      %bitcast_convert_type3A_2995 = tpu.bitcast %shift_left3A_2994 : vector<16xi32> -> vector<16xf32>
      %and3A_2996 = arith.constant -65536 : i32
      %and3A_2997 = vector.broadcast %and3A_2996 : i32 to vector<16xi32>
      %and3A_2998 = arith.andi %bitcast_convert_type3A_2991, %and3A_2997 : vector<16xi32>
      %bitcast_convert_type3A_2999 = tpu.bitcast %and3A_2998 : vector<16xi32> -> vector<16xf32>
      %add3A_3000 = arith.addf %add3A_2966, %bitcast_convert_type3A_2995 : vector<16xf32>
      %add3A_3001 = arith.addf %add3A_2967, %bitcast_convert_type3A_2999 : vector<16xf32>
      %get3A_3002 = arith.constant 82 : i32
      %get3A_3003 = arith.index_cast %rem3A_24 : i32 to index
      %get3A_3004 = arith.index_cast %get3A_3002 : i32 to index
      %get3A_3005 = arith.constant 0 : index
      %get3A_3006 = tpu.vector_load %arg7[%get3A_3003, %get3A_3004, %get3A_3005] {strides = array<i32>} : memref<2x104x32xf32, #tpu.memory_space<vmem>>, vector<1x1x16xf32>,
      %get3A_3007 = vector.shape_cast %get3A_3006 : vector<1x1x16xf32> to vector<16xf32>
      %bitcast_convert_type3A_3008 = tpu.bitcast %get3A_3007 : vector<16xf32> -> vector<16xi32>
      %shift_left3A_3009 = arith.constant 16 : i32
      %shift_left3A_3010 = vector.broadcast %shift_left3A_3009 : i32 to vector<16xi32>
      %shift_left3A_3011 = arith.shli %bitcast_convert_type3A_3008, %shift_left3A_3010 : vector<16xi32>
      %bitcast_convert_type3A_3012 = tpu.bitcast %shift_left3A_3011 : vector<16xi32> -> vector<16xf32>
      %and3A_3013 = arith.constant -65536 : i32
      %and3A_3014 = vector.broadcast %and3A_3013 : i32 to vector<16xi32>
      %and3A_3015 = arith.andi %bitcast_convert_type3A_3008, %and3A_3014 : vector<16xi32>
      %bitcast_convert_type3A_3016 = tpu.bitcast %and3A_3015 : vector<16xi32> -> vector<16xf32>
      %add3A_3017 = arith.addf %add3A_2983, %bitcast_convert_type3A_3012 : vector<16xf32>
      %add3A_3018 = arith.addf %add3A_2984, %bitcast_convert_type3A_3016 : vector<16xf32>
      %get3A_3019 = arith.constant 82 : i32
      %get3A_3020 = arith.index_cast %rem3A_24 : i32 to index
      %get3A_3021 = arith.index_cast %get3A_3019 : i32 to index
      %get3A_3022 = arith.constant 16 : index
      %get3A_3023 = tpu.vector_load %arg7[%get3A_3020, %get3A_3021, %get3A_3022] {strides = array<i32>} : memref<2x104x32xf32, #tpu.memory_space<vmem>>, vector<1x1x16xf32>,
      %get3A_3024 = vector.shape_cast %get3A_3023 : vector<1x1x16xf32> to vector<16xf32>
      %bitcast_convert_type3A_3025 = tpu.bitcast %get3A_3024 : vector<16xf32> -> vector<16xi32>
      %shift_left3A_3026 = arith.constant 16 : i32
      %shift_left3A_3027 = vector.broadcast %shift_left3A_3026 : i32 to vector<16xi32>
      %shift_left3A_3028 = arith.shli %bitcast_convert_type3A_3025, %shift_left3A_3027 : vector<16xi32>
      %bitcast_convert_type3A_3029 = tpu.bitcast %shift_left3A_3028 : vector<16xi32> -> vector<16xf32>
      %and3A_3030 = arith.constant -65536 : i32
      %and3A_3031 = vector.broadcast %and3A_3030 : i32 to vector<16xi32>
      %and3A_3032 = arith.andi %bitcast_convert_type3A_3025, %and3A_3031 : vector<16xi32>
      %bitcast_convert_type3A_3033 = tpu.bitcast %and3A_3032 : vector<16xi32> -> vector<16xf32>
      %add3A_3034 = arith.addf %add3A_3000, %bitcast_convert_type3A_3029 : vector<16xf32>
      %add3A_3035 = arith.addf %add3A_3001, %bitcast_convert_type3A_3033 : vector<16xf32>
      %get3A_3036 = arith.constant 83 : i32
      %get3A_3037 = arith.index_cast %rem3A_24 : i32 to index
      %get3A_3038 = arith.index_cast %get3A_3036 : i32 to index
      %get3A_3039 = arith.constant 0 : index
      %get3A_3040 = tpu.vector_load %arg7[%get3A_3037, %get3A_3038, %get3A_3039] {strides = array<i32>} : memref<2x104x32xf32, #tpu.memory_space<vmem>>, vector<1x1x16xf32>,
      %get3A_3041 = vector.shape_cast %get3A_3040 : vector<1x1x16xf32> to vector<16xf32>
      %bitcast_convert_type3A_3042 = tpu.bitcast %get3A_3041 : vector<16xf32> -> vector<16xi32>
      %shift_left3A_3043 = arith.constant 16 : i32
      %shift_left3A_3044 = vector.broadcast %shift_left3A_3043 : i32 to vector<16xi32>
      %shift_left3A_3045 = arith.shli %bitcast_convert_type3A_3042, %shift_left3A_3044 : vector<16xi32>
      %bitcast_convert_type3A_3046 = tpu.bitcast %shift_left3A_3045 : vector<16xi32> -> vector<16xf32>
      %and3A_3047 = arith.constant -65536 : i32
      %and3A_3048 = vector.broadcast %and3A_3047 : i32 to vector<16xi32>
      %and3A_3049 = arith.andi %bitcast_convert_type3A_3042, %and3A_3048 : vector<16xi32>
      %bitcast_convert_type3A_3050 = tpu.bitcast %and3A_3049 : vector<16xi32> -> vector<16xf32>
      %add3A_3051 = arith.addf %add3A_3017, %bitcast_convert_type3A_3046 : vector<16xf32>
      %add3A_3052 = arith.addf %add3A_3018, %bitcast_convert_type3A_3050 : vector<16xf32>
      %get3A_3053 = arith.constant 83 : i32
      %get3A_3054 = arith.index_cast %rem3A_24 : i32 to index
      %get3A_3055 = arith.index_cast %get3A_3053 : i32 to index
      %get3A_3056 = arith.constant 16 : index
      %get3A_3057 = tpu.vector_load %arg7[%get3A_3054, %get3A_3055, %get3A_3056] {strides = array<i32>} : memref<2x104x32xf32, #tpu.memory_space<vmem>>, vector<1x1x16xf32>,
      %get3A_3058 = vector.shape_cast %get3A_3057 : vector<1x1x16xf32> to vector<16xf32>
      %bitcast_convert_type3A_3059 = tpu.bitcast %get3A_3058 : vector<16xf32> -> vector<16xi32>
      %shift_left3A_3060 = arith.constant 16 : i32
      %shift_left3A_3061 = vector.broadcast %shift_left3A_3060 : i32 to vector<16xi32>
      %shift_left3A_3062 = arith.shli %bitcast_convert_type3A_3059, %shift_left3A_3061 : vector<16xi32>
      %bitcast_convert_type3A_3063 = tpu.bitcast %shift_left3A_3062 : vector<16xi32> -> vector<16xf32>
      %and3A_3064 = arith.constant -65536 : i32
      %and3A_3065 = vector.broadcast %and3A_3064 : i32 to vector<16xi32>
      %and3A_3066 = arith.andi %bitcast_convert_type3A_3059, %and3A_3065 : vector<16xi32>
      %bitcast_convert_type3A_3067 = tpu.bitcast %and3A_3066 : vector<16xi32> -> vector<16xf32>
      %add3A_3068 = arith.addf %add3A_3034, %bitcast_convert_type3A_3063 : vector<16xf32>
      %add3A_3069 = arith.addf %add3A_3035, %bitcast_convert_type3A_3067 : vector<16xf32>
      %get3A_3070 = arith.constant 84 : i32
      %get3A_3071 = arith.index_cast %rem3A_24 : i32 to index
      %get3A_3072 = arith.index_cast %get3A_3070 : i32 to index
      %get3A_3073 = arith.constant 0 : index
      %get3A_3074 = tpu.vector_load %arg7[%get3A_3071, %get3A_3072, %get3A_3073] {strides = array<i32>} : memref<2x104x32xf32, #tpu.memory_space<vmem>>, vector<1x1x16xf32>,
      %get3A_3075 = vector.shape_cast %get3A_3074 : vector<1x1x16xf32> to vector<16xf32>
      %bitcast_convert_type3A_3076 = tpu.bitcast %get3A_3075 : vector<16xf32> -> vector<16xi32>
      %shift_left3A_3077 = arith.constant 16 : i32
      %shift_left3A_3078 = vector.broadcast %shift_left3A_3077 : i32 to vector<16xi32>
      %shift_left3A_3079 = arith.shli %bitcast_convert_type3A_3076, %shift_left3A_3078 : vector<16xi32>
      %bitcast_convert_type3A_3080 = tpu.bitcast %shift_left3A_3079 : vector<16xi32> -> vector<16xf32>
      %and3A_3081 = arith.constant -65536 : i32
      %and3A_3082 = vector.broadcast %and3A_3081 : i32 to vector<16xi32>
      %and3A_3083 = arith.andi %bitcast_convert_type3A_3076, %and3A_3082 : vector<16xi32>
      %bitcast_convert_type3A_3084 = tpu.bitcast %and3A_3083 : vector<16xi32> -> vector<16xf32>
      %add3A_3085 = arith.addf %add3A_3051, %bitcast_convert_type3A_3080 : vector<16xf32>
      %add3A_3086 = arith.addf %add3A_3052, %bitcast_convert_type3A_3084 : vector<16xf32>
      %get3A_3087 = arith.constant 84 : i32
      %get3A_3088 = arith.index_cast %rem3A_24 : i32 to index
      %get3A_3089 = arith.index_cast %get3A_3087 : i32 to index
      %get3A_3090 = arith.constant 16 : index
      %get3A_3091 = tpu.vector_load %arg7[%get3A_3088, %get3A_3089, %get3A_3090] {strides = array<i32>} : memref<2x104x32xf32, #tpu.memory_space<vmem>>, vector<1x1x16xf32>,
      %get3A_3092 = vector.shape_cast %get3A_3091 : vector<1x1x16xf32> to vector<16xf32>
      %bitcast_convert_type3A_3093 = tpu.bitcast %get3A_3092 : vector<16xf32> -> vector<16xi32>
      %shift_left3A_3094 = arith.constant 16 : i32
      %shift_left3A_3095 = vector.broadcast %shift_left3A_3094 : i32 to vector<16xi32>
      %shift_left3A_3096 = arith.shli %bitcast_convert_type3A_3093, %shift_left3A_3095 : vector<16xi32>
      %bitcast_convert_type3A_3097 = tpu.bitcast %shift_left3A_3096 : vector<16xi32> -> vector<16xf32>
      %and3A_3098 = arith.constant -65536 : i32
      %and3A_3099 = vector.broadcast %and3A_3098 : i32 to vector<16xi32>
      %and3A_3100 = arith.andi %bitcast_convert_type3A_3093, %and3A_3099 : vector<16xi32>
      %bitcast_convert_type3A_3101 = tpu.bitcast %and3A_3100 : vector<16xi32> -> vector<16xf32>
      %add3A_3102 = arith.addf %add3A_3068, %bitcast_convert_type3A_3097 : vector<16xf32>
      %add3A_3103 = arith.addf %add3A_3069, %bitcast_convert_type3A_3101 : vector<16xf32>
      %get3A_3104 = arith.constant 85 : i32
      %get3A_3105 = arith.index_cast %rem3A_24 : i32 to index
      %get3A_3106 = arith.index_cast %get3A_3104 : i32 to index
      %get3A_3107 = arith.constant 0 : index
      %get3A_3108 = tpu.vector_load %arg7[%get3A_3105, %get3A_3106, %get3A_3107] {strides = array<i32>} : memref<2x104x32xf32, #tpu.memory_space<vmem>>, vector<1x1x16xf32>,
      %get3A_3109 = vector.shape_cast %get3A_3108 : vector<1x1x16xf32> to vector<16xf32>
      %bitcast_convert_type3A_3110 = tpu.bitcast %get3A_3109 : vector<16xf32> -> vector<16xi32>
      %shift_left3A_3111 = arith.constant 16 : i32
      %shift_left3A_3112 = vector.broadcast %shift_left3A_3111 : i32 to vector<16xi32>
      %shift_left3A_3113 = arith.shli %bitcast_convert_type3A_3110, %shift_left3A_3112 : vector<16xi32>
      %bitcast_convert_type3A_3114 = tpu.bitcast %shift_left3A_3113 : vector<16xi32> -> vector<16xf32>
      %and3A_3115 = arith.constant -65536 : i32
      %and3A_3116 = vector.broadcast %and3A_3115 : i32 to vector<16xi32>
      %and3A_3117 = arith.andi %bitcast_convert_type3A_3110, %and3A_3116 : vector<16xi32>
      %bitcast_convert_type3A_3118 = tpu.bitcast %and3A_3117 : vector<16xi32> -> vector<16xf32>
      %add3A_3119 = arith.addf %add3A_3085, %bitcast_convert_type3A_3114 : vector<16xf32>
      %add3A_3120 = arith.addf %add3A_3086, %bitcast_convert_type3A_3118 : vector<16xf32>
      %get3A_3121 = arith.constant 85 : i32
      %get3A_3122 = arith.index_cast %rem3A_24 : i32 to index
      %get3A_3123 = arith.index_cast %get3A_3121 : i32 to index
      %get3A_3124 = arith.constant 16 : index
      %get3A_3125 = tpu.vector_load %arg7[%get3A_3122, %get3A_3123, %get3A_3124] {strides = array<i32>} : memref<2x104x32xf32, #tpu.memory_space<vmem>>, vector<1x1x16xf32>,
      %get3A_3126 = vector.shape_cast %get3A_3125 : vector<1x1x16xf32> to vector<16xf32>
      %bitcast_convert_type3A_3127 = tpu.bitcast %get3A_3126 : vector<16xf32> -> vector<16xi32>
      %shift_left3A_3128 = arith.constant 16 : i32
      %shift_left3A_3129 = vector.broadcast %shift_left3A_3128 : i32 to vector<16xi32>
      %shift_left3A_3130 = arith.shli %bitcast_convert_type3A_3127, %shift_left3A_3129 : vector<16xi32>
      %bitcast_convert_type3A_3131 = tpu.bitcast %shift_left3A_3130 : vector<16xi32> -> vector<16xf32>
      %and3A_3132 = arith.constant -65536 : i32
      %and3A_3133 = vector.broadcast %and3A_3132 : i32 to vector<16xi32>
      %and3A_3134 = arith.andi %bitcast_convert_type3A_3127, %and3A_3133 : vector<16xi32>
      %bitcast_convert_type3A_3135 = tpu.bitcast %and3A_3134 : vector<16xi32> -> vector<16xf32>
      %add3A_3136 = arith.addf %add3A_3102, %bitcast_convert_type3A_3131 : vector<16xf32>
      %add3A_3137 = arith.addf %add3A_3103, %bitcast_convert_type3A_3135 : vector<16xf32>
      %get3A_3138 = arith.constant 86 : i32
      %get3A_3139 = arith.index_cast %rem3A_24 : i32 to index
      %get3A_3140 = arith.index_cast %get3A_3138 : i32 to index
      %get3A_3141 = arith.constant 0 : index
      %get3A_3142 = tpu.vector_load %arg7[%get3A_3139, %get3A_3140, %get3A_3141] {strides = array<i32>} : memref<2x104x32xf32, #tpu.memory_space<vmem>>, vector<1x1x16xf32>,
      %get3A_3143 = vector.shape_cast %get3A_3142 : vector<1x1x16xf32> to vector<16xf32>
      %bitcast_convert_type3A_3144 = tpu.bitcast %get3A_3143 : vector<16xf32> -> vector<16xi32>
      %shift_left3A_3145 = arith.constant 16 : i32
      %shift_left3A_3146 = vector.broadcast %shift_left3A_3145 : i32 to vector<16xi32>
      %shift_left3A_3147 = arith.shli %bitcast_convert_type3A_3144, %shift_left3A_3146 : vector<16xi32>
      %bitcast_convert_type3A_3148 = tpu.bitcast %shift_left3A_3147 : vector<16xi32> -> vector<16xf32>
      %and3A_3149 = arith.constant -65536 : i32
      %and3A_3150 = vector.broadcast %and3A_3149 : i32 to vector<16xi32>
      %and3A_3151 = arith.andi %bitcast_convert_type3A_3144, %and3A_3150 : vector<16xi32>
      %bitcast_convert_type3A_3152 = tpu.bitcast %and3A_3151 : vector<16xi32> -> vector<16xf32>
      %add3A_3153 = arith.addf %add3A_3119, %bitcast_convert_type3A_3148 : vector<16xf32>
      %add3A_3154 = arith.addf %add3A_3120, %bitcast_convert_type3A_3152 : vector<16xf32>
      %get3A_3155 = arith.constant 86 : i32
      %get3A_3156 = arith.index_cast %rem3A_24 : i32 to index
      %get3A_3157 = arith.index_cast %get3A_3155 : i32 to index
      %get3A_3158 = arith.constant 16 : index
      %get3A_3159 = tpu.vector_load %arg7[%get3A_3156, %get3A_3157, %get3A_3158] {strides = array<i32>} : memref<2x104x32xf32, #tpu.memory_space<vmem>>, vector<1x1x16xf32>,
      %get3A_3160 = vector.shape_cast %get3A_3159 : vector<1x1x16xf32> to vector<16xf32>
      %bitcast_convert_type3A_3161 = tpu.bitcast %get3A_3160 : vector<16xf32> -> vector<16xi32>
      %shift_left3A_3162 = arith.constant 16 : i32
      %shift_left3A_3163 = vector.broadcast %shift_left3A_3162 : i32 to vector<16xi32>
      %shift_left3A_3164 = arith.shli %bitcast_convert_type3A_3161, %shift_left3A_3163 : vector<16xi32>
      %bitcast_convert_type3A_3165 = tpu.bitcast %shift_left3A_3164 : vector<16xi32> -> vector<16xf32>
      %and3A_3166 = arith.constant -65536 : i32
      %and3A_3167 = vector.broadcast %and3A_3166 : i32 to vector<16xi32>
      %and3A_3168 = arith.andi %bitcast_convert_type3A_3161, %and3A_3167 : vector<16xi32>
      %bitcast_convert_type3A_3169 = tpu.bitcast %and3A_3168 : vector<16xi32> -> vector<16xf32>
      %add3A_3170 = arith.addf %add3A_3136, %bitcast_convert_type3A_3165 : vector<16xf32>
      %add3A_3171 = arith.addf %add3A_3137, %bitcast_convert_type3A_3169 : vector<16xf32>
      %get3A_3172 = arith.constant 87 : i32
      %get3A_3173 = arith.index_cast %rem3A_24 : i32 to index
      %get3A_3174 = arith.index_cast %get3A_3172 : i32 to index
      %get3A_3175 = arith.constant 0 : index
      %get3A_3176 = tpu.vector_load %arg7[%get3A_3173, %get3A_3174, %get3A_3175] {strides = array<i32>} : memref<2x104x32xf32, #tpu.memory_space<vmem>>, vector<1x1x16xf32>,
      %get3A_3177 = vector.shape_cast %get3A_3176 : vector<1x1x16xf32> to vector<16xf32>
      %bitcast_convert_type3A_3178 = tpu.bitcast %get3A_3177 : vector<16xf32> -> vector<16xi32>
      %shift_left3A_3179 = arith.constant 16 : i32
      %shift_left3A_3180 = vector.broadcast %shift_left3A_3179 : i32 to vector<16xi32>
      %shift_left3A_3181 = arith.shli %bitcast_convert_type3A_3178, %shift_left3A_3180 : vector<16xi32>
      %bitcast_convert_type3A_3182 = tpu.bitcast %shift_left3A_3181 : vector<16xi32> -> vector<16xf32>
      %and3A_3183 = arith.constant -65536 : i32
      %and3A_3184 = vector.broadcast %and3A_3183 : i32 to vector<16xi32>
      %and3A_3185 = arith.andi %bitcast_convert_type3A_3178, %and3A_3184 : vector<16xi32>
      %bitcast_convert_type3A_3186 = tpu.bitcast %and3A_3185 : vector<16xi32> -> vector<16xf32>
      %add3A_3187 = arith.addf %add3A_3153, %bitcast_convert_type3A_3182 : vector<16xf32>
      %add3A_3188 = arith.addf %add3A_3154, %bitcast_convert_type3A_3186 : vector<16xf32>
      %get3A_3189 = arith.constant 87 : i32
      %get3A_3190 = arith.index_cast %rem3A_24 : i32 to index
      %get3A_3191 = arith.index_cast %get3A_3189 : i32 to index
      %get3A_3192 = arith.constant 16 : index
      %get3A_3193 = tpu.vector_load %arg7[%get3A_3190, %get3A_3191, %get3A_3192] {strides = array<i32>} : memref<2x104x32xf32, #tpu.memory_space<vmem>>, vector<1x1x16xf32>,
      %get3A_3194 = vector.shape_cast %get3A_3193 : vector<1x1x16xf32> to vector<16xf32>
      %bitcast_convert_type3A_3195 = tpu.bitcast %get3A_3194 : vector<16xf32> -> vector<16xi32>
      %shift_left3A_3196 = arith.constant 16 : i32
      %shift_left3A_3197 = vector.broadcast %shift_left3A_3196 : i32 to vector<16xi32>
      %shift_left3A_3198 = arith.shli %bitcast_convert_type3A_3195, %shift_left3A_3197 : vector<16xi32>
      %bitcast_convert_type3A_3199 = tpu.bitcast %shift_left3A_3198 : vector<16xi32> -> vector<16xf32>
      %and3A_3200 = arith.constant -65536 : i32
      %and3A_3201 = vector.broadcast %and3A_3200 : i32 to vector<16xi32>
      %and3A_3202 = arith.andi %bitcast_convert_type3A_3195, %and3A_3201 : vector<16xi32>
      %bitcast_convert_type3A_3203 = tpu.bitcast %and3A_3202 : vector<16xi32> -> vector<16xf32>
      %add3A_3204 = arith.addf %add3A_3170, %bitcast_convert_type3A_3199 : vector<16xf32>
      %add3A_3205 = arith.addf %add3A_3171, %bitcast_convert_type3A_3203 : vector<16xf32>
      %get3A_3206 = arith.constant 88 : i32
      %get3A_3207 = arith.index_cast %rem3A_24 : i32 to index
      %get3A_3208 = arith.index_cast %get3A_3206 : i32 to index
      %get3A_3209 = arith.constant 0 : index
      %get3A_3210 = tpu.vector_load %arg7[%get3A_3207, %get3A_3208, %get3A_3209] {strides = array<i32>} : memref<2x104x32xf32, #tpu.memory_space<vmem>>, vector<1x1x16xf32>,
      %get3A_3211 = vector.shape_cast %get3A_3210 : vector<1x1x16xf32> to vector<16xf32>
      %bitcast_convert_type3A_3212 = tpu.bitcast %get3A_3211 : vector<16xf32> -> vector<16xi32>
      %shift_left3A_3213 = arith.constant 16 : i32
      %shift_left3A_3214 = vector.broadcast %shift_left3A_3213 : i32 to vector<16xi32>
      %shift_left3A_3215 = arith.shli %bitcast_convert_type3A_3212, %shift_left3A_3214 : vector<16xi32>
      %bitcast_convert_type3A_3216 = tpu.bitcast %shift_left3A_3215 : vector<16xi32> -> vector<16xf32>
      %and3A_3217 = arith.constant -65536 : i32
      %and3A_3218 = vector.broadcast %and3A_3217 : i32 to vector<16xi32>
      %and3A_3219 = arith.andi %bitcast_convert_type3A_3212, %and3A_3218 : vector<16xi32>
      %bitcast_convert_type3A_3220 = tpu.bitcast %and3A_3219 : vector<16xi32> -> vector<16xf32>
      %add3A_3221 = arith.addf %add3A_3187, %bitcast_convert_type3A_3216 : vector<16xf32>
      %add3A_3222 = arith.addf %add3A_3188, %bitcast_convert_type3A_3220 : vector<16xf32>
      %get3A_3223 = arith.constant 88 : i32
      %get3A_3224 = arith.index_cast %rem3A_24 : i32 to index
      %get3A_3225 = arith.index_cast %get3A_3223 : i32 to index
      %get3A_3226 = arith.constant 16 : index
      %get3A_3227 = tpu.vector_load %arg7[%get3A_3224, %get3A_3225, %get3A_3226] {strides = array<i32>} : memref<2x104x32xf32, #tpu.memory_space<vmem>>, vector<1x1x16xf32>,
      %get3A_3228 = vector.shape_cast %get3A_3227 : vector<1x1x16xf32> to vector<16xf32>
      %bitcast_convert_type3A_3229 = tpu.bitcast %get3A_3228 : vector<16xf32> -> vector<16xi32>
      %shift_left3A_3230 = arith.constant 16 : i32
      %shift_left3A_3231 = vector.broadcast %shift_left3A_3230 : i32 to vector<16xi32>
      %shift_left3A_3232 = arith.shli %bitcast_convert_type3A_3229, %shift_left3A_3231 : vector<16xi32>
      %bitcast_convert_type3A_3233 = tpu.bitcast %shift_left3A_3232 : vector<16xi32> -> vector<16xf32>
      %and3A_3234 = arith.constant -65536 : i32
      %and3A_3235 = vector.broadcast %and3A_3234 : i32 to vector<16xi32>
      %and3A_3236 = arith.andi %bitcast_convert_type3A_3229, %and3A_3235 : vector<16xi32>
      %bitcast_convert_type3A_3237 = tpu.bitcast %and3A_3236 : vector<16xi32> -> vector<16xf32>
      %add3A_3238 = arith.addf %add3A_3204, %bitcast_convert_type3A_3233 : vector<16xf32>
      %add3A_3239 = arith.addf %add3A_3205, %bitcast_convert_type3A_3237 : vector<16xf32>
      %get3A_3240 = arith.constant 89 : i32
      %get3A_3241 = arith.index_cast %rem3A_24 : i32 to index
      %get3A_3242 = arith.index_cast %get3A_3240 : i32 to index
      %get3A_3243 = arith.constant 0 : index
      %get3A_3244 = tpu.vector_load %arg7[%get3A_3241, %get3A_3242, %get3A_3243] {strides = array<i32>} : memref<2x104x32xf32, #tpu.memory_space<vmem>>, vector<1x1x16xf32>,
      %get3A_3245 = vector.shape_cast %get3A_3244 : vector<1x1x16xf32> to vector<16xf32>
      %bitcast_convert_type3A_3246 = tpu.bitcast %get3A_3245 : vector<16xf32> -> vector<16xi32>
      %shift_left3A_3247 = arith.constant 16 : i32
      %shift_left3A_3248 = vector.broadcast %shift_left3A_3247 : i32 to vector<16xi32>
      %shift_left3A_3249 = arith.shli %bitcast_convert_type3A_3246, %shift_left3A_3248 : vector<16xi32>
      %bitcast_convert_type3A_3250 = tpu.bitcast %shift_left3A_3249 : vector<16xi32> -> vector<16xf32>
      %and3A_3251 = arith.constant -65536 : i32
      %and3A_3252 = vector.broadcast %and3A_3251 : i32 to vector<16xi32>
      %and3A_3253 = arith.andi %bitcast_convert_type3A_3246, %and3A_3252 : vector<16xi32>
      %bitcast_convert_type3A_3254 = tpu.bitcast %and3A_3253 : vector<16xi32> -> vector<16xf32>
      %add3A_3255 = arith.addf %add3A_3221, %bitcast_convert_type3A_3250 : vector<16xf32>
      %add3A_3256 = arith.addf %add3A_3222, %bitcast_convert_type3A_3254 : vector<16xf32>
      %get3A_3257 = arith.constant 89 : i32
      %get3A_3258 = arith.index_cast %rem3A_24 : i32 to index
      %get3A_3259 = arith.index_cast %get3A_3257 : i32 to index
      %get3A_3260 = arith.constant 16 : index
      %get3A_3261 = tpu.vector_load %arg7[%get3A_3258, %get3A_3259, %get3A_3260] {strides = array<i32>} : memref<2x104x32xf32, #tpu.memory_space<vmem>>, vector<1x1x16xf32>,
      %get3A_3262 = vector.shape_cast %get3A_3261 : vector<1x1x16xf32> to vector<16xf32>
      %bitcast_convert_type3A_3263 = tpu.bitcast %get3A_3262 : vector<16xf32> -> vector<16xi32>
      %shift_left3A_3264 = arith.constant 16 : i32
      %shift_left3A_3265 = vector.broadcast %shift_left3A_3264 : i32 to vector<16xi32>
      %shift_left3A_3266 = arith.shli %bitcast_convert_type3A_3263, %shift_left3A_3265 : vector<16xi32>
      %bitcast_convert_type3A_3267 = tpu.bitcast %shift_left3A_3266 : vector<16xi32> -> vector<16xf32>
      %and3A_3268 = arith.constant -65536 : i32
      %and3A_3269 = vector.broadcast %and3A_3268 : i32 to vector<16xi32>
      %and3A_3270 = arith.andi %bitcast_convert_type3A_3263, %and3A_3269 : vector<16xi32>
      %bitcast_convert_type3A_3271 = tpu.bitcast %and3A_3270 : vector<16xi32> -> vector<16xf32>
      %add3A_3272 = arith.addf %add3A_3238, %bitcast_convert_type3A_3267 : vector<16xf32>
      %add3A_3273 = arith.addf %add3A_3239, %bitcast_convert_type3A_3271 : vector<16xf32>
      %get3A_3274 = arith.constant 90 : i32
      %get3A_3275 = arith.index_cast %rem3A_24 : i32 to index
      %get3A_3276 = arith.index_cast %get3A_3274 : i32 to index
      %get3A_3277 = arith.constant 0 : index
      %get3A_3278 = tpu.vector_load %arg7[%get3A_3275, %get3A_3276, %get3A_3277] {strides = array<i32>} : memref<2x104x32xf32, #tpu.memory_space<vmem>>, vector<1x1x16xf32>,
      %get3A_3279 = vector.shape_cast %get3A_3278 : vector<1x1x16xf32> to vector<16xf32>
      %bitcast_convert_type3A_3280 = tpu.bitcast %get3A_3279 : vector<16xf32> -> vector<16xi32>
      %shift_left3A_3281 = arith.constant 16 : i32
      %shift_left3A_3282 = vector.broadcast %shift_left3A_3281 : i32 to vector<16xi32>
      %shift_left3A_3283 = arith.shli %bitcast_convert_type3A_3280, %shift_left3A_3282 : vector<16xi32>
      %bitcast_convert_type3A_3284 = tpu.bitcast %shift_left3A_3283 : vector<16xi32> -> vector<16xf32>
      %and3A_3285 = arith.constant -65536 : i32
      %and3A_3286 = vector.broadcast %and3A_3285 : i32 to vector<16xi32>
      %and3A_3287 = arith.andi %bitcast_convert_type3A_3280, %and3A_3286 : vector<16xi32>
      %bitcast_convert_type3A_3288 = tpu.bitcast %and3A_3287 : vector<16xi32> -> vector<16xf32>
      %add3A_3289 = arith.addf %add3A_3255, %bitcast_convert_type3A_3284 : vector<16xf32>
      %add3A_3290 = arith.addf %add3A_3256, %bitcast_convert_type3A_3288 : vector<16xf32>
      %get3A_3291 = arith.constant 90 : i32
      %get3A_3292 = arith.index_cast %rem3A_24 : i32 to index
      %get3A_3293 = arith.index_cast %get3A_3291 : i32 to index
      %get3A_3294 = arith.constant 16 : index
      %get3A_3295 = tpu.vector_load %arg7[%get3A_3292, %get3A_3293, %get3A_3294] {strides = array<i32>} : memref<2x104x32xf32, #tpu.memory_space<vmem>>, vector<1x1x16xf32>,
      %get3A_3296 = vector.shape_cast %get3A_3295 : vector<1x1x16xf32> to vector<16xf32>
      %bitcast_convert_type3A_3297 = tpu.bitcast %get3A_3296 : vector<16xf32> -> vector<16xi32>
      %shift_left3A_3298 = arith.constant 16 : i32
      %shift_left3A_3299 = vector.broadcast %shift_left3A_3298 : i32 to vector<16xi32>
      %shift_left3A_3300 = arith.shli %bitcast_convert_type3A_3297, %shift_left3A_3299 : vector<16xi32>
      %bitcast_convert_type3A_3301 = tpu.bitcast %shift_left3A_3300 : vector<16xi32> -> vector<16xf32>
      %and3A_3302 = arith.constant -65536 : i32
      %and3A_3303 = vector.broadcast %and3A_3302 : i32 to vector<16xi32>
      %and3A_3304 = arith.andi %bitcast_convert_type3A_3297, %and3A_3303 : vector<16xi32>
      %bitcast_convert_type3A_3305 = tpu.bitcast %and3A_3304 : vector<16xi32> -> vector<16xf32>
      %add3A_3306 = arith.addf %add3A_3272, %bitcast_convert_type3A_3301 : vector<16xf32>
      %add3A_3307 = arith.addf %add3A_3273, %bitcast_convert_type3A_3305 : vector<16xf32>
      %get3A_3308 = arith.constant 91 : i32
      %get3A_3309 = arith.index_cast %rem3A_24 : i32 to index
      %get3A_3310 = arith.index_cast %get3A_3308 : i32 to index
      %get3A_3311 = arith.constant 0 : index
      %get3A_3312 = tpu.vector_load %arg7[%get3A_3309, %get3A_3310, %get3A_3311] {strides = array<i32>} : memref<2x104x32xf32, #tpu.memory_space<vmem>>, vector<1x1x16xf32>,
      %get3A_3313 = vector.shape_cast %get3A_3312 : vector<1x1x16xf32> to vector<16xf32>
      %bitcast_convert_type3A_3314 = tpu.bitcast %get3A_3313 : vector<16xf32> -> vector<16xi32>
      %shift_left3A_3315 = arith.constant 16 : i32
      %shift_left3A_3316 = vector.broadcast %shift_left3A_3315 : i32 to vector<16xi32>
      %shift_left3A_3317 = arith.shli %bitcast_convert_type3A_3314, %shift_left3A_3316 : vector<16xi32>
      %bitcast_convert_type3A_3318 = tpu.bitcast %shift_left3A_3317 : vector<16xi32> -> vector<16xf32>
      %and3A_3319 = arith.constant -65536 : i32
      %and3A_3320 = vector.broadcast %and3A_3319 : i32 to vector<16xi32>
      %and3A_3321 = arith.andi %bitcast_convert_type3A_3314, %and3A_3320 : vector<16xi32>
      %bitcast_convert_type3A_3322 = tpu.bitcast %and3A_3321 : vector<16xi32> -> vector<16xf32>
      %add3A_3323 = arith.addf %add3A_3289, %bitcast_convert_type3A_3318 : vector<16xf32>
      %add3A_3324 = arith.addf %add3A_3290, %bitcast_convert_type3A_3322 : vector<16xf32>
      %get3A_3325 = arith.constant 91 : i32
      %get3A_3326 = arith.index_cast %rem3A_24 : i32 to index
      %get3A_3327 = arith.index_cast %get3A_3325 : i32 to index
      %get3A_3328 = arith.constant 16 : index
      %get3A_3329 = tpu.vector_load %arg7[%get3A_3326, %get3A_3327, %get3A_3328] {strides = array<i32>} : memref<2x104x32xf32, #tpu.memory_space<vmem>>, vector<1x1x16xf32>,
      %get3A_3330 = vector.shape_cast %get3A_3329 : vector<1x1x16xf32> to vector<16xf32>
      %bitcast_convert_type3A_3331 = tpu.bitcast %get3A_3330 : vector<16xf32> -> vector<16xi32>
      %shift_left3A_3332 = arith.constant 16 : i32
      %shift_left3A_3333 = vector.broadcast %shift_left3A_3332 : i32 to vector<16xi32>
      %shift_left3A_3334 = arith.shli %bitcast_convert_type3A_3331, %shift_left3A_3333 : vector<16xi32>
      %bitcast_convert_type3A_3335 = tpu.bitcast %shift_left3A_3334 : vector<16xi32> -> vector<16xf32>
      %and3A_3336 = arith.constant -65536 : i32
      %and3A_3337 = vector.broadcast %and3A_3336 : i32 to vector<16xi32>
      %and3A_3338 = arith.andi %bitcast_convert_type3A_3331, %and3A_3337 : vector<16xi32>
      %bitcast_convert_type3A_3339 = tpu.bitcast %and3A_3338 : vector<16xi32> -> vector<16xf32>
      %add3A_3340 = arith.addf %add3A_3306, %bitcast_convert_type3A_3335 : vector<16xf32>
      %add3A_3341 = arith.addf %add3A_3307, %bitcast_convert_type3A_3339 : vector<16xf32>
      %get3A_3342 = arith.constant 92 : i32
      %get3A_3343 = arith.index_cast %rem3A_24 : i32 to index
      %get3A_3344 = arith.index_cast %get3A_3342 : i32 to index
      %get3A_3345 = arith.constant 0 : index
      %get3A_3346 = tpu.vector_load %arg7[%get3A_3343, %get3A_3344, %get3A_3345] {strides = array<i32>} : memref<2x104x32xf32, #tpu.memory_space<vmem>>, vector<1x1x16xf32>,
      %get3A_3347 = vector.shape_cast %get3A_3346 : vector<1x1x16xf32> to vector<16xf32>
      %bitcast_convert_type3A_3348 = tpu.bitcast %get3A_3347 : vector<16xf32> -> vector<16xi32>
      %shift_left3A_3349 = arith.constant 16 : i32
      %shift_left3A_3350 = vector.broadcast %shift_left3A_3349 : i32 to vector<16xi32>
      %shift_left3A_3351 = arith.shli %bitcast_convert_type3A_3348, %shift_left3A_3350 : vector<16xi32>
      %bitcast_convert_type3A_3352 = tpu.bitcast %shift_left3A_3351 : vector<16xi32> -> vector<16xf32>
      %and3A_3353 = arith.constant -65536 : i32
      %and3A_3354 = vector.broadcast %and3A_3353 : i32 to vector<16xi32>
      %and3A_3355 = arith.andi %bitcast_convert_type3A_3348, %and3A_3354 : vector<16xi32>
      %bitcast_convert_type3A_3356 = tpu.bitcast %and3A_3355 : vector<16xi32> -> vector<16xf32>
      %add3A_3357 = arith.addf %add3A_3323, %bitcast_convert_type3A_3352 : vector<16xf32>
      %add3A_3358 = arith.addf %add3A_3324, %bitcast_convert_type3A_3356 : vector<16xf32>
      %get3A_3359 = arith.constant 92 : i32
      %get3A_3360 = arith.index_cast %rem3A_24 : i32 to index
      %get3A_3361 = arith.index_cast %get3A_3359 : i32 to index
      %get3A_3362 = arith.constant 16 : index
      %get3A_3363 = tpu.vector_load %arg7[%get3A_3360, %get3A_3361, %get3A_3362] {strides = array<i32>} : memref<2x104x32xf32, #tpu.memory_space<vmem>>, vector<1x1x16xf32>,
      %get3A_3364 = vector.shape_cast %get3A_3363 : vector<1x1x16xf32> to vector<16xf32>
      %bitcast_convert_type3A_3365 = tpu.bitcast %get3A_3364 : vector<16xf32> -> vector<16xi32>
      %shift_left3A_3366 = arith.constant 16 : i32
      %shift_left3A_3367 = vector.broadcast %shift_left3A_3366 : i32 to vector<16xi32>
      %shift_left3A_3368 = arith.shli %bitcast_convert_type3A_3365, %shift_left3A_3367 : vector<16xi32>
      %bitcast_convert_type3A_3369 = tpu.bitcast %shift_left3A_3368 : vector<16xi32> -> vector<16xf32>
      %and3A_3370 = arith.constant -65536 : i32
      %and3A_3371 = vector.broadcast %and3A_3370 : i32 to vector<16xi32>
      %and3A_3372 = arith.andi %bitcast_convert_type3A_3365, %and3A_3371 : vector<16xi32>
      %bitcast_convert_type3A_3373 = tpu.bitcast %and3A_3372 : vector<16xi32> -> vector<16xf32>
      %add3A_3374 = arith.addf %add3A_3340, %bitcast_convert_type3A_3369 : vector<16xf32>
      %add3A_3375 = arith.addf %add3A_3341, %bitcast_convert_type3A_3373 : vector<16xf32>
      %get3A_3376 = arith.constant 93 : i32
      %get3A_3377 = arith.index_cast %rem3A_24 : i32 to index
      %get3A_3378 = arith.index_cast %get3A_3376 : i32 to index
      %get3A_3379 = arith.constant 0 : index
      %get3A_3380 = tpu.vector_load %arg7[%get3A_3377, %get3A_3378, %get3A_3379] {strides = array<i32>} : memref<2x104x32xf32, #tpu.memory_space<vmem>>, vector<1x1x16xf32>,
      %get3A_3381 = vector.shape_cast %get3A_3380 : vector<1x1x16xf32> to vector<16xf32>
      %bitcast_convert_type3A_3382 = tpu.bitcast %get3A_3381 : vector<16xf32> -> vector<16xi32>
      %shift_left3A_3383 = arith.constant 16 : i32
      %shift_left3A_3384 = vector.broadcast %shift_left3A_3383 : i32 to vector<16xi32>
      %shift_left3A_3385 = arith.shli %bitcast_convert_type3A_3382, %shift_left3A_3384 : vector<16xi32>
      %bitcast_convert_type3A_3386 = tpu.bitcast %shift_left3A_3385 : vector<16xi32> -> vector<16xf32>
      %and3A_3387 = arith.constant -65536 : i32
      %and3A_3388 = vector.broadcast %and3A_3387 : i32 to vector<16xi32>
      %and3A_3389 = arith.andi %bitcast_convert_type3A_3382, %and3A_3388 : vector<16xi32>
      %bitcast_convert_type3A_3390 = tpu.bitcast %and3A_3389 : vector<16xi32> -> vector<16xf32>
      %add3A_3391 = arith.addf %add3A_3357, %bitcast_convert_type3A_3386 : vector<16xf32>
      %add3A_3392 = arith.addf %add3A_3358, %bitcast_convert_type3A_3390 : vector<16xf32>
      %get3A_3393 = arith.constant 93 : i32
      %get3A_3394 = arith.index_cast %rem3A_24 : i32 to index
      %get3A_3395 = arith.index_cast %get3A_3393 : i32 to index
      %get3A_3396 = arith.constant 16 : index
      %get3A_3397 = tpu.vector_load %arg7[%get3A_3394, %get3A_3395, %get3A_3396] {strides = array<i32>} : memref<2x104x32xf32, #tpu.memory_space<vmem>>, vector<1x1x16xf32>,
      %get3A_3398 = vector.shape_cast %get3A_3397 : vector<1x1x16xf32> to vector<16xf32>
      %bitcast_convert_type3A_3399 = tpu.bitcast %get3A_3398 : vector<16xf32> -> vector<16xi32>
      %shift_left3A_3400 = arith.constant 16 : i32
      %shift_left3A_3401 = vector.broadcast %shift_left3A_3400 : i32 to vector<16xi32>
      %shift_left3A_3402 = arith.shli %bitcast_convert_type3A_3399, %shift_left3A_3401 : vector<16xi32>
      %bitcast_convert_type3A_3403 = tpu.bitcast %shift_left3A_3402 : vector<16xi32> -> vector<16xf32>
      %and3A_3404 = arith.constant -65536 : i32
      %and3A_3405 = vector.broadcast %and3A_3404 : i32 to vector<16xi32>
      %and3A_3406 = arith.andi %bitcast_convert_type3A_3399, %and3A_3405 : vector<16xi32>
      %bitcast_convert_type3A_3407 = tpu.bitcast %and3A_3406 : vector<16xi32> -> vector<16xf32>
      %add3A_3408 = arith.addf %add3A_3374, %bitcast_convert_type3A_3403 : vector<16xf32>
      %add3A_3409 = arith.addf %add3A_3375, %bitcast_convert_type3A_3407 : vector<16xf32>
      %get3A_3410 = arith.constant 94 : i32
      %get3A_3411 = arith.index_cast %rem3A_24 : i32 to index
      %get3A_3412 = arith.index_cast %get3A_3410 : i32 to index
      %get3A_3413 = arith.constant 0 : index
      %get3A_3414 = tpu.vector_load %arg7[%get3A_3411, %get3A_3412, %get3A_3413] {strides = array<i32>} : memref<2x104x32xf32, #tpu.memory_space<vmem>>, vector<1x1x16xf32>,
      %get3A_3415 = vector.shape_cast %get3A_3414 : vector<1x1x16xf32> to vector<16xf32>
      %bitcast_convert_type3A_3416 = tpu.bitcast %get3A_3415 : vector<16xf32> -> vector<16xi32>
      %shift_left3A_3417 = arith.constant 16 : i32
      %shift_left3A_3418 = vector.broadcast %shift_left3A_3417 : i32 to vector<16xi32>
      %shift_left3A_3419 = arith.shli %bitcast_convert_type3A_3416, %shift_left3A_3418 : vector<16xi32>
      %bitcast_convert_type3A_3420 = tpu.bitcast %shift_left3A_3419 : vector<16xi32> -> vector<16xf32>
      %and3A_3421 = arith.constant -65536 : i32
      %and3A_3422 = vector.broadcast %and3A_3421 : i32 to vector<16xi32>
      %and3A_3423 = arith.andi %bitcast_convert_type3A_3416, %and3A_3422 : vector<16xi32>
      %bitcast_convert_type3A_3424 = tpu.bitcast %and3A_3423 : vector<16xi32> -> vector<16xf32>
      %add3A_3425 = arith.addf %add3A_3391, %bitcast_convert_type3A_3420 : vector<16xf32>
      %add3A_3426 = arith.addf %add3A_3392, %bitcast_convert_type3A_3424 : vector<16xf32>
      %get3A_3427 = arith.constant 94 : i32
      %get3A_3428 = arith.index_cast %rem3A_24 : i32 to index
      %get3A_3429 = arith.index_cast %get3A_3427 : i32 to index
      %get3A_3430 = arith.constant 16 : index
      %get3A_3431 = tpu.vector_load %arg7[%get3A_3428, %get3A_3429, %get3A_3430] {strides = array<i32>} : memref<2x104x32xf32, #tpu.memory_space<vmem>>, vector<1x1x16xf32>,
      %get3A_3432 = vector.shape_cast %get3A_3431 : vector<1x1x16xf32> to vector<16xf32>
      %bitcast_convert_type3A_3433 = tpu.bitcast %get3A_3432 : vector<16xf32> -> vector<16xi32>
      %shift_left3A_3434 = arith.constant 16 : i32
      %shift_left3A_3435 = vector.broadcast %shift_left3A_3434 : i32 to vector<16xi32>
      %shift_left3A_3436 = arith.shli %bitcast_convert_type3A_3433, %shift_left3A_3435 : vector<16xi32>
      %bitcast_convert_type3A_3437 = tpu.bitcast %shift_left3A_3436 : vector<16xi32> -> vector<16xf32>
      %and3A_3438 = arith.constant -65536 : i32
      %and3A_3439 = vector.broadcast %and3A_3438 : i32 to vector<16xi32>
      %and3A_3440 = arith.andi %bitcast_convert_type3A_3433, %and3A_3439 : vector<16xi32>
      %bitcast_convert_type3A_3441 = tpu.bitcast %and3A_3440 : vector<16xi32> -> vector<16xf32>
      %add3A_3442 = arith.addf %add3A_3408, %bitcast_convert_type3A_3437 : vector<16xf32>
      %add3A_3443 = arith.addf %add3A_3409, %bitcast_convert_type3A_3441 : vector<16xf32>
      %get3A_3444 = arith.constant 95 : i32
      %get3A_3445 = arith.index_cast %rem3A_24 : i32 to index
      %get3A_3446 = arith.index_cast %get3A_3444 : i32 to index
      %get3A_3447 = arith.constant 0 : index
      %get3A_3448 = tpu.vector_load %arg7[%get3A_3445, %get3A_3446, %get3A_3447] {strides = array<i32>} : memref<2x104x32xf32, #tpu.memory_space<vmem>>, vector<1x1x16xf32>,
      %get3A_3449 = vector.shape_cast %get3A_3448 : vector<1x1x16xf32> to vector<16xf32>
      %bitcast_convert_type3A_3450 = tpu.bitcast %get3A_3449 : vector<16xf32> -> vector<16xi32>
      %shift_left3A_3451 = arith.constant 16 : i32
      %shift_left3A_3452 = vector.broadcast %shift_left3A_3451 : i32 to vector<16xi32>
      %shift_left3A_3453 = arith.shli %bitcast_convert_type3A_3450, %shift_left3A_3452 : vector<16xi32>
      %bitcast_convert_type3A_3454 = tpu.bitcast %shift_left3A_3453 : vector<16xi32> -> vector<16xf32>
      %and3A_3455 = arith.constant -65536 : i32
      %and3A_3456 = vector.broadcast %and3A_3455 : i32 to vector<16xi32>
      %and3A_3457 = arith.andi %bitcast_convert_type3A_3450, %and3A_3456 : vector<16xi32>
      %bitcast_convert_type3A_3458 = tpu.bitcast %and3A_3457 : vector<16xi32> -> vector<16xf32>
      %add3A_3459 = arith.addf %add3A_3425, %bitcast_convert_type3A_3454 : vector<16xf32>
      %add3A_3460 = arith.addf %add3A_3426, %bitcast_convert_type3A_3458 : vector<16xf32>
      %get3A_3461 = arith.constant 95 : i32
      %get3A_3462 = arith.index_cast %rem3A_24 : i32 to index
      %get3A_3463 = arith.index_cast %get3A_3461 : i32 to index
      %get3A_3464 = arith.constant 16 : index
      %get3A_3465 = tpu.vector_load %arg7[%get3A_3462, %get3A_3463, %get3A_3464] {strides = array<i32>} : memref<2x104x32xf32, #tpu.memory_space<vmem>>, vector<1x1x16xf32>,
      %get3A_3466 = vector.shape_cast %get3A_3465 : vector<1x1x16xf32> to vector<16xf32>
      %bitcast_convert_type3A_3467 = tpu.bitcast %get3A_3466 : vector<16xf32> -> vector<16xi32>
      %shift_left3A_3468 = arith.constant 16 : i32
      %shift_left3A_3469 = vector.broadcast %shift_left3A_3468 : i32 to vector<16xi32>
      %shift_left3A_3470 = arith.shli %bitcast_convert_type3A_3467, %shift_left3A_3469 : vector<16xi32>
      %bitcast_convert_type3A_3471 = tpu.bitcast %shift_left3A_3470 : vector<16xi32> -> vector<16xf32>
      %and3A_3472 = arith.constant -65536 : i32
      %and3A_3473 = vector.broadcast %and3A_3472 : i32 to vector<16xi32>
      %and3A_3474 = arith.andi %bitcast_convert_type3A_3467, %and3A_3473 : vector<16xi32>
      %bitcast_convert_type3A_3475 = tpu.bitcast %and3A_3474 : vector<16xi32> -> vector<16xf32>
      %add3A_3476 = arith.addf %add3A_3442, %bitcast_convert_type3A_3471 : vector<16xf32>
      %add3A_3477 = arith.addf %add3A_3443, %bitcast_convert_type3A_3475 : vector<16xf32>
      %get3A_3478 = arith.constant 96 : i32
      %get3A_3479 = arith.index_cast %rem3A_24 : i32 to index
      %get3A_3480 = arith.index_cast %get3A_3478 : i32 to index
      %get3A_3481 = arith.constant 0 : index
      %get3A_3482 = tpu.vector_load %arg7[%get3A_3479, %get3A_3480, %get3A_3481] {strides = array<i32>} : memref<2x104x32xf32, #tpu.memory_space<vmem>>, vector<1x1x16xf32>,
      %get3A_3483 = vector.shape_cast %get3A_3482 : vector<1x1x16xf32> to vector<16xf32>
      %bitcast_convert_type3A_3484 = tpu.bitcast %get3A_3483 : vector<16xf32> -> vector<16xi32>
      %shift_left3A_3485 = arith.constant 16 : i32
      %shift_left3A_3486 = vector.broadcast %shift_left3A_3485 : i32 to vector<16xi32>
      %shift_left3A_3487 = arith.shli %bitcast_convert_type3A_3484, %shift_left3A_3486 : vector<16xi32>
      %bitcast_convert_type3A_3488 = tpu.bitcast %shift_left3A_3487 : vector<16xi32> -> vector<16xf32>
      %and3A_3489 = arith.constant -65536 : i32
      %and3A_3490 = vector.broadcast %and3A_3489 : i32 to vector<16xi32>
      %and3A_3491 = arith.andi %bitcast_convert_type3A_3484, %and3A_3490 : vector<16xi32>
      %bitcast_convert_type3A_3492 = tpu.bitcast %and3A_3491 : vector<16xi32> -> vector<16xf32>
      %add3A_3493 = arith.addf %add3A_3459, %bitcast_convert_type3A_3488 : vector<16xf32>
      %add3A_3494 = arith.addf %add3A_3460, %bitcast_convert_type3A_3492 : vector<16xf32>
      %get3A_3495 = arith.constant 96 : i32
      %get3A_3496 = arith.index_cast %rem3A_24 : i32 to index
      %get3A_3497 = arith.index_cast %get3A_3495 : i32 to index
      %get3A_3498 = arith.constant 16 : index
      %get3A_3499 = tpu.vector_load %arg7[%get3A_3496, %get3A_3497, %get3A_3498] {strides = array<i32>} : memref<2x104x32xf32, #tpu.memory_space<vmem>>, vector<1x1x16xf32>,
      %get3A_3500 = vector.shape_cast %get3A_3499 : vector<1x1x16xf32> to vector<16xf32>
      %bitcast_convert_type3A_3501 = tpu.bitcast %get3A_3500 : vector<16xf32> -> vector<16xi32>
      %shift_left3A_3502 = arith.constant 16 : i32
      %shift_left3A_3503 = vector.broadcast %shift_left3A_3502 : i32 to vector<16xi32>
      %shift_left3A_3504 = arith.shli %bitcast_convert_type3A_3501, %shift_left3A_3503 : vector<16xi32>
      %bitcast_convert_type3A_3505 = tpu.bitcast %shift_left3A_3504 : vector<16xi32> -> vector<16xf32>
      %and3A_3506 = arith.constant -65536 : i32
      %and3A_3507 = vector.broadcast %and3A_3506 : i32 to vector<16xi32>
      %and3A_3508 = arith.andi %bitcast_convert_type3A_3501, %and3A_3507 : vector<16xi32>
      %bitcast_convert_type3A_3509 = tpu.bitcast %and3A_3508 : vector<16xi32> -> vector<16xf32>
      %add3A_3510 = arith.addf %add3A_3476, %bitcast_convert_type3A_3505 : vector<16xf32>
      %add3A_3511 = arith.addf %add3A_3477, %bitcast_convert_type3A_3509 : vector<16xf32>
      %get3A_3512 = arith.constant 97 : i32
      %get3A_3513 = arith.index_cast %rem3A_24 : i32 to index
      %get3A_3514 = arith.index_cast %get3A_3512 : i32 to index
      %get3A_3515 = arith.constant 0 : index
      %get3A_3516 = tpu.vector_load %arg7[%get3A_3513, %get3A_3514, %get3A_3515] {strides = array<i32>} : memref<2x104x32xf32, #tpu.memory_space<vmem>>, vector<1x1x16xf32>,
      %get3A_3517 = vector.shape_cast %get3A_3516 : vector<1x1x16xf32> to vector<16xf32>
      %bitcast_convert_type3A_3518 = tpu.bitcast %get3A_3517 : vector<16xf32> -> vector<16xi32>
      %shift_left3A_3519 = arith.constant 16 : i32
      %shift_left3A_3520 = vector.broadcast %shift_left3A_3519 : i32 to vector<16xi32>
      %shift_left3A_3521 = arith.shli %bitcast_convert_type3A_3518, %shift_left3A_3520 : vector<16xi32>
      %bitcast_convert_type3A_3522 = tpu.bitcast %shift_left3A_3521 : vector<16xi32> -> vector<16xf32>
      %and3A_3523 = arith.constant -65536 : i32
      %and3A_3524 = vector.broadcast %and3A_3523 : i32 to vector<16xi32>
      %and3A_3525 = arith.andi %bitcast_convert_type3A_3518, %and3A_3524 : vector<16xi32>
      %bitcast_convert_type3A_3526 = tpu.bitcast %and3A_3525 : vector<16xi32> -> vector<16xf32>
      %add3A_3527 = arith.addf %add3A_3493, %bitcast_convert_type3A_3522 : vector<16xf32>
      %add3A_3528 = arith.addf %add3A_3494, %bitcast_convert_type3A_3526 : vector<16xf32>
      %get3A_3529 = arith.constant 97 : i32
      %get3A_3530 = arith.index_cast %rem3A_24 : i32 to index
      %get3A_3531 = arith.index_cast %get3A_3529 : i32 to index
      %get3A_3532 = arith.constant 16 : index
      %get3A_3533 = tpu.vector_load %arg7[%get3A_3530, %get3A_3531, %get3A_3532] {strides = array<i32>} : memref<2x104x32xf32, #tpu.memory_space<vmem>>, vector<1x1x16xf32>,
      %get3A_3534 = vector.shape_cast %get3A_3533 : vector<1x1x16xf32> to vector<16xf32>
      %bitcast_convert_type3A_3535 = tpu.bitcast %get3A_3534 : vector<16xf32> -> vector<16xi32>
      %shift_left3A_3536 = arith.constant 16 : i32
      %shift_left3A_3537 = vector.broadcast %shift_left3A_3536 : i32 to vector<16xi32>
      %shift_left3A_3538 = arith.shli %bitcast_convert_type3A_3535, %shift_left3A_3537 : vector<16xi32>
      %bitcast_convert_type3A_3539 = tpu.bitcast %shift_left3A_3538 : vector<16xi32> -> vector<16xf32>
      %and3A_3540 = arith.constant -65536 : i32
      %and3A_3541 = vector.broadcast %and3A_3540 : i32 to vector<16xi32>
      %and3A_3542 = arith.andi %bitcast_convert_type3A_3535, %and3A_3541 : vector<16xi32>
      %bitcast_convert_type3A_3543 = tpu.bitcast %and3A_3542 : vector<16xi32> -> vector<16xf32>
      %add3A_3544 = arith.addf %add3A_3510, %bitcast_convert_type3A_3539 : vector<16xf32>
      %add3A_3545 = arith.addf %add3A_3511, %bitcast_convert_type3A_3543 : vector<16xf32>
      %get3A_3546 = arith.constant 98 : i32
      %get3A_3547 = arith.index_cast %rem3A_24 : i32 to index
      %get3A_3548 = arith.index_cast %get3A_3546 : i32 to index
      %get3A_3549 = arith.constant 0 : index
      %get3A_3550 = tpu.vector_load %arg7[%get3A_3547, %get3A_3548, %get3A_3549] {strides = array<i32>} : memref<2x104x32xf32, #tpu.memory_space<vmem>>, vector<1x1x16xf32>,
      %get3A_3551 = vector.shape_cast %get3A_3550 : vector<1x1x16xf32> to vector<16xf32>
      %bitcast_convert_type3A_3552 = tpu.bitcast %get3A_3551 : vector<16xf32> -> vector<16xi32>
      %shift_left3A_3553 = arith.constant 16 : i32
      %shift_left3A_3554 = vector.broadcast %shift_left3A_3553 : i32 to vector<16xi32>
      %shift_left3A_3555 = arith.shli %bitcast_convert_type3A_3552, %shift_left3A_3554 : vector<16xi32>
      %bitcast_convert_type3A_3556 = tpu.bitcast %shift_left3A_3555 : vector<16xi32> -> vector<16xf32>
      %and3A_3557 = arith.constant -65536 : i32
      %and3A_3558 = vector.broadcast %and3A_3557 : i32 to vector<16xi32>
      %and3A_3559 = arith.andi %bitcast_convert_type3A_3552, %and3A_3558 : vector<16xi32>
      %bitcast_convert_type3A_3560 = tpu.bitcast %and3A_3559 : vector<16xi32> -> vector<16xf32>
      %add3A_3561 = arith.addf %add3A_3527, %bitcast_convert_type3A_3556 : vector<16xf32>
      %add3A_3562 = arith.addf %add3A_3528, %bitcast_convert_type3A_3560 : vector<16xf32>
      %get3A_3563 = arith.constant 98 : i32
      %get3A_3564 = arith.index_cast %rem3A_24 : i32 to index
      %get3A_3565 = arith.index_cast %get3A_3563 : i32 to index
      %get3A_3566 = arith.constant 16 : index
      %get3A_3567 = tpu.vector_load %arg7[%get3A_3564, %get3A_3565, %get3A_3566] {strides = array<i32>} : memref<2x104x32xf32, #tpu.memory_space<vmem>>, vector<1x1x16xf32>,
      %get3A_3568 = vector.shape_cast %get3A_3567 : vector<1x1x16xf32> to vector<16xf32>
      %bitcast_convert_type3A_3569 = tpu.bitcast %get3A_3568 : vector<16xf32> -> vector<16xi32>
      %shift_left3A_3570 = arith.constant 16 : i32
      %shift_left3A_3571 = vector.broadcast %shift_left3A_3570 : i32 to vector<16xi32>
      %shift_left3A_3572 = arith.shli %bitcast_convert_type3A_3569, %shift_left3A_3571 : vector<16xi32>
      %bitcast_convert_type3A_3573 = tpu.bitcast %shift_left3A_3572 : vector<16xi32> -> vector<16xf32>
      %and3A_3574 = arith.constant -65536 : i32
      %and3A_3575 = vector.broadcast %and3A_3574 : i32 to vector<16xi32>
      %and3A_3576 = arith.andi %bitcast_convert_type3A_3569, %and3A_3575 : vector<16xi32>
      %bitcast_convert_type3A_3577 = tpu.bitcast %and3A_3576 : vector<16xi32> -> vector<16xf32>
      %add3A_3578 = arith.addf %add3A_3544, %bitcast_convert_type3A_3573 : vector<16xf32>
      %add3A_3579 = arith.addf %add3A_3545, %bitcast_convert_type3A_3577 : vector<16xf32>
      %get3A_3580 = arith.constant 99 : i32
      %get3A_3581 = arith.index_cast %rem3A_24 : i32 to index
      %get3A_3582 = arith.index_cast %get3A_3580 : i32 to index
      %get3A_3583 = arith.constant 0 : index
      %get3A_3584 = tpu.vector_load %arg7[%get3A_3581, %get3A_3582, %get3A_3583] {strides = array<i32>} : memref<2x104x32xf32, #tpu.memory_space<vmem>>, vector<1x1x16xf32>,
      %get3A_3585 = vector.shape_cast %get3A_3584 : vector<1x1x16xf32> to vector<16xf32>
      %bitcast_convert_type3A_3586 = tpu.bitcast %get3A_3585 : vector<16xf32> -> vector<16xi32>
      %shift_left3A_3587 = arith.constant 16 : i32
      %shift_left3A_3588 = vector.broadcast %shift_left3A_3587 : i32 to vector<16xi32>
      %shift_left3A_3589 = arith.shli %bitcast_convert_type3A_3586, %shift_left3A_3588 : vector<16xi32>
      %bitcast_convert_type3A_3590 = tpu.bitcast %shift_left3A_3589 : vector<16xi32> -> vector<16xf32>
      %and3A_3591 = arith.constant -65536 : i32
      %and3A_3592 = vector.broadcast %and3A_3591 : i32 to vector<16xi32>
      %and3A_3593 = arith.andi %bitcast_convert_type3A_3586, %and3A_3592 : vector<16xi32>
      %bitcast_convert_type3A_3594 = tpu.bitcast %and3A_3593 : vector<16xi32> -> vector<16xf32>
      %add3A_3595 = arith.addf %add3A_3561, %bitcast_convert_type3A_3590 : vector<16xf32>
      %add3A_3596 = arith.addf %add3A_3562, %bitcast_convert_type3A_3594 : vector<16xf32>
      %get3A_3597 = arith.constant 99 : i32
      %get3A_3598 = arith.index_cast %rem3A_24 : i32 to index
      %get3A_3599 = arith.index_cast %get3A_3597 : i32 to index
      %get3A_3600 = arith.constant 16 : index
      %get3A_3601 = tpu.vector_load %arg7[%get3A_3598, %get3A_3599, %get3A_3600] {strides = array<i32>} : memref<2x104x32xf32, #tpu.memory_space<vmem>>, vector<1x1x16xf32>,
      %get3A_3602 = vector.shape_cast %get3A_3601 : vector<1x1x16xf32> to vector<16xf32>
      %bitcast_convert_type3A_3603 = tpu.bitcast %get3A_3602 : vector<16xf32> -> vector<16xi32>
      %shift_left3A_3604 = arith.constant 16 : i32
      %shift_left3A_3605 = vector.broadcast %shift_left3A_3604 : i32 to vector<16xi32>
      %shift_left3A_3606 = arith.shli %bitcast_convert_type3A_3603, %shift_left3A_3605 : vector<16xi32>
      %bitcast_convert_type3A_3607 = tpu.bitcast %shift_left3A_3606 : vector<16xi32> -> vector<16xf32>
      %and3A_3608 = arith.constant -65536 : i32
      %and3A_3609 = vector.broadcast %and3A_3608 : i32 to vector<16xi32>
      %and3A_3610 = arith.andi %bitcast_convert_type3A_3603, %and3A_3609 : vector<16xi32>
      %bitcast_convert_type3A_3611 = tpu.bitcast %and3A_3610 : vector<16xi32> -> vector<16xf32>
      %add3A_3612 = arith.addf %add3A_3578, %bitcast_convert_type3A_3607 : vector<16xf32>
      %add3A_3613 = arith.addf %add3A_3579, %bitcast_convert_type3A_3611 : vector<16xf32>
      %get3A_3614 = arith.constant 100 : i32
      %get3A_3615 = arith.index_cast %rem3A_24 : i32 to index
      %get3A_3616 = arith.index_cast %get3A_3614 : i32 to index
      %get3A_3617 = arith.constant 0 : index
      %get3A_3618 = tpu.vector_load %arg7[%get3A_3615, %get3A_3616, %get3A_3617] {strides = array<i32>} : memref<2x104x32xf32, #tpu.memory_space<vmem>>, vector<1x1x16xf32>,
      %get3A_3619 = vector.shape_cast %get3A_3618 : vector<1x1x16xf32> to vector<16xf32>
      %bitcast_convert_type3A_3620 = tpu.bitcast %get3A_3619 : vector<16xf32> -> vector<16xi32>
      %shift_left3A_3621 = arith.constant 16 : i32
      %shift_left3A_3622 = vector.broadcast %shift_left3A_3621 : i32 to vector<16xi32>
      %shift_left3A_3623 = arith.shli %bitcast_convert_type3A_3620, %shift_left3A_3622 : vector<16xi32>
      %bitcast_convert_type3A_3624 = tpu.bitcast %shift_left3A_3623 : vector<16xi32> -> vector<16xf32>
      %and3A_3625 = arith.constant -65536 : i32
      %and3A_3626 = vector.broadcast %and3A_3625 : i32 to vector<16xi32>
      %and3A_3627 = arith.andi %bitcast_convert_type3A_3620, %and3A_3626 : vector<16xi32>
      %bitcast_convert_type3A_3628 = tpu.bitcast %and3A_3627 : vector<16xi32> -> vector<16xf32>
      %add3A_3629 = arith.addf %add3A_3595, %bitcast_convert_type3A_3624 : vector<16xf32>
      %add3A_3630 = arith.addf %add3A_3596, %bitcast_convert_type3A_3628 : vector<16xf32>
      %get3A_3631 = arith.constant 100 : i32
      %get3A_3632 = arith.index_cast %rem3A_24 : i32 to index
      %get3A_3633 = arith.index_cast %get3A_3631 : i32 to index
      %get3A_3634 = arith.constant 16 : index
      %get3A_3635 = tpu.vector_load %arg7[%get3A_3632, %get3A_3633, %get3A_3634] {strides = array<i32>} : memref<2x104x32xf32, #tpu.memory_space<vmem>>, vector<1x1x16xf32>,
      %get3A_3636 = vector.shape_cast %get3A_3635 : vector<1x1x16xf32> to vector<16xf32>
      %bitcast_convert_type3A_3637 = tpu.bitcast %get3A_3636 : vector<16xf32> -> vector<16xi32>
      %shift_left3A_3638 = arith.constant 16 : i32
      %shift_left3A_3639 = vector.broadcast %shift_left3A_3638 : i32 to vector<16xi32>
      %shift_left3A_3640 = arith.shli %bitcast_convert_type3A_3637, %shift_left3A_3639 : vector<16xi32>
      %bitcast_convert_type3A_3641 = tpu.bitcast %shift_left3A_3640 : vector<16xi32> -> vector<16xf32>
      %and3A_3642 = arith.constant -65536 : i32
      %and3A_3643 = vector.broadcast %and3A_3642 : i32 to vector<16xi32>
      %and3A_3644 = arith.andi %bitcast_convert_type3A_3637, %and3A_3643 : vector<16xi32>
      %bitcast_convert_type3A_3645 = tpu.bitcast %and3A_3644 : vector<16xi32> -> vector<16xf32>
      %add3A_3646 = arith.addf %add3A_3612, %bitcast_convert_type3A_3641 : vector<16xf32>
      %add3A_3647 = arith.addf %add3A_3613, %bitcast_convert_type3A_3645 : vector<16xf32>
      %get3A_3648 = arith.constant 101 : i32
      %get3A_3649 = arith.index_cast %rem3A_24 : i32 to index
      %get3A_3650 = arith.index_cast %get3A_3648 : i32 to index
      %get3A_3651 = arith.constant 0 : index
      %get3A_3652 = tpu.vector_load %arg7[%get3A_3649, %get3A_3650, %get3A_3651] {strides = array<i32>} : memref<2x104x32xf32, #tpu.memory_space<vmem>>, vector<1x1x16xf32>,
      %get3A_3653 = vector.shape_cast %get3A_3652 : vector<1x1x16xf32> to vector<16xf32>
      %bitcast_convert_type3A_3654 = tpu.bitcast %get3A_3653 : vector<16xf32> -> vector<16xi32>
      %shift_left3A_3655 = arith.constant 16 : i32
      %shift_left3A_3656 = vector.broadcast %shift_left3A_3655 : i32 to vector<16xi32>
      %shift_left3A_3657 = arith.shli %bitcast_convert_type3A_3654, %shift_left3A_3656 : vector<16xi32>
      %bitcast_convert_type3A_3658 = tpu.bitcast %shift_left3A_3657 : vector<16xi32> -> vector<16xf32>
      %and3A_3659 = arith.constant -65536 : i32
      %and3A_3660 = vector.broadcast %and3A_3659 : i32 to vector<16xi32>
      %and3A_3661 = arith.andi %bitcast_convert_type3A_3654, %and3A_3660 : vector<16xi32>
      %bitcast_convert_type3A_3662 = tpu.bitcast %and3A_3661 : vector<16xi32> -> vector<16xf32>
      %add3A_3663 = arith.addf %add3A_3629, %bitcast_convert_type3A_3658 : vector<16xf32>
      %add3A_3664 = arith.addf %add3A_3630, %bitcast_convert_type3A_3662 : vector<16xf32>
      %get3A_3665 = arith.constant 101 : i32
      %get3A_3666 = arith.index_cast %rem3A_24 : i32 to index
      %get3A_3667 = arith.index_cast %get3A_3665 : i32 to index
      %get3A_3668 = arith.constant 16 : index
      %get3A_3669 = tpu.vector_load %arg7[%get3A_3666, %get3A_3667, %get3A_3668] {strides = array<i32>} : memref<2x104x32xf32, #tpu.memory_space<vmem>>, vector<1x1x16xf32>,
      %get3A_3670 = vector.shape_cast %get3A_3669 : vector<1x1x16xf32> to vector<16xf32>
      %bitcast_convert_type3A_3671 = tpu.bitcast %get3A_3670 : vector<16xf32> -> vector<16xi32>
      %shift_left3A_3672 = arith.constant 16 : i32
      %shift_left3A_3673 = vector.broadcast %shift_left3A_3672 : i32 to vector<16xi32>
      %shift_left3A_3674 = arith.shli %bitcast_convert_type3A_3671, %shift_left3A_3673 : vector<16xi32>
      %bitcast_convert_type3A_3675 = tpu.bitcast %shift_left3A_3674 : vector<16xi32> -> vector<16xf32>
      %and3A_3676 = arith.constant -65536 : i32
      %and3A_3677 = vector.broadcast %and3A_3676 : i32 to vector<16xi32>
      %and3A_3678 = arith.andi %bitcast_convert_type3A_3671, %and3A_3677 : vector<16xi32>
      %bitcast_convert_type3A_3679 = tpu.bitcast %and3A_3678 : vector<16xi32> -> vector<16xf32>
      %add3A_3680 = arith.addf %add3A_3646, %bitcast_convert_type3A_3675 : vector<16xf32>
      %add3A_3681 = arith.addf %add3A_3647, %bitcast_convert_type3A_3679 : vector<16xf32>
      %get3A_3682 = arith.constant 102 : i32
      %get3A_3683 = arith.index_cast %rem3A_24 : i32 to index
      %get3A_3684 = arith.index_cast %get3A_3682 : i32 to index
      %get3A_3685 = arith.constant 0 : index
      %get3A_3686 = tpu.vector_load %arg7[%get3A_3683, %get3A_3684, %get3A_3685] {strides = array<i32>} : memref<2x104x32xf32, #tpu.memory_space<vmem>>, vector<1x1x16xf32>,
      %get3A_3687 = vector.shape_cast %get3A_3686 : vector<1x1x16xf32> to vector<16xf32>
      %bitcast_convert_type3A_3688 = tpu.bitcast %get3A_3687 : vector<16xf32> -> vector<16xi32>
      %shift_left3A_3689 = arith.constant 16 : i32
      %shift_left3A_3690 = vector.broadcast %shift_left3A_3689 : i32 to vector<16xi32>
      %shift_left3A_3691 = arith.shli %bitcast_convert_type3A_3688, %shift_left3A_3690 : vector<16xi32>
      %bitcast_convert_type3A_3692 = tpu.bitcast %shift_left3A_3691 : vector<16xi32> -> vector<16xf32>
      %and3A_3693 = arith.constant -65536 : i32
      %and3A_3694 = vector.broadcast %and3A_3693 : i32 to vector<16xi32>
      %and3A_3695 = arith.andi %bitcast_convert_type3A_3688, %and3A_3694 : vector<16xi32>
      %bitcast_convert_type3A_3696 = tpu.bitcast %and3A_3695 : vector<16xi32> -> vector<16xf32>
      %add3A_3697 = arith.addf %add3A_3663, %bitcast_convert_type3A_3692 : vector<16xf32>
      %add3A_3698 = arith.addf %add3A_3664, %bitcast_convert_type3A_3696 : vector<16xf32>
      %get3A_3699 = arith.constant 102 : i32
      %get3A_3700 = arith.index_cast %rem3A_24 : i32 to index
      %get3A_3701 = arith.index_cast %get3A_3699 : i32 to index
      %get3A_3702 = arith.constant 16 : index
      %get3A_3703 = tpu.vector_load %arg7[%get3A_3700, %get3A_3701, %get3A_3702] {strides = array<i32>} : memref<2x104x32xf32, #tpu.memory_space<vmem>>, vector<1x1x16xf32>,
      %get3A_3704 = vector.shape_cast %get3A_3703 : vector<1x1x16xf32> to vector<16xf32>
      %bitcast_convert_type3A_3705 = tpu.bitcast %get3A_3704 : vector<16xf32> -> vector<16xi32>
      %shift_left3A_3706 = arith.constant 16 : i32
      %shift_left3A_3707 = vector.broadcast %shift_left3A_3706 : i32 to vector<16xi32>
      %shift_left3A_3708 = arith.shli %bitcast_convert_type3A_3705, %shift_left3A_3707 : vector<16xi32>
      %bitcast_convert_type3A_3709 = tpu.bitcast %shift_left3A_3708 : vector<16xi32> -> vector<16xf32>
      %and3A_3710 = arith.constant -65536 : i32
      %and3A_3711 = vector.broadcast %and3A_3710 : i32 to vector<16xi32>
      %and3A_3712 = arith.andi %bitcast_convert_type3A_3705, %and3A_3711 : vector<16xi32>
      %bitcast_convert_type3A_3713 = tpu.bitcast %and3A_3712 : vector<16xi32> -> vector<16xf32>
      %add3A_3714 = arith.addf %add3A_3680, %bitcast_convert_type3A_3709 : vector<16xf32>
      %add3A_3715 = arith.addf %add3A_3681, %bitcast_convert_type3A_3713 : vector<16xf32>
      %get3A_3716 = arith.constant 103 : i32
      %get3A_3717 = arith.index_cast %rem3A_24 : i32 to index
      %get3A_3718 = arith.index_cast %get3A_3716 : i32 to index
      %get3A_3719 = arith.constant 0 : index
      %get3A_3720 = tpu.vector_load %arg7[%get3A_3717, %get3A_3718, %get3A_3719] {strides = array<i32>} : memref<2x104x32xf32, #tpu.memory_space<vmem>>, vector<1x1x16xf32>,
      %get3A_3721 = vector.shape_cast %get3A_3720 : vector<1x1x16xf32> to vector<16xf32>
      %bitcast_convert_type3A_3722 = tpu.bitcast %get3A_3721 : vector<16xf32> -> vector<16xi32>
      %shift_left3A_3723 = arith.constant 16 : i32
      %shift_left3A_3724 = vector.broadcast %shift_left3A_3723 : i32 to vector<16xi32>
      %shift_left3A_3725 = arith.shli %bitcast_convert_type3A_3722, %shift_left3A_3724 : vector<16xi32>
      %bitcast_convert_type3A_3726 = tpu.bitcast %shift_left3A_3725 : vector<16xi32> -> vector<16xf32>
      %and3A_3727 = arith.constant -65536 : i32
      %and3A_3728 = vector.broadcast %and3A_3727 : i32 to vector<16xi32>
      %and3A_3729 = arith.andi %bitcast_convert_type3A_3722, %and3A_3728 : vector<16xi32>
      %bitcast_convert_type3A_3730 = tpu.bitcast %and3A_3729 : vector<16xi32> -> vector<16xf32>
      %add3A_3731 = arith.addf %add3A_3697, %bitcast_convert_type3A_3726 : vector<16xf32>
      %add3A_3732 = arith.addf %add3A_3698, %bitcast_convert_type3A_3730 : vector<16xf32>
      %get3A_3733 = arith.constant 103 : i32
      %get3A_3734 = arith.index_cast %rem3A_24 : i32 to index
      %get3A_3735 = arith.index_cast %get3A_3733 : i32 to index
      %get3A_3736 = arith.constant 16 : index
      %get3A_3737 = tpu.vector_load %arg7[%get3A_3734, %get3A_3735, %get3A_3736] {strides = array<i32>} : memref<2x104x32xf32, #tpu.memory_space<vmem>>, vector<1x1x16xf32>,
      %get3A_3738 = vector.shape_cast %get3A_3737 : vector<1x1x16xf32> to vector<16xf32>
      %bitcast_convert_type3A_3739 = tpu.bitcast %get3A_3738 : vector<16xf32> -> vector<16xi32>
      %shift_left3A_3740 = arith.constant 16 : i32
      %shift_left3A_3741 = vector.broadcast %shift_left3A_3740 : i32 to vector<16xi32>
      %shift_left3A_3742 = arith.shli %bitcast_convert_type3A_3739, %shift_left3A_3741 : vector<16xi32>
      %bitcast_convert_type3A_3743 = tpu.bitcast %shift_left3A_3742 : vector<16xi32> -> vector<16xf32>
      %and3A_3744 = arith.constant -65536 : i32
      %and3A_3745 = vector.broadcast %and3A_3744 : i32 to vector<16xi32>
      %and3A_3746 = arith.andi %bitcast_convert_type3A_3739, %and3A_3745 : vector<16xi32>
      %bitcast_convert_type3A_3747 = tpu.bitcast %and3A_3746 : vector<16xi32> -> vector<16xf32>
      %add3A_3748 = arith.addf %add3A_3714, %bitcast_convert_type3A_3743 : vector<16xf32>
      %add3A_3749 = arith.addf %add3A_3715, %bitcast_convert_type3A_3747 : vector<16xf32>
      %mul3A_3750 = arith.constant 4 : i32
      %mul3A_3751 = arith.muli %scan3A_22, %mul3A_3750 : i32
      %add3A_3752 = arith.constant 3 : i32
      %add3A_3753 = arith.addi %mul3A_3751, %add3A_3752 : i32
      %mul3A_3754 = arith.constant 64 : i32
      %mul3A_3755 = arith.muli %add3A_3753, %mul3A_3754 : i32
      %get3A_3756 = arith.constant 0 : i32
      %get3A_3757 = arith.index_cast %get3A_3756 : i32 to index
      %get3A_3758 = arith.constant 0 : index
      %get3A_3759 = tpu.vector_load %arg9[%get3A_3757, %get3A_3758] {strides = array<i32>} : memref<4x16xf32, #tpu.memory_space<vmem>>, vector<1x16xf32>,
      %get3A_3760 = vector.shape_cast %get3A_3759 : vector<1x16xf32> to vector<16xf32>
      %add3A_3761 = arith.addf %add3A_3731, %get3A_3760 : vector<16xf32>
      %max3A_3762 = arith.constant 0.000000e+00 : f32
      %max3A_3763 = vector.broadcast %max3A_3762 : f32 to vector<16xf32>
      %max3A_3764 = arith.maximumf %add3A_3761, %max3A_3763 : vector<16xf32>
      %add3A_3765 = arith.constant 0 : i32
      %add3A_3766 = arith.addi %mul3A_3755, %add3A_3765 : i32
      %swap3A_3767 = arith.index_cast %add3A_3766 : i32 to index
      %swap3A_3768 = tpu.vector_load %arg8[%swap3A_3767] {strides = array<i32>} : memref<32768xf32, #tpu.memory_space<vmem>>, vector<16xf32>,
      %swap3A_3769 = vector.shape_cast %swap3A_3768 : vector<16xf32> to vector<16xf32>
      %swap3A_3770 = vector.shape_cast %max3A_3764 : vector<16xf32> to vector<16xf32>
      tpu.vector_store %arg8[%swap3A_3767], %swap3A_3770 {strides = array<i32>} : memref<32768xf32, #tpu.memory_space<vmem>>, vector<16xf32>,
      %get3A_3771 = arith.constant 1 : i32
      %get3A_3772 = arith.index_cast %get3A_3771 : i32 to index
      %get3A_3773 = arith.constant 0 : index
      %get3A_3774 = tpu.vector_load %arg9[%get3A_3772, %get3A_3773] {strides = array<i32>} : memref<4x16xf32, #tpu.memory_space<vmem>>, vector<1x16xf32>,
      %get3A_3775 = vector.shape_cast %get3A_3774 : vector<1x16xf32> to vector<16xf32>
      %add3A_3776 = arith.addf %add3A_3732, %get3A_3775 : vector<16xf32>
      %max3A_3777 = arith.constant 0.000000e+00 : f32
      %max3A_3778 = vector.broadcast %max3A_3777 : f32 to vector<16xf32>
      %max3A_3779 = arith.maximumf %add3A_3776, %max3A_3778 : vector<16xf32>
      %add3A_3780 = arith.constant 16 : i32
      %add3A_3781 = arith.addi %mul3A_3755, %add3A_3780 : i32
      %swap3A_3782 = arith.index_cast %add3A_3781 : i32 to index
      %swap3A_3783 = tpu.vector_load %arg8[%swap3A_3782] {strides = array<i32>} : memref<32768xf32, #tpu.memory_space<vmem>>, vector<16xf32>,
      %swap3A_3784 = vector.shape_cast %swap3A_3783 : vector<16xf32> to vector<16xf32>
      %swap3A_3785 = vector.shape_cast %max3A_3779 : vector<16xf32> to vector<16xf32>
      tpu.vector_store %arg8[%swap3A_3782], %swap3A_3785 {strides = array<i32>} : memref<32768xf32, #tpu.memory_space<vmem>>, vector<16xf32>,
      %get3A_3786 = arith.constant 2 : i32
      %get3A_3787 = arith.index_cast %get3A_3786 : i32 to index
      %get3A_3788 = arith.constant 0 : index
      %get3A_3789 = tpu.vector_load %arg9[%get3A_3787, %get3A_3788] {strides = array<i32>} : memref<4x16xf32, #tpu.memory_space<vmem>>, vector<1x16xf32>,
      %get3A_3790 = vector.shape_cast %get3A_3789 : vector<1x16xf32> to vector<16xf32>
      %add3A_3791 = arith.addf %add3A_3748, %get3A_3790 : vector<16xf32>
      %max3A_3792 = arith.constant 0.000000e+00 : f32
      %max3A_3793 = vector.broadcast %max3A_3792 : f32 to vector<16xf32>
      %max3A_3794 = arith.maximumf %add3A_3791, %max3A_3793 : vector<16xf32>
      %add3A_3795 = arith.constant 32 : i32
      %add3A_3796 = arith.addi %mul3A_3755, %add3A_3795 : i32
      %swap3A_3797 = arith.index_cast %add3A_3796 : i32 to index
      %swap3A_3798 = tpu.vector_load %arg8[%swap3A_3797] {strides = array<i32>} : memref<32768xf32, #tpu.memory_space<vmem>>, vector<16xf32>,
      %swap3A_3799 = vector.shape_cast %swap3A_3798 : vector<16xf32> to vector<16xf32>
      %swap3A_3800 = vector.shape_cast %max3A_3794 : vector<16xf32> to vector<16xf32>
      tpu.vector_store %arg8[%swap3A_3797], %swap3A_3800 {strides = array<i32>} : memref<32768xf32, #tpu.memory_space<vmem>>, vector<16xf32>,
      %get3A_3801 = arith.constant 3 : i32
      %get3A_3802 = arith.index_cast %get3A_3801 : i32 to index
      %get3A_3803 = arith.constant 0 : index
      %get3A_3804 = tpu.vector_load %arg9[%get3A_3802, %get3A_3803] {strides = array<i32>} : memref<4x16xf32, #tpu.memory_space<vmem>>, vector<1x16xf32>,
      %get3A_3805 = vector.shape_cast %get3A_3804 : vector<1x16xf32> to vector<16xf32>
      %add3A_3806 = arith.addf %add3A_3749, %get3A_3805 : vector<16xf32>
      %max3A_3807 = arith.constant 0.000000e+00 : f32
      %max3A_3808 = vector.broadcast %max3A_3807 : f32 to vector<16xf32>
      %max3A_3809 = arith.maximumf %add3A_3806, %max3A_3808 : vector<16xf32>
      %add3A_3810 = arith.constant 48 : i32
      %add3A_3811 = arith.addi %mul3A_3755, %add3A_3810 : i32
      %swap3A_3812 = arith.index_cast %add3A_3811 : i32 to index
      %swap3A_3813 = tpu.vector_load %arg8[%swap3A_3812] {strides = array<i32>} : memref<32768xf32, #tpu.memory_space<vmem>>, vector<16xf32>,
      %swap3A_3814 = vector.shape_cast %swap3A_3813 : vector<16xf32> to vector<16xf32>
      %swap3A_3815 = vector.shape_cast %max3A_3809 : vector<16xf32> to vector<16xf32>
      tpu.vector_store %arg8[%swap3A_3812], %swap3A_3815 {strides = array<i32>} : memref<32768xf32, #tpu.memory_space<vmem>>, vector<16xf32>,
      %scan3A_3816 = arith.constant 0 : i32
      scf.yield %scan3A_3816 : i32
    }
    %scan3A_17 = arith.constant 128 : i32
    %mul3A_18 = arith.constant 512 : i32
    %mul3A_19 = arith.muli %add3A, %mul3A_18 : i32
    %mul3A_20 = arith.constant 64 : i32
    %mul3A_21 = arith.muli %mul3A_19, %mul3A_20 : i32
    "tpu.region"() ({
      %run_scoped3A = tpu.sem_alloc : memref<!tpu.dma_semaphore, #tpu.memory_space<semaphore_mem>>
      %dma_start3A_22 = tpu.memref_slice %arg5[%mul3A_21] : memref<1048576xf32, #tpu.memory_space<hbm>> -> memref<32768xf32, #tpu.memory_space<hbm>>
      %dma_start3A_23 = tpu.memref_slice %arg5[%mul3A_21] : memref<1048576xf32, #tpu.memory_space<hbm>> -> memref<32768xf32, #tpu.memory_space<hbm>>
      tpu.enqueue_dma source(%arg8 : memref<32768xf32, #tpu.memory_space<vmem>>) target(%dma_start3A_23 : memref<32768xf32, #tpu.memory_space<hbm>>) target_semaphore(%run_scoped3A : memref<!tpu.dma_semaphore, #tpu.memory_space<semaphore_mem>>)
      %dma_wait3A = tpu.memref_slice %arg5[%mul3A_21] : memref<1048576xf32, #tpu.memory_space<hbm>> -> memref<32768xf32, #tpu.memory_space<hbm>>
      %dma_wait3A_24 = tpu.memref_slice %arg5[%mul3A_21] : memref<1048576xf32, #tpu.memory_space<hbm>> -> memref<32768xf32, #tpu.memory_space<hbm>>
      tpu.wait_dma2 semaphore(%run_scoped3A : memref<!tpu.dma_semaphore, #tpu.memory_space<semaphore_mem>>) src(%arg8 : memref<32768xf32, #tpu.memory_space<vmem>>) dst(%dma_wait3A_24 : memref<32768xf32, #tpu.memory_space<hbm>>)
      tpu.yield
    }) : () -> ()
    return
  }
}

module attributes {stable_mosaic.version = 14 : i64} {
  func.func @body(%arg0: i32, %arg1: i32, %arg2: memref<1x128x4096xf32, #tpu.memory_space<vmem>>, %arg3: memref<1x128x128xbf16, #tpu.memory_space<vmem>>, %arg4: memref<1x4096x64xf32, #tpu.memory_space<vmem>>) attributes {dimension_semantics = [#tpu.dimension_semantics<parallel>, #tpu.dimension_semantics<parallel>], iteration_bounds = array<i64: 13, 25>, scalar_prefetch = 0 : i64, scratch_operands = 0 : i64, tpu.core_type = #tpu.core_type<tc>, window_params = [{transform_indices = @transform_0, window_bounds = array<i64: 1, 128, 4096>}, {transform_indices = @transform_1, window_bounds = array<i64: 1, 128, 128>}, {transform_indices = @transform_2, window_bounds = array<i64: 1, 4096, 64>}]} {
    %get3A = arith.constant 0 : index
    %get3A_0 = arith.constant 0 : index
    %get3A_1 = arith.constant 0 : index
    %get3A_2 = vector.load %arg2[%get3A, %get3A_0, %get3A_1] : memref<1x128x4096xf32, #tpu.memory_space<vmem>>, vector<1x128x4096xf32>
    %get3A_3 = vector.shape_cast %get3A_2 : vector<1x128x4096xf32> to vector<128x4096xf32>
    %convert_element_type3A = arith.truncf %get3A_3 : vector<128x4096xf32> to vector<128x4096xbf16>
    %get3A_4 = arith.constant 0 : index
    %get3A_5 = arith.constant 0 : index
    %get3A_6 = arith.constant 0 : index
    %get3A_7 = vector.load %arg3[%get3A_4, %get3A_5, %get3A_6] : memref<1x128x128xbf16, #tpu.memory_space<vmem>>, vector<1x128x128xbf16>
    %get3A_8 = vector.shape_cast %get3A_7 : vector<1x128x128xbf16> to vector<128x128xbf16>
    %dot_general3A = arith.constant dense<0.000000e+00> : vector<4096x128xf32>
    %dot_general3A_9 = tpu.matmul %convert_element_type3A, %get3A_8, %dot_general3A {dimension_numbers = #tpu.dot_dimension_numbers<[0], [0], [1], [1], [0, 1, 1, 1], [], []>, transpose_lhs_hint = false} : vector<128x4096xbf16>, vector<128x128xbf16>, vector<4096x128xf32> -> vector<4096x128xf32>
    %bitcast_convert_type3A = tpu.bitcast %dot_general3A_9 : vector<4096x128xf32> -> vector<4096x128xi32>
    %add3A = arith.constant 32767 : i32
    %add3A_10 = vector.broadcast %add3A : i32 to vector<4096x128xi32>
    %add3A_11 = arith.addi %bitcast_convert_type3A, %add3A_10 : vector<4096x128xi32>
    %shift_right_logical3A = arith.constant 16 : i32
    %shift_right_logical3A_12 = vector.broadcast %shift_right_logical3A : i32 to vector<4096x128xi32>
    %shift_right_logical3A_13 = arith.shrui %bitcast_convert_type3A, %shift_right_logical3A_12 : vector<4096x128xi32>
    %and3A = arith.constant 1 : i32
    %and3A_14 = vector.broadcast %and3A : i32 to vector<4096x128xi32>
    %and3A_15 = arith.andi %shift_right_logical3A_13, %and3A_14 : vector<4096x128xi32>
    %add3A_16 = arith.addi %add3A_11, %and3A_15 : vector<4096x128xi32>
    %shift_right_logical3A_17 = arith.constant 16 : i32
    %shift_right_logical3A_18 = vector.broadcast %shift_right_logical3A_17 : i32 to vector<4096x128xi32>
    %shift_right_logical3A_19 = arith.shrui %add3A_16, %shift_right_logical3A_18 : vector<4096x128xi32>
    %slice3A = vector.extract_strided_slice %shift_right_logical3A_19 {offsets = [0, 0], sizes = [4096, 32], strides = [1, 1]} : vector<4096x128xi32> to vector<4096x32xi32>
    %slice3A_20 = vector.extract_strided_slice %shift_right_logical3A_19 {offsets = [0, 32], sizes = [4096, 32], strides = [1, 1]} : vector<4096x128xi32> to vector<4096x32xi32>
    %shift_left3A = arith.constant 16 : i32
    %shift_left3A_21 = vector.broadcast %shift_left3A : i32 to vector<4096x32xi32>
    %shift_left3A_22 = arith.shli %slice3A_20, %shift_left3A_21 : vector<4096x32xi32>
    %or3A = arith.ori %slice3A, %shift_left3A_22 : vector<4096x32xi32>
    %bitcast_convert_type3A_23 = tpu.bitcast %or3A : vector<4096x32xi32> -> vector<4096x32xf32>
    %swap3A = arith.constant 0 : index
    %swap3A_24 = arith.constant 0 : index
    %swap3A_25 = arith.constant 0 : index
    %swap3A_26 = vector.load %arg4[%swap3A, %swap3A_24, %swap3A_25] : memref<1x4096x64xf32, #tpu.memory_space<vmem>>, vector<1x4096x32xf32>
    %swap3A_27 = vector.shape_cast %swap3A_26 : vector<1x4096x32xf32> to vector<4096x32xf32>
    %swap3A_28 = vector.shape_cast %bitcast_convert_type3A_23 : vector<4096x32xf32> to vector<1x4096x32xf32>
    tpu.vector_store %arg4[%swap3A, %swap3A_24, %swap3A_25], %swap3A_28 {strides = array<i32>} : memref<1x4096x64xf32, #tpu.memory_space<vmem>>, vector<1x4096x32xf32>,
    %slice3A_29 = vector.extract_strided_slice %shift_right_logical3A_19 {offsets = [0, 64], sizes = [4096, 32], strides = [1, 1]} : vector<4096x128xi32> to vector<4096x32xi32>
    %slice3A_30 = vector.extract_strided_slice %shift_right_logical3A_19 {offsets = [0, 96], sizes = [4096, 32], strides = [1, 1]} : vector<4096x128xi32> to vector<4096x32xi32>
    %shift_left3A_31 = arith.constant 16 : i32
    %shift_left3A_32 = vector.broadcast %shift_left3A_31 : i32 to vector<4096x32xi32>
    %shift_left3A_33 = arith.shli %slice3A_30, %shift_left3A_32 : vector<4096x32xi32>
    %or3A_34 = arith.ori %slice3A_29, %shift_left3A_33 : vector<4096x32xi32>
    %bitcast_convert_type3A_35 = tpu.bitcast %or3A_34 : vector<4096x32xi32> -> vector<4096x32xf32>
    %swap3A_36 = arith.constant 0 : index
    %swap3A_37 = arith.constant 0 : index
    %swap3A_38 = arith.constant 32 : index
    %swap3A_39 = vector.load %arg4[%swap3A_36, %swap3A_37, %swap3A_38] : memref<1x4096x64xf32, #tpu.memory_space<vmem>>, vector<1x4096x32xf32>
    %swap3A_40 = vector.shape_cast %swap3A_39 : vector<1x4096x32xf32> to vector<4096x32xf32>
    %swap3A_41 = vector.shape_cast %bitcast_convert_type3A_35 : vector<4096x32xf32> to vector<1x4096x32xf32>
    tpu.vector_store %arg4[%swap3A_36, %swap3A_37, %swap3A_38], %swap3A_41 {strides = array<i32>} : memref<1x4096x64xf32, #tpu.memory_space<vmem>>, vector<1x4096x32xf32>,
    return
  }
  func.func @transform_0(%arg0: i32, %arg1: i32) -> (i32, i32, i32) {
    %c0_i32 = arith.constant 0 : i32
    %c0_i32_0 = arith.constant 0 : i32
    return %arg0, %c0_i32, %arg1 : i32, i32, i32
  }
  func.func @transform_1(%arg0: i32, %arg1: i32) -> (i32, i32, i32) {
    %c0_i32 = arith.constant 0 : i32
    %c0_i32_0 = arith.constant 0 : i32
    %c0_i32_1 = arith.constant 0 : i32
    return %arg0, %c0_i32, %c0_i32_0 : i32, i32, i32
  }
  func.func @transform_2(%arg0: i32, %arg1: i32) -> (i32, i32, i32) {
    %c0_i32 = arith.constant 0 : i32
    %c0_i32_0 = arith.constant 0 : i32
    return %arg0, %arg1, %c0_i32 : i32, i32, i32
  }
}

</mosaic_0001>

<sc_bundles>
// kernel: kernel.4.cloned.1.call-start
scs
__scs_entry_jumppad:
0x0: {  	(pc) =	sbr.rel $0x88, $3  }
0x1: {  	(tag) =	ssettag $0x0;
	lr =	simm.s32 $0x1  }
0x2: {  	[smem:$0x3F9D] =	sst lr;
	_ =	strace $0xD0000000  }
0x3: {  	_ = 	snop  }
0x4: {  	_ = 	snop  }
0x5: {  	_ = 	snop  }
0x6: {  	_ = 	snop  }
0x7: {  	_ = 	snop  }
__scs_overlays_trampoline_lowered:
0x8: {  	[smem:$0x3FAC] =	sst s0  }
0x9: {  	[smem:$0x3FAD] =	sst s1  }
0xa: {  	[smem:$0x3FAE] =	sst s2  }
0xb: {  	[smem:$0x3FAF] =	sst s3  }
0xc: {  	[smem:$0x3FB0] =	sst s4  }
0xd: {  	[smem:$0x3FB1] =	sst s5  }
0xe: {  	[smem:$0x3FB2] =	sst s6  }
0xf: {  	[smem:$0x3FB3] =	sst s7  }
0x10: {  	[smem:$0x3FB4] =	sst s8  }
0x11: {  	[smem:$0x3FB5] =	sst s9;
	s0 =	simm.s32 @!p0 $0x0  }
0x12: {  	s1 =	sld [smem:$0x3F9B];
	s0 =	simm.s32 @p0 $0x1  }
0x13: {  	[smem:$0x3FB6] =	sst s0;
	s0 =	simm.s32 @!p1 $0x0  }
0x14: {  	s2 =	sld [smem:$0x3F9A];
	s0 =	simm.s32 @p1 $0x1  }
0x15: {  	[smem:$0x3FB7] =	sst s0;
	s0 =	simm.s32 @!p2 $0x0  }
0x16: {  	s3 =	sld [smem:$0x3FDB];
	s0 =	simm.s32 @p2 $0x1  }
0x17: {  	s4 =	simm.s32 $0x1BF5;
	[smem:$0x3FB9] =	sst s0  }
0x18: {  	s0 =	sld [smem:$0x3F9C];
	_ =	swait.ge [sflag:s4], $0x0  }
0x19: {  	s7 =	sld [smem:$0x3F9D]  }
0x1a: {  	s8 =	sadd.s32 $0xFFFFE003, lr  }
0x1b: {  	s9 =	sadd.s32 $0xFFFFFEF7, lr;
	s5 =	simm.s32 $0xFFFFFFFF;
	p2 =	slt.u32 s8, $0xFFFFF086  }
0x1c: {  	p1 =	slt.u32 s9, $0xF7A;
	s5 =	simm.s32 @!p2 $0x0  }
0x1d: {  	s5 =	simm.s32 @p1 $0x1;
	p0 =	seq.s32 s7, s2  }
0x1e: {  	s7 =	smul.u32 @!p0 $0xF7A, s2;
	p2 =	seq.s32 @!p0 s5, $0x0  }
0x1f: {  	s9 =	smul.u32 $0xF7A, s1;
	s8 =	simm.s32 @!p0 $0x1BF5;
	p2 =	por !p2, p0  }
0x20: {  	[sflag:s8] =	ssyncset.s32 @!p0 $0xFFFFF086;
	s6 =	sadd.s32 @!p0 s3, s7;
	s7 =	simm.s32 @!p0 $0x108  }
0x21: {  	s3 =	sadd.s32 s3, s9;
	s6 =	sadd.s32 @!p0 $0x88, s6;
	s7 =	simm.s32 @p2 $0x1082  }
0x22: {  	[simem:s7], [sflag:s8] =	dma.local @!p0 [hbm:s6], $0xF7A  }
0x23: {  	s9 =	sor.u32 $0xD0000000, s2;
	s6 =	simm.s32 $0x108;
	_ =	swait.ge @!p0 [sflag:s8], $0x0  }
0x24: {  	s3 =	sadd.s32 $0x88, s3;
	s6 =	simm.s32 @!p1 $0x1082;
	[sflag:s4] =	ssyncset.s32 $0xFFFFF086  }
0x25: {  	[simem:s6], [sflag:s4] =	dma.local [hbm:s3], $0xF7A  }
0x26: {  	[smem:$0x3F9D] =	sst s1;
	(tag) =	ssettag s2;
	_ =	strace s9  }
0x27: {  	s1 =	sld [smem:$0x3FAD]  }
0x28: {  	s2 =	sld [smem:$0x3FAE]  }
0x29: {  	s4 =	sld [smem:$0x3FB0]  }
0x2a: {  	p0 =	seq.s32 s5, $0x0;
	s5 =	sld [smem:$0x3FB1]  }
0x2b: {  	s6 =	sld [smem:$0x3FB2]  }
0x2c: {  	s7 =	sld [smem:$0x3FB3]  }
0x2d: {  	s3 =	simm.s32 $0x108;
	s8 =	sld [smem:$0x3FB4]  }
0x2e: {  	s3 =	simm.s32 @!p0 $0x1082;
	s9 =	sld [smem:$0x3FB5]  }
0x2f: {  	lr =	sadd.s32 s0, s3;
	s0 =	sld [smem:$0x3FAC]  }
0x30: {  	s3 =	sld [smem:$0x3FAF]  }
0x31: {  	[smem:$0x3FB8] =	sst s10  }
0x32: {  	s10 =	sld [smem:$0x3FB6];
	_ =	sdelay $0x3  }
0x33: {  	p0 =	seq.s32 s10, $0x1;
	s10 =	sld [smem:$0x3FB8];
	_ =	sdelay $0x3  }
0x34: {  	[smem:$0x3FB8] =	sst s10  }
0x35: {  	s10 =	sld [smem:$0x3FB7];
	_ =	sdelay $0x3  }
0x36: {  	p1 =	seq.s32 s10, $0x1;
	s10 =	sld [smem:$0x3FB8];
	_ =	sdelay $0x3  }
0x37: {  	[smem:$0x3FB8] =	sst s10  }
0x38: {  	s10 =	sld [smem:$0x3FB9]  }
0x39: {  	_ = 	snop;
	(pc) =	sbr.ind lr, $3  }
0x3a: {  	_ = 	snop  }
0x3b: {  	_ = 	snop  }
0x3c: {  	p2 =	seq.s32 s10, $0x1;
	s10 =	sld [smem:$0x3FB8]  }
0x3d: {  	_ =	shalt  }
0x3e: {  	_ =	shalt  }
0x3f: {  	_ =	shalt  }
0x40: {  	_ =	shalt  }
0x41: {  	_ =	shalt  }
0x42: {  	_ =	shalt  }
0x43: {  	_ =	shalt  }
0x44: {  	_ =	shalt  }
0x45: {  	_ =	shalt  }
0x46: {  	_ =	shalt  }
0x47: {  	_ =	shalt  }
0x48: {  	_ =	shalt  }
0x49: {  	_ =	shalt  }
0x4a: {  	_ =	shalt  }
0x4b: {  	_ =	shalt  }
0x4c: {  	_ =	shalt  }
0x4d: {  	_ =	shalt  }
0x4e: {  	_ =	shalt  }
0x4f: {  	_ =	shalt  }
0x50: {  	_ =	shalt  }
0x51: {  	_ =	shalt  }
0x52: {  	_ =	shalt  }
0x53: {  	_ =	shalt  }
0x54: {  	_ =	shalt  }
0x55: {  	_ =	shalt  }
0x56: {  	_ =	shalt  }
0x57: {  	_ =	shalt  }
0x58: {  	_ =	shalt  }
0x59: {  	_ =	shalt  }
0x5a: {  	_ =	shalt  }
0x5b: {  	_ =	shalt  }
0x5c: {  	_ =	shalt  }
0x5d: {  	_ =	shalt  }
0x5e: {  	_ =	shalt  }
0x5f: {  	_ =	shalt  }
0x60: {  	_ =	shalt  }
0x61: {  	_ =	shalt  }
0x62: {  	_ =	shalt  }
0x63: {  	_ =	shalt  }
0x64: {  	_ =	shalt  }
0x65: {  	_ =	shalt  }
0x66: {  	_ =	shalt  }
0x67: {  	_ =	shalt  }
0x68: {  	_ =	shalt  }
0x69: {  	_ =	shalt  }
0x6a: {  	_ =	shalt  }
0x6b: {  	_ =	shalt  }
0x6c: {  	_ =	shalt  }
0x6d: {  	_ =	shalt  }
0x6e: {  	_ =	shalt  }
0x6f: {  	_ =	shalt  }
0x70: {  	_ =	shalt  }
0x71: {  	_ =	shalt  }
0x72: {  	_ =	shalt  }
0x73: {  	_ =	shalt  }
0x74: {  	_ =	shalt  }
0x75: {  	_ =	shalt  }
0x76: {  	_ =	shalt  }
0x77: {  	_ =	shalt  }
0x78: {  	_ =	shalt  }
0x79: {  	_ =	shalt  }
0x7a: {  	_ =	shalt  }
0x7b: {  	_ =	shalt  }
0x7c: {  	_ =	shalt  }
0x7d: {  	_ =	shalt  }
0x7e: {  	_ =	shalt  }
0x7f: {  	_ =	shalt  }
0x80: {  	_ =	shalt  }
0x81: {  	_ =	shalt  }
0x82: {  	_ =	shalt  }
0x83: {  	_ =	shalt  }
0x84: {  	_ =	shalt  }
0x85: {  	_ =	shalt  }
0x86: {  	_ =	shalt  }
0x87: {  	_ =	shalt  }
.Lfunc_end0:
.L_simem_size_0:
called_computation_lowered:
.L_overlay_start_0:
0x88: {  	s2 =	sld [smem:$0x3FD9]  }
0x89: {  	s3 =	sld [smem:$0x3FFE];
	_ =	sdelay $0x1  }
0x8a: {  	s1 =	srdreg.scid  }
0x8b: {  	s0 =	sand.u32 $0x1, s1  }
0x8c: {  	s17 =	sshll.u32 s0, $0xA;
	s2 =	sadd.s32 s3, s2  }
0x8d: {  	s2 =	sadd.s32 s2, s17  }
0x8e: {  	[smem:$0x3FC4] =	sst s2  }
0x8f: {  	_ = 	snop  }
0x90: {  	s2 =	sld [smem:$0x3FC6]  }
0x91: {  	s18 =	sld [smem:$0x3FD0];
	(tm) =	ssettm $0x1  }
0x92: {  	s4 =	sld [smem:$0x3FFB];
	_ =	sdelay $0x3  }
0x93: {  	_ =	strace s4  }
0x94: {  	s4 =	sld [smem:$0x3FFC];
	_ =	sdelay $0x3  }
0x95: {  	_ =	strace s4  }
0x96: {  	s4 =	sld [smem:$0x3FFD];
	_ =	sdelay $0x3  }
0x97: {  	_ =	strace s4  }
0x98: {  	_ =	strace $0x8FFFFFFF  }
0x99: {  	s19 =	sld [smem:$0x3FDB];
	_ =	sdelay $0x1  }
0x9a: {  	s5 =	simm.s32 $_scs_section_size  }
0x9b: {  	s6 =	simm.s32 $_size__tile_overlayer_lowered;
	s7 =	simm.s32 $_tile_overlayer_lowered  }
0x9c: {  	s22 =	simm.s32 $0x1BFF;
	s21 =	sshll.u32 s7, $0x1;
	s4 =	sadd.s32 s5, s19  }
0x9d: {  	s8 =	simm.s32 $0x0;
	s20 =	sshll.u32 s6, $0x1;
	s6 =	sadd.s32 s21, s4  }
0x9e: {  	[timem:s8], [sflag:s22] =	dma.local [hbm:s6], s20  }
0x9f: {  	_ =	swait.ge [sflag:s22], s20  }
0xa0: {  	s5 =	ssub.s32 $0x0, s20;
	[sflag:s22] =	ssyncset.done $0x0  }
0xa1: {  	[sflag:s22] =	ssyncadd.s32 s5;
	_ =	sdelay $0x1  }
0xa2: {  	s23 =	simm.s32 $0x1B8B  }
0xa3: {  	_ =	swait.ge [sflag:s23], $0x1  }
0xa4: {  	[sflag:s23] =	ssyncset.done $0x0  }
0xa5: {  	s25 =	simm.s32 $0x1B8E;
	s24 =	sld [smem:$0x3FFE];
	[sflag:s23] =	ssyncadd.s32 $0xFFFFFFFF  }
0xa6: {  	s26 =	simm.s32 $execute0_lowered;
	[smem:$0x3FD2] =	sst s25  }
0xa7: {  	s6 =	sshll.u32 s26, $0x1;
	_ =	strace $0x80000046;
	[dreg:$0x1] =	wrdreg $0xFFFFFFFF  }
0xa8: {  	s28 =	simm.s32 $_size_execute0_lowered;
	s4 =	sadd.s32 s4, s6;
	[dreg:$0x0] =	wrdreg $0x0  }
0xa9: {  	s6 =	sshll.u32 s28, $0x1;
	[dreg:$0x2] =	wrdreg s4  }
0xaa: {  	[dreg:$0x3] =	wrdreg s6  }
0xab: {  	[dreg:$0x4] =	wrdreg $0xC0  }
0xac: {  	_ =	task [dreg:s8], $0x5FFFF  }
0xad: {  	[dreg:$0x1] =	wrdreg $0xFFFFFFFF  }
0xae: {  	[dreg:$0x0] =	wrdreg $0x60  }
0xaf: {  	[dreg:$0x2] =	wrdreg s24  }
0xb0: {  	[dreg:$0x3] =	wrdreg s2  }
0xb1: {  	[dreg:$0x4] =	wrdreg s18  }
0xb2: {  	[dreg:$0x5] =	wrdreg $0x9  }
0xb3: {  	_ =	task.clear_ibuf [dreg:s8], $0x6FFFF;
	_ =	strace $0x90000046  }
0xb4: {  	s29 =	simm.s32 $0x9;
	_ =	strace $0x80000048  }
0xb5: {  	_ =	swait.ge [sflag:s29], $0x1  }
0xb6: {  	[sflag:s29] =	ssyncadd.s32 $0xFFFFFFFF  }
0xb7: {  	_ =	strace $0x90000048  }
0xb8: {  	_ =	sfence  }
0xb9: {  	s30 =	sld [smem:$0x0];
	_ =	sdelay $0x2  }
0xba: {  	s31 =	sshll.u32 s1, $0xD;
	s1 =	sshrl.u32 s1, $0x2  }
0xbb: {  	s3 =	sand.u32 $0x4000, s31;
	s1 =	sadd.s32 s1, s30  }
0xbc: {  	s0 =	sor.u32 s3, s0;
	s1 =	sshll.u32 s1, $0x11  }
0xbd: {  	s0 =	sor.u32 s1, s0  }
0xbe: {  	s0 =	sadd.s32 $0x8F2B, s0  }
0xbf: {  	[sflag:s0] =	ssyncadd.remote.s32 $0x1  }
0xc0: {  	_ =	sfence.sel $0xFFFF  }
0xc1: {  	[dreg:$0x0] =	wrdreg $0xFFFFFFFF;
	(pc) =	sbr.abs _section_cstart, $3  }
0xc2: {  	[dreg:$0x1] =	wrdreg $0xFFFFFFFF  }
0xc3: {  	_ =	task.clear_ibuf [dreg:s8], $0x2FFFF;
	_ =	strace $0x9FFFFFFF  }
0xc4: {  	(tm) =	ssettm $0x7FFFFFFF  }
0xc5: {  	_ =	shalt  }
tec
execute0_lowered:
.L_overlay_start_1:
0x0: {  	(tag) =	ssettag $0x1  }
0x1: {  	s5 =	rddreg [dreg:$0x0]  }
0x2: {  	s2 =	rddreg [dreg:$0x1]  }
0x3: {  	s1 =	srdreg.scid;
	s0 =	stileid.u32  }
0x4: {  	s6 =	rddreg [dreg:$0x2];
	s3 =	simm.s32 $0x0;
	s11 =	simm.s32 $0x1  }
0x5: {  	s12 =	simm.s32 $0x4E00;
	s4 =	sand.u32 $0x1, s1;
	s1 =	rddreg [dreg:$0x3]  }
0x6: {  	s13 =	simm.s32 $0x0;
	s7 =	sshll.u32 s0, $0x1;
	[smem:$0x7FF] =	sst s3  }
0x7: {  	s7 =	sor.u32 s4, s7;
	s9 =	ssub.s32 $0x2, s4;
	_ =	strace $0x80000047  }
0x8: {  	s8 =	smul.u32 $0x680, s7;
	s10 =	sshrl.u32 s9, $0x1;
	s7 =	sshll.u32 s7, $0xC  }
0x9: {  	s4 =	sadd.s32 $0x13D6E00, s5;
	s31 =	ssub.s32 s9, s10;
	s6 =	sadd.s32 s6, s7  }
0xa: {  	s9 =	simm.s32 $0xCE00;
	s10 =	simm.s32 $0x3400;
	s5 =	sadd.s32 s8, s5  }
0xb: {  	s7 =	smax.u32 s31, $0x1;
	s8 =	simm.s32 $0x2;
	s5 =	sadd.s32 $0xC00, s5  }
.LBB2_1:
0xc: {  	[tilespmem:s3], [sflag:$0x2] =	stream.linear.gather [hbm4b:s5+s3], $0x3400, $0x38;
	[tilespmem:$0xCE40] =	vst v63  }
0xd: {  	_ =	swait.ge [sflag:s8], $0x3400  }
0xe: {  	[sflag:s8] =	ssyncset.done $0x0  }
0xf: {  	[sflag:s8] =	ssyncadd.s32 $0xFFFFCC00  }
0x10: {  	[tilespmem:s9], [sflag:$0x2] =	stream.linear.gather [hbm4b:s2+s3], $0x40, $0x38;
	[tilespmem:$0xCE40] =	vst v63  }
0x11: {  	_ =	swait.ge [sflag:s8], $0x40  }
0x12: {  	s14 =	simm.s32 $0x68;
	[sflag:s8] =	ssyncset.done $0x0  }
0x13: {  	s15 =	simm.s32 $0x4E80;
	s16 =	simm.s32 $0x0;
	[sflag:s8] =	ssyncadd.s32 $0xFFFFFFC0  }
0x14: {  	[tilespmem:s10], [sflag:$0x1] =	stream.indirect.gather [hbm4b:s4+s14], $0x20, s3, s14, $0xb8;
	[tilespmem:$0xCE40] =	vst v63  }
.LBB2_2:
0x15: {  	s17 =	sand.u32 $0x1, s16;
	p0 =	seq.s32 s16, $0x7F  }
0x16: {  	s18 =	sxor.u32 @!p0 $0x1, s17  }
0x17: {  	s18 =	smul.u32 @!p0 $0x3400, s18;
	_ =	sdelay $0x1  }
0x18: {  	s18 =	sshrl.u32 @!p0 s18, $0x2  }
0x19: {  	s19 =	simm.s32 @!p0 $0x68;
	s18 =	sadd.s32 @!p0 $0x3400, s18  }
0x1a: {  	[tilespmem:s18], [sflag:$0x1] =	stream.indirect.gather @!p0 [hbm4b:s4+s19], $0x20, s14, s19, $0xb8;
	[tilespmem:$0xCE40] =	vst v63  }
0x1b: {  	s17 =	smul.u32 $0x3400, s17;
	_ =	swait.ge [sflag:s11], $0xD00  }
0x1c: {  	[sflag:s11] =	ssyncset.done $0x0  }
0x1d: {  	s17 =	sshrl.u32 s17, $0x2;
	[sflag:s11] =	ssyncadd.s32 $0xFFFFF300  }
0x1e: {  	v0 =	vld [tilespmem:s17+$0x3400]  }
0x1f: {  	v1 =	vld [tilespmem:s17+$0x3410]  }
0x20: {  	v2 =	vld [tilespmem:s17+$0x3420]  }
0x21: {  	v3 =	vld [tilespmem:s17+$0x3430]  }
0x22: {  	v4 =	vld [tilespmem:s17+$0x3440]  }
0x23: {  	v5 =	vld [tilespmem:s17+$0x3450]  }
0x24: {  	v8 =	vld [tilespmem:s17+$0x3460]  }
0x25: {  	v55 =	vld [tilespmem:s17+$0x3480]  }
0x26: {  	v10 =	vld [tilespmem:s17+$0x3470]  }
0x27: {  	v59 =	vld [tilespmem:s17+$0x34A0]  }
0x28: {  	v11 =	vld [tilespmem:s17+$0x3490]  }
0x29: {  	v63 =	vld [tilespmem:s17+$0x34C0]  }
0x2a: {  	v16 =	vld [tilespmem:s17+$0x34E0]  }
0x2b: {  	v19 =	vld [tilespmem:s17+$0x34B0];
	v6 =	vshll.u32 v0, $0x10;
	v0 =	vand.u32 $0xFFFF0000, v0  }
0x2c: {  	v21 =	vld [tilespmem:s17+$0x3500];
	v7 =	vshll.u32 v1, $0x10;
	v1 =	vand.u32 $0xFFFF0000, v1;
	v9 =	vshll.u32 v2, $0x10  }
0x2d: {  	v12 =	vld [tilespmem:s17+$0x34D0];
	v2 =	vand.u32 $0xFFFF0000, v2;
	v54 =	vshll.u32 v3, $0x10;
	v6 =	vadd.f32 v9, v6  }
0x2e: {  	v24 =	vld [tilespmem:s17+$0x3520];
	v3 =	vand.u32 $0xFFFF0000, v3;
	v56 =	vshll.u32 v4, $0x10;
	v57 =	vand.u32 $0xFFFF0000, v4  }
0x2f: {  	v27 =	vld [tilespmem:s17+$0x3540];
	v60 =	vshll.u32 v5, $0x10;
	v61 =	vshll.u32 v8, $0x10;
	v58 =	vadd.f32 v56, v6  }
0x30: {  	v28 =	vld [tilespmem:s17+$0x34F0];
	v5 =	vand.u32 $0xFFFF0000, v5;
	v13 =	vand.u32 $0xFFFF0000, v8;
	v14 =	vshll.u32 v55, $0x10  }
0x31: {  	v30 =	vld [tilespmem:s17+$0x3560];
	v15 =	vshll.u32 v10, $0x10;
	v17 =	vand.u32 $0xFFFF0000, v10;
	v62 =	vadd.f32 v61, v58  }
0x32: {  	v32 =	vld [tilespmem:s17+$0x3510];
	v18 =	vshll.u32 v59, $0x10;
	v20 =	vand.u32 $0xFFFF0000, v55;
	v22 =	vshll.u32 v11, $0x10  }
0x33: {  	v33 =	vld [tilespmem:s17+$0x3580];
	v23 =	vshll.u32 v63, $0x10;
	v1 =	vadd.f32 v3, v1;
	v3 =	vadd.f32 v14, v62  }
0x34: {  	v36 =	vld [tilespmem:s17+$0x35A0];
	v11 =	vand.u32 $0xFFFF0000, v11;
	v25 =	vshll.u32 v16, $0x10;
	v26 =	vshll.u32 v19, $0x10  }
0x35: {  	v37 =	vld [tilespmem:s17+$0x3530];
	v10 =	vand.u32 $0xFFFF0000, v19;
	v29 =	vshll.u32 v21, $0x10;
	v3 =	vadd.f32 v18, v3  }
0x36: {  	v42 =	vld [tilespmem:s17+$0x35E0];
	v4 =	vand.u32 $0xFFFF0000, v63;
	v31 =	vshll.u32 v12, $0x10;
	v0 =	vadd.f32 v2, v0  }
0x37: {  	v43 =	vld [tilespmem:s17+$0x3550];
	v12 =	vand.u32 $0xFFFF0000, v12;
	v34 =	vshll.u32 v27, $0x10;
	v3 =	vadd.f32 v23, v3  }
0x38: {  	v45 =	vld [tilespmem:s17+$0x3600];
	v35 =	vshll.u32 v28, $0x10;
	v38 =	vshll.u32 v30, $0x10;
	v0 =	vadd.f32 v57, v0  }
0x39: {  	v47 =	vld [tilespmem:s17+$0x3620];
	v40 =	vshll.u32 v32, $0x10;
	v41 =	vshll.u32 v33, $0x10;
	v3 =	vadd.f32 v25, v3  }
0x3a: {  	v8 =	vand.u32 $0xFFFF0000, v24;
	v44 =	vshll.u32 v36, $0x10;
	v0 =	vadd.f32 v13, v0  }
0x3b: {  	v46 =	vshll.u32 v37, $0x10;
	v49 =	vshll.u32 v42, $0x10;
	v3 =	vadd.f32 v29, v3  }
0x3c: {  	v48 =	vld [tilespmem:s17+$0x3570];
	v50 =	vshll.u32 v43, $0x10;
	v13 =	vshll.u32 v24, $0x10;
	v0 =	vadd.f32 v20, v0  }
0x3d: {  	v51 =	vld [tilespmem:s17+$0x3640];
	v2 =	vadd.f32 v54, v7;
	v6 =	vand.u32 $0xFFFF0000, v59;
	v3 =	vadd.f32 v13, v3  }
0x3e: {  	v53 =	vld [tilespmem:s17+$0x3660];
	v52 =	vshll.u32 v45, $0x10;
	v55 =	vshll.u32 v47, $0x10;
	v0 =	vadd.f32 v6, v0  }
0x3f: {  	v63 =	vld [tilespmem:s17+$0x36C0];
	v7 =	vand.u32 $0xFFFF0000, v16;
	v2 =	vadd.f32 v60, v2;
	v3 =	vadd.f32 v34, v3  }
0x40: {  	v39 =	vld [tilespmem:s17+$0x35C0];
	v9 =	vand.u32 $0xFFFF0000, v27;
	v1 =	vadd.f32 v5, v1;
	v0 =	vadd.f32 v4, v0  }
0x41: {  	v54 =	vld [tilespmem:s17+$0x3590];
	v5 =	vand.u32 $0xFFFF0000, v21;
	v2 =	vadd.f32 v15, v2;
	v3 =	vadd.f32 v38, v3  }
0x42: {  	v56 =	vshll.u32 v48, $0x10;
	v57 =	vld [tilespmem:s17+$0x3680];
	v1 =	vadd.f32 v17, v1;
	v0 =	vadd.f32 v7, v0  }
0x43: {  	v60 =	vld [tilespmem:s17+$0x35B0];
	v58 =	vshll.u32 v51, $0x10;
	v61 =	vshll.u32 v53, $0x10;
	v3 =	vadd.f32 v41, v3  }
0x44: {  	v27 =	vshll.u32 v63, $0x10;
	v2 =	vadd.f32 v22, v2;
	v0 =	vadd.f32 v5, v0  }
0x45: {  	v21 =	vld [tilespmem:s17+$0x36E0];
	v1 =	vadd.f32 v11, v1;
	v11 =	vand.u32 $0xFFFF0000, v32;
	v3 =	vadd.f32 v44, v3  }
0x46: {  	v14 =	vshll.u32 v39, $0x10;
	v62 =	vshll.u32 v54, $0x10;
	v0 =	vadd.f32 v8, v0  }
0x47: {  	v15 =	vld [tilespmem:s17+$0x35D0];
	v20 =	vshll.u32 v57, $0x10;
	v2 =	vadd.f32 v26, v2;
	v3 =	vadd.f32 v14, v3  }
0x48: {  	v24 =	vshll.u32 v60, $0x10;
	v1 =	vadd.f32 v10, v1;
	v0 =	vadd.f32 v9, v0  }
0x49: {  	v59 =	vld [tilespmem:s17+$0x36A0];
	v10 =	vand.u32 $0xFFFF0000, v30;
	v2 =	vadd.f32 v31, v2;
	v3 =	vadd.f32 v49, v3  }
0x4a: {  	v6 =	vand.u32 $0xFFFF0000, v28;
	v30 =	vshll.u32 v21, $0x10;
	v0 =	vadd.f32 v10, v0  }
0x4b: {  	v22 =	vld [tilespmem:s17+$0x35F0];
	v4 =	vand.u32 $0xFFFF0000, v33;
	v2 =	vadd.f32 v35, v2;
	v3 =	vadd.f32 v52, v3  }
0x4c: {  	v26 =	vld [tilespmem:s17+$0x3610];
	v16 =	vshll.u32 v15, $0x10;
	v1 =	vadd.f32 v12, v1;
	v0 =	vadd.f32 v4, v0  }
0x4d: {  	v28 =	vld [tilespmem:s17+$0x3720];
	v12 =	vand.u32 $0xFFFF0000, v36;
	v2 =	vadd.f32 v40, v2;
	v3 =	vadd.f32 v55, v3  }
0x4e: {  	v23 =	vshll.u32 v59, $0x10;
	v1 =	vadd.f32 v6, v1;
	v0 =	vadd.f32 v12, v0  }
0x4f: {  	v6 =	vand.u32 $0xFFFF0000, v39;
	v2 =	vadd.f32 v46, v2;
	v3 =	vadd.f32 v58, v3  }
0x50: {  	v17 =	vshll.u32 v22, $0x10;
	v7 =	vand.u32 $0xFFFF0000, v37;
	v0 =	vadd.f32 v6, v0  }
0x51: {  	v18 =	vld [tilespmem:s17+$0x3650];
	v5 =	vand.u32 $0xFFFF0000, v42;
	v2 =	vadd.f32 v50, v2;
	v3 =	vadd.f32 v61, v3  }
0x52: {  	v33 =	vshll.u32 v26, $0x10;
	v36 =	vshll.u32 v28, $0x10;
	v0 =	vadd.f32 v5, v0  }
0x53: {  	v8 =	vand.u32 $0xFFFF0000, v45;
	v2 =	vadd.f32 v56, v2;
	v3 =	vadd.f32 v20, v3  }
0x54: {  	v1 =	vadd.f32 v11, v1;
	v11 =	vand.u32 $0xFFFF0000, v43;
	v0 =	vadd.f32 v8, v0  }
0x55: {  	v25 =	vld [tilespmem:s17+$0x3700];
	v13 =	vand.u32 $0xFFFF0000, v47;
	v2 =	vadd.f32 v62, v2;
	v3 =	vadd.f32 v23, v3  }
0x56: {  	v42 =	vshll.u32 v18, $0x10;
	v1 =	vadd.f32 v7, v1;
	v0 =	vadd.f32 v13, v0  }
0x57: {  	v9 =	vand.u32 $0xFFFF0000, v51;
	v2 =	vadd.f32 v24, v2;
	v3 =	vadd.f32 v27, v3  }
0x58: {  	v7 =	vand.u32 $0xFFFF0000, v48;
	v1 =	vadd.f32 v11, v1;
	v0 =	vadd.f32 v9, v0  }
0x59: {  	v29 =	vld [tilespmem:s17+$0x3630];
	v10 =	vand.u32 $0xFFFF0000, v53;
	v2 =	vadd.f32 v16, v2;
	v3 =	vadd.f32 v30, v3  }
0x5a: {  	v32 =	vld [tilespmem:$0xCE00];
	v31 =	vshll.u32 v25, $0x10;
	v1 =	vadd.f32 v7, v1;
	v0 =	vadd.f32 v10, v0  }
0x5b: {  	v11 =	vand.u32 $0xFFFF0000, v57;
	v2 =	vadd.f32 v17, v2;
	v3 =	vadd.f32 v31, v3  }
0x5c: {  	v35 =	vld [tilespmem:s17+$0x3690];
	v7 =	vand.u32 $0xFFFF0000, v60;
	v4 =	vand.u32 $0xFFFF0000, v54;
	v0 =	vadd.f32 v11, v0  }
0x5d: {  	v34 =	vld [tilespmem:s17+$0x3670];
	v12 =	vand.u32 $0xFFFF0000, v59;
	v2 =	vadd.f32 v33, v2;
	v3 =	vadd.f32 v36, v3  }
0x5e: {  	v37 =	vld [tilespmem:s17+$0x36B0];
	v38 =	vshll.u32 v29, $0x10;
	v1 =	vadd.f32 v4, v1;
	v0 =	vadd.f32 v12, v0  }
0x5f: {  	v39 =	vld [tilespmem:s17+$0x36D0];
	v6 =	vand.u32 $0xFFFF0000, v63;
	v2 =	vadd.f32 v38, v2;
	v3 =	vadd.f32 v3, v32  }
0x60: {  	v40 =	vld [tilespmem:s17+$0x36F0];
	v41 =	vand.u32 $0xFFFF0000, v15;
	v1 =	vadd.f32 v7, v1;
	v0 =	vadd.f32 v6, v0  }
0x61: {  	v43 =	vld [tilespmem:s17+$0x3710];
	v5 =	vand.u32 $0xFFFF0000, v21;
	v2 =	vadd.f32 v42, v2;
	v3 =	vmax.f32 v3, $0.0e+00  }
0x62: {  	v45 =	vshll.u32 v34, $0x10;
	v44 =	vld [tilespmem:s17+$0x3730];
	v1 =	vadd.f32 v41, v1;
	v0 =	vadd.f32 v5, v0;
	[tilespmem:s15+$0xFFFFFF80] =	vst v3  }
0x63: {  	v46 =	vand.u32 $0xFFFF0000, v22;
	v47 =	vand.u32 $0xFFFF0000, v25;
	v2 =	vadd.f32 v45, v2;
	v48 =	vld [tilespmem:$0xCE10]  }
0x64: {  	v49 =	vshll.u32 v35, $0x10;
	v1 =	vadd.f32 v46, v1;
	v0 =	vadd.f32 v47, v0  }
0x65: {  	v50 =	vand.u32 $0xFFFF0000, v26;
	v51 =	vand.u32 $0xFFFF0000, v28;
	v2 =	vadd.f32 v49, v2  }
0x66: {  	v52 =	vshll.u32 v37, $0x10;
	v1 =	vadd.f32 v50, v1;
	v0 =	vadd.f32 v51, v0  }
0x67: {  	v53 =	vand.u32 $0xFFFF0000, v29;
	v2 =	vadd.f32 v52, v2  }
0x68: {  	v54 =	vshll.u32 v39, $0x10;
	v1 =	vadd.f32 v53, v1;
	v0 =	vadd.f32 v48, v0  }
0x69: {  	v55 =	vand.u32 $0xFFFF0000, v18;
	v2 =	vadd.f32 v54, v2  }
0x6a: {  	v56 =	vshll.u32 v40, $0x10;
	v1 =	vadd.f32 v55, v1;
	v0 =	vmax.f32 v0, $0.0e+00  }
0x6b: {  	v57 =	vand.u32 $0xFFFF0000, v34;
	v2 =	vadd.f32 v56, v2;
	[tilespmem:s15+$0xFFFFFF90] =	vst v0  }
0x6c: {  	v59 =	vshll.u32 v43, $0x10;
	v58 =	vadd.f32 v57, v1;
	v60 =	vld [tilespmem:$0xCE20]  }
0x6d: {  	v61 =	vand.u32 $0xFFFF0000, v35;
	v1 =	vadd.f32 v59, v2  }
0x6e: {  	v62 =	vshll.u32 v44, $0x10;
	v0 =	vadd.f32 v61, v58  }
0x6f: {  	v63 =	vand.u32 $0xFFFF0000, v37;
	v1 =	vadd.f32 v62, v1  }
0x70: {  	v0 =	vadd.f32 v63, v0  }
0x71: {  	v8 =	vand.u32 $0xFFFF0000, v39;
	v1 =	vadd.f32 v60, v1  }
0x72: {  	v0 =	vadd.f32 v8, v0  }
0x73: {  	v9 =	vand.u32 $0xFFFF0000, v40;
	v1 =	vmax.f32 v1, $0.0e+00  }
0x74: {  	v0 =	vadd.f32 v9, v0;
	[tilespmem:s15+$0xFFFFFFA0] =	vst v1  }
0x75: {  	v10 =	vand.u32 $0xFFFF0000, v43;
	v11 =	vld [tilespmem:$0xCE30]  }
0x76: {  	v0 =	vadd.f32 v10, v0  }
0x77: {  	v12 =	vand.u32 $0xFFFF0000, v44  }
0x78: {  	v0 =	vadd.f32 v12, v0;
	_ =	sdelay $0x1  }
0x79: {  	v0 =	vadd.f32 v11, v0;
	_ =	sdelay $0x1  }
0x7a: {  	v0 =	vmax.f32 v0, $0.0e+00  }
0x7b: {  	[tilespmem:s15+$0xFFFFFFB0] =	vst v0  }
0x7c: {  	v0 =	vld [tilespmem:s17+$0x3740]  }
0x7d: {  	v13 =	vld [tilespmem:s17+$0x3750]  }
0x7e: {  	v14 =	vld [tilespmem:s17+$0x3760]  }
0x7f: {  	v15 =	vld [tilespmem:s17+$0x3770]  }
0x80: {  	v16 =	vld [tilespmem:s17+$0x3780]  }
0x81: {  	v17 =	vld [tilespmem:s17+$0x3790]  }
0x82: {  	v20 =	vld [tilespmem:s17+$0x37A0]  }
0x83: {  	v23 =	vld [tilespmem:s17+$0x37C0]  }
0x84: {  	v25 =	vld [tilespmem:s17+$0x37B0]  }
0x85: {  	v28 =	vld [tilespmem:s17+$0x37E0]  }
0x86: {  	v31 =	vld [tilespmem:s17+$0x37D0]  }
0x87: {  	v33 =	vld [tilespmem:s17+$0x3800];
	v18 =	vshll.u32 v0, $0x10;
	v0 =	vand.u32 $0xFFFF0000, v0  }
0x88: {  	v37 =	vld [tilespmem:s17+$0x3820];
	v19 =	vshll.u32 v13, $0x10;
	v1 =	vand.u32 $0xFFFF0000, v13;
	v21 =	vshll.u32 v14, $0x10  }
0x89: {  	v40 =	vld [tilespmem:s17+$0x37F0];
	v2 =	vand.u32 $0xFFFF0000, v14;
	v22 =	vshll.u32 v15, $0x10;
	v6 =	vadd.f32 v21, v18  }
0x8a: {  	v42 =	vld [tilespmem:s17+$0x3840];
	v3 =	vand.u32 $0xFFFF0000, v15;
	v24 =	vshll.u32 v16, $0x10;
	v26 =	vand.u32 $0xFFFF0000, v16  }
0x8b: {  	v45 =	vld [tilespmem:s17+$0x3810];
	v29 =	vshll.u32 v17, $0x10;
	v30 =	vshll.u32 v20, $0x10;
	v27 =	vadd.f32 v24, v6  }
0x8c: {  	v46 =	vld [tilespmem:s17+$0x3860];
	v5 =	vand.u32 $0xFFFF0000, v17;
	v34 =	vand.u32 $0xFFFF0000, v20;
	v35 =	vshll.u32 v23, $0x10  }
0x8d: {  	v49 =	vld [tilespmem:s17+$0x3880];
	v36 =	vshll.u32 v25, $0x10;
	v38 =	vand.u32 $0xFFFF0000, v25;
	v32 =	vadd.f32 v30, v27  }
0x8e: {  	v50 =	vld [tilespmem:s17+$0x3830];
	v39 =	vshll.u32 v28, $0x10;
	v41 =	vand.u32 $0xFFFF0000, v23;
	v43 =	vshll.u32 v31, $0x10  }
0x8f: {  	v52 =	vld [tilespmem:s17+$0x38A0];
	v44 =	vshll.u32 v33, $0x10;
	v1 =	vadd.f32 v3, v1;
	v3 =	vadd.f32 v35, v32  }
0x90: {  	v54 =	vld [tilespmem:s17+$0x3850];
	v11 =	vand.u32 $0xFFFF0000, v31;
	v47 =	vshll.u32 v37, $0x10;
	v48 =	vshll.u32 v40, $0x10  }
0x91: {  	v56 =	vld [tilespmem:s17+$0x38C0];
	v10 =	vand.u32 $0xFFFF0000, v40;
	v51 =	vshll.u32 v42, $0x10;
	v3 =	vadd.f32 v39, v3  }
0x92: {  	v4 =	vand.u32 $0xFFFF0000, v33;
	v53 =	vshll.u32 v45, $0x10;
	v0 =	vadd.f32 v2, v0  }
0x93: {  	v59 =	vld [tilespmem:s17+$0x38E0];
	v55 =	vshll.u32 v46, $0x10;
	v12 =	vand.u32 $0xFFFF0000, v45;
	v3 =	vadd.f32 v44, v3  }
0x94: {  	v7 =	vand.u32 $0xFFFF0000, v37;
	v57 =	vshll.u32 v49, $0x10;
	v0 =	vadd.f32 v26, v0  }
0x95: {  	v60 =	vld [tilespmem:s17+$0x3870];
	v58 =	vshll.u32 v50, $0x10;
	v61 =	vshll.u32 v52, $0x10;
	v3 =	vadd.f32 v47, v3  }
0x96: {  	v62 =	vld [tilespmem:s17+$0x3900];
	v63 =	vshll.u32 v54, $0x10;
	v16 =	vshll.u32 v56, $0x10;
	v0 =	vadd.f32 v34, v0  }
0x97: {  	v17 =	vld [tilespmem:s17+$0x3920];
	v8 =	vand.u32 $0xFFFF0000, v46;
	v2 =	vadd.f32 v22, v19;
	v3 =	vadd.f32 v51, v3  }
0x98: {  	v20 =	vld [tilespmem:s17+$0x3940];
	v9 =	vand.u32 $0xFFFF0000, v49;
	v19 =	vshll.u32 v59, $0x10;
	v0 =	vadd.f32 v41, v0  }
0x99: {  	v23 =	vld [tilespmem:s17+$0x3960];
	v2 =	vadd.f32 v29, v2;
	v6 =	vand.u32 $0xFFFF0000, v28;
	v3 =	vadd.f32 v55, v3  }
0x9a: {  	v40 =	vld [tilespmem:s17+$0x3910];
	v21 =	vshll.u32 v60, $0x10;
	v1 =	vadd.f32 v5, v1;
	v0 =	vadd.f32 v6, v0  }
0x9b: {  	v18 =	vld [tilespmem:s17+$0x3890];
	v22 =	vshll.u32 v62, $0x10;
	v2 =	vadd.f32 v36, v2;
	v3 =	vadd.f32 v57, v3  }
0x9c: {  	v33 =	vld [tilespmem:s17+$0x39C0];
	v5 =	vand.u32 $0xFFFF0000, v42;
	v1 =	vadd.f32 v38, v1;
	v0 =	vadd.f32 v4, v0  }
0x9d: {  	v24 =	vld [tilespmem:s17+$0x38B0];
	v25 =	vshll.u32 v17, $0x10;
	v28 =	vshll.u32 v20, $0x10;
	v3 =	vadd.f32 v61, v3  }
0x9e: {  	v29 =	vld [tilespmem:s17+$0x39A0];
	v31 =	vshll.u32 v23, $0x10;
	v13 =	vand.u32 $0xFFFF0000, v23;
	v0 =	vadd.f32 v7, v0  }
0x9f: {  	v42 =	vld [tilespmem:s17+$0x3A20];
	v49 =	vshll.u32 v40, $0x10;
	v2 =	vadd.f32 v43, v2;
	v3 =	vadd.f32 v16, v3  }
0xa0: {  	v27 =	vld [tilespmem:s17+$0x3980];
	v26 =	vshll.u32 v18, $0x10;
	v1 =	vadd.f32 v11, v1;
	v0 =	vadd.f32 v5, v0  }
0xa1: {  	v30 =	vld [tilespmem:s17+$0x38D0];
	v11 =	vand.u32 $0xFFFF0000, v54;
	v41 =	vshll.u32 v33, $0x10;
	v3 =	vadd.f32 v19, v3  }
0xa2: {  	v32 =	vshll.u32 v24, $0x10;
	v2 =	vadd.f32 v48, v2;
	v0 =	vadd.f32 v8, v0  }
0xa3: {  	v36 =	vld [tilespmem:s17+$0x38F0];
	v37 =	vshll.u32 v29, $0x10;
	v1 =	vadd.f32 v10, v1;
	v3 =	vadd.f32 v22, v3  }
0xa4: {  	v6 =	vand.u32 $0xFFFF0000, v50;
	v10 =	vand.u32 $0xFFFF0000, v52;
	v0 =	vadd.f32 v9, v0  }
0xa5: {  	v35 =	vld [tilespmem:s17+$0x39E0];
	v52 =	vshll.u32 v42, $0x10;
	v2 =	vadd.f32 v53, v2;
	v3 =	vadd.f32 v25, v3  }
0xa6: {  	v34 =	vshll.u32 v27, $0x10;
	v38 =	vshll.u32 v30, $0x10;
	v0 =	vadd.f32 v10, v0  }
0xa7: {  	v43 =	vld [tilespmem:s17+$0x3930];
	v4 =	vand.u32 $0xFFFF0000, v56;
	v2 =	vadd.f32 v58, v2;
	v3 =	vadd.f32 v28, v3  }
0xa8: {  	v45 =	vshll.u32 v36, $0x10;
	v1 =	vadd.f32 v12, v1;
	v0 =	vadd.f32 v4, v0  }
0xa9: {  	v39 =	vld [tilespmem:s17+$0x3A00];
	v12 =	vand.u32 $0xFFFF0000, v59;
	v2 =	vadd.f32 v63, v2;
	v3 =	vadd.f32 v31, v3  }
0xaa: {  	v44 =	vshll.u32 v35, $0x10;
	v1 =	vadd.f32 v6, v1;
	v0 =	vadd.f32 v12, v0  }
0xab: {  	v50 =	vld [tilespmem:s17+$0x3A60];
	v6 =	vand.u32 $0xFFFF0000, v62;
	v2 =	vadd.f32 v21, v2;
	v3 =	vadd.f32 v34, v3  }
0xac: {  	v53 =	vshll.u32 v43, $0x10;
	v7 =	vand.u32 $0xFFFF0000, v60;
	v0 =	vadd.f32 v6, v0  }
0xad: {  	v46 =	vld [tilespmem:s17+$0x3A40];
	v5 =	vand.u32 $0xFFFF0000, v17;
	v2 =	vadd.f32 v26, v2;
	v3 =	vadd.f32 v37, v3  }
0xae: {  	v48 =	vshll.u32 v39, $0x10;
	v1 =	vadd.f32 v11, v1;
	v0 =	vadd.f32 v5, v0  }
0xaf: {  	v8 =	vand.u32 $0xFFFF0000, v20;
	v2 =	vadd.f32 v32, v2;
	v3 =	vadd.f32 v41, v3  }
0xb0: {  	v60 =	vshll.u32 v50, $0x10;
	v1 =	vadd.f32 v7, v1;
	v0 =	vadd.f32 v8, v0  }
0xb1: {  	v47 =	vld [tilespmem:s17+$0x3950];
	v11 =	vand.u32 $0xFFFF0000, v18;
	v2 =	vadd.f32 v38, v2;
	v3 =	vadd.f32 v44, v3  }
0xb2: {  	v51 =	vld [tilespmem:s17+$0x3970];
	v7 =	vand.u32 $0xFFFF0000, v24;
	v55 =	vshll.u32 v46, $0x10;
	v0 =	vadd.f32 v13, v0  }
0xb3: {  	v9 =	vand.u32 $0xFFFF0000, v27;
	v2 =	vadd.f32 v45, v2;
	v3 =	vadd.f32 v48, v3  }
0xb4: {  	v20 =	vand.u32 $0xFFFF0000, v40;
	v1 =	vadd.f32 v11, v1;
	v0 =	vadd.f32 v9, v0  }
0xb5: {  	v10 =	vand.u32 $0xFFFF0000, v29;
	v2 =	vadd.f32 v49, v2;
	v3 =	vadd.f32 v52, v3  }
0xb6: {  	v56 =	vld [tilespmem:$0xCE00];
	v57 =	vshll.u32 v47, $0x10;
	v11 =	vand.u32 $0xFFFF0000, v33;
	v0 =	vadd.f32 v10, v0  }
0xb7: {  	v54 =	vld [tilespmem:s17+$0x3990];
	v62 =	vshll.u32 v51, $0x10;
	v2 =	vadd.f32 v53, v2;
	v3 =	vadd.f32 v55, v3  }
0xb8: {  	v23 =	vld [tilespmem:s17+$0x3A70];
	v1 =	vadd.f32 v7, v1;
	v4 =	vand.u32 $0xFFFF0000, v30;
	v0 =	vadd.f32 v11, v0  }
0xb9: {  	v58 =	vld [tilespmem:s17+$0x39B0];
	v12 =	vand.u32 $0xFFFF0000, v35;
	v2 =	vadd.f32 v57, v2;
	v3 =	vadd.f32 v60, v3  }
0xba: {  	v59 =	vld [tilespmem:s17+$0x39D0];
	v7 =	vand.u32 $0xFFFF0000, v36;
	v1 =	vadd.f32 v4, v1;
	v0 =	vadd.f32 v12, v0  }
0xbb: {  	v63 =	vld [tilespmem:s17+$0x3A10];
	v6 =	vand.u32 $0xFFFF0000, v39;
	v2 =	vadd.f32 v62, v2;
	v3 =	vadd.f32 v3, v56  }
0xbc: {  	v21 =	vshll.u32 v54, $0x10;
	v61 =	vld [tilespmem:s17+$0x39F0];
	v1 =	vadd.f32 v7, v1;
	v0 =	vadd.f32 v6, v0  }
0xbd: {  	v19 =	vld [tilespmem:s17+$0x3A30];
	v5 =	vand.u32 $0xFFFF0000, v42;
	v2 =	vadd.f32 v21, v2;
	v3 =	vmax.f32 v3, $0.0e+00  }
0xbe: {  	v24 =	vshll.u32 v58, $0x10;
	v22 =	vld [tilespmem:s17+$0x3A50];
	v1 =	vadd.f32 v20, v1;
	v0 =	vadd.f32 v5, v0;
	[tilespmem:s15+$0xFFFFFFC0] =	vst v3  }
0xbf: {  	v26 =	vand.u32 $0xFFFF0000, v46;
	v25 =	vand.u32 $0xFFFF0000, v43;
	v2 =	vadd.f32 v24, v2;
	v27 =	vld [tilespmem:$0xCE10]  }
0xc0: {  	v1 =	vadd.f32 v25, v1;
	v28 =	vshll.u32 v59, $0x10;
	v0 =	vadd.f32 v26, v0  }
0xc1: {  	v29 =	vand.u32 $0xFFFF0000, v47;
	v30 =	vand.u32 $0xFFFF0000, v50;
	v2 =	vadd.f32 v28, v2  }
0xc2: {  	v1 =	vadd.f32 v29, v1;
	v31 =	vshll.u32 v61, $0x10;
	v0 =	vadd.f32 v30, v0  }
0xc3: {  	v32 =	vand.u32 $0xFFFF0000, v51;
	v2 =	vadd.f32 v31, v2  }
0xc4: {  	v33 =	vshll.u32 v63, $0x10;
	v1 =	vadd.f32 v32, v1;
	v0 =	vadd.f32 v27, v0  }
0xc5: {  	v34 =	vand.u32 $0xFFFF0000, v54;
	v2 =	vadd.f32 v33, v2  }
0xc6: {  	v35 =	vshll.u32 v19, $0x10;
	v1 =	vadd.f32 v34, v1;
	v0 =	vmax.f32 v0, $0.0e+00  }
0xc7: {  	v36 =	vand.u32 $0xFFFF0000, v58;
	v2 =	vadd.f32 v35, v2;
	[tilespmem:s15+$0xFFFFFFD0] =	vst v0  }
0xc8: {  	v38 =	vshll.u32 v22, $0x10;
	v37 =	vadd.f32 v36, v1;
	v39 =	vld [tilespmem:$0xCE20]  }
0xc9: {  	v40 =	vand.u32 $0xFFFF0000, v59;
	v1 =	vadd.f32 v38, v2  }
0xca: {  	v41 =	vshll.u32 v23, $0x10;
	v0 =	vadd.f32 v40, v37  }
0xcb: {  	v42 =	vand.u32 $0xFFFF0000, v61;
	v1 =	vadd.f32 v41, v1  }
0xcc: {  	v0 =	vadd.f32 v42, v0  }
0xcd: {  	v43 =	vand.u32 $0xFFFF0000, v63;
	v1 =	vadd.f32 v39, v1  }
0xce: {  	v0 =	vadd.f32 v43, v0  }
0xcf: {  	v44 =	vand.u32 $0xFFFF0000, v19;
	v1 =	vmax.f32 v1, $0.0e+00  }
0xd0: {  	v0 =	vadd.f32 v44, v0;
	[tilespmem:s15+$0xFFFFFFE0] =	vst v1  }
0xd1: {  	v45 =	vand.u32 $0xFFFF0000, v22;
	v46 =	vld [tilespmem:$0xCE30]  }
0xd2: {  	v0 =	vadd.f32 v45, v0  }
0xd3: {  	v47 =	vand.u32 $0xFFFF0000, v23  }
0xd4: {  	v0 =	vadd.f32 v47, v0;
	_ =	sdelay $0x1  }
0xd5: {  	v0 =	vadd.f32 v46, v0;
	_ =	sdelay $0x1  }
0xd6: {  	v0 =	vmax.f32 v0, $0.0e+00  }
0xd7: {  	[tilespmem:s15+$0xFFFFFFF0] =	vst v0  }
0xd8: {  	v0 =	vld [tilespmem:s17+$0x3A80]  }
0xd9: {  	v48 =	vld [tilespmem:s17+$0x3A90]  }
0xda: {  	v49 =	vld [tilespmem:s17+$0x3AA0]  }
0xdb: {  	v50 =	vld [tilespmem:s17+$0x3AB0]  }
0xdc: {  	v51 =	vld [tilespmem:s17+$0x3AC0]  }
0xdd: {  	v52 =	vld [tilespmem:s17+$0x3AD0]  }
0xde: {  	v55 =	vld [tilespmem:s17+$0x3AE0]  }
0xdf: {  	v58 =	vld [tilespmem:s17+$0x3B00]  }
0xe0: {  	v60 =	vld [tilespmem:s17+$0x3AF0]  }
0xe1: {  	v63 =	vld [tilespmem:s17+$0x3B20]  }
0xe2: {  	v17 =	vld [tilespmem:s17+$0x3B10]  }
0xe3: {  	v19 =	vld [tilespmem:s17+$0x3B40];
	v53 =	vshll.u32 v0, $0x10;
	v0 =	vand.u32 $0xFFFF0000, v0  }
0xe4: {  	v23 =	vld [tilespmem:s17+$0x3B60];
	v54 =	vshll.u32 v48, $0x10;
	v1 =	vand.u32 $0xFFFF0000, v48;
	v56 =	vshll.u32 v49, $0x10  }
0xe5: {  	v26 =	vld [tilespmem:s17+$0x3B30];
	v2 =	vand.u32 $0xFFFF0000, v49;
	v57 =	vshll.u32 v50, $0x10;
	v6 =	vadd.f32 v56, v53  }
0xe6: {  	v28 =	vld [tilespmem:s17+$0x3B80];
	v3 =	vand.u32 $0xFFFF0000, v50;
	v59 =	vshll.u32 v51, $0x10;
	v61 =	vand.u32 $0xFFFF0000, v51  }
0xe7: {  	v31 =	vld [tilespmem:s17+$0x3B50];
	v15 =	vshll.u32 v52, $0x10;
	v16 =	vshll.u32 v55, $0x10;
	v62 =	vadd.f32 v59, v6  }
0xe8: {  	v32 =	vld [tilespmem:s17+$0x3BA0];
	v5 =	vand.u32 $0xFFFF0000, v52;
	v20 =	vand.u32 $0xFFFF0000, v55;
	v21 =	vshll.u32 v58, $0x10  }
0xe9: {  	v35 =	vld [tilespmem:s17+$0x3BC0];
	v22 =	vshll.u32 v60, $0x10;
	v24 =	vand.u32 $0xFFFF0000, v60;
	v18 =	vadd.f32 v16, v62  }
0xea: {  	v36 =	vld [tilespmem:s17+$0x3B70];
	v25 =	vshll.u32 v63, $0x10;
	v27 =	vand.u32 $0xFFFF0000, v58;
	v29 =	vshll.u32 v17, $0x10  }
0xeb: {  	v38 =	vld [tilespmem:s17+$0x3BE0];
	v30 =	vshll.u32 v19, $0x10;
	v1 =	vadd.f32 v3, v1;
	v3 =	vadd.f32 v21, v18  }
0xec: {  	v40 =	vld [tilespmem:s17+$0x3B90];
	v11 =	vand.u32 $0xFFFF0000, v17;
	v33 =	vshll.u32 v23, $0x10;
	v34 =	vshll.u32 v26, $0x10  }
0xed: {  	v42 =	vld [tilespmem:s17+$0x3C00];
	v10 =	vand.u32 $0xFFFF0000, v26;
	v37 =	vshll.u32 v28, $0x10;
	v3 =	vadd.f32 v25, v3  }
0xee: {  	v45 =	vld [tilespmem:s17+$0x3C20];
	v4 =	vand.u32 $0xFFFF0000, v19;
	v39 =	vshll.u32 v31, $0x10;
	v0 =	vadd.f32 v2, v0  }
0xef: {  	v46 =	vld [tilespmem:s17+$0x3BB0];
	v41 =	vshll.u32 v32, $0x10;
	v12 =	vand.u32 $0xFFFF0000, v31;
	v3 =	vadd.f32 v30, v3  }
0xf0: {  	v7 =	vand.u32 $0xFFFF0000, v23;
	v43 =	vshll.u32 v35, $0x10;
	v48 =	vld [tilespmem:s17+$0x3C40];
	v0 =	vadd.f32 v61, v0  }
0xf1: {  	v44 =	vshll.u32 v36, $0x10;
	v47 =	vshll.u32 v38, $0x10;
	v51 =	vld [tilespmem:s17+$0x3C60];
	v3 =	vadd.f32 v33, v3  }
0xf2: {  	v49 =	vshll.u32 v40, $0x10;
	v50 =	vshll.u32 v42, $0x10;
	v52 =	vld [tilespmem:s17+$0x3BD0];
	v0 =	vadd.f32 v20, v0  }
0xf3: {  	v8 =	vand.u32 $0xFFFF0000, v32;
	v58 =	vld [tilespmem:s17+$0x3BF0];
	v2 =	vadd.f32 v57, v54;
	v3 =	vadd.f32 v37, v3  }
0xf4: {  	v55 =	vshll.u32 v46, $0x10;
	v9 =	vand.u32 $0xFFFF0000, v35;
	v23 =	vld [tilespmem:s17+$0x3D20];
	v0 =	vadd.f32 v27, v0  }
0xf5: {  	v54 =	vld [tilespmem:s17+$0x3C80];
	v2 =	vadd.f32 v15, v2;
	v6 =	vand.u32 $0xFFFF0000, v63;
	v3 =	vadd.f32 v41, v3  }
0xf6: {  	v53 =	vshll.u32 v45, $0x10;
	v57 =	vld [tilespmem:s17+$0x3CA0];
	v1 =	vadd.f32 v5, v1;
	v0 =	vadd.f32 v6, v0  }
0xf7: {  	v5 =	vand.u32 $0xFFFF0000, v28;
	v2 =	vadd.f32 v22, v2;
	v3 =	vadd.f32 v43, v3  }
0xf8: {  	v1 =	vadd.f32 v24, v1;
	v56 =	vshll.u32 v48, $0x10;
	v0 =	vadd.f32 v4, v0  }
0xf9: {  	v61 =	vld [tilespmem:s17+$0x3CC0];
	v59 =	vshll.u32 v51, $0x10;
	v60 =	vshll.u32 v52, $0x10;
	v3 =	vadd.f32 v47, v3  }
0xfa: {  	v20 =	vshll.u32 v58, $0x10;
	v32 =	vshll.u32 v23, $0x10;
	v0 =	vadd.f32 v7, v0  }
0xfb: {  	v62 =	vshll.u32 v54, $0x10;
	v19 =	vshll.u32 v57, $0x10;
	v3 =	vadd.f32 v50, v3  }
0xfc: {  	v63 =	vld [tilespmem:s17+$0x3CE0];
	v13 =	vand.u32 $0xFFFF0000, v57;
	v2 =	vadd.f32 v29, v2;
	v0 =	vadd.f32 v5, v0  }
0xfd: {  	v35 =	vld [tilespmem:s17+$0x3C90];
	v1 =	vadd.f32 v11, v1;
	v11 =	vand.u32 $0xFFFF0000, v40;
	v3 =	vadd.f32 v53, v3  }
0xfe: {  	v18 =	vld [tilespmem:s17+$0x3C10];
	v22 =	vshll.u32 v61, $0x10;
	v2 =	vadd.f32 v34, v2;
	v0 =	vadd.f32 v8, v0  }
0xff: {  	v21 =	vld [tilespmem:s17+$0x3D00];
	v1 =	vadd.f32 v10, v1;
	v6 =	vand.u32 $0xFFFF0000, v36;
	v3 =	vadd.f32 v56, v3  }
0x100: {  	v27 =	vld [tilespmem:s17+$0x3D40];
	v10 =	vand.u32 $0xFFFF0000, v38;
	v2 =	vadd.f32 v39, v2;
	v0 =	vadd.f32 v9, v0  }
0x101: {  	v25 =	vshll.u32 v63, $0x10;
	v1 =	vadd.f32 v12, v1;
	v3 =	vadd.f32 v59, v3  }
0x102: {  	v24 =	vld [tilespmem:s17+$0x3C30];
	v4 =	vand.u32 $0xFFFF0000, v42;
	v12 =	vand.u32 $0xFFFF0000, v45;
	v0 =	vadd.f32 v10, v0  }
0x103: {  	v38 =	vld [tilespmem:s17+$0x3DA0];
	v45 =	vshll.u32 v35, $0x10;
	v2 =	vadd.f32 v44, v2;
	v3 =	vadd.f32 v62, v3  }
0x104: {  	v26 =	vshll.u32 v18, $0x10;
	v29 =	vshll.u32 v21, $0x10;
	v0 =	vadd.f32 v4, v0  }
0x105: {  	v36 =	vshll.u32 v27, $0x10;
	v2 =	vadd.f32 v49, v2;
	v3 =	vadd.f32 v19, v3  }
0x106: {  	v1 =	vadd.f32 v6, v1;
	v7 =	vand.u32 $0xFFFF0000, v46;
	v0 =	vadd.f32 v12, v0  }
0x107: {  	v28 =	vld [tilespmem:s17+$0x3C50];
	v6 =	vand.u32 $0xFFFF0000, v48;
	v2 =	vadd.f32 v55, v2;
	v3 =	vadd.f32 v22, v3  }
0x108: {  	v30 =	vld [tilespmem:s17+$0x3D60];
	v33 =	vshll.u32 v24, $0x10;
	v48 =	vshll.u32 v38, $0x10;
	v0 =	vadd.f32 v6, v0  }
0x109: {  	v31 =	vld [tilespmem:s17+$0x3C70];
	v5 =	vand.u32 $0xFFFF0000, v51;
	v2 =	vadd.f32 v60, v2;
	v3 =	vadd.f32 v25, v3  }
0x10a: {  	v1 =	vadd.f32 v11, v1;
	v11 =	vand.u32 $0xFFFF0000, v52;
	v0 =	vadd.f32 v5, v0  }
0x10b: {  	v42 =	vld [tilespmem:s17+$0x3CD0];
	v8 =	vand.u32 $0xFFFF0000, v54;
	v2 =	vadd.f32 v20, v2;
	v3 =	vadd.f32 v29, v3  }
0x10c: {  	v37 =	vshll.u32 v28, $0x10;
	v1 =	vadd.f32 v7, v1;
	v0 =	vadd.f32 v8, v0  }
0x10d: {  	v34 =	vld [tilespmem:s17+$0x3D80];
	v40 =	vshll.u32 v30, $0x10;
	v2 =	vadd.f32 v26, v2;
	v3 =	vadd.f32 v32, v3  }
0x10e: {  	v7 =	vand.u32 $0xFFFF0000, v58;
	v41 =	vshll.u32 v31, $0x10;
	v0 =	vadd.f32 v13, v0  }
0x10f: {  	v9 =	vand.u32 $0xFFFF0000, v61;
	v2 =	vadd.f32 v33, v2;
	v3 =	vadd.f32 v36, v3  }
0x110: {  	v54 =	vshll.u32 v42, $0x10;
	v1 =	vadd.f32 v11, v1;
	v0 =	vadd.f32 v9, v0  }
0x111: {  	v39 =	vld [tilespmem:s17+$0x3CB0];
	v10 =	vand.u32 $0xFFFF0000, v63;
	v2 =	vadd.f32 v37, v2;
	v3 =	vadd.f32 v40, v3  }
0x112: {  	v44 =	vld [tilespmem:$0xCE00];
	v43 =	vshll.u32 v34, $0x10;
	v1 =	vadd.f32 v7, v1;
	v0 =	vadd.f32 v10, v0  }
0x113: {  	v11 =	vand.u32 $0xFFFF0000, v21;
	v2 =	vadd.f32 v41, v2;
	v3 =	vadd.f32 v43, v3  }
0x114: {  	v46 =	vld [tilespmem:s17+$0x3CF0];
	v7 =	vand.u32 $0xFFFF0000, v24;
	v4 =	vand.u32 $0xFFFF0000, v18;
	v0 =	vadd.f32 v11, v0  }
0x115: {  	v49 =	vld [tilespmem:s17+$0x3D30];
	v12 =	vand.u32 $0xFFFF0000, v23;
	v2 =	vadd.f32 v45, v2;
	v3 =	vadd.f32 v48, v3  }
0x116: {  	v51 =	vld [tilespmem:s17+$0x3D50];
	v50 =	vshll.u32 v39, $0x10;
	v1 =	vadd.f32 v4, v1;
	v0 =	vadd.f32 v12, v0  }
0x117: {  	v47 =	vld [tilespmem:s17+$0x3D10];
	v6 =	vand.u32 $0xFFFF0000, v27;
	v2 =	vadd.f32 v50, v2;
	v3 =	vadd.f32 v3, v44  }
0x118: {  	v52 =	vld [tilespmem:s17+$0x3D70];
	v53 =	vand.u32 $0xFFFF0000, v28;
	v1 =	vadd.f32 v7, v1;
	v0 =	vadd.f32 v6, v0  }
0x119: {  	v55 =	vld [tilespmem:s17+$0x3D90];
	v5 =	vand.u32 $0xFFFF0000, v30;
	v2 =	vadd.f32 v54, v2;
	v3 =	vmax.f32 v3, $0.0e+00  }
0x11a: {  	v57 =	vshll.u32 v46, $0x10;
	v56 =	vld [tilespmem:s17+$0x3DB0];
	v1 =	vadd.f32 v53, v1;
	v0 =	vadd.f32 v5, v0;
	[tilespmem:s15+$0x0] =	vst v3  }
0x11b: {  	v58 =	vand.u32 $0xFFFF0000, v31;
	v59 =	vand.u32 $0xFFFF0000, v34;
	v2 =	vadd.f32 v57, v2;
	v60 =	vld [tilespmem:$0xCE10]  }
0x11c: {  	v61 =	vshll.u32 v47, $0x10;
	v1 =	vadd.f32 v58, v1;
	v0 =	vadd.f32 v59, v0  }
0x11d: {  	v63 =	vand.u32 $0xFFFF0000, v38;
	v62 =	vand.u32 $0xFFFF0000, v35;
	v2 =	vadd.f32 v61, v2  }
0x11e: {  	v8 =	vshll.u32 v49, $0x10;
	v1 =	vadd.f32 v62, v1;
	v0 =	vadd.f32 v63, v0  }
0x11f: {  	v10 =	vand.u32 $0xFFFF0000, v39;
	v2 =	vadd.f32 v8, v2  }
0x120: {  	v13 =	vshll.u32 v51, $0x10;
	v1 =	vadd.f32 v10, v1;
	v0 =	vadd.f32 v60, v0  }
0x121: {  	v14 =	vand.u32 $0xFFFF0000, v42;
	v2 =	vadd.f32 v13, v2  }
0x122: {  	v16 =	vshll.u32 v52, $0x10;
	v1 =	vadd.f32 v14, v1;
	v0 =	vmax.f32 v0, $0.0e+00  }
0x123: {  	v18 =	vand.u32 $0xFFFF0000, v46;
	v2 =	vadd.f32 v16, v2;
	[tilespmem:s15+$0x10] =	vst v0  }
0x124: {  	v20 =	vshll.u32 v55, $0x10;
	v19 =	vadd.f32 v18, v1;
	v21 =	vld [tilespmem:$0xCE20]  }
0x125: {  	v22 =	vand.u32 $0xFFFF0000, v47;
	v1 =	vadd.f32 v20, v2  }
0x126: {  	v23 =	vshll.u32 v56, $0x10;
	v0 =	vadd.f32 v22, v19  }
0x127: {  	v24 =	vand.u32 $0xFFFF0000, v49;
	v1 =	vadd.f32 v23, v1  }
0x128: {  	v0 =	vadd.f32 v24, v0  }
0x129: {  	v25 =	vand.u32 $0xFFFF0000, v51;
	v1 =	vadd.f32 v21, v1  }
0x12a: {  	v0 =	vadd.f32 v25, v0  }
0x12b: {  	v26 =	vand.u32 $0xFFFF0000, v52;
	v1 =	vmax.f32 v1, $0.0e+00  }
0x12c: {  	v0 =	vadd.f32 v26, v0;
	[tilespmem:s15+$0x20] =	vst v1  }
0x12d: {  	v27 =	vand.u32 $0xFFFF0000, v55;
	v28 =	vld [tilespmem:$0xCE30]  }
0x12e: {  	v0 =	vadd.f32 v27, v0  }
0x12f: {  	v29 =	vand.u32 $0xFFFF0000, v56  }
0x130: {  	v0 =	vadd.f32 v29, v0;
	_ =	sdelay $0x1  }
0x131: {  	v0 =	vadd.f32 v28, v0;
	_ =	sdelay $0x1  }
0x132: {  	v0 =	vmax.f32 v0, $0.0e+00  }
0x133: {  	[tilespmem:s15+$0x30] =	vst v0  }
0x134: {  	v0 =	vld [tilespmem:s17+$0x3DC0]  }
0x135: {  	v30 =	vld [tilespmem:s17+$0x3DD0]  }
0x136: {  	v31 =	vld [tilespmem:s17+$0x3DE0]  }
0x137: {  	v32 =	vld [tilespmem:s17+$0x3DF0]  }
0x138: {  	v33 =	vld [tilespmem:s17+$0x3E00]  }
0x139: {  	v34 =	vld [tilespmem:s17+$0x3E10]  }
0x13a: {  	v37 =	vld [tilespmem:s17+$0x3E20]  }
0x13b: {  	v40 =	vld [tilespmem:s17+$0x3E40]  }
0x13c: {  	v42 =	vld [tilespmem:s17+$0x3E30]  }
0x13d: {  	v45 =	vld [tilespmem:s17+$0x3E60]  }
0x13e: {  	v48 =	vld [tilespmem:s17+$0x3E50]  }
0x13f: {  	v50 =	vld [tilespmem:s17+$0x3E80];
	v35 =	vshll.u32 v0, $0x10;
	v0 =	vand.u32 $0xFFFF0000, v0  }
0x140: {  	v54 =	vld [tilespmem:s17+$0x3EA0];
	v36 =	vshll.u32 v30, $0x10;
	v1 =	vand.u32 $0xFFFF0000, v30;
	v38 =	vshll.u32 v31, $0x10  }
0x141: {  	v57 =	vld [tilespmem:s17+$0x3E70];
	v2 =	vand.u32 $0xFFFF0000, v31;
	v39 =	vshll.u32 v32, $0x10;
	v6 =	vadd.f32 v38, v35  }
0x142: {  	v59 =	vld [tilespmem:s17+$0x3EC0];
	v3 =	vand.u32 $0xFFFF0000, v32;
	v41 =	vshll.u32 v33, $0x10;
	v43 =	vand.u32 $0xFFFF0000, v33  }
0x143: {  	v62 =	vld [tilespmem:s17+$0x3E90];
	v46 =	vshll.u32 v34, $0x10;
	v47 =	vshll.u32 v37, $0x10;
	v44 =	vadd.f32 v41, v6  }
0x144: {  	v63 =	vld [tilespmem:s17+$0x3EE0];
	v5 =	vand.u32 $0xFFFF0000, v34;
	v51 =	vand.u32 $0xFFFF0000, v37;
	v52 =	vshll.u32 v40, $0x10  }
0x145: {  	v17 =	vld [tilespmem:s17+$0x3F00];
	v53 =	vshll.u32 v42, $0x10;
	v55 =	vand.u32 $0xFFFF0000, v42;
	v49 =	vadd.f32 v47, v44  }
0x146: {  	v18 =	vld [tilespmem:s17+$0x3EB0];
	v56 =	vshll.u32 v45, $0x10;
	v58 =	vand.u32 $0xFFFF0000, v40;
	v60 =	vshll.u32 v48, $0x10  }
0x147: {  	v20 =	vld [tilespmem:s17+$0x3F20];
	v61 =	vshll.u32 v50, $0x10;
	v1 =	vadd.f32 v3, v1;
	v3 =	vadd.f32 v52, v49  }
0x148: {  	v22 =	vld [tilespmem:s17+$0x3ED0];
	v11 =	vand.u32 $0xFFFF0000, v48;
	v15 =	vshll.u32 v54, $0x10;
	v16 =	vshll.u32 v57, $0x10  }
0x149: {  	v24 =	vld [tilespmem:s17+$0x3F40];
	v10 =	vand.u32 $0xFFFF0000, v57;
	v19 =	vshll.u32 v59, $0x10;
	v3 =	vadd.f32 v56, v3  }
0x14a: {  	v4 =	vand.u32 $0xFFFF0000, v50;
	v21 =	vshll.u32 v62, $0x10;
	v0 =	vadd.f32 v2, v0  }
0x14b: {  	v28 =	vld [tilespmem:s17+$0x3EF0];
	v23 =	vshll.u32 v63, $0x10;
	v12 =	vand.u32 $0xFFFF0000, v62;
	v3 =	vadd.f32 v61, v3  }
0x14c: {  	v27 =	vld [tilespmem:s17+$0x3F60];
	v7 =	vand.u32 $0xFFFF0000, v54;
	v25 =	vshll.u32 v17, $0x10;
	v0 =	vadd.f32 v43, v0  }
0x14d: {  	v26 =	vshll.u32 v18, $0x10;
	v29 =	vshll.u32 v20, $0x10;
	v30 =	vld [tilespmem:s17+$0x3F80];
	v3 =	vadd.f32 v15, v3  }
0x14e: {  	v31 =	vshll.u32 v22, $0x10;
	v32 =	vshll.u32 v24, $0x10;
	v33 =	vld [tilespmem:s17+$0x3FA0];
	v0 =	vadd.f32 v51, v0  }
0x14f: {  	v8 =	vand.u32 $0xFFFF0000, v63;
	v34 =	vld [tilespmem:s17+$0x3F10];
	v2 =	vadd.f32 v39, v36;
	v3 =	vadd.f32 v19, v3  }
0x150: {  	v37 =	vshll.u32 v28, $0x10;
	v9 =	vand.u32 $0xFFFF0000, v17;
	v40 =	vld [tilespmem:s17+$0x3F30];
	v0 =	vadd.f32 v58, v0  }
0x151: {  	v36 =	vld [tilespmem:s17+$0x3FC0];
	v2 =	vadd.f32 v46, v2;
	v6 =	vand.u32 $0xFFFF0000, v45;
	v3 =	vadd.f32 v23, v3  }
0x152: {  	v35 =	vshll.u32 v27, $0x10;
	v39 =	vld [tilespmem:s17+$0x3FE0];
	v1 =	vadd.f32 v5, v1;
	v0 =	vadd.f32 v6, v0  }
0x153: {  	v5 =	vand.u32 $0xFFFF0000, v59;
	v2 =	vadd.f32 v53, v2;
	v3 =	vadd.f32 v25, v3  }
0x154: {  	v43 =	vld [tilespmem:s17+$0x4000];
	v1 =	vadd.f32 v55, v1;
	v38 =	vshll.u32 v30, $0x10;
	v0 =	vadd.f32 v4, v0  }
0x155: {  	v45 =	vld [tilespmem:s17+$0x4020];
	v41 =	vshll.u32 v33, $0x10;
	v42 =	vshll.u32 v34, $0x10;
	v3 =	vadd.f32 v29, v3  }
0x156: {  	v46 =	vld [tilespmem:s17+$0x3F50];
	v48 =	vshll.u32 v40, $0x10;
	v44 =	vshll.u32 v36, $0x10;
	v0 =	vadd.f32 v7, v0  }
0x157: {  	v47 =	vshll.u32 v39, $0x10;
	v2 =	vadd.f32 v60, v2;
	v3 =	vadd.f32 v32, v3  }
0x158: {  	v51 =	vld [tilespmem:s17+$0x4060];
	v13 =	vand.u32 $0xFFFF0000, v39;
	v1 =	vadd.f32 v11, v1;
	v0 =	vadd.f32 v5, v0  }
0x159: {  	v55 =	vld [tilespmem:s17+$0x4080];
	v11 =	vand.u32 $0xFFFF0000, v22;
	v50 =	vshll.u32 v43, $0x10;
	v3 =	vadd.f32 v35, v3  }
0x15a: {  	v53 =	vshll.u32 v45, $0x10;
	v2 =	vadd.f32 v16, v2;
	v0 =	vadd.f32 v8, v0  }
0x15b: {  	v62 =	vld [tilespmem:s17+$0x40C0];
	v54 =	vshll.u32 v46, $0x10;
	v1 =	vadd.f32 v10, v1;
	v3 =	vadd.f32 v38, v3  }
0x15c: {  	v49 =	vld [tilespmem:s17+$0x4040];
	v6 =	vand.u32 $0xFFFF0000, v18;
	v10 =	vand.u32 $0xFFFF0000, v20;
	v0 =	vadd.f32 v9, v0  }
0x15d: {  	v52 =	vld [tilespmem:s17+$0x3F70];
	v60 =	vshll.u32 v51, $0x10;
	v2 =	vadd.f32 v21, v2;
	v3 =	vadd.f32 v41, v3  }
0x15e: {  	v20 =	vshll.u32 v55, $0x10;
	v1 =	vadd.f32 v12, v1;
	v0 =	vadd.f32 v10, v0  }
0x15f: {  	v58 =	vld [tilespmem:s17+$0x40A0];
	v4 =	vand.u32 $0xFFFF0000, v24;
	v2 =	vadd.f32 v26, v2;
	v3 =	vadd.f32 v44, v3  }
0x160: {  	v12 =	vand.u32 $0xFFFF0000, v27;
	v27 =	vshll.u32 v62, $0x10;
	v0 =	vadd.f32 v4, v0  }
0x161: {  	v56 =	vld [tilespmem:s17+$0x3F90];
	v57 =	vshll.u32 v49, $0x10;
	v2 =	vadd.f32 v31, v2;
	v3 =	vadd.f32 v47, v3  }
0x162: {  	v61 =	vshll.u32 v52, $0x10;
	v1 =	vadd.f32 v6, v1;
	v0 =	vadd.f32 v12, v0  }
0x163: {  	v6 =	vand.u32 $0xFFFF0000, v30;
	v2 =	vadd.f32 v37, v2;
	v3 =	vadd.f32 v50, v3  }
0x164: {  	v24 =	vshll.u32 v58, $0x10;
	v7 =	vand.u32 $0xFFFF0000, v28;
	v0 =	vadd.f32 v6, v0  }
0x165: {  	v5 =	vand.u32 $0xFFFF0000, v33;
	v2 =	vadd.f32 v42, v2;
	v3 =	vadd.f32 v53, v3  }
0x166: {  	v21 =	vshll.u32 v56, $0x10;
	v1 =	vadd.f32 v11, v1;
	v0 =	vadd.f32 v5, v0  }
0x167: {  	v59 =	vld [tilespmem:s17+$0x3FB0];
	v8 =	vand.u32 $0xFFFF0000, v36;
	v2 =	vadd.f32 v48, v2;
	v3 =	vadd.f32 v57, v3  }
0x168: {  	v11 =	vand.u32 $0xFFFF0000, v34;
	v1 =	vadd.f32 v7, v1;
	v0 =	vadd.f32 v8, v0  }
0x169: {  	v63 =	vld [tilespmem:s17+$0x3FD0];
	v7 =	vand.u32 $0xFFFF0000, v40;
	v2 =	vadd.f32 v54, v2;
	v3 =	vadd.f32 v60, v3  }
0x16a: {  	v37 =	vand.u32 $0xFFFF0000, v56;
	v1 =	vadd.f32 v11, v1;
	v0 =	vadd.f32 v13, v0  }
0x16b: {  	v22 =	vld [tilespmem:s17+$0x40E0];
	v9 =	vand.u32 $0xFFFF0000, v43;
	v2 =	vadd.f32 v61, v2;
	v3 =	vadd.f32 v20, v3  }
0x16c: {  	v25 =	vshll.u32 v59, $0x10;
	v11 =	vand.u32 $0xFFFF0000, v49;
	v0 =	vadd.f32 v9, v0  }
0x16d: {  	v23 =	vld [tilespmem:s17+$0x3FF0];
	v10 =	vand.u32 $0xFFFF0000, v45;
	v2 =	vadd.f32 v21, v2;
	v3 =	vadd.f32 v24, v3  }
0x16e: {  	v28 =	vld [tilespmem:$0xCE00];
	v1 =	vadd.f32 v7, v1;
	v29 =	vshll.u32 v63, $0x10;
	v0 =	vadd.f32 v10, v0  }
0x16f: {  	v26 =	vld [tilespmem:s17+$0x4010];
	v7 =	vand.u32 $0xFFFF0000, v52;
	v2 =	vadd.f32 v25, v2;
	v3 =	vadd.f32 v27, v3  }
0x170: {  	v39 =	vld [tilespmem:s17+$0x40D0];
	v4 =	vand.u32 $0xFFFF0000, v46;
	v32 =	vshll.u32 v22, $0x10;
	v0 =	vadd.f32 v11, v0  }
0x171: {  	v30 =	vld [tilespmem:s17+$0x4030];
	v12 =	vand.u32 $0xFFFF0000, v51;
	v2 =	vadd.f32 v29, v2;
	v3 =	vadd.f32 v32, v3  }
0x172: {  	v31 =	vld [tilespmem:s17+$0x4050];
	v34 =	vshll.u32 v23, $0x10;
	v1 =	vadd.f32 v4, v1;
	v0 =	vadd.f32 v12, v0  }
0x173: {  	v33 =	vld [tilespmem:s17+$0x4070];
	v6 =	vand.u32 $0xFFFF0000, v55;
	v2 =	vadd.f32 v34, v2;
	v3 =	vadd.f32 v3, v28  }
0x174: {  	v36 =	vld [tilespmem:s17+$0x40B0];
	v1 =	vadd.f32 v7, v1;
	v38 =	vshll.u32 v26, $0x10;
	v0 =	vadd.f32 v6, v0  }
0x175: {  	v40 =	vld [tilespmem:s17+$0x40F0];
	v5 =	vand.u32 $0xFFFF0000, v58;
	v2 =	vadd.f32 v38, v2;
	v3 =	vmax.f32 v3, $0.0e+00  }
0x176: {  	v35 =	vld [tilespmem:s17+$0x4090];
	v1 =	vadd.f32 v37, v1;
	v41 =	vshll.u32 v30, $0x10;
	v0 =	vadd.f32 v5, v0;
	[tilespmem:s15+$0x40] =	vst v3  }
0x177: {  	v42 =	vand.u32 $0xFFFF0000, v62;
	v4 =	vand.u32 $0xFFFF0000, v59;
	v2 =	vadd.f32 v41, v2;
	v43 =	vld [tilespmem:$0xCE10]  }
0x178: {  	v1 =	vadd.f32 v4, v1;
	v44 =	vshll.u32 v31, $0x10;
	v0 =	vadd.f32 v42, v0  }
0x179: {  	v45 =	vand.u32 $0xFFFF0000, v63;
	v46 =	vand.u32 $0xFFFF0000, v22;
	v2 =	vadd.f32 v44, v2  }
0x17a: {  	v1 =	vadd.f32 v45, v1;
	v47 =	vshll.u32 v33, $0x10;
	v0 =	vadd.f32 v46, v0  }
0x17b: {  	v48 =	vand.u32 $0xFFFF0000, v23;
	v2 =	vadd.f32 v47, v2  }
0x17c: {  	v49 =	vshll.u32 v35, $0x10;
	v1 =	vadd.f32 v48, v1;
	v0 =	vadd.f32 v43, v0  }
0x17d: {  	v50 =	vand.u32 $0xFFFF0000, v26;
	v2 =	vadd.f32 v49, v2  }
0x17e: {  	v51 =	vshll.u32 v36, $0x10;
	v1 =	vadd.f32 v50, v1;
	v0 =	vmax.f32 v0, $0.0e+00  }
0x17f: {  	v52 =	vand.u32 $0xFFFF0000, v30;
	v2 =	vadd.f32 v51, v2;
	[tilespmem:s15+$0x50] =	vst v0  }
0x180: {  	v54 =	vshll.u32 v39, $0x10;
	v53 =	vadd.f32 v52, v1;
	v55 =	vld [tilespmem:$0xCE20]  }
0x181: {  	v56 =	vand.u32 $0xFFFF0000, v31;
	v1 =	vadd.f32 v54, v2  }
0x182: {  	v57 =	vshll.u32 v40, $0x10;
	v0 =	vadd.f32 v56, v53  }
0x183: {  	v58 =	vand.u32 $0xFFFF0000, v33;
	v1 =	vadd.f32 v57, v1  }
0x184: {  	v0 =	vadd.f32 v58, v0  }
0x185: {  	v59 =	vand.u32 $0xFFFF0000, v35;
	v1 =	vadd.f32 v55, v1  }
0x186: {  	v0 =	vadd.f32 v59, v0  }
0x187: {  	v60 =	vand.u32 $0xFFFF0000, v36;
	v1 =	vmax.f32 v1, $0.0e+00  }
0x188: {  	v0 =	vadd.f32 v60, v0;
	[tilespmem:s15+$0x60] =	vst v1  }
0x189: {  	v61 =	vand.u32 $0xFFFF0000, v39;
	v62 =	vld [tilespmem:$0xCE30]  }
0x18a: {  	v0 =	vadd.f32 v61, v0  }
0x18b: {  	s16 =	sadd.s32 $0x1, s16;
	v63 =	vand.u32 $0xFFFF0000, v40  }
0x18c: {  	p0 =	sne.s32 s16, $0x80;
	v0 =	vadd.f32 v63, v0  }
.Ltmp0:
0x18d: {  	_ = 	snop;
	(pc) =	sbr.rel @p0 .LBB2_2-.Ltmp0, $3  }
0x18e: {  	v0 =	vadd.f32 v62, v0;
	_ =	sdelay $0x1  }
0x18f: {  	v0 =	vmax.f32 v0, $0.0e+00  }
0x190: {  	s14 =	sadd.s32 $0x68, s14;
	[tilespmem:s15+$0x70] =	vst v0;
	s15 =	sadd.s32 $0x100, s15  }
0x191: {  	s13 =	sadd.s32 $0x1, s13  }
0x192: {  	p0 =	sne.s32 s13, s7  }
.Ltmp1:
0x193: {  	_ = 	snop;
	(pc) =	sbr.rel @p0 .LBB2_1-.Ltmp1, $4  }
0x194: {  	[hbm4b:s6+s3] =	stream.linear.scatter [tilespmem:s12], [sflag:$0x2], $0x8000, $0x38;
	[tilespmem:$0xCE40] =	vst v63  }
0x195: {  	_ =	swait.ge [sflag:s8], $0x8000  }
0x196: {  	[sflag:s8] =	ssyncset.done $0x0  }
0x197: {  	[sflag:s8] =	ssyncadd.s32 $0xFFFF8000  }
0x198: {  	_ =	sfence.sel $0x180000  }
0x199: {  	[bflag:$0x0] =	sbarrier.arrive $0xFFFF  }
0x19a: {  	p0 =	sne.s32 s0, $0x0;
	_ =	strace $0x90000047  }
0x19b: {  	s0 =	sadd.s32 @!p0 $0x100000, s1;
	[bflag:$0x2] =	sbarrier.arrive $0xFFFF  }
0x19c: {  	[sflag:s0] =	ssyncadd.tile.s32 @!p0 $0x1;
	_ =	shalt  }
.Lfunc_end2:
_tile_overlayer_lowered:
.L_overlay_start_2:
0x19d: {  	(tag) =	ssettag $0x2  }
0x19e: {  	s0 =	rddreg [dreg:$0x0];
	s2 =	stileid.u32  }
0x19f: {  	s1 =	rddreg [dreg:$0x1];
	p0 =	sne.s32 s2, $0x0  }
0x1a0: {  	s3 =	rddreg [dreg:$0x2];
	[bflag:$0x3] =	sbarrier.arrive $0xFFFF;
	s2 =	simm.s32 @!p0 $0x1C02  }
0x1a1: {  	[timem:s3], [sflag:s2] =	dma.local @!p0 [hbm:s0], s1  }
0x1a2: {  	s0 =	simm.s32 @!p0 $0x2  }
0x1a3: {  	_ =	swait.ge @!p0 [sflag:s0], s1  }
0x1a4: {  	s1 =	ssub.s32 @!p0 $0x0, s1;
	[sflag:s0] =	ssyncset.done @!p0 $0x0  }
0x1a5: {  	[sflag:s0] =	ssyncadd.s32 @!p0 s1  }
0x1a6: {  	[bflag:$0x3] =	sbarrier.arrive $0xFFFF  }
0x1a7: {  	_ =	shalt  }

</sc_bundles>
